<compile_context>
chip_gen: v7x
topology: tpu7x:2x2x1
jax: 0.10.2.dev20260603
libtpu: 0.0.44.dev20260713+nightly
codegen_flags: <defaults>
</compile_context>

<pallas_src>
import functools

import jax
import jax.numpy as jnp
from jax import lax
from jax.experimental import pallas as pl
from jax.experimental.pallas import tpu as pltpu
from jax.experimental.pallas import tpu_sc as plsc

NUM_FIELDS = 26
VOCAB = 100000
EMB = 16

_NC = 2
_NS = 16
_NW = _NC * _NS

_LANES = 16
_IDXW = 128
_JROWS = 13
_CHUNK = _JROWS * _IDXW


@functools.partial(jax.jit, static_argnums=(2, 3))
def _sc_gather(tab3d, idx1d, n_rows, chunks_per_w):
    mesh = plsc.VectorSubcoreMesh(core_axis_name="c", subcore_axis_name="s")
    rows_per_w = n_rows // _NW
    nvec = _CHUNK // _LANES

    @functools.partial(
        pl.kernel,
        out_type=jax.ShapeDtypeStruct((n_rows, EMB), jnp.float32),
        mesh=mesh,
        scratch_types=[
            pltpu.VMEM((_CHUNK,), jnp.int32),
            pltpu.VMEM((_CHUNK,), jnp.int32),
            pltpu.VMEM((_CHUNK, EMB), jnp.float32),
            pltpu.VMEM((_CHUNK, EMB), jnp.float32),
            pltpu.SemaphoreType.DMA,
            pltpu.SemaphoreType.DMA,
            pltpu.SemaphoreType.DMA,
            pltpu.SemaphoreType.DMA,
            pltpu.SemaphoreType.DMA,
        ],
        compiler_params=pltpu.CompilerParams(use_tc_tiling_on_sc=False),
    )
    def k(tab3d_hbm, idx_hbm, out_hbm, idx0, idx1, rows0, rows1,
          si0, si1, sg, so0, so1):
        tab_hbm = tab3d_hbm.at[0]
        wid = lax.axis_index("c") * _NS + lax.axis_index("s")
        row_base = wid * rows_per_w
        G = chunks_per_w
        idx_v = [idx0, idx1]
        rows_v = [rows0, rows1]
        sem_i = [si0, si1]
        sem_o = [so0, so1]

        lane = lax.iota(jnp.int32, _LANES)
        offs = [((lane + (16 * m) % 26) % 26) * VOCAB for m in range(_JROWS)]

        def idx_cp(c, b):
            return pltpu.make_async_copy(
                idx_hbm.at[pl.ds(row_base + c * _CHUNK, _CHUNK)],
                idx_v[b], sem_i[b])

        def out_cp(c, b):
            return pltpu.make_async_copy(
                rows_v[b], out_hbm.at[pl.ds(row_base + c * _CHUNK, _CHUNK)],
                sem_o[b])

        def gather_cp(b):
            return pltpu.make_async_copy(tab_hbm.at[idx_v[b]], rows_v[b], sg)

        def add_offsets(b):
            for v in range(nvec):
                sl = pl.ds(v * _LANES, _LANES)
                idx_v[b][sl] = idx_v[b][sl] + offs[v % _JROWS]

        idx_cp(0, 0).start()
        idx_cp(0, 0).wait()
        add_offsets(0)
        gather_cp(0).start()
        idx_cp(1, 1).start()

        def step(c, b):
            @pl.when(c + 1 < G)
            def _():
                idx_cp(c + 1, 1 - b).wait()
                add_offsets(1 - b)
            gather_cp(b).wait()
            out_cp(c, b).start()
            @pl.when(c > 0)
            def _():
                out_cp(c - 1, 1 - b).wait()
            @pl.when(c + 1 < G)
            def _():
                gather_cp(1 - b).start()
            @pl.when(c + 2 < G)
            def _():
                idx_cp(c + 2, b).start()

        def body(h, carry):
            step(2 * h, 0)
            step(2 * h + 1, 1)
            return carry

        lax.fori_loop(0, G // 2, body, None)
        out_cp(G - 1, (G - 1) % 2).wait()

    return k(tab3d, idx1d)


def kernel(x, tables):
    B, S, F = x.shape
    Fv, V, E = tables.shape
    n_rows = B * S * F
    chunks_per_w = n_rows // (_NW * _CHUNK)
    assert chunks_per_w * _NW * _CHUNK == n_rows
    idx1d = x.reshape(n_rows).astype(jnp.int32)
    out = _sc_gather(tables, idx1d, n_rows, chunks_per_w)
    return out.reshape(B, S, F * E)

# --- scband reference (transcript-rebuilt; emitter-appended) ---
"""Pipeline reference for scband-entity-embedding-layer-26671746908598 (READ-ONLY COPY).

The authoritative reference and input builder live on the scoring server;
editing this copy changes nothing except your own understanding.
"""

import jax, jax.numpy as jnp
import numpy as np

NUM_FIELDS = 26
VOCAB = 100000
EMB = 16
B = 4096
S = 50


def setup_inputs(seed: int = 0) -> dict:
    key = jax.random.key(seed)
    k1, k2 = jax.random.split(key)
    x = jax.random.randint(k1, (B, S, NUM_FIELDS), 0, VOCAB)
    tables = jax.random.normal(k2, (NUM_FIELDS, VOCAB, EMB), dtype=jnp.float32)
    # nn.Embedding(padding_idx=0) initializes row 0 to zeros
    tables = tables.at[:, 0, :].set(0.0)
    return {"x": x, "tables": tables}


def reference(x, tables):
    # x: int[B, S, F]; tables: float32[F, VOCAB, EMB]
    idx = jnp.transpose(x, (2, 0, 1))  # [F, B, S]
    gathered = jax.vmap(lambda t, i: jnp.take(t, i, axis=0))(tables, idx)  # [F, B, S, E]
    # concat of per-field embeddings along dim 2 == reshape of [B, S, F, E]
    out = jnp.transpose(gathered, (1, 2, 0, 3)).reshape(x.shape[0], x.shape[1], NUM_FIELDS * EMB)
    return out

if __name__ == "__main__":
    import jax
    _d = setup_inputs()
    print(jax.jit(kernel)(*tuple(_d.values())))

</pallas_src>

<mosaic_0001>
#map = affine_map<(d0, d1) -> (0, 0, 0)>
#map1 = affine_map<(d0, d1) -> (0)>
#map2 = affine_map<(d0, d1) -> (0, 0)>
module attributes {stable_mosaic.version = 14 : i64} {
  func.func @k(%arg0: i32, %arg1: i32, %arg2: memref<26x100000x16xf32, #tpu.memory_space<hbm>>, %arg3: memref<5324800xi32, #tpu.memory_space<hbm>>, %arg4: memref<5324800x16xf32, #tpu.memory_space<hbm>>, %arg5: memref<1664xi32, #tpu.memory_space<vmem>>, %arg6: memref<1664xi32, #tpu.memory_space<vmem>>, %arg7: memref<1664x16xf32, #tpu.memory_space<vmem>>, %arg8: memref<1664x16xf32, #tpu.memory_space<vmem>>, %arg9: memref<!tpu.dma_semaphore, #tpu.memory_space<semaphore_mem>>, %arg10: memref<!tpu.dma_semaphore, #tpu.memory_space<semaphore_mem>>, %arg11: memref<!tpu.dma_semaphore, #tpu.memory_space<semaphore_mem>>, %arg12: memref<!tpu.dma_semaphore, #tpu.memory_space<semaphore_mem>>, %arg13: memref<!tpu.dma_semaphore, #tpu.memory_space<semaphore_mem>>) attributes {dimension_semantics = [#tpu.dimension_semantics<core_parallel>, #tpu.dimension_semantics<subcore_parallel>], iteration_bounds = array<i64: 2, 16>, scalar_prefetch = 0 : i64, scratch_operands = 9 : i64, tpu.core_type = #tpu.core_type<sc_vector_subcore>, window_params = [{transform_indices = #map}, {transform_indices = #map1}, {transform_indices = #map2}]} {
    %mul3A = arith.constant 16 : i32
    %mul3A_0 = arith.muli %arg0, %mul3A : i32
    %add3A = arith.addi %mul3A_0, %arg1 : i32
    %mul3A_1 = arith.constant 166400 : i32
    %mul3A_2 = arith.muli %add3A, %mul3A_1 : i32
    %iota3A = tpu.iota {dimensions = array<i32: 0>} : vector<16xi32>
    %add3A_3 = arith.constant 0 : i32
    %add3A_4 = vector.broadcast %add3A_3 : i32 to vector<16xi32>
    %add3A_5 = arith.addi %iota3A, %add3A_4 : vector<16xi32>
    %jit3A = arith.constant 26 : i32
    %eq3A = arith.constant 0 : i32
    %eq3A_6 = arith.cmpi eq, %jit3A, %eq3A : i32
    %jit3A_7 = arith.constant 1 : i32
    %select_n3A = arith.select %eq3A_6, %jit3A_7, %jit3A : i32
    %rem3A = vector.broadcast %select_n3A : i32 to vector<16xi32>
    %rem3A_8 = arith.remsi %add3A_5, %rem3A : vector<16xi32>
    %ne3A = arith.constant 0 : i32
    %ne3A_9 = vector.broadcast %ne3A : i32 to vector<16xi32>
    %ne3A_10 = arith.cmpi ne, %rem3A_8, %ne3A_9 : vector<16xi32>
    %lt3A = arith.constant 0 : i32
    %lt3A_11 = vector.broadcast %lt3A : i32 to vector<16xi32>
    %lt3A_12 = arith.cmpi slt, %rem3A_8, %lt3A_11 : vector<16xi32>
    %lt3A_13 = arith.constant 0 : i32
    %lt3A_14 = arith.cmpi slt, %select_n3A, %lt3A_13 : i32
    %ne3A_15 = vector.broadcast %lt3A_14 : i1 to vector<16xi1>
    %ne3A_16 = vector.broadcast %ne3A_15 : vector<16xi1> to vector<16xi1>
    %ne3A_17 = arith.xori %lt3A_12, %ne3A_16 : vector<16xi1>
    %and3A = arith.andi %ne3A_17, %ne3A_10 : vector<16xi1>
    %add3A_18 = vector.broadcast %select_n3A : i32 to vector<16xi32>
    %add3A_19 = arith.addi %rem3A_8, %add3A_18 : vector<16xi32>
    %select_n3A_20 = arith.select %and3A, %add3A_19, %rem3A_8 : vector<16xi1>, vector<16xi32>
    %mul3A_21 = arith.constant 100000 : i32
    %mul3A_22 = vector.broadcast %mul3A_21 : i32 to vector<16xi32>
    %mul3A_23 = arith.muli %select_n3A_20, %mul3A_22 : vector<16xi32>
    %add3A_24 = arith.constant 16 : i32
    %add3A_25 = vector.broadcast %add3A_24 : i32 to vector<16xi32>
    %add3A_26 = arith.addi %iota3A, %add3A_25 : vector<16xi32>
    %jit3A_27 = arith.constant 26 : i32
    %eq3A_28 = arith.constant 0 : i32
    %eq3A_29 = arith.cmpi eq, %jit3A_27, %eq3A_28 : i32
    %jit3A_30 = arith.constant 1 : i32
    %select_n3A_31 = arith.select %eq3A_29, %jit3A_30, %jit3A_27 : i32
    %rem3A_32 = vector.broadcast %select_n3A_31 : i32 to vector<16xi32>
    %rem3A_33 = arith.remsi %add3A_26, %rem3A_32 : vector<16xi32>
    %ne3A_34 = arith.constant 0 : i32
    %ne3A_35 = vector.broadcast %ne3A_34 : i32 to vector<16xi32>
    %ne3A_36 = arith.cmpi ne, %rem3A_33, %ne3A_35 : vector<16xi32>
    %lt3A_37 = arith.constant 0 : i32
    %lt3A_38 = vector.broadcast %lt3A_37 : i32 to vector<16xi32>
    %lt3A_39 = arith.cmpi slt, %rem3A_33, %lt3A_38 : vector<16xi32>
    %lt3A_40 = arith.constant 0 : i32
    %lt3A_41 = arith.cmpi slt, %select_n3A_31, %lt3A_40 : i32
    %ne3A_42 = vector.broadcast %lt3A_41 : i1 to vector<16xi1>
    %ne3A_43 = vector.broadcast %ne3A_42 : vector<16xi1> to vector<16xi1>
    %ne3A_44 = arith.xori %lt3A_39, %ne3A_43 : vector<16xi1>
    %and3A_45 = arith.andi %ne3A_44, %ne3A_36 : vector<16xi1>
    %add3A_46 = vector.broadcast %select_n3A_31 : i32 to vector<16xi32>
    %add3A_47 = arith.addi %rem3A_33, %add3A_46 : vector<16xi32>
    %select_n3A_48 = arith.select %and3A_45, %add3A_47, %rem3A_33 : vector<16xi1>, vector<16xi32>
    %mul3A_49 = arith.constant 100000 : i32
    %mul3A_50 = vector.broadcast %mul3A_49 : i32 to vector<16xi32>
    %mul3A_51 = arith.muli %select_n3A_48, %mul3A_50 : vector<16xi32>
    %add3A_52 = arith.constant 6 : i32
    %add3A_53 = vector.broadcast %add3A_52 : i32 to vector<16xi32>
    %add3A_54 = arith.addi %iota3A, %add3A_53 : vector<16xi32>
    %jit3A_55 = arith.constant 26 : i32
    %eq3A_56 = arith.constant 0 : i32
    %eq3A_57 = arith.cmpi eq, %jit3A_55, %eq3A_56 : i32
    %jit3A_58 = arith.constant 1 : i32
    %select_n3A_59 = arith.select %eq3A_57, %jit3A_58, %jit3A_55 : i32
    %rem3A_60 = vector.broadcast %select_n3A_59 : i32 to vector<16xi32>
    %rem3A_61 = arith.remsi %add3A_54, %rem3A_60 : vector<16xi32>
    %ne3A_62 = arith.constant 0 : i32
    %ne3A_63 = vector.broadcast %ne3A_62 : i32 to vector<16xi32>
    %ne3A_64 = arith.cmpi ne, %rem3A_61, %ne3A_63 : vector<16xi32>
    %lt3A_65 = arith.constant 0 : i32
    %lt3A_66 = vector.broadcast %lt3A_65 : i32 to vector<16xi32>
    %lt3A_67 = arith.cmpi slt, %rem3A_61, %lt3A_66 : vector<16xi32>
    %lt3A_68 = arith.constant 0 : i32
    %lt3A_69 = arith.cmpi slt, %select_n3A_59, %lt3A_68 : i32
    %ne3A_70 = vector.broadcast %lt3A_69 : i1 to vector<16xi1>
    %ne3A_71 = vector.broadcast %ne3A_70 : vector<16xi1> to vector<16xi1>
    %ne3A_72 = arith.xori %lt3A_67, %ne3A_71 : vector<16xi1>
    %and3A_73 = arith.andi %ne3A_72, %ne3A_64 : vector<16xi1>
    %add3A_74 = vector.broadcast %select_n3A_59 : i32 to vector<16xi32>
    %add3A_75 = arith.addi %rem3A_61, %add3A_74 : vector<16xi32>
    %select_n3A_76 = arith.select %and3A_73, %add3A_75, %rem3A_61 : vector<16xi1>, vector<16xi32>
    %mul3A_77 = arith.constant 100000 : i32
    %mul3A_78 = vector.broadcast %mul3A_77 : i32 to vector<16xi32>
    %mul3A_79 = arith.muli %select_n3A_76, %mul3A_78 : vector<16xi32>
    %add3A_80 = arith.constant 22 : i32
    %add3A_81 = vector.broadcast %add3A_80 : i32 to vector<16xi32>
    %add3A_82 = arith.addi %iota3A, %add3A_81 : vector<16xi32>
    %jit3A_83 = arith.constant 26 : i32
    %eq3A_84 = arith.constant 0 : i32
    %eq3A_85 = arith.cmpi eq, %jit3A_83, %eq3A_84 : i32
    %jit3A_86 = arith.constant 1 : i32
    %select_n3A_87 = arith.select %eq3A_85, %jit3A_86, %jit3A_83 : i32
    %rem3A_88 = vector.broadcast %select_n3A_87 : i32 to vector<16xi32>
    %rem3A_89 = arith.remsi %add3A_82, %rem3A_88 : vector<16xi32>
    %ne3A_90 = arith.constant 0 : i32
    %ne3A_91 = vector.broadcast %ne3A_90 : i32 to vector<16xi32>
    %ne3A_92 = arith.cmpi ne, %rem3A_89, %ne3A_91 : vector<16xi32>
    %lt3A_93 = arith.constant 0 : i32
    %lt3A_94 = vector.broadcast %lt3A_93 : i32 to vector<16xi32>
    %lt3A_95 = arith.cmpi slt, %rem3A_89, %lt3A_94 : vector<16xi32>
    %lt3A_96 = arith.constant 0 : i32
    %lt3A_97 = arith.cmpi slt, %select_n3A_87, %lt3A_96 : i32
    %ne3A_98 = vector.broadcast %lt3A_97 : i1 to vector<16xi1>
    %ne3A_99 = vector.broadcast %ne3A_98 : vector<16xi1> to vector<16xi1>
    %ne3A_100 = arith.xori %lt3A_95, %ne3A_99 : vector<16xi1>
    %and3A_101 = arith.andi %ne3A_100, %ne3A_92 : vector<16xi1>
    %add3A_102 = vector.broadcast %select_n3A_87 : i32 to vector<16xi32>
    %add3A_103 = arith.addi %rem3A_89, %add3A_102 : vector<16xi32>
    %select_n3A_104 = arith.select %and3A_101, %add3A_103, %rem3A_89 : vector<16xi1>, vector<16xi32>
    %mul3A_105 = arith.constant 100000 : i32
    %mul3A_106 = vector.broadcast %mul3A_105 : i32 to vector<16xi32>
    %mul3A_107 = arith.muli %select_n3A_104, %mul3A_106 : vector<16xi32>
    %add3A_108 = arith.constant 12 : i32
    %add3A_109 = vector.broadcast %add3A_108 : i32 to vector<16xi32>
    %add3A_110 = arith.addi %iota3A, %add3A_109 : vector<16xi32>
    %jit3A_111 = arith.constant 26 : i32
    %eq3A_112 = arith.constant 0 : i32
    %eq3A_113 = arith.cmpi eq, %jit3A_111, %eq3A_112 : i32
    %jit3A_114 = arith.constant 1 : i32
    %select_n3A_115 = arith.select %eq3A_113, %jit3A_114, %jit3A_111 : i32
    %rem3A_116 = vector.broadcast %select_n3A_115 : i32 to vector<16xi32>
    %rem3A_117 = arith.remsi %add3A_110, %rem3A_116 : vector<16xi32>
    %ne3A_118 = arith.constant 0 : i32
    %ne3A_119 = vector.broadcast %ne3A_118 : i32 to vector<16xi32>
    %ne3A_120 = arith.cmpi ne, %rem3A_117, %ne3A_119 : vector<16xi32>
    %lt3A_121 = arith.constant 0 : i32
    %lt3A_122 = vector.broadcast %lt3A_121 : i32 to vector<16xi32>
    %lt3A_123 = arith.cmpi slt, %rem3A_117, %lt3A_122 : vector<16xi32>
    %lt3A_124 = arith.constant 0 : i32
    %lt3A_125 = arith.cmpi slt, %select_n3A_115, %lt3A_124 : i32
    %ne3A_126 = vector.broadcast %lt3A_125 : i1 to vector<16xi1>
    %ne3A_127 = vector.broadcast %ne3A_126 : vector<16xi1> to vector<16xi1>
    %ne3A_128 = arith.xori %lt3A_123, %ne3A_127 : vector<16xi1>
    %and3A_129 = arith.andi %ne3A_128, %ne3A_120 : vector<16xi1>
    %add3A_130 = vector.broadcast %select_n3A_115 : i32 to vector<16xi32>
    %add3A_131 = arith.addi %rem3A_117, %add3A_130 : vector<16xi32>
    %select_n3A_132 = arith.select %and3A_129, %add3A_131, %rem3A_117 : vector<16xi1>, vector<16xi32>
    %mul3A_133 = arith.constant 100000 : i32
    %mul3A_134 = vector.broadcast %mul3A_133 : i32 to vector<16xi32>
    %mul3A_135 = arith.muli %select_n3A_132, %mul3A_134 : vector<16xi32>
    %add3A_136 = arith.constant 2 : i32
    %add3A_137 = vector.broadcast %add3A_136 : i32 to vector<16xi32>
    %add3A_138 = arith.addi %iota3A, %add3A_137 : vector<16xi32>
    %jit3A_139 = arith.constant 26 : i32
    %eq3A_140 = arith.constant 0 : i32
    %eq3A_141 = arith.cmpi eq, %jit3A_139, %eq3A_140 : i32
    %jit3A_142 = arith.constant 1 : i32
    %select_n3A_143 = arith.select %eq3A_141, %jit3A_142, %jit3A_139 : i32
    %rem3A_144 = vector.broadcast %select_n3A_143 : i32 to vector<16xi32>
    %rem3A_145 = arith.remsi %add3A_138, %rem3A_144 : vector<16xi32>
    %ne3A_146 = arith.constant 0 : i32
    %ne3A_147 = vector.broadcast %ne3A_146 : i32 to vector<16xi32>
    %ne3A_148 = arith.cmpi ne, %rem3A_145, %ne3A_147 : vector<16xi32>
    %lt3A_149 = arith.constant 0 : i32
    %lt3A_150 = vector.broadcast %lt3A_149 : i32 to vector<16xi32>
    %lt3A_151 = arith.cmpi slt, %rem3A_145, %lt3A_150 : vector<16xi32>
    %lt3A_152 = arith.constant 0 : i32
    %lt3A_153 = arith.cmpi slt, %select_n3A_143, %lt3A_152 : i32
    %ne3A_154 = vector.broadcast %lt3A_153 : i1 to vector<16xi1>
    %ne3A_155 = vector.broadcast %ne3A_154 : vector<16xi1> to vector<16xi1>
    %ne3A_156 = arith.xori %lt3A_151, %ne3A_155 : vector<16xi1>
    %and3A_157 = arith.andi %ne3A_156, %ne3A_148 : vector<16xi1>
    %add3A_158 = vector.broadcast %select_n3A_143 : i32 to vector<16xi32>
    %add3A_159 = arith.addi %rem3A_145, %add3A_158 : vector<16xi32>
    %select_n3A_160 = arith.select %and3A_157, %add3A_159, %rem3A_145 : vector<16xi1>, vector<16xi32>
    %mul3A_161 = arith.constant 100000 : i32
    %mul3A_162 = vector.broadcast %mul3A_161 : i32 to vector<16xi32>
    %mul3A_163 = arith.muli %select_n3A_160, %mul3A_162 : vector<16xi32>
    %add3A_164 = arith.constant 18 : i32
    %add3A_165 = vector.broadcast %add3A_164 : i32 to vector<16xi32>
    %add3A_166 = arith.addi %iota3A, %add3A_165 : vector<16xi32>
    %jit3A_167 = arith.constant 26 : i32
    %eq3A_168 = arith.constant 0 : i32
    %eq3A_169 = arith.cmpi eq, %jit3A_167, %eq3A_168 : i32
    %jit3A_170 = arith.constant 1 : i32
    %select_n3A_171 = arith.select %eq3A_169, %jit3A_170, %jit3A_167 : i32
    %rem3A_172 = vector.broadcast %select_n3A_171 : i32 to vector<16xi32>
    %rem3A_173 = arith.remsi %add3A_166, %rem3A_172 : vector<16xi32>
    %ne3A_174 = arith.constant 0 : i32
    %ne3A_175 = vector.broadcast %ne3A_174 : i32 to vector<16xi32>
    %ne3A_176 = arith.cmpi ne, %rem3A_173, %ne3A_175 : vector<16xi32>
    %lt3A_177 = arith.constant 0 : i32
    %lt3A_178 = vector.broadcast %lt3A_177 : i32 to vector<16xi32>
    %lt3A_179 = arith.cmpi slt, %rem3A_173, %lt3A_178 : vector<16xi32>
    %lt3A_180 = arith.constant 0 : i32
    %lt3A_181 = arith.cmpi slt, %select_n3A_171, %lt3A_180 : i32
    %ne3A_182 = vector.broadcast %lt3A_181 : i1 to vector<16xi1>
    %ne3A_183 = vector.broadcast %ne3A_182 : vector<16xi1> to vector<16xi1>
    %ne3A_184 = arith.xori %lt3A_179, %ne3A_183 : vector<16xi1>
    %and3A_185 = arith.andi %ne3A_184, %ne3A_176 : vector<16xi1>
    %add3A_186 = vector.broadcast %select_n3A_171 : i32 to vector<16xi32>
    %add3A_187 = arith.addi %rem3A_173, %add3A_186 : vector<16xi32>
    %select_n3A_188 = arith.select %and3A_185, %add3A_187, %rem3A_173 : vector<16xi1>, vector<16xi32>
    %mul3A_189 = arith.constant 100000 : i32
    %mul3A_190 = vector.broadcast %mul3A_189 : i32 to vector<16xi32>
    %mul3A_191 = arith.muli %select_n3A_188, %mul3A_190 : vector<16xi32>
    %add3A_192 = arith.constant 8 : i32
    %add3A_193 = vector.broadcast %add3A_192 : i32 to vector<16xi32>
    %add3A_194 = arith.addi %iota3A, %add3A_193 : vector<16xi32>
    %jit3A_195 = arith.constant 26 : i32
    %eq3A_196 = arith.constant 0 : i32
    %eq3A_197 = arith.cmpi eq, %jit3A_195, %eq3A_196 : i32
    %jit3A_198 = arith.constant 1 : i32
    %select_n3A_199 = arith.select %eq3A_197, %jit3A_198, %jit3A_195 : i32
    %rem3A_200 = vector.broadcast %select_n3A_199 : i32 to vector<16xi32>
    %rem3A_201 = arith.remsi %add3A_194, %rem3A_200 : vector<16xi32>
    %ne3A_202 = arith.constant 0 : i32
    %ne3A_203 = vector.broadcast %ne3A_202 : i32 to vector<16xi32>
    %ne3A_204 = arith.cmpi ne, %rem3A_201, %ne3A_203 : vector<16xi32>
    %lt3A_205 = arith.constant 0 : i32
    %lt3A_206 = vector.broadcast %lt3A_205 : i32 to vector<16xi32>
    %lt3A_207 = arith.cmpi slt, %rem3A_201, %lt3A_206 : vector<16xi32>
    %lt3A_208 = arith.constant 0 : i32
    %lt3A_209 = arith.cmpi slt, %select_n3A_199, %lt3A_208 : i32
    %ne3A_210 = vector.broadcast %lt3A_209 : i1 to vector<16xi1>
    %ne3A_211 = vector.broadcast %ne3A_210 : vector<16xi1> to vector<16xi1>
    %ne3A_212 = arith.xori %lt3A_207, %ne3A_211 : vector<16xi1>
    %and3A_213 = arith.andi %ne3A_212, %ne3A_204 : vector<16xi1>
    %add3A_214 = vector.broadcast %select_n3A_199 : i32 to vector<16xi32>
    %add3A_215 = arith.addi %rem3A_201, %add3A_214 : vector<16xi32>
    %select_n3A_216 = arith.select %and3A_213, %add3A_215, %rem3A_201 : vector<16xi1>, vector<16xi32>
    %mul3A_217 = arith.constant 100000 : i32
    %mul3A_218 = vector.broadcast %mul3A_217 : i32 to vector<16xi32>
    %mul3A_219 = arith.muli %select_n3A_216, %mul3A_218 : vector<16xi32>
    %add3A_220 = arith.constant 24 : i32
    %add3A_221 = vector.broadcast %add3A_220 : i32 to vector<16xi32>
    %add3A_222 = arith.addi %iota3A, %add3A_221 : vector<16xi32>
    %jit3A_223 = arith.constant 26 : i32
    %eq3A_224 = arith.constant 0 : i32
    %eq3A_225 = arith.cmpi eq, %jit3A_223, %eq3A_224 : i32
    %jit3A_226 = arith.constant 1 : i32
    %select_n3A_227 = arith.select %eq3A_225, %jit3A_226, %jit3A_223 : i32
    %rem3A_228 = vector.broadcast %select_n3A_227 : i32 to vector<16xi32>
    %rem3A_229 = arith.remsi %add3A_222, %rem3A_228 : vector<16xi32>
    %ne3A_230 = arith.constant 0 : i32
    %ne3A_231 = vector.broadcast %ne3A_230 : i32 to vector<16xi32>
    %ne3A_232 = arith.cmpi ne, %rem3A_229, %ne3A_231 : vector<16xi32>
    %lt3A_233 = arith.constant 0 : i32
    %lt3A_234 = vector.broadcast %lt3A_233 : i32 to vector<16xi32>
    %lt3A_235 = arith.cmpi slt, %rem3A_229, %lt3A_234 : vector<16xi32>
    %lt3A_236 = arith.constant 0 : i32
    %lt3A_237 = arith.cmpi slt, %select_n3A_227, %lt3A_236 : i32
    %ne3A_238 = vector.broadcast %lt3A_237 : i1 to vector<16xi1>
    %ne3A_239 = vector.broadcast %ne3A_238 : vector<16xi1> to vector<16xi1>
    %ne3A_240 = arith.xori %lt3A_235, %ne3A_239 : vector<16xi1>
    %and3A_241 = arith.andi %ne3A_240, %ne3A_232 : vector<16xi1>
    %add3A_242 = vector.broadcast %select_n3A_227 : i32 to vector<16xi32>
    %add3A_243 = arith.addi %rem3A_229, %add3A_242 : vector<16xi32>
    %select_n3A_244 = arith.select %and3A_241, %add3A_243, %rem3A_229 : vector<16xi1>, vector<16xi32>
    %mul3A_245 = arith.constant 100000 : i32
    %mul3A_246 = vector.broadcast %mul3A_245 : i32 to vector<16xi32>
    %mul3A_247 = arith.muli %select_n3A_244, %mul3A_246 : vector<16xi32>
    %add3A_248 = arith.constant 14 : i32
    %add3A_249 = vector.broadcast %add3A_248 : i32 to vector<16xi32>
    %add3A_250 = arith.addi %iota3A, %add3A_249 : vector<16xi32>
    %jit3A_251 = arith.constant 26 : i32
    %eq3A_252 = arith.constant 0 : i32
    %eq3A_253 = arith.cmpi eq, %jit3A_251, %eq3A_252 : i32
    %jit3A_254 = arith.constant 1 : i32
    %select_n3A_255 = arith.select %eq3A_253, %jit3A_254, %jit3A_251 : i32
    %rem3A_256 = vector.broadcast %select_n3A_255 : i32 to vector<16xi32>
    %rem3A_257 = arith.remsi %add3A_250, %rem3A_256 : vector<16xi32>
    %ne3A_258 = arith.constant 0 : i32
    %ne3A_259 = vector.broadcast %ne3A_258 : i32 to vector<16xi32>
    %ne3A_260 = arith.cmpi ne, %rem3A_257, %ne3A_259 : vector<16xi32>
    %lt3A_261 = arith.constant 0 : i32
    %lt3A_262 = vector.broadcast %lt3A_261 : i32 to vector<16xi32>
    %lt3A_263 = arith.cmpi slt, %rem3A_257, %lt3A_262 : vector<16xi32>
    %lt3A_264 = arith.constant 0 : i32
    %lt3A_265 = arith.cmpi slt, %select_n3A_255, %lt3A_264 : i32
    %ne3A_266 = vector.broadcast %lt3A_265 : i1 to vector<16xi1>
    %ne3A_267 = vector.broadcast %ne3A_266 : vector<16xi1> to vector<16xi1>
    %ne3A_268 = arith.xori %lt3A_263, %ne3A_267 : vector<16xi1>
    %and3A_269 = arith.andi %ne3A_268, %ne3A_260 : vector<16xi1>
    %add3A_270 = vector.broadcast %select_n3A_255 : i32 to vector<16xi32>
    %add3A_271 = arith.addi %rem3A_257, %add3A_270 : vector<16xi32>
    %select_n3A_272 = arith.select %and3A_269, %add3A_271, %rem3A_257 : vector<16xi1>, vector<16xi32>
    %mul3A_273 = arith.constant 100000 : i32
    %mul3A_274 = vector.broadcast %mul3A_273 : i32 to vector<16xi32>
    %mul3A_275 = arith.muli %select_n3A_272, %mul3A_274 : vector<16xi32>
    %add3A_276 = arith.constant 4 : i32
    %add3A_277 = vector.broadcast %add3A_276 : i32 to vector<16xi32>
    %add3A_278 = arith.addi %iota3A, %add3A_277 : vector<16xi32>
    %jit3A_279 = arith.constant 26 : i32
    %eq3A_280 = arith.constant 0 : i32
    %eq3A_281 = arith.cmpi eq, %jit3A_279, %eq3A_280 : i32
    %jit3A_282 = arith.constant 1 : i32
    %select_n3A_283 = arith.select %eq3A_281, %jit3A_282, %jit3A_279 : i32
    %rem3A_284 = vector.broadcast %select_n3A_283 : i32 to vector<16xi32>
    %rem3A_285 = arith.remsi %add3A_278, %rem3A_284 : vector<16xi32>
    %ne3A_286 = arith.constant 0 : i32
    %ne3A_287 = vector.broadcast %ne3A_286 : i32 to vector<16xi32>
    %ne3A_288 = arith.cmpi ne, %rem3A_285, %ne3A_287 : vector<16xi32>
    %lt3A_289 = arith.constant 0 : i32
    %lt3A_290 = vector.broadcast %lt3A_289 : i32 to vector<16xi32>
    %lt3A_291 = arith.cmpi slt, %rem3A_285, %lt3A_290 : vector<16xi32>
    %lt3A_292 = arith.constant 0 : i32
    %lt3A_293 = arith.cmpi slt, %select_n3A_283, %lt3A_292 : i32
    %ne3A_294 = vector.broadcast %lt3A_293 : i1 to vector<16xi1>
    %ne3A_295 = vector.broadcast %ne3A_294 : vector<16xi1> to vector<16xi1>
    %ne3A_296 = arith.xori %lt3A_291, %ne3A_295 : vector<16xi1>
    %and3A_297 = arith.andi %ne3A_296, %ne3A_288 : vector<16xi1>
    %add3A_298 = vector.broadcast %select_n3A_283 : i32 to vector<16xi32>
    %add3A_299 = arith.addi %rem3A_285, %add3A_298 : vector<16xi32>
    %select_n3A_300 = arith.select %and3A_297, %add3A_299, %rem3A_285 : vector<16xi1>, vector<16xi32>
    %mul3A_301 = arith.constant 100000 : i32
    %mul3A_302 = vector.broadcast %mul3A_301 : i32 to vector<16xi32>
    %mul3A_303 = arith.muli %select_n3A_300, %mul3A_302 : vector<16xi32>
    %add3A_304 = arith.constant 20 : i32
    %add3A_305 = vector.broadcast %add3A_304 : i32 to vector<16xi32>
    %add3A_306 = arith.addi %iota3A, %add3A_305 : vector<16xi32>
    %jit3A_307 = arith.constant 26 : i32
    %eq3A_308 = arith.constant 0 : i32
    %eq3A_309 = arith.cmpi eq, %jit3A_307, %eq3A_308 : i32
    %jit3A_310 = arith.constant 1 : i32
    %select_n3A_311 = arith.select %eq3A_309, %jit3A_310, %jit3A_307 : i32
    %rem3A_312 = vector.broadcast %select_n3A_311 : i32 to vector<16xi32>
    %rem3A_313 = arith.remsi %add3A_306, %rem3A_312 : vector<16xi32>
    %ne3A_314 = arith.constant 0 : i32
    %ne3A_315 = vector.broadcast %ne3A_314 : i32 to vector<16xi32>
    %ne3A_316 = arith.cmpi ne, %rem3A_313, %ne3A_315 : vector<16xi32>
    %lt3A_317 = arith.constant 0 : i32
    %lt3A_318 = vector.broadcast %lt3A_317 : i32 to vector<16xi32>
    %lt3A_319 = arith.cmpi slt, %rem3A_313, %lt3A_318 : vector<16xi32>
    %lt3A_320 = arith.constant 0 : i32
    %lt3A_321 = arith.cmpi slt, %select_n3A_311, %lt3A_320 : i32
    %ne3A_322 = vector.broadcast %lt3A_321 : i1 to vector<16xi1>
    %ne3A_323 = vector.broadcast %ne3A_322 : vector<16xi1> to vector<16xi1>
    %ne3A_324 = arith.xori %lt3A_319, %ne3A_323 : vector<16xi1>
    %and3A_325 = arith.andi %ne3A_324, %ne3A_316 : vector<16xi1>
    %add3A_326 = vector.broadcast %select_n3A_311 : i32 to vector<16xi32>
    %add3A_327 = arith.addi %rem3A_313, %add3A_326 : vector<16xi32>
    %select_n3A_328 = arith.select %and3A_325, %add3A_327, %rem3A_313 : vector<16xi1>, vector<16xi32>
    %mul3A_329 = arith.constant 100000 : i32
    %mul3A_330 = vector.broadcast %mul3A_329 : i32 to vector<16xi32>
    %mul3A_331 = arith.muli %select_n3A_328, %mul3A_330 : vector<16xi32>
    %add3A_332 = arith.constant 10 : i32
    %add3A_333 = vector.broadcast %add3A_332 : i32 to vector<16xi32>
    %add3A_334 = arith.addi %iota3A, %add3A_333 : vector<16xi32>
    %jit3A_335 = arith.constant 26 : i32
    %eq3A_336 = arith.constant 0 : i32
    %eq3A_337 = arith.cmpi eq, %jit3A_335, %eq3A_336 : i32
    %jit3A_338 = arith.constant 1 : i32
    %select_n3A_339 = arith.select %eq3A_337, %jit3A_338, %jit3A_335 : i32
    %rem3A_340 = vector.broadcast %select_n3A_339 : i32 to vector<16xi32>
    %rem3A_341 = arith.remsi %add3A_334, %rem3A_340 : vector<16xi32>
    %ne3A_342 = arith.constant 0 : i32
    %ne3A_343 = vector.broadcast %ne3A_342 : i32 to vector<16xi32>
    %ne3A_344 = arith.cmpi ne, %rem3A_341, %ne3A_343 : vector<16xi32>
    %lt3A_345 = arith.constant 0 : i32
    %lt3A_346 = vector.broadcast %lt3A_345 : i32 to vector<16xi32>
    %lt3A_347 = arith.cmpi slt, %rem3A_341, %lt3A_346 : vector<16xi32>
    %lt3A_348 = arith.constant 0 : i32
    %lt3A_349 = arith.cmpi slt, %select_n3A_339, %lt3A_348 : i32
    %ne3A_350 = vector.broadcast %lt3A_349 : i1 to vector<16xi1>
    %ne3A_351 = vector.broadcast %ne3A_350 : vector<16xi1> to vector<16xi1>
    %ne3A_352 = arith.xori %lt3A_347, %ne3A_351 : vector<16xi1>
    %and3A_353 = arith.andi %ne3A_352, %ne3A_344 : vector<16xi1>
    %add3A_354 = vector.broadcast %select_n3A_339 : i32 to vector<16xi32>
    %add3A_355 = arith.addi %rem3A_341, %add3A_354 : vector<16xi32>
    %select_n3A_356 = arith.select %and3A_353, %add3A_355, %rem3A_341 : vector<16xi1>, vector<16xi32>
    %mul3A_357 = arith.constant 100000 : i32
    %mul3A_358 = vector.broadcast %mul3A_357 : i32 to vector<16xi32>
    %mul3A_359 = arith.muli %select_n3A_356, %mul3A_358 : vector<16xi32>
    %add3A_360 = arith.constant 0 : i32
    %add3A_361 = arith.addi %mul3A_2, %add3A_360 : i32
    %dma_start3A = tpu.memref_slice %arg3[%add3A_361] : memref<5324800xi32, #tpu.memory_space<hbm>> -> memref<1664xi32, #tpu.memory_space<hbm>>
    %dma_start3A_362 = tpu.memref_slice %arg3[%add3A_361] : memref<5324800xi32, #tpu.memory_space<hbm>> -> memref<1664xi32, #tpu.memory_space<hbm>>
    tpu.enqueue_dma source(%dma_start3A_362 : memref<1664xi32, #tpu.memory_space<hbm>>) target(%arg5 : memref<1664xi32, #tpu.memory_space<vmem>>) target_semaphore(%arg9 : memref<!tpu.dma_semaphore, #tpu.memory_space<semaphore_mem>>)
    %add3A_363 = arith.constant 0 : i32
    %add3A_364 = arith.addi %mul3A_2, %add3A_363 : i32
    %dma_wait3A = tpu.memref_slice %arg3[%add3A_364] : memref<5324800xi32, #tpu.memory_space<hbm>> -> memref<1664xi32, #tpu.memory_space<hbm>>
    %dma_wait3A_365 = tpu.memref_slice %arg3[%add3A_364] : memref<5324800xi32, #tpu.memory_space<hbm>> -> memref<1664xi32, #tpu.memory_space<hbm>>
    tpu.wait_dma2 semaphore(%arg9 : memref<!tpu.dma_semaphore, #tpu.memory_space<semaphore_mem>>) src(%dma_wait3A_365 : memref<1664xi32, #tpu.memory_space<hbm>>) dst(%arg5 : memref<1664xi32, #tpu.memory_space<vmem>>)
    %get3A = arith.constant 0 : index
    %get3A_366 = tpu.vector_load %arg5[%get3A] {strides = array<i32>} : memref<1664xi32, #tpu.memory_space<vmem>>, vector<16xi32>,
    %get3A_367 = vector.shape_cast %get3A_366 : vector<16xi32> to vector<16xi32>
    %add3A_368 = arith.addi %get3A_367, %mul3A_23 : vector<16xi32>
    %swap3A = arith.constant 0 : index
    %swap3A_369 = tpu.vector_load %arg5[%swap3A] {strides = array<i32>} : memref<1664xi32, #tpu.memory_space<vmem>>, vector<16xi32>,
    %swap3A_370 = vector.shape_cast %swap3A_369 : vector<16xi32> to vector<16xi32>
    %swap3A_371 = vector.shape_cast %add3A_368 : vector<16xi32> to vector<16xi32>
    tpu.vector_store %arg5[%swap3A], %swap3A_371 {strides = array<i32>} : memref<1664xi32, #tpu.memory_space<vmem>>, vector<16xi32>,
    %get3A_372 = arith.constant 16 : index
    %get3A_373 = tpu.vector_load %arg5[%get3A_372] {strides = array<i32>} : memref<1664xi32, #tpu.memory_space<vmem>>, vector<16xi32>,
    %get3A_374 = vector.shape_cast %get3A_373 : vector<16xi32> to vector<16xi32>
    %add3A_375 = arith.addi %get3A_374, %mul3A_51 : vector<16xi32>
    %swap3A_376 = arith.constant 16 : index
    %swap3A_377 = tpu.vector_load %arg5[%swap3A_376] {strides = array<i32>} : memref<1664xi32, #tpu.memory_space<vmem>>, vector<16xi32>,
    %swap3A_378 = vector.shape_cast %swap3A_377 : vector<16xi32> to vector<16xi32>
    %swap3A_379 = vector.shape_cast %add3A_375 : vector<16xi32> to vector<16xi32>
    tpu.vector_store %arg5[%swap3A_376], %swap3A_379 {strides = array<i32>} : memref<1664xi32, #tpu.memory_space<vmem>>, vector<16xi32>,
    %get3A_380 = arith.constant 32 : index
    %get3A_381 = tpu.vector_load %arg5[%get3A_380] {strides = array<i32>} : memref<1664xi32, #tpu.memory_space<vmem>>, vector<16xi32>,
    %get3A_382 = vector.shape_cast %get3A_381 : vector<16xi32> to vector<16xi32>
    %add3A_383 = arith.addi %get3A_382, %mul3A_79 : vector<16xi32>
    %swap3A_384 = arith.constant 32 : index
    %swap3A_385 = tpu.vector_load %arg5[%swap3A_384] {strides = array<i32>} : memref<1664xi32, #tpu.memory_space<vmem>>, vector<16xi32>,
    %swap3A_386 = vector.shape_cast %swap3A_385 : vector<16xi32> to vector<16xi32>
    %swap3A_387 = vector.shape_cast %add3A_383 : vector<16xi32> to vector<16xi32>
    tpu.vector_store %arg5[%swap3A_384], %swap3A_387 {strides = array<i32>} : memref<1664xi32, #tpu.memory_space<vmem>>, vector<16xi32>,
    %get3A_388 = arith.constant 48 : index
    %get3A_389 = tpu.vector_load %arg5[%get3A_388] {strides = array<i32>} : memref<1664xi32, #tpu.memory_space<vmem>>, vector<16xi32>,
    %get3A_390 = vector.shape_cast %get3A_389 : vector<16xi32> to vector<16xi32>
    %add3A_391 = arith.addi %get3A_390, %mul3A_107 : vector<16xi32>
    %swap3A_392 = arith.constant 48 : index
    %swap3A_393 = tpu.vector_load %arg5[%swap3A_392] {strides = array<i32>} : memref<1664xi32, #tpu.memory_space<vmem>>, vector<16xi32>,
    %swap3A_394 = vector.shape_cast %swap3A_393 : vector<16xi32> to vector<16xi32>
    %swap3A_395 = vector.shape_cast %add3A_391 : vector<16xi32> to vector<16xi32>
    tpu.vector_store %arg5[%swap3A_392], %swap3A_395 {strides = array<i32>} : memref<1664xi32, #tpu.memory_space<vmem>>, vector<16xi32>,
    %get3A_396 = arith.constant 64 : index
    %get3A_397 = tpu.vector_load %arg5[%get3A_396] {strides = array<i32>} : memref<1664xi32, #tpu.memory_space<vmem>>, vector<16xi32>,
    %get3A_398 = vector.shape_cast %get3A_397 : vector<16xi32> to vector<16xi32>
    %add3A_399 = arith.addi %get3A_398, %mul3A_135 : vector<16xi32>
    %swap3A_400 = arith.constant 64 : index
    %swap3A_401 = tpu.vector_load %arg5[%swap3A_400] {strides = array<i32>} : memref<1664xi32, #tpu.memory_space<vmem>>, vector<16xi32>,
    %swap3A_402 = vector.shape_cast %swap3A_401 : vector<16xi32> to vector<16xi32>
    %swap3A_403 = vector.shape_cast %add3A_399 : vector<16xi32> to vector<16xi32>
    tpu.vector_store %arg5[%swap3A_400], %swap3A_403 {strides = array<i32>} : memref<1664xi32, #tpu.memory_space<vmem>>, vector<16xi32>,
    %get3A_404 = arith.constant 80 : index
    %get3A_405 = tpu.vector_load %arg5[%get3A_404] {strides = array<i32>} : memref<1664xi32, #tpu.memory_space<vmem>>, vector<16xi32>,
    %get3A_406 = vector.shape_cast %get3A_405 : vector<16xi32> to vector<16xi32>
    %add3A_407 = arith.addi %get3A_406, %mul3A_163 : vector<16xi32>
    %swap3A_408 = arith.constant 80 : index
    %swap3A_409 = tpu.vector_load %arg5[%swap3A_408] {strides = array<i32>} : memref<1664xi32, #tpu.memory_space<vmem>>, vector<16xi32>,
    %swap3A_410 = vector.shape_cast %swap3A_409 : vector<16xi32> to vector<16xi32>
    %swap3A_411 = vector.shape_cast %add3A_407 : vector<16xi32> to vector<16xi32>
    tpu.vector_store %arg5[%swap3A_408], %swap3A_411 {strides = array<i32>} : memref<1664xi32, #tpu.memory_space<vmem>>, vector<16xi32>,
    %get3A_412 = arith.constant 96 : index
    %get3A_413 = tpu.vector_load %arg5[%get3A_412] {strides = array<i32>} : memref<1664xi32, #tpu.memory_space<vmem>>, vector<16xi32>,
    %get3A_414 = vector.shape_cast %get3A_413 : vector<16xi32> to vector<16xi32>
    %add3A_415 = arith.addi %get3A_414, %mul3A_191 : vector<16xi32>
    %swap3A_416 = arith.constant 96 : index
    %swap3A_417 = tpu.vector_load %arg5[%swap3A_416] {strides = array<i32>} : memref<1664xi32, #tpu.memory_space<vmem>>, vector<16xi32>,
    %swap3A_418 = vector.shape_cast %swap3A_417 : vector<16xi32> to vector<16xi32>
    %swap3A_419 = vector.shape_cast %add3A_415 : vector<16xi32> to vector<16xi32>
    tpu.vector_store %arg5[%swap3A_416], %swap3A_419 {strides = array<i32>} : memref<1664xi32, #tpu.memory_space<vmem>>, vector<16xi32>,
    %get3A_420 = arith.constant 112 : index
    %get3A_421 = tpu.vector_load %arg5[%get3A_420] {strides = array<i32>} : memref<1664xi32, #tpu.memory_space<vmem>>, vector<16xi32>,
    %get3A_422 = vector.shape_cast %get3A_421 : vector<16xi32> to vector<16xi32>
    %add3A_423 = arith.addi %get3A_422, %mul3A_219 : vector<16xi32>
    %swap3A_424 = arith.constant 112 : index
    %swap3A_425 = tpu.vector_load %arg5[%swap3A_424] {strides = array<i32>} : memref<1664xi32, #tpu.memory_space<vmem>>, vector<16xi32>,
    %swap3A_426 = vector.shape_cast %swap3A_425 : vector<16xi32> to vector<16xi32>
    %swap3A_427 = vector.shape_cast %add3A_423 : vector<16xi32> to vector<16xi32>
    tpu.vector_store %arg5[%swap3A_424], %swap3A_427 {strides = array<i32>} : memref<1664xi32, #tpu.memory_space<vmem>>, vector<16xi32>,
    %get3A_428 = arith.constant 128 : index
    %get3A_429 = tpu.vector_load %arg5[%get3A_428] {strides = array<i32>} : memref<1664xi32, #tpu.memory_space<vmem>>, vector<16xi32>,
    %get3A_430 = vector.shape_cast %get3A_429 : vector<16xi32> to vector<16xi32>
    %add3A_431 = arith.addi %get3A_430, %mul3A_247 : vector<16xi32>
    %swap3A_432 = arith.constant 128 : index
    %swap3A_433 = tpu.vector_load %arg5[%swap3A_432] {strides = array<i32>} : memref<1664xi32, #tpu.memory_space<vmem>>, vector<16xi32>,
    %swap3A_434 = vector.shape_cast %swap3A_433 : vector<16xi32> to vector<16xi32>
    %swap3A_435 = vector.shape_cast %add3A_431 : vector<16xi32> to vector<16xi32>
    tpu.vector_store %arg5[%swap3A_432], %swap3A_435 {strides = array<i32>} : memref<1664xi32, #tpu.memory_space<vmem>>, vector<16xi32>,
    %get3A_436 = arith.constant 144 : index
    %get3A_437 = tpu.vector_load %arg5[%get3A_436] {strides = array<i32>} : memref<1664xi32, #tpu.memory_space<vmem>>, vector<16xi32>,
    %get3A_438 = vector.shape_cast %get3A_437 : vector<16xi32> to vector<16xi32>
    %add3A_439 = arith.addi %get3A_438, %mul3A_275 : vector<16xi32>
    %swap3A_440 = arith.constant 144 : index
    %swap3A_441 = tpu.vector_load %arg5[%swap3A_440] {strides = array<i32>} : memref<1664xi32, #tpu.memory_space<vmem>>, vector<16xi32>,
    %swap3A_442 = vector.shape_cast %swap3A_441 : vector<16xi32> to vector<16xi32>
    %swap3A_443 = vector.shape_cast %add3A_439 : vector<16xi32> to vector<16xi32>
    tpu.vector_store %arg5[%swap3A_440], %swap3A_443 {strides = array<i32>} : memref<1664xi32, #tpu.memory_space<vmem>>, vector<16xi32>,
    %get3A_444 = arith.constant 160 : index
    %get3A_445 = tpu.vector_load %arg5[%get3A_444] {strides = array<i32>} : memref<1664xi32, #tpu.memory_space<vmem>>, vector<16xi32>,
    %get3A_446 = vector.shape_cast %get3A_445 : vector<16xi32> to vector<16xi32>
    %add3A_447 = arith.addi %get3A_446, %mul3A_303 : vector<16xi32>
    %swap3A_448 = arith.constant 160 : index
    %swap3A_449 = tpu.vector_load %arg5[%swap3A_448] {strides = array<i32>} : memref<1664xi32, #tpu.memory_space<vmem>>, vector<16xi32>,
    %swap3A_450 = vector.shape_cast %swap3A_449 : vector<16xi32> to vector<16xi32>
    %swap3A_451 = vector.shape_cast %add3A_447 : vector<16xi32> to vector<16xi32>
    tpu.vector_store %arg5[%swap3A_448], %swap3A_451 {strides = array<i32>} : memref<1664xi32, #tpu.memory_space<vmem>>, vector<16xi32>,
    %get3A_452 = arith.constant 176 : index
    %get3A_453 = tpu.vector_load %arg5[%get3A_452] {strides = array<i32>} : memref<1664xi32, #tpu.memory_space<vmem>>, vector<16xi32>,
    %get3A_454 = vector.shape_cast %get3A_453 : vector<16xi32> to vector<16xi32>
    %add3A_455 = arith.addi %get3A_454, %mul3A_331 : vector<16xi32>
    %swap3A_456 = arith.constant 176 : index
    %swap3A_457 = tpu.vector_load %arg5[%swap3A_456] {strides = array<i32>} : memref<1664xi32, #tpu.memory_space<vmem>>, vector<16xi32>,
    %swap3A_458 = vector.shape_cast %swap3A_457 : vector<16xi32> to vector<16xi32>
    %swap3A_459 = vector.shape_cast %add3A_455 : vector<16xi32> to vector<16xi32>
    tpu.vector_store %arg5[%swap3A_456], %swap3A_459 {strides = array<i32>} : memref<1664xi32, #tpu.memory_space<vmem>>, vector<16xi32>,
    %get3A_460 = arith.constant 192 : index
    %get3A_461 = tpu.vector_load %arg5[%get3A_460] {strides = array<i32>} : memref<1664xi32, #tpu.memory_space<vmem>>, vector<16xi32>,
    %get3A_462 = vector.shape_cast %get3A_461 : vector<16xi32> to vector<16xi32>
    %add3A_463 = arith.addi %get3A_462, %mul3A_359 : vector<16xi32>
    %swap3A_464 = arith.constant 192 : index
    %swap3A_465 = tpu.vector_load %arg5[%swap3A_464] {strides = array<i32>} : memref<1664xi32, #tpu.memory_space<vmem>>, vector<16xi32>,
    %swap3A_466 = vector.shape_cast %swap3A_465 : vector<16xi32> to vector<16xi32>
    %swap3A_467 = vector.shape_cast %add3A_463 : vector<16xi32> to vector<16xi32>
    tpu.vector_store %arg5[%swap3A_464], %swap3A_467 {strides = array<i32>} : memref<1664xi32, #tpu.memory_space<vmem>>, vector<16xi32>,
    %get3A_468 = arith.constant 208 : index
    %get3A_469 = tpu.vector_load %arg5[%get3A_468] {strides = array<i32>} : memref<1664xi32, #tpu.memory_space<vmem>>, vector<16xi32>,
    %get3A_470 = vector.shape_cast %get3A_469 : vector<16xi32> to vector<16xi32>
    %add3A_471 = arith.addi %get3A_470, %mul3A_23 : vector<16xi32>
    %swap3A_472 = arith.constant 208 : index
    %swap3A_473 = tpu.vector_load %arg5[%swap3A_472] {strides = array<i32>} : memref<1664xi32, #tpu.memory_space<vmem>>, vector<16xi32>,
    %swap3A_474 = vector.shape_cast %swap3A_473 : vector<16xi32> to vector<16xi32>
    %swap3A_475 = vector.shape_cast %add3A_471 : vector<16xi32> to vector<16xi32>
    tpu.vector_store %arg5[%swap3A_472], %swap3A_475 {strides = array<i32>} : memref<1664xi32, #tpu.memory_space<vmem>>, vector<16xi32>,
    %get3A_476 = arith.constant 224 : index
    %get3A_477 = tpu.vector_load %arg5[%get3A_476] {strides = array<i32>} : memref<1664xi32, #tpu.memory_space<vmem>>, vector<16xi32>,
    %get3A_478 = vector.shape_cast %get3A_477 : vector<16xi32> to vector<16xi32>
    %add3A_479 = arith.addi %get3A_478, %mul3A_51 : vector<16xi32>
    %swap3A_480 = arith.constant 224 : index
    %swap3A_481 = tpu.vector_load %arg5[%swap3A_480] {strides = array<i32>} : memref<1664xi32, #tpu.memory_space<vmem>>, vector<16xi32>,
    %swap3A_482 = vector.shape_cast %swap3A_481 : vector<16xi32> to vector<16xi32>
    %swap3A_483 = vector.shape_cast %add3A_479 : vector<16xi32> to vector<16xi32>
    tpu.vector_store %arg5[%swap3A_480], %swap3A_483 {strides = array<i32>} : memref<1664xi32, #tpu.memory_space<vmem>>, vector<16xi32>,
    %get3A_484 = arith.constant 240 : index
    %get3A_485 = tpu.vector_load %arg5[%get3A_484] {strides = array<i32>} : memref<1664xi32, #tpu.memory_space<vmem>>, vector<16xi32>,
    %get3A_486 = vector.shape_cast %get3A_485 : vector<16xi32> to vector<16xi32>
    %add3A_487 = arith.addi %get3A_486, %mul3A_79 : vector<16xi32>
    %swap3A_488 = arith.constant 240 : index
    %swap3A_489 = tpu.vector_load %arg5[%swap3A_488] {strides = array<i32>} : memref<1664xi32, #tpu.memory_space<vmem>>, vector<16xi32>,
    %swap3A_490 = vector.shape_cast %swap3A_489 : vector<16xi32> to vector<16xi32>
    %swap3A_491 = vector.shape_cast %add3A_487 : vector<16xi32> to vector<16xi32>
    tpu.vector_store %arg5[%swap3A_488], %swap3A_491 {strides = array<i32>} : memref<1664xi32, #tpu.memory_space<vmem>>, vector<16xi32>,
    %get3A_492 = arith.constant 256 : index
    %get3A_493 = tpu.vector_load %arg5[%get3A_492] {strides = array<i32>} : memref<1664xi32, #tpu.memory_space<vmem>>, vector<16xi32>,
    %get3A_494 = vector.shape_cast %get3A_493 : vector<16xi32> to vector<16xi32>
    %add3A_495 = arith.addi %get3A_494, %mul3A_107 : vector<16xi32>
    %swap3A_496 = arith.constant 256 : index
    %swap3A_497 = tpu.vector_load %arg5[%swap3A_496] {strides = array<i32>} : memref<1664xi32, #tpu.memory_space<vmem>>, vector<16xi32>,
    %swap3A_498 = vector.shape_cast %swap3A_497 : vector<16xi32> to vector<16xi32>
    %swap3A_499 = vector.shape_cast %add3A_495 : vector<16xi32> to vector<16xi32>
    tpu.vector_store %arg5[%swap3A_496], %swap3A_499 {strides = array<i32>} : memref<1664xi32, #tpu.memory_space<vmem>>, vector<16xi32>,
    %get3A_500 = arith.constant 272 : index
    %get3A_501 = tpu.vector_load %arg5[%get3A_500] {strides = array<i32>} : memref<1664xi32, #tpu.memory_space<vmem>>, vector<16xi32>,
    %get3A_502 = vector.shape_cast %get3A_501 : vector<16xi32> to vector<16xi32>
    %add3A_503 = arith.addi %get3A_502, %mul3A_135 : vector<16xi32>
    %swap3A_504 = arith.constant 272 : index
    %swap3A_505 = tpu.vector_load %arg5[%swap3A_504] {strides = array<i32>} : memref<1664xi32, #tpu.memory_space<vmem>>, vector<16xi32>,
    %swap3A_506 = vector.shape_cast %swap3A_505 : vector<16xi32> to vector<16xi32>
    %swap3A_507 = vector.shape_cast %add3A_503 : vector<16xi32> to vector<16xi32>
    tpu.vector_store %arg5[%swap3A_504], %swap3A_507 {strides = array<i32>} : memref<1664xi32, #tpu.memory_space<vmem>>, vector<16xi32>,
    %get3A_508 = arith.constant 288 : index
    %get3A_509 = tpu.vector_load %arg5[%get3A_508] {strides = array<i32>} : memref<1664xi32, #tpu.memory_space<vmem>>, vector<16xi32>,
    %get3A_510 = vector.shape_cast %get3A_509 : vector<16xi32> to vector<16xi32>
    %add3A_511 = arith.addi %get3A_510, %mul3A_163 : vector<16xi32>
    %swap3A_512 = arith.constant 288 : index
    %swap3A_513 = tpu.vector_load %arg5[%swap3A_512] {strides = array<i32>} : memref<1664xi32, #tpu.memory_space<vmem>>, vector<16xi32>,
    %swap3A_514 = vector.shape_cast %swap3A_513 : vector<16xi32> to vector<16xi32>
    %swap3A_515 = vector.shape_cast %add3A_511 : vector<16xi32> to vector<16xi32>
    tpu.vector_store %arg5[%swap3A_512], %swap3A_515 {strides = array<i32>} : memref<1664xi32, #tpu.memory_space<vmem>>, vector<16xi32>,
    %get3A_516 = arith.constant 304 : index
    %get3A_517 = tpu.vector_load %arg5[%get3A_516] {strides = array<i32>} : memref<1664xi32, #tpu.memory_space<vmem>>, vector<16xi32>,
    %get3A_518 = vector.shape_cast %get3A_517 : vector<16xi32> to vector<16xi32>
    %add3A_519 = arith.addi %get3A_518, %mul3A_191 : vector<16xi32>
    %swap3A_520 = arith.constant 304 : index
    %swap3A_521 = tpu.vector_load %arg5[%swap3A_520] {strides = array<i32>} : memref<1664xi32, #tpu.memory_space<vmem>>, vector<16xi32>,
    %swap3A_522 = vector.shape_cast %swap3A_521 : vector<16xi32> to vector<16xi32>
    %swap3A_523 = vector.shape_cast %add3A_519 : vector<16xi32> to vector<16xi32>
    tpu.vector_store %arg5[%swap3A_520], %swap3A_523 {strides = array<i32>} : memref<1664xi32, #tpu.memory_space<vmem>>, vector<16xi32>,
    %get3A_524 = arith.constant 320 : index
    %get3A_525 = tpu.vector_load %arg5[%get3A_524] {strides = array<i32>} : memref<1664xi32, #tpu.memory_space<vmem>>, vector<16xi32>,
    %get3A_526 = vector.shape_cast %get3A_525 : vector<16xi32> to vector<16xi32>
    %add3A_527 = arith.addi %get3A_526, %mul3A_219 : vector<16xi32>
    %swap3A_528 = arith.constant 320 : index
    %swap3A_529 = tpu.vector_load %arg5[%swap3A_528] {strides = array<i32>} : memref<1664xi32, #tpu.memory_space<vmem>>, vector<16xi32>,
    %swap3A_530 = vector.shape_cast %swap3A_529 : vector<16xi32> to vector<16xi32>
    %swap3A_531 = vector.shape_cast %add3A_527 : vector<16xi32> to vector<16xi32>
    tpu.vector_store %arg5[%swap3A_528], %swap3A_531 {strides = array<i32>} : memref<1664xi32, #tpu.memory_space<vmem>>, vector<16xi32>,
    %get3A_532 = arith.constant 336 : index
    %get3A_533 = tpu.vector_load %arg5[%get3A_532] {strides = array<i32>} : memref<1664xi32, #tpu.memory_space<vmem>>, vector<16xi32>,
    %get3A_534 = vector.shape_cast %get3A_533 : vector<16xi32> to vector<16xi32>
    %add3A_535 = arith.addi %get3A_534, %mul3A_247 : vector<16xi32>
    %swap3A_536 = arith.constant 336 : index
    %swap3A_537 = tpu.vector_load %arg5[%swap3A_536] {strides = array<i32>} : memref<1664xi32, #tpu.memory_space<vmem>>, vector<16xi32>,
    %swap3A_538 = vector.shape_cast %swap3A_537 : vector<16xi32> to vector<16xi32>
    %swap3A_539 = vector.shape_cast %add3A_535 : vector<16xi32> to vector<16xi32>
    tpu.vector_store %arg5[%swap3A_536], %swap3A_539 {strides = array<i32>} : memref<1664xi32, #tpu.memory_space<vmem>>, vector<16xi32>,
    %get3A_540 = arith.constant 352 : index
    %get3A_541 = tpu.vector_load %arg5[%get3A_540] {strides = array<i32>} : memref<1664xi32, #tpu.memory_space<vmem>>, vector<16xi32>,
    %get3A_542 = vector.shape_cast %get3A_541 : vector<16xi32> to vector<16xi32>
    %add3A_543 = arith.addi %get3A_542, %mul3A_275 : vector<16xi32>
    %swap3A_544 = arith.constant 352 : index
    %swap3A_545 = tpu.vector_load %arg5[%swap3A_544] {strides = array<i32>} : memref<1664xi32, #tpu.memory_space<vmem>>, vector<16xi32>,
    %swap3A_546 = vector.shape_cast %swap3A_545 : vector<16xi32> to vector<16xi32>
    %swap3A_547 = vector.shape_cast %add3A_543 : vector<16xi32> to vector<16xi32>
    tpu.vector_store %arg5[%swap3A_544], %swap3A_547 {strides = array<i32>} : memref<1664xi32, #tpu.memory_space<vmem>>, vector<16xi32>,
    %get3A_548 = arith.constant 368 : index
    %get3A_549 = tpu.vector_load %arg5[%get3A_548] {strides = array<i32>} : memref<1664xi32, #tpu.memory_space<vmem>>, vector<16xi32>,
    %get3A_550 = vector.shape_cast %get3A_549 : vector<16xi32> to vector<16xi32>
    %add3A_551 = arith.addi %get3A_550, %mul3A_303 : vector<16xi32>
    %swap3A_552 = arith.constant 368 : index
    %swap3A_553 = tpu.vector_load %arg5[%swap3A_552] {strides = array<i32>} : memref<1664xi32, #tpu.memory_space<vmem>>, vector<16xi32>,
    %swap3A_554 = vector.shape_cast %swap3A_553 : vector<16xi32> to vector<16xi32>
    %swap3A_555 = vector.shape_cast %add3A_551 : vector<16xi32> to vector<16xi32>
    tpu.vector_store %arg5[%swap3A_552], %swap3A_555 {strides = array<i32>} : memref<1664xi32, #tpu.memory_space<vmem>>, vector<16xi32>,
    %get3A_556 = arith.constant 384 : index
    %get3A_557 = tpu.vector_load %arg5[%get3A_556] {strides = array<i32>} : memref<1664xi32, #tpu.memory_space<vmem>>, vector<16xi32>,
    %get3A_558 = vector.shape_cast %get3A_557 : vector<16xi32> to vector<16xi32>
    %add3A_559 = arith.addi %get3A_558, %mul3A_331 : vector<16xi32>
    %swap3A_560 = arith.constant 384 : index
    %swap3A_561 = tpu.vector_load %arg5[%swap3A_560] {strides = array<i32>} : memref<1664xi32, #tpu.memory_space<vmem>>, vector<16xi32>,
    %swap3A_562 = vector.shape_cast %swap3A_561 : vector<16xi32> to vector<16xi32>
    %swap3A_563 = vector.shape_cast %add3A_559 : vector<16xi32> to vector<16xi32>
    tpu.vector_store %arg5[%swap3A_560], %swap3A_563 {strides = array<i32>} : memref<1664xi32, #tpu.memory_space<vmem>>, vector<16xi32>,
    %get3A_564 = arith.constant 400 : index
    %get3A_565 = tpu.vector_load %arg5[%get3A_564] {strides = array<i32>} : memref<1664xi32, #tpu.memory_space<vmem>>, vector<16xi32>,
    %get3A_566 = vector.shape_cast %get3A_565 : vector<16xi32> to vector<16xi32>
    %add3A_567 = arith.addi %get3A_566, %mul3A_359 : vector<16xi32>
    %swap3A_568 = arith.constant 400 : index
    %swap3A_569 = tpu.vector_load %arg5[%swap3A_568] {strides = array<i32>} : memref<1664xi32, #tpu.memory_space<vmem>>, vector<16xi32>,
    %swap3A_570 = vector.shape_cast %swap3A_569 : vector<16xi32> to vector<16xi32>
    %swap3A_571 = vector.shape_cast %add3A_567 : vector<16xi32> to vector<16xi32>
    tpu.vector_store %arg5[%swap3A_568], %swap3A_571 {strides = array<i32>} : memref<1664xi32, #tpu.memory_space<vmem>>, vector<16xi32>,
    %get3A_572 = arith.constant 416 : index
    %get3A_573 = tpu.vector_load %arg5[%get3A_572] {strides = array<i32>} : memref<1664xi32, #tpu.memory_space<vmem>>, vector<16xi32>,
    %get3A_574 = vector.shape_cast %get3A_573 : vector<16xi32> to vector<16xi32>
    %add3A_575 = arith.addi %get3A_574, %mul3A_23 : vector<16xi32>
    %swap3A_576 = arith.constant 416 : index
    %swap3A_577 = tpu.vector_load %arg5[%swap3A_576] {strides = array<i32>} : memref<1664xi32, #tpu.memory_space<vmem>>, vector<16xi32>,
    %swap3A_578 = vector.shape_cast %swap3A_577 : vector<16xi32> to vector<16xi32>
    %swap3A_579 = vector.shape_cast %add3A_575 : vector<16xi32> to vector<16xi32>
    tpu.vector_store %arg5[%swap3A_576], %swap3A_579 {strides = array<i32>} : memref<1664xi32, #tpu.memory_space<vmem>>, vector<16xi32>,
    %get3A_580 = arith.constant 432 : index
    %get3A_581 = tpu.vector_load %arg5[%get3A_580] {strides = array<i32>} : memref<1664xi32, #tpu.memory_space<vmem>>, vector<16xi32>,
    %get3A_582 = vector.shape_cast %get3A_581 : vector<16xi32> to vector<16xi32>
    %add3A_583 = arith.addi %get3A_582, %mul3A_51 : vector<16xi32>
    %swap3A_584 = arith.constant 432 : index
    %swap3A_585 = tpu.vector_load %arg5[%swap3A_584] {strides = array<i32>} : memref<1664xi32, #tpu.memory_space<vmem>>, vector<16xi32>,
    %swap3A_586 = vector.shape_cast %swap3A_585 : vector<16xi32> to vector<16xi32>
    %swap3A_587 = vector.shape_cast %add3A_583 : vector<16xi32> to vector<16xi32>
    tpu.vector_store %arg5[%swap3A_584], %swap3A_587 {strides = array<i32>} : memref<1664xi32, #tpu.memory_space<vmem>>, vector<16xi32>,
    %get3A_588 = arith.constant 448 : index
    %get3A_589 = tpu.vector_load %arg5[%get3A_588] {strides = array<i32>} : memref<1664xi32, #tpu.memory_space<vmem>>, vector<16xi32>,
    %get3A_590 = vector.shape_cast %get3A_589 : vector<16xi32> to vector<16xi32>
    %add3A_591 = arith.addi %get3A_590, %mul3A_79 : vector<16xi32>
    %swap3A_592 = arith.constant 448 : index
    %swap3A_593 = tpu.vector_load %arg5[%swap3A_592] {strides = array<i32>} : memref<1664xi32, #tpu.memory_space<vmem>>, vector<16xi32>,
    %swap3A_594 = vector.shape_cast %swap3A_593 : vector<16xi32> to vector<16xi32>
    %swap3A_595 = vector.shape_cast %add3A_591 : vector<16xi32> to vector<16xi32>
    tpu.vector_store %arg5[%swap3A_592], %swap3A_595 {strides = array<i32>} : memref<1664xi32, #tpu.memory_space<vmem>>, vector<16xi32>,
    %get3A_596 = arith.constant 464 : index
    %get3A_597 = tpu.vector_load %arg5[%get3A_596] {strides = array<i32>} : memref<1664xi32, #tpu.memory_space<vmem>>, vector<16xi32>,
    %get3A_598 = vector.shape_cast %get3A_597 : vector<16xi32> to vector<16xi32>
    %add3A_599 = arith.addi %get3A_598, %mul3A_107 : vector<16xi32>
    %swap3A_600 = arith.constant 464 : index
    %swap3A_601 = tpu.vector_load %arg5[%swap3A_600] {strides = array<i32>} : memref<1664xi32, #tpu.memory_space<vmem>>, vector<16xi32>,
    %swap3A_602 = vector.shape_cast %swap3A_601 : vector<16xi32> to vector<16xi32>
    %swap3A_603 = vector.shape_cast %add3A_599 : vector<16xi32> to vector<16xi32>
    tpu.vector_store %arg5[%swap3A_600], %swap3A_603 {strides = array<i32>} : memref<1664xi32, #tpu.memory_space<vmem>>, vector<16xi32>,
    %get3A_604 = arith.constant 480 : index
    %get3A_605 = tpu.vector_load %arg5[%get3A_604] {strides = array<i32>} : memref<1664xi32, #tpu.memory_space<vmem>>, vector<16xi32>,
    %get3A_606 = vector.shape_cast %get3A_605 : vector<16xi32> to vector<16xi32>
    %add3A_607 = arith.addi %get3A_606, %mul3A_135 : vector<16xi32>
    %swap3A_608 = arith.constant 480 : index
    %swap3A_609 = tpu.vector_load %arg5[%swap3A_608] {strides = array<i32>} : memref<1664xi32, #tpu.memory_space<vmem>>, vector<16xi32>,
    %swap3A_610 = vector.shape_cast %swap3A_609 : vector<16xi32> to vector<16xi32>
    %swap3A_611 = vector.shape_cast %add3A_607 : vector<16xi32> to vector<16xi32>
    tpu.vector_store %arg5[%swap3A_608], %swap3A_611 {strides = array<i32>} : memref<1664xi32, #tpu.memory_space<vmem>>, vector<16xi32>,
    %get3A_612 = arith.constant 496 : index
    %get3A_613 = tpu.vector_load %arg5[%get3A_612] {strides = array<i32>} : memref<1664xi32, #tpu.memory_space<vmem>>, vector<16xi32>,
    %get3A_614 = vector.shape_cast %get3A_613 : vector<16xi32> to vector<16xi32>
    %add3A_615 = arith.addi %get3A_614, %mul3A_163 : vector<16xi32>
    %swap3A_616 = arith.constant 496 : index
    %swap3A_617 = tpu.vector_load %arg5[%swap3A_616] {strides = array<i32>} : memref<1664xi32, #tpu.memory_space<vmem>>, vector<16xi32>,
    %swap3A_618 = vector.shape_cast %swap3A_617 : vector<16xi32> to vector<16xi32>
    %swap3A_619 = vector.shape_cast %add3A_615 : vector<16xi32> to vector<16xi32>
    tpu.vector_store %arg5[%swap3A_616], %swap3A_619 {strides = array<i32>} : memref<1664xi32, #tpu.memory_space<vmem>>, vector<16xi32>,
    %get3A_620 = arith.constant 512 : index
    %get3A_621 = tpu.vector_load %arg5[%get3A_620] {strides = array<i32>} : memref<1664xi32, #tpu.memory_space<vmem>>, vector<16xi32>,
    %get3A_622 = vector.shape_cast %get3A_621 : vector<16xi32> to vector<16xi32>
    %add3A_623 = arith.addi %get3A_622, %mul3A_191 : vector<16xi32>
    %swap3A_624 = arith.constant 512 : index
    %swap3A_625 = tpu.vector_load %arg5[%swap3A_624] {strides = array<i32>} : memref<1664xi32, #tpu.memory_space<vmem>>, vector<16xi32>,
    %swap3A_626 = vector.shape_cast %swap3A_625 : vector<16xi32> to vector<16xi32>
    %swap3A_627 = vector.shape_cast %add3A_623 : vector<16xi32> to vector<16xi32>
    tpu.vector_store %arg5[%swap3A_624], %swap3A_627 {strides = array<i32>} : memref<1664xi32, #tpu.memory_space<vmem>>, vector<16xi32>,
    %get3A_628 = arith.constant 528 : index
    %get3A_629 = tpu.vector_load %arg5[%get3A_628] {strides = array<i32>} : memref<1664xi32, #tpu.memory_space<vmem>>, vector<16xi32>,
    %get3A_630 = vector.shape_cast %get3A_629 : vector<16xi32> to vector<16xi32>
    %add3A_631 = arith.addi %get3A_630, %mul3A_219 : vector<16xi32>
    %swap3A_632 = arith.constant 528 : index
    %swap3A_633 = tpu.vector_load %arg5[%swap3A_632] {strides = array<i32>} : memref<1664xi32, #tpu.memory_space<vmem>>, vector<16xi32>,
    %swap3A_634 = vector.shape_cast %swap3A_633 : vector<16xi32> to vector<16xi32>
    %swap3A_635 = vector.shape_cast %add3A_631 : vector<16xi32> to vector<16xi32>
    tpu.vector_store %arg5[%swap3A_632], %swap3A_635 {strides = array<i32>} : memref<1664xi32, #tpu.memory_space<vmem>>, vector<16xi32>,
    %get3A_636 = arith.constant 544 : index
    %get3A_637 = tpu.vector_load %arg5[%get3A_636] {strides = array<i32>} : memref<1664xi32, #tpu.memory_space<vmem>>, vector<16xi32>,
    %get3A_638 = vector.shape_cast %get3A_637 : vector<16xi32> to vector<16xi32>
    %add3A_639 = arith.addi %get3A_638, %mul3A_247 : vector<16xi32>
    %swap3A_640 = arith.constant 544 : index
    %swap3A_641 = tpu.vector_load %arg5[%swap3A_640] {strides = array<i32>} : memref<1664xi32, #tpu.memory_space<vmem>>, vector<16xi32>,
    %swap3A_642 = vector.shape_cast %swap3A_641 : vector<16xi32> to vector<16xi32>
    %swap3A_643 = vector.shape_cast %add3A_639 : vector<16xi32> to vector<16xi32>
    tpu.vector_store %arg5[%swap3A_640], %swap3A_643 {strides = array<i32>} : memref<1664xi32, #tpu.memory_space<vmem>>, vector<16xi32>,
    %get3A_644 = arith.constant 560 : index
    %get3A_645 = tpu.vector_load %arg5[%get3A_644] {strides = array<i32>} : memref<1664xi32, #tpu.memory_space<vmem>>, vector<16xi32>,
    %get3A_646 = vector.shape_cast %get3A_645 : vector<16xi32> to vector<16xi32>
    %add3A_647 = arith.addi %get3A_646, %mul3A_275 : vector<16xi32>
    %swap3A_648 = arith.constant 560 : index
    %swap3A_649 = tpu.vector_load %arg5[%swap3A_648] {strides = array<i32>} : memref<1664xi32, #tpu.memory_space<vmem>>, vector<16xi32>,
    %swap3A_650 = vector.shape_cast %swap3A_649 : vector<16xi32> to vector<16xi32>
    %swap3A_651 = vector.shape_cast %add3A_647 : vector<16xi32> to vector<16xi32>
    tpu.vector_store %arg5[%swap3A_648], %swap3A_651 {strides = array<i32>} : memref<1664xi32, #tpu.memory_space<vmem>>, vector<16xi32>,
    %get3A_652 = arith.constant 576 : index
    %get3A_653 = tpu.vector_load %arg5[%get3A_652] {strides = array<i32>} : memref<1664xi32, #tpu.memory_space<vmem>>, vector<16xi32>,
    %get3A_654 = vector.shape_cast %get3A_653 : vector<16xi32> to vector<16xi32>
    %add3A_655 = arith.addi %get3A_654, %mul3A_303 : vector<16xi32>
    %swap3A_656 = arith.constant 576 : index
    %swap3A_657 = tpu.vector_load %arg5[%swap3A_656] {strides = array<i32>} : memref<1664xi32, #tpu.memory_space<vmem>>, vector<16xi32>,
    %swap3A_658 = vector.shape_cast %swap3A_657 : vector<16xi32> to vector<16xi32>
    %swap3A_659 = vector.shape_cast %add3A_655 : vector<16xi32> to vector<16xi32>
    tpu.vector_store %arg5[%swap3A_656], %swap3A_659 {strides = array<i32>} : memref<1664xi32, #tpu.memory_space<vmem>>, vector<16xi32>,
    %get3A_660 = arith.constant 592 : index
    %get3A_661 = tpu.vector_load %arg5[%get3A_660] {strides = array<i32>} : memref<1664xi32, #tpu.memory_space<vmem>>, vector<16xi32>,
    %get3A_662 = vector.shape_cast %get3A_661 : vector<16xi32> to vector<16xi32>
    %add3A_663 = arith.addi %get3A_662, %mul3A_331 : vector<16xi32>
    %swap3A_664 = arith.constant 592 : index
    %swap3A_665 = tpu.vector_load %arg5[%swap3A_664] {strides = array<i32>} : memref<1664xi32, #tpu.memory_space<vmem>>, vector<16xi32>,
    %swap3A_666 = vector.shape_cast %swap3A_665 : vector<16xi32> to vector<16xi32>
    %swap3A_667 = vector.shape_cast %add3A_663 : vector<16xi32> to vector<16xi32>
    tpu.vector_store %arg5[%swap3A_664], %swap3A_667 {strides = array<i32>} : memref<1664xi32, #tpu.memory_space<vmem>>, vector<16xi32>,
    %get3A_668 = arith.constant 608 : index
    %get3A_669 = tpu.vector_load %arg5[%get3A_668] {strides = array<i32>} : memref<1664xi32, #tpu.memory_space<vmem>>, vector<16xi32>,
    %get3A_670 = vector.shape_cast %get3A_669 : vector<16xi32> to vector<16xi32>
    %add3A_671 = arith.addi %get3A_670, %mul3A_359 : vector<16xi32>
    %swap3A_672 = arith.constant 608 : index
    %swap3A_673 = tpu.vector_load %arg5[%swap3A_672] {strides = array<i32>} : memref<1664xi32, #tpu.memory_space<vmem>>, vector<16xi32>,
    %swap3A_674 = vector.shape_cast %swap3A_673 : vector<16xi32> to vector<16xi32>
    %swap3A_675 = vector.shape_cast %add3A_671 : vector<16xi32> to vector<16xi32>
    tpu.vector_store %arg5[%swap3A_672], %swap3A_675 {strides = array<i32>} : memref<1664xi32, #tpu.memory_space<vmem>>, vector<16xi32>,
    %get3A_676 = arith.constant 624 : index
    %get3A_677 = tpu.vector_load %arg5[%get3A_676] {strides = array<i32>} : memref<1664xi32, #tpu.memory_space<vmem>>, vector<16xi32>,
    %get3A_678 = vector.shape_cast %get3A_677 : vector<16xi32> to vector<16xi32>
    %add3A_679 = arith.addi %get3A_678, %mul3A_23 : vector<16xi32>
    %swap3A_680 = arith.constant 624 : index
    %swap3A_681 = tpu.vector_load %arg5[%swap3A_680] {strides = array<i32>} : memref<1664xi32, #tpu.memory_space<vmem>>, vector<16xi32>,
    %swap3A_682 = vector.shape_cast %swap3A_681 : vector<16xi32> to vector<16xi32>
    %swap3A_683 = vector.shape_cast %add3A_679 : vector<16xi32> to vector<16xi32>
    tpu.vector_store %arg5[%swap3A_680], %swap3A_683 {strides = array<i32>} : memref<1664xi32, #tpu.memory_space<vmem>>, vector<16xi32>,
    %get3A_684 = arith.constant 640 : index
    %get3A_685 = tpu.vector_load %arg5[%get3A_684] {strides = array<i32>} : memref<1664xi32, #tpu.memory_space<vmem>>, vector<16xi32>,
    %get3A_686 = vector.shape_cast %get3A_685 : vector<16xi32> to vector<16xi32>
    %add3A_687 = arith.addi %get3A_686, %mul3A_51 : vector<16xi32>
    %swap3A_688 = arith.constant 640 : index
    %swap3A_689 = tpu.vector_load %arg5[%swap3A_688] {strides = array<i32>} : memref<1664xi32, #tpu.memory_space<vmem>>, vector<16xi32>,
    %swap3A_690 = vector.shape_cast %swap3A_689 : vector<16xi32> to vector<16xi32>
    %swap3A_691 = vector.shape_cast %add3A_687 : vector<16xi32> to vector<16xi32>
    tpu.vector_store %arg5[%swap3A_688], %swap3A_691 {strides = array<i32>} : memref<1664xi32, #tpu.memory_space<vmem>>, vector<16xi32>,
    %get3A_692 = arith.constant 656 : index
    %get3A_693 = tpu.vector_load %arg5[%get3A_692] {strides = array<i32>} : memref<1664xi32, #tpu.memory_space<vmem>>, vector<16xi32>,
    %get3A_694 = vector.shape_cast %get3A_693 : vector<16xi32> to vector<16xi32>
    %add3A_695 = arith.addi %get3A_694, %mul3A_79 : vector<16xi32>
    %swap3A_696 = arith.constant 656 : index
    %swap3A_697 = tpu.vector_load %arg5[%swap3A_696] {strides = array<i32>} : memref<1664xi32, #tpu.memory_space<vmem>>, vector<16xi32>,
    %swap3A_698 = vector.shape_cast %swap3A_697 : vector<16xi32> to vector<16xi32>
    %swap3A_699 = vector.shape_cast %add3A_695 : vector<16xi32> to vector<16xi32>
    tpu.vector_store %arg5[%swap3A_696], %swap3A_699 {strides = array<i32>} : memref<1664xi32, #tpu.memory_space<vmem>>, vector<16xi32>,
    %get3A_700 = arith.constant 672 : index
    %get3A_701 = tpu.vector_load %arg5[%get3A_700] {strides = array<i32>} : memref<1664xi32, #tpu.memory_space<vmem>>, vector<16xi32>,
    %get3A_702 = vector.shape_cast %get3A_701 : vector<16xi32> to vector<16xi32>
    %add3A_703 = arith.addi %get3A_702, %mul3A_107 : vector<16xi32>
    %swap3A_704 = arith.constant 672 : index
    %swap3A_705 = tpu.vector_load %arg5[%swap3A_704] {strides = array<i32>} : memref<1664xi32, #tpu.memory_space<vmem>>, vector<16xi32>,
    %swap3A_706 = vector.shape_cast %swap3A_705 : vector<16xi32> to vector<16xi32>
    %swap3A_707 = vector.shape_cast %add3A_703 : vector<16xi32> to vector<16xi32>
    tpu.vector_store %arg5[%swap3A_704], %swap3A_707 {strides = array<i32>} : memref<1664xi32, #tpu.memory_space<vmem>>, vector<16xi32>,
    %get3A_708 = arith.constant 688 : index
    %get3A_709 = tpu.vector_load %arg5[%get3A_708] {strides = array<i32>} : memref<1664xi32, #tpu.memory_space<vmem>>, vector<16xi32>,
    %get3A_710 = vector.shape_cast %get3A_709 : vector<16xi32> to vector<16xi32>
    %add3A_711 = arith.addi %get3A_710, %mul3A_135 : vector<16xi32>
    %swap3A_712 = arith.constant 688 : index
    %swap3A_713 = tpu.vector_load %arg5[%swap3A_712] {strides = array<i32>} : memref<1664xi32, #tpu.memory_space<vmem>>, vector<16xi32>,
    %swap3A_714 = vector.shape_cast %swap3A_713 : vector<16xi32> to vector<16xi32>
    %swap3A_715 = vector.shape_cast %add3A_711 : vector<16xi32> to vector<16xi32>
    tpu.vector_store %arg5[%swap3A_712], %swap3A_715 {strides = array<i32>} : memref<1664xi32, #tpu.memory_space<vmem>>, vector<16xi32>,
    %get3A_716 = arith.constant 704 : index
    %get3A_717 = tpu.vector_load %arg5[%get3A_716] {strides = array<i32>} : memref<1664xi32, #tpu.memory_space<vmem>>, vector<16xi32>,
    %get3A_718 = vector.shape_cast %get3A_717 : vector<16xi32> to vector<16xi32>
    %add3A_719 = arith.addi %get3A_718, %mul3A_163 : vector<16xi32>
    %swap3A_720 = arith.constant 704 : index
    %swap3A_721 = tpu.vector_load %arg5[%swap3A_720] {strides = array<i32>} : memref<1664xi32, #tpu.memory_space<vmem>>, vector<16xi32>,
    %swap3A_722 = vector.shape_cast %swap3A_721 : vector<16xi32> to vector<16xi32>
    %swap3A_723 = vector.shape_cast %add3A_719 : vector<16xi32> to vector<16xi32>
    tpu.vector_store %arg5[%swap3A_720], %swap3A_723 {strides = array<i32>} : memref<1664xi32, #tpu.memory_space<vmem>>, vector<16xi32>,
    %get3A_724 = arith.constant 720 : index
    %get3A_725 = tpu.vector_load %arg5[%get3A_724] {strides = array<i32>} : memref<1664xi32, #tpu.memory_space<vmem>>, vector<16xi32>,
    %get3A_726 = vector.shape_cast %get3A_725 : vector<16xi32> to vector<16xi32>
    %add3A_727 = arith.addi %get3A_726, %mul3A_191 : vector<16xi32>
    %swap3A_728 = arith.constant 720 : index
    %swap3A_729 = tpu.vector_load %arg5[%swap3A_728] {strides = array<i32>} : memref<1664xi32, #tpu.memory_space<vmem>>, vector<16xi32>,
    %swap3A_730 = vector.shape_cast %swap3A_729 : vector<16xi32> to vector<16xi32>
    %swap3A_731 = vector.shape_cast %add3A_727 : vector<16xi32> to vector<16xi32>
    tpu.vector_store %arg5[%swap3A_728], %swap3A_731 {strides = array<i32>} : memref<1664xi32, #tpu.memory_space<vmem>>, vector<16xi32>,
    %get3A_732 = arith.constant 736 : index
    %get3A_733 = tpu.vector_load %arg5[%get3A_732] {strides = array<i32>} : memref<1664xi32, #tpu.memory_space<vmem>>, vector<16xi32>,
    %get3A_734 = vector.shape_cast %get3A_733 : vector<16xi32> to vector<16xi32>
    %add3A_735 = arith.addi %get3A_734, %mul3A_219 : vector<16xi32>
    %swap3A_736 = arith.constant 736 : index
    %swap3A_737 = tpu.vector_load %arg5[%swap3A_736] {strides = array<i32>} : memref<1664xi32, #tpu.memory_space<vmem>>, vector<16xi32>,
    %swap3A_738 = vector.shape_cast %swap3A_737 : vector<16xi32> to vector<16xi32>
    %swap3A_739 = vector.shape_cast %add3A_735 : vector<16xi32> to vector<16xi32>
    tpu.vector_store %arg5[%swap3A_736], %swap3A_739 {strides = array<i32>} : memref<1664xi32, #tpu.memory_space<vmem>>, vector<16xi32>,
    %get3A_740 = arith.constant 752 : index
    %get3A_741 = tpu.vector_load %arg5[%get3A_740] {strides = array<i32>} : memref<1664xi32, #tpu.memory_space<vmem>>, vector<16xi32>,
    %get3A_742 = vector.shape_cast %get3A_741 : vector<16xi32> to vector<16xi32>
    %add3A_743 = arith.addi %get3A_742, %mul3A_247 : vector<16xi32>
    %swap3A_744 = arith.constant 752 : index
    %swap3A_745 = tpu.vector_load %arg5[%swap3A_744] {strides = array<i32>} : memref<1664xi32, #tpu.memory_space<vmem>>, vector<16xi32>,
    %swap3A_746 = vector.shape_cast %swap3A_745 : vector<16xi32> to vector<16xi32>
    %swap3A_747 = vector.shape_cast %add3A_743 : vector<16xi32> to vector<16xi32>
    tpu.vector_store %arg5[%swap3A_744], %swap3A_747 {strides = array<i32>} : memref<1664xi32, #tpu.memory_space<vmem>>, vector<16xi32>,
    %get3A_748 = arith.constant 768 : index
    %get3A_749 = tpu.vector_load %arg5[%get3A_748] {strides = array<i32>} : memref<1664xi32, #tpu.memory_space<vmem>>, vector<16xi32>,
    %get3A_750 = vector.shape_cast %get3A_749 : vector<16xi32> to vector<16xi32>
    %add3A_751 = arith.addi %get3A_750, %mul3A_275 : vector<16xi32>
    %swap3A_752 = arith.constant 768 : index
    %swap3A_753 = tpu.vector_load %arg5[%swap3A_752] {strides = array<i32>} : memref<1664xi32, #tpu.memory_space<vmem>>, vector<16xi32>,
    %swap3A_754 = vector.shape_cast %swap3A_753 : vector<16xi32> to vector<16xi32>
    %swap3A_755 = vector.shape_cast %add3A_751 : vector<16xi32> to vector<16xi32>
    tpu.vector_store %arg5[%swap3A_752], %swap3A_755 {strides = array<i32>} : memref<1664xi32, #tpu.memory_space<vmem>>, vector<16xi32>,
    %get3A_756 = arith.constant 784 : index
    %get3A_757 = tpu.vector_load %arg5[%get3A_756] {strides = array<i32>} : memref<1664xi32, #tpu.memory_space<vmem>>, vector<16xi32>,
    %get3A_758 = vector.shape_cast %get3A_757 : vector<16xi32> to vector<16xi32>
    %add3A_759 = arith.addi %get3A_758, %mul3A_303 : vector<16xi32>
    %swap3A_760 = arith.constant 784 : index
    %swap3A_761 = tpu.vector_load %arg5[%swap3A_760] {strides = array<i32>} : memref<1664xi32, #tpu.memory_space<vmem>>, vector<16xi32>,
    %swap3A_762 = vector.shape_cast %swap3A_761 : vector<16xi32> to vector<16xi32>
    %swap3A_763 = vector.shape_cast %add3A_759 : vector<16xi32> to vector<16xi32>
    tpu.vector_store %arg5[%swap3A_760], %swap3A_763 {strides = array<i32>} : memref<1664xi32, #tpu.memory_space<vmem>>, vector<16xi32>,
    %get3A_764 = arith.constant 800 : index
    %get3A_765 = tpu.vector_load %arg5[%get3A_764] {strides = array<i32>} : memref<1664xi32, #tpu.memory_space<vmem>>, vector<16xi32>,
    %get3A_766 = vector.shape_cast %get3A_765 : vector<16xi32> to vector<16xi32>
    %add3A_767 = arith.addi %get3A_766, %mul3A_331 : vector<16xi32>
    %swap3A_768 = arith.constant 800 : index
    %swap3A_769 = tpu.vector_load %arg5[%swap3A_768] {strides = array<i32>} : memref<1664xi32, #tpu.memory_space<vmem>>, vector<16xi32>,
    %swap3A_770 = vector.shape_cast %swap3A_769 : vector<16xi32> to vector<16xi32>
    %swap3A_771 = vector.shape_cast %add3A_767 : vector<16xi32> to vector<16xi32>
    tpu.vector_store %arg5[%swap3A_768], %swap3A_771 {strides = array<i32>} : memref<1664xi32, #tpu.memory_space<vmem>>, vector<16xi32>,
    %get3A_772 = arith.constant 816 : index
    %get3A_773 = tpu.vector_load %arg5[%get3A_772] {strides = array<i32>} : memref<1664xi32, #tpu.memory_space<vmem>>, vector<16xi32>,
    %get3A_774 = vector.shape_cast %get3A_773 : vector<16xi32> to vector<16xi32>
    %add3A_775 = arith.addi %get3A_774, %mul3A_359 : vector<16xi32>
    %swap3A_776 = arith.constant 816 : index
    %swap3A_777 = tpu.vector_load %arg5[%swap3A_776] {strides = array<i32>} : memref<1664xi32, #tpu.memory_space<vmem>>, vector<16xi32>,
    %swap3A_778 = vector.shape_cast %swap3A_777 : vector<16xi32> to vector<16xi32>
    %swap3A_779 = vector.shape_cast %add3A_775 : vector<16xi32> to vector<16xi32>
    tpu.vector_store %arg5[%swap3A_776], %swap3A_779 {strides = array<i32>} : memref<1664xi32, #tpu.memory_space<vmem>>, vector<16xi32>,
    %get3A_780 = arith.constant 832 : index
    %get3A_781 = tpu.vector_load %arg5[%get3A_780] {strides = array<i32>} : memref<1664xi32, #tpu.memory_space<vmem>>, vector<16xi32>,
    %get3A_782 = vector.shape_cast %get3A_781 : vector<16xi32> to vector<16xi32>
    %add3A_783 = arith.addi %get3A_782, %mul3A_23 : vector<16xi32>
    %swap3A_784 = arith.constant 832 : index
    %swap3A_785 = tpu.vector_load %arg5[%swap3A_784] {strides = array<i32>} : memref<1664xi32, #tpu.memory_space<vmem>>, vector<16xi32>,
    %swap3A_786 = vector.shape_cast %swap3A_785 : vector<16xi32> to vector<16xi32>
    %swap3A_787 = vector.shape_cast %add3A_783 : vector<16xi32> to vector<16xi32>
    tpu.vector_store %arg5[%swap3A_784], %swap3A_787 {strides = array<i32>} : memref<1664xi32, #tpu.memory_space<vmem>>, vector<16xi32>,
    %get3A_788 = arith.constant 848 : index
    %get3A_789 = tpu.vector_load %arg5[%get3A_788] {strides = array<i32>} : memref<1664xi32, #tpu.memory_space<vmem>>, vector<16xi32>,
    %get3A_790 = vector.shape_cast %get3A_789 : vector<16xi32> to vector<16xi32>
    %add3A_791 = arith.addi %get3A_790, %mul3A_51 : vector<16xi32>
    %swap3A_792 = arith.constant 848 : index
    %swap3A_793 = tpu.vector_load %arg5[%swap3A_792] {strides = array<i32>} : memref<1664xi32, #tpu.memory_space<vmem>>, vector<16xi32>,
    %swap3A_794 = vector.shape_cast %swap3A_793 : vector<16xi32> to vector<16xi32>
    %swap3A_795 = vector.shape_cast %add3A_791 : vector<16xi32> to vector<16xi32>
    tpu.vector_store %arg5[%swap3A_792], %swap3A_795 {strides = array<i32>} : memref<1664xi32, #tpu.memory_space<vmem>>, vector<16xi32>,
    %get3A_796 = arith.constant 864 : index
    %get3A_797 = tpu.vector_load %arg5[%get3A_796] {strides = array<i32>} : memref<1664xi32, #tpu.memory_space<vmem>>, vector<16xi32>,
    %get3A_798 = vector.shape_cast %get3A_797 : vector<16xi32> to vector<16xi32>
    %add3A_799 = arith.addi %get3A_798, %mul3A_79 : vector<16xi32>
    %swap3A_800 = arith.constant 864 : index
    %swap3A_801 = tpu.vector_load %arg5[%swap3A_800] {strides = array<i32>} : memref<1664xi32, #tpu.memory_space<vmem>>, vector<16xi32>,
    %swap3A_802 = vector.shape_cast %swap3A_801 : vector<16xi32> to vector<16xi32>
    %swap3A_803 = vector.shape_cast %add3A_799 : vector<16xi32> to vector<16xi32>
    tpu.vector_store %arg5[%swap3A_800], %swap3A_803 {strides = array<i32>} : memref<1664xi32, #tpu.memory_space<vmem>>, vector<16xi32>,
    %get3A_804 = arith.constant 880 : index
    %get3A_805 = tpu.vector_load %arg5[%get3A_804] {strides = array<i32>} : memref<1664xi32, #tpu.memory_space<vmem>>, vector<16xi32>,
    %get3A_806 = vector.shape_cast %get3A_805 : vector<16xi32> to vector<16xi32>
    %add3A_807 = arith.addi %get3A_806, %mul3A_107 : vector<16xi32>
    %swap3A_808 = arith.constant 880 : index
    %swap3A_809 = tpu.vector_load %arg5[%swap3A_808] {strides = array<i32>} : memref<1664xi32, #tpu.memory_space<vmem>>, vector<16xi32>,
    %swap3A_810 = vector.shape_cast %swap3A_809 : vector<16xi32> to vector<16xi32>
    %swap3A_811 = vector.shape_cast %add3A_807 : vector<16xi32> to vector<16xi32>
    tpu.vector_store %arg5[%swap3A_808], %swap3A_811 {strides = array<i32>} : memref<1664xi32, #tpu.memory_space<vmem>>, vector<16xi32>,
    %get3A_812 = arith.constant 896 : index
    %get3A_813 = tpu.vector_load %arg5[%get3A_812] {strides = array<i32>} : memref<1664xi32, #tpu.memory_space<vmem>>, vector<16xi32>,
    %get3A_814 = vector.shape_cast %get3A_813 : vector<16xi32> to vector<16xi32>
    %add3A_815 = arith.addi %get3A_814, %mul3A_135 : vector<16xi32>
    %swap3A_816 = arith.constant 896 : index
    %swap3A_817 = tpu.vector_load %arg5[%swap3A_816] {strides = array<i32>} : memref<1664xi32, #tpu.memory_space<vmem>>, vector<16xi32>,
    %swap3A_818 = vector.shape_cast %swap3A_817 : vector<16xi32> to vector<16xi32>
    %swap3A_819 = vector.shape_cast %add3A_815 : vector<16xi32> to vector<16xi32>
    tpu.vector_store %arg5[%swap3A_816], %swap3A_819 {strides = array<i32>} : memref<1664xi32, #tpu.memory_space<vmem>>, vector<16xi32>,
    %get3A_820 = arith.constant 912 : index
    %get3A_821 = tpu.vector_load %arg5[%get3A_820] {strides = array<i32>} : memref<1664xi32, #tpu.memory_space<vmem>>, vector<16xi32>,
    %get3A_822 = vector.shape_cast %get3A_821 : vector<16xi32> to vector<16xi32>
    %add3A_823 = arith.addi %get3A_822, %mul3A_163 : vector<16xi32>
    %swap3A_824 = arith.constant 912 : index
    %swap3A_825 = tpu.vector_load %arg5[%swap3A_824] {strides = array<i32>} : memref<1664xi32, #tpu.memory_space<vmem>>, vector<16xi32>,
    %swap3A_826 = vector.shape_cast %swap3A_825 : vector<16xi32> to vector<16xi32>
    %swap3A_827 = vector.shape_cast %add3A_823 : vector<16xi32> to vector<16xi32>
    tpu.vector_store %arg5[%swap3A_824], %swap3A_827 {strides = array<i32>} : memref<1664xi32, #tpu.memory_space<vmem>>, vector<16xi32>,
    %get3A_828 = arith.constant 928 : index
    %get3A_829 = tpu.vector_load %arg5[%get3A_828] {strides = array<i32>} : memref<1664xi32, #tpu.memory_space<vmem>>, vector<16xi32>,
    %get3A_830 = vector.shape_cast %get3A_829 : vector<16xi32> to vector<16xi32>
    %add3A_831 = arith.addi %get3A_830, %mul3A_191 : vector<16xi32>
    %swap3A_832 = arith.constant 928 : index
    %swap3A_833 = tpu.vector_load %arg5[%swap3A_832] {strides = array<i32>} : memref<1664xi32, #tpu.memory_space<vmem>>, vector<16xi32>,
    %swap3A_834 = vector.shape_cast %swap3A_833 : vector<16xi32> to vector<16xi32>
    %swap3A_835 = vector.shape_cast %add3A_831 : vector<16xi32> to vector<16xi32>
    tpu.vector_store %arg5[%swap3A_832], %swap3A_835 {strides = array<i32>} : memref<1664xi32, #tpu.memory_space<vmem>>, vector<16xi32>,
    %get3A_836 = arith.constant 944 : index
    %get3A_837 = tpu.vector_load %arg5[%get3A_836] {strides = array<i32>} : memref<1664xi32, #tpu.memory_space<vmem>>, vector<16xi32>,
    %get3A_838 = vector.shape_cast %get3A_837 : vector<16xi32> to vector<16xi32>
    %add3A_839 = arith.addi %get3A_838, %mul3A_219 : vector<16xi32>
    %swap3A_840 = arith.constant 944 : index
    %swap3A_841 = tpu.vector_load %arg5[%swap3A_840] {strides = array<i32>} : memref<1664xi32, #tpu.memory_space<vmem>>, vector<16xi32>,
    %swap3A_842 = vector.shape_cast %swap3A_841 : vector<16xi32> to vector<16xi32>
    %swap3A_843 = vector.shape_cast %add3A_839 : vector<16xi32> to vector<16xi32>
    tpu.vector_store %arg5[%swap3A_840], %swap3A_843 {strides = array<i32>} : memref<1664xi32, #tpu.memory_space<vmem>>, vector<16xi32>,
    %get3A_844 = arith.constant 960 : index
    %get3A_845 = tpu.vector_load %arg5[%get3A_844] {strides = array<i32>} : memref<1664xi32, #tpu.memory_space<vmem>>, vector<16xi32>,
    %get3A_846 = vector.shape_cast %get3A_845 : vector<16xi32> to vector<16xi32>
    %add3A_847 = arith.addi %get3A_846, %mul3A_247 : vector<16xi32>
    %swap3A_848 = arith.constant 960 : index
    %swap3A_849 = tpu.vector_load %arg5[%swap3A_848] {strides = array<i32>} : memref<1664xi32, #tpu.memory_space<vmem>>, vector<16xi32>,
    %swap3A_850 = vector.shape_cast %swap3A_849 : vector<16xi32> to vector<16xi32>
    %swap3A_851 = vector.shape_cast %add3A_847 : vector<16xi32> to vector<16xi32>
    tpu.vector_store %arg5[%swap3A_848], %swap3A_851 {strides = array<i32>} : memref<1664xi32, #tpu.memory_space<vmem>>, vector<16xi32>,
    %get3A_852 = arith.constant 976 : index
    %get3A_853 = tpu.vector_load %arg5[%get3A_852] {strides = array<i32>} : memref<1664xi32, #tpu.memory_space<vmem>>, vector<16xi32>,
    %get3A_854 = vector.shape_cast %get3A_853 : vector<16xi32> to vector<16xi32>
    %add3A_855 = arith.addi %get3A_854, %mul3A_275 : vector<16xi32>
    %swap3A_856 = arith.constant 976 : index
    %swap3A_857 = tpu.vector_load %arg5[%swap3A_856] {strides = array<i32>} : memref<1664xi32, #tpu.memory_space<vmem>>, vector<16xi32>,
    %swap3A_858 = vector.shape_cast %swap3A_857 : vector<16xi32> to vector<16xi32>
    %swap3A_859 = vector.shape_cast %add3A_855 : vector<16xi32> to vector<16xi32>
    tpu.vector_store %arg5[%swap3A_856], %swap3A_859 {strides = array<i32>} : memref<1664xi32, #tpu.memory_space<vmem>>, vector<16xi32>,
    %get3A_860 = arith.constant 992 : index
    %get3A_861 = tpu.vector_load %arg5[%get3A_860] {strides = array<i32>} : memref<1664xi32, #tpu.memory_space<vmem>>, vector<16xi32>,
    %get3A_862 = vector.shape_cast %get3A_861 : vector<16xi32> to vector<16xi32>
    %add3A_863 = arith.addi %get3A_862, %mul3A_303 : vector<16xi32>
    %swap3A_864 = arith.constant 992 : index
    %swap3A_865 = tpu.vector_load %arg5[%swap3A_864] {strides = array<i32>} : memref<1664xi32, #tpu.memory_space<vmem>>, vector<16xi32>,
    %swap3A_866 = vector.shape_cast %swap3A_865 : vector<16xi32> to vector<16xi32>
    %swap3A_867 = vector.shape_cast %add3A_863 : vector<16xi32> to vector<16xi32>
    tpu.vector_store %arg5[%swap3A_864], %swap3A_867 {strides = array<i32>} : memref<1664xi32, #tpu.memory_space<vmem>>, vector<16xi32>,
    %get3A_868 = arith.constant 1008 : index
    %get3A_869 = tpu.vector_load %arg5[%get3A_868] {strides = array<i32>} : memref<1664xi32, #tpu.memory_space<vmem>>, vector<16xi32>,
    %get3A_870 = vector.shape_cast %get3A_869 : vector<16xi32> to vector<16xi32>
    %add3A_871 = arith.addi %get3A_870, %mul3A_331 : vector<16xi32>
    %swap3A_872 = arith.constant 1008 : index
    %swap3A_873 = tpu.vector_load %arg5[%swap3A_872] {strides = array<i32>} : memref<1664xi32, #tpu.memory_space<vmem>>, vector<16xi32>,
    %swap3A_874 = vector.shape_cast %swap3A_873 : vector<16xi32> to vector<16xi32>
    %swap3A_875 = vector.shape_cast %add3A_871 : vector<16xi32> to vector<16xi32>
    tpu.vector_store %arg5[%swap3A_872], %swap3A_875 {strides = array<i32>} : memref<1664xi32, #tpu.memory_space<vmem>>, vector<16xi32>,
    %get3A_876 = arith.constant 1024 : index
    %get3A_877 = tpu.vector_load %arg5[%get3A_876] {strides = array<i32>} : memref<1664xi32, #tpu.memory_space<vmem>>, vector<16xi32>,
    %get3A_878 = vector.shape_cast %get3A_877 : vector<16xi32> to vector<16xi32>
    %add3A_879 = arith.addi %get3A_878, %mul3A_359 : vector<16xi32>
    %swap3A_880 = arith.constant 1024 : index
    %swap3A_881 = tpu.vector_load %arg5[%swap3A_880] {strides = array<i32>} : memref<1664xi32, #tpu.memory_space<vmem>>, vector<16xi32>,
    %swap3A_882 = vector.shape_cast %swap3A_881 : vector<16xi32> to vector<16xi32>
    %swap3A_883 = vector.shape_cast %add3A_879 : vector<16xi32> to vector<16xi32>
    tpu.vector_store %arg5[%swap3A_880], %swap3A_883 {strides = array<i32>} : memref<1664xi32, #tpu.memory_space<vmem>>, vector<16xi32>,
    %get3A_884 = arith.constant 1040 : index
    %get3A_885 = tpu.vector_load %arg5[%get3A_884] {strides = array<i32>} : memref<1664xi32, #tpu.memory_space<vmem>>, vector<16xi32>,
    %get3A_886 = vector.shape_cast %get3A_885 : vector<16xi32> to vector<16xi32>
    %add3A_887 = arith.addi %get3A_886, %mul3A_23 : vector<16xi32>
    %swap3A_888 = arith.constant 1040 : index
    %swap3A_889 = tpu.vector_load %arg5[%swap3A_888] {strides = array<i32>} : memref<1664xi32, #tpu.memory_space<vmem>>, vector<16xi32>,
    %swap3A_890 = vector.shape_cast %swap3A_889 : vector<16xi32> to vector<16xi32>
    %swap3A_891 = vector.shape_cast %add3A_887 : vector<16xi32> to vector<16xi32>
    tpu.vector_store %arg5[%swap3A_888], %swap3A_891 {strides = array<i32>} : memref<1664xi32, #tpu.memory_space<vmem>>, vector<16xi32>,
    %get3A_892 = arith.constant 1056 : index
    %get3A_893 = tpu.vector_load %arg5[%get3A_892] {strides = array<i32>} : memref<1664xi32, #tpu.memory_space<vmem>>, vector<16xi32>,
    %get3A_894 = vector.shape_cast %get3A_893 : vector<16xi32> to vector<16xi32>
    %add3A_895 = arith.addi %get3A_894, %mul3A_51 : vector<16xi32>
    %swap3A_896 = arith.constant 1056 : index
    %swap3A_897 = tpu.vector_load %arg5[%swap3A_896] {strides = array<i32>} : memref<1664xi32, #tpu.memory_space<vmem>>, vector<16xi32>,
    %swap3A_898 = vector.shape_cast %swap3A_897 : vector<16xi32> to vector<16xi32>
    %swap3A_899 = vector.shape_cast %add3A_895 : vector<16xi32> to vector<16xi32>
    tpu.vector_store %arg5[%swap3A_896], %swap3A_899 {strides = array<i32>} : memref<1664xi32, #tpu.memory_space<vmem>>, vector<16xi32>,
    %get3A_900 = arith.constant 1072 : index
    %get3A_901 = tpu.vector_load %arg5[%get3A_900] {strides = array<i32>} : memref<1664xi32, #tpu.memory_space<vmem>>, vector<16xi32>,
    %get3A_902 = vector.shape_cast %get3A_901 : vector<16xi32> to vector<16xi32>
    %add3A_903 = arith.addi %get3A_902, %mul3A_79 : vector<16xi32>
    %swap3A_904 = arith.constant 1072 : index
    %swap3A_905 = tpu.vector_load %arg5[%swap3A_904] {strides = array<i32>} : memref<1664xi32, #tpu.memory_space<vmem>>, vector<16xi32>,
    %swap3A_906 = vector.shape_cast %swap3A_905 : vector<16xi32> to vector<16xi32>
    %swap3A_907 = vector.shape_cast %add3A_903 : vector<16xi32> to vector<16xi32>
    tpu.vector_store %arg5[%swap3A_904], %swap3A_907 {strides = array<i32>} : memref<1664xi32, #tpu.memory_space<vmem>>, vector<16xi32>,
    %get3A_908 = arith.constant 1088 : index
    %get3A_909 = tpu.vector_load %arg5[%get3A_908] {strides = array<i32>} : memref<1664xi32, #tpu.memory_space<vmem>>, vector<16xi32>,
    %get3A_910 = vector.shape_cast %get3A_909 : vector<16xi32> to vector<16xi32>
    %add3A_911 = arith.addi %get3A_910, %mul3A_107 : vector<16xi32>
    %swap3A_912 = arith.constant 1088 : index
    %swap3A_913 = tpu.vector_load %arg5[%swap3A_912] {strides = array<i32>} : memref<1664xi32, #tpu.memory_space<vmem>>, vector<16xi32>,
    %swap3A_914 = vector.shape_cast %swap3A_913 : vector<16xi32> to vector<16xi32>
    %swap3A_915 = vector.shape_cast %add3A_911 : vector<16xi32> to vector<16xi32>
    tpu.vector_store %arg5[%swap3A_912], %swap3A_915 {strides = array<i32>} : memref<1664xi32, #tpu.memory_space<vmem>>, vector<16xi32>,
    %get3A_916 = arith.constant 1104 : index
    %get3A_917 = tpu.vector_load %arg5[%get3A_916] {strides = array<i32>} : memref<1664xi32, #tpu.memory_space<vmem>>, vector<16xi32>,
    %get3A_918 = vector.shape_cast %get3A_917 : vector<16xi32> to vector<16xi32>
    %add3A_919 = arith.addi %get3A_918, %mul3A_135 : vector<16xi32>
    %swap3A_920 = arith.constant 1104 : index
    %swap3A_921 = tpu.vector_load %arg5[%swap3A_920] {strides = array<i32>} : memref<1664xi32, #tpu.memory_space<vmem>>, vector<16xi32>,
    %swap3A_922 = vector.shape_cast %swap3A_921 : vector<16xi32> to vector<16xi32>
    %swap3A_923 = vector.shape_cast %add3A_919 : vector<16xi32> to vector<16xi32>
    tpu.vector_store %arg5[%swap3A_920], %swap3A_923 {strides = array<i32>} : memref<1664xi32, #tpu.memory_space<vmem>>, vector<16xi32>,
    %get3A_924 = arith.constant 1120 : index
    %get3A_925 = tpu.vector_load %arg5[%get3A_924] {strides = array<i32>} : memref<1664xi32, #tpu.memory_space<vmem>>, vector<16xi32>,
    %get3A_926 = vector.shape_cast %get3A_925 : vector<16xi32> to vector<16xi32>
    %add3A_927 = arith.addi %get3A_926, %mul3A_163 : vector<16xi32>
    %swap3A_928 = arith.constant 1120 : index
    %swap3A_929 = tpu.vector_load %arg5[%swap3A_928] {strides = array<i32>} : memref<1664xi32, #tpu.memory_space<vmem>>, vector<16xi32>,
    %swap3A_930 = vector.shape_cast %swap3A_929 : vector<16xi32> to vector<16xi32>
    %swap3A_931 = vector.shape_cast %add3A_927 : vector<16xi32> to vector<16xi32>
    tpu.vector_store %arg5[%swap3A_928], %swap3A_931 {strides = array<i32>} : memref<1664xi32, #tpu.memory_space<vmem>>, vector<16xi32>,
    %get3A_932 = arith.constant 1136 : index
    %get3A_933 = tpu.vector_load %arg5[%get3A_932] {strides = array<i32>} : memref<1664xi32, #tpu.memory_space<vmem>>, vector<16xi32>,
    %get3A_934 = vector.shape_cast %get3A_933 : vector<16xi32> to vector<16xi32>
    %add3A_935 = arith.addi %get3A_934, %mul3A_191 : vector<16xi32>
    %swap3A_936 = arith.constant 1136 : index
    %swap3A_937 = tpu.vector_load %arg5[%swap3A_936] {strides = array<i32>} : memref<1664xi32, #tpu.memory_space<vmem>>, vector<16xi32>,
    %swap3A_938 = vector.shape_cast %swap3A_937 : vector<16xi32> to vector<16xi32>
    %swap3A_939 = vector.shape_cast %add3A_935 : vector<16xi32> to vector<16xi32>
    tpu.vector_store %arg5[%swap3A_936], %swap3A_939 {strides = array<i32>} : memref<1664xi32, #tpu.memory_space<vmem>>, vector<16xi32>,
    %get3A_940 = arith.constant 1152 : index
    %get3A_941 = tpu.vector_load %arg5[%get3A_940] {strides = array<i32>} : memref<1664xi32, #tpu.memory_space<vmem>>, vector<16xi32>,
    %get3A_942 = vector.shape_cast %get3A_941 : vector<16xi32> to vector<16xi32>
    %add3A_943 = arith.addi %get3A_942, %mul3A_219 : vector<16xi32>
    %swap3A_944 = arith.constant 1152 : index
    %swap3A_945 = tpu.vector_load %arg5[%swap3A_944] {strides = array<i32>} : memref<1664xi32, #tpu.memory_space<vmem>>, vector<16xi32>,
    %swap3A_946 = vector.shape_cast %swap3A_945 : vector<16xi32> to vector<16xi32>
    %swap3A_947 = vector.shape_cast %add3A_943 : vector<16xi32> to vector<16xi32>
    tpu.vector_store %arg5[%swap3A_944], %swap3A_947 {strides = array<i32>} : memref<1664xi32, #tpu.memory_space<vmem>>, vector<16xi32>,
    %get3A_948 = arith.constant 1168 : index
    %get3A_949 = tpu.vector_load %arg5[%get3A_948] {strides = array<i32>} : memref<1664xi32, #tpu.memory_space<vmem>>, vector<16xi32>,
    %get3A_950 = vector.shape_cast %get3A_949 : vector<16xi32> to vector<16xi32>
    %add3A_951 = arith.addi %get3A_950, %mul3A_247 : vector<16xi32>
    %swap3A_952 = arith.constant 1168 : index
    %swap3A_953 = tpu.vector_load %arg5[%swap3A_952] {strides = array<i32>} : memref<1664xi32, #tpu.memory_space<vmem>>, vector<16xi32>,
    %swap3A_954 = vector.shape_cast %swap3A_953 : vector<16xi32> to vector<16xi32>
    %swap3A_955 = vector.shape_cast %add3A_951 : vector<16xi32> to vector<16xi32>
    tpu.vector_store %arg5[%swap3A_952], %swap3A_955 {strides = array<i32>} : memref<1664xi32, #tpu.memory_space<vmem>>, vector<16xi32>,
    %get3A_956 = arith.constant 1184 : index
    %get3A_957 = tpu.vector_load %arg5[%get3A_956] {strides = array<i32>} : memref<1664xi32, #tpu.memory_space<vmem>>, vector<16xi32>,
    %get3A_958 = vector.shape_cast %get3A_957 : vector<16xi32> to vector<16xi32>
    %add3A_959 = arith.addi %get3A_958, %mul3A_275 : vector<16xi32>
    %swap3A_960 = arith.constant 1184 : index
    %swap3A_961 = tpu.vector_load %arg5[%swap3A_960] {strides = array<i32>} : memref<1664xi32, #tpu.memory_space<vmem>>, vector<16xi32>,
    %swap3A_962 = vector.shape_cast %swap3A_961 : vector<16xi32> to vector<16xi32>
    %swap3A_963 = vector.shape_cast %add3A_959 : vector<16xi32> to vector<16xi32>
    tpu.vector_store %arg5[%swap3A_960], %swap3A_963 {strides = array<i32>} : memref<1664xi32, #tpu.memory_space<vmem>>, vector<16xi32>,
    %get3A_964 = arith.constant 1200 : index
    %get3A_965 = tpu.vector_load %arg5[%get3A_964] {strides = array<i32>} : memref<1664xi32, #tpu.memory_space<vmem>>, vector<16xi32>,
    %get3A_966 = vector.shape_cast %get3A_965 : vector<16xi32> to vector<16xi32>
    %add3A_967 = arith.addi %get3A_966, %mul3A_303 : vector<16xi32>
    %swap3A_968 = arith.constant 1200 : index
    %swap3A_969 = tpu.vector_load %arg5[%swap3A_968] {strides = array<i32>} : memref<1664xi32, #tpu.memory_space<vmem>>, vector<16xi32>,
    %swap3A_970 = vector.shape_cast %swap3A_969 : vector<16xi32> to vector<16xi32>
    %swap3A_971 = vector.shape_cast %add3A_967 : vector<16xi32> to vector<16xi32>
    tpu.vector_store %arg5[%swap3A_968], %swap3A_971 {strides = array<i32>} : memref<1664xi32, #tpu.memory_space<vmem>>, vector<16xi32>,
    %get3A_972 = arith.constant 1216 : index
    %get3A_973 = tpu.vector_load %arg5[%get3A_972] {strides = array<i32>} : memref<1664xi32, #tpu.memory_space<vmem>>, vector<16xi32>,
    %get3A_974 = vector.shape_cast %get3A_973 : vector<16xi32> to vector<16xi32>
    %add3A_975 = arith.addi %get3A_974, %mul3A_331 : vector<16xi32>
    %swap3A_976 = arith.constant 1216 : index
    %swap3A_977 = tpu.vector_load %arg5[%swap3A_976] {strides = array<i32>} : memref<1664xi32, #tpu.memory_space<vmem>>, vector<16xi32>,
    %swap3A_978 = vector.shape_cast %swap3A_977 : vector<16xi32> to vector<16xi32>
    %swap3A_979 = vector.shape_cast %add3A_975 : vector<16xi32> to vector<16xi32>
    tpu.vector_store %arg5[%swap3A_976], %swap3A_979 {strides = array<i32>} : memref<1664xi32, #tpu.memory_space<vmem>>, vector<16xi32>,
    %get3A_980 = arith.constant 1232 : index
    %get3A_981 = tpu.vector_load %arg5[%get3A_980] {strides = array<i32>} : memref<1664xi32, #tpu.memory_space<vmem>>, vector<16xi32>,
    %get3A_982 = vector.shape_cast %get3A_981 : vector<16xi32> to vector<16xi32>
    %add3A_983 = arith.addi %get3A_982, %mul3A_359 : vector<16xi32>
    %swap3A_984 = arith.constant 1232 : index
    %swap3A_985 = tpu.vector_load %arg5[%swap3A_984] {strides = array<i32>} : memref<1664xi32, #tpu.memory_space<vmem>>, vector<16xi32>,
    %swap3A_986 = vector.shape_cast %swap3A_985 : vector<16xi32> to vector<16xi32>
    %swap3A_987 = vector.shape_cast %add3A_983 : vector<16xi32> to vector<16xi32>
    tpu.vector_store %arg5[%swap3A_984], %swap3A_987 {strides = array<i32>} : memref<1664xi32, #tpu.memory_space<vmem>>, vector<16xi32>,
    %get3A_988 = arith.constant 1248 : index
    %get3A_989 = tpu.vector_load %arg5[%get3A_988] {strides = array<i32>} : memref<1664xi32, #tpu.memory_space<vmem>>, vector<16xi32>,
    %get3A_990 = vector.shape_cast %get3A_989 : vector<16xi32> to vector<16xi32>
    %add3A_991 = arith.addi %get3A_990, %mul3A_23 : vector<16xi32>
    %swap3A_992 = arith.constant 1248 : index
    %swap3A_993 = tpu.vector_load %arg5[%swap3A_992] {strides = array<i32>} : memref<1664xi32, #tpu.memory_space<vmem>>, vector<16xi32>,
    %swap3A_994 = vector.shape_cast %swap3A_993 : vector<16xi32> to vector<16xi32>
    %swap3A_995 = vector.shape_cast %add3A_991 : vector<16xi32> to vector<16xi32>
    tpu.vector_store %arg5[%swap3A_992], %swap3A_995 {strides = array<i32>} : memref<1664xi32, #tpu.memory_space<vmem>>, vector<16xi32>,
    %get3A_996 = arith.constant 1264 : index
    %get3A_997 = tpu.vector_load %arg5[%get3A_996] {strides = array<i32>} : memref<1664xi32, #tpu.memory_space<vmem>>, vector<16xi32>,
    %get3A_998 = vector.shape_cast %get3A_997 : vector<16xi32> to vector<16xi32>
    %add3A_999 = arith.addi %get3A_998, %mul3A_51 : vector<16xi32>
    %swap3A_1000 = arith.constant 1264 : index
    %swap3A_1001 = tpu.vector_load %arg5[%swap3A_1000] {strides = array<i32>} : memref<1664xi32, #tpu.memory_space<vmem>>, vector<16xi32>,
    %swap3A_1002 = vector.shape_cast %swap3A_1001 : vector<16xi32> to vector<16xi32>
    %swap3A_1003 = vector.shape_cast %add3A_999 : vector<16xi32> to vector<16xi32>
    tpu.vector_store %arg5[%swap3A_1000], %swap3A_1003 {strides = array<i32>} : memref<1664xi32, #tpu.memory_space<vmem>>, vector<16xi32>,
    %get3A_1004 = arith.constant 1280 : index
    %get3A_1005 = tpu.vector_load %arg5[%get3A_1004] {strides = array<i32>} : memref<1664xi32, #tpu.memory_space<vmem>>, vector<16xi32>,
    %get3A_1006 = vector.shape_cast %get3A_1005 : vector<16xi32> to vector<16xi32>
    %add3A_1007 = arith.addi %get3A_1006, %mul3A_79 : vector<16xi32>
    %swap3A_1008 = arith.constant 1280 : index
    %swap3A_1009 = tpu.vector_load %arg5[%swap3A_1008] {strides = array<i32>} : memref<1664xi32, #tpu.memory_space<vmem>>, vector<16xi32>,
    %swap3A_1010 = vector.shape_cast %swap3A_1009 : vector<16xi32> to vector<16xi32>
    %swap3A_1011 = vector.shape_cast %add3A_1007 : vector<16xi32> to vector<16xi32>
    tpu.vector_store %arg5[%swap3A_1008], %swap3A_1011 {strides = array<i32>} : memref<1664xi32, #tpu.memory_space<vmem>>, vector<16xi32>,
    %get3A_1012 = arith.constant 1296 : index
    %get3A_1013 = tpu.vector_load %arg5[%get3A_1012] {strides = array<i32>} : memref<1664xi32, #tpu.memory_space<vmem>>, vector<16xi32>,
    %get3A_1014 = vector.shape_cast %get3A_1013 : vector<16xi32> to vector<16xi32>
    %add3A_1015 = arith.addi %get3A_1014, %mul3A_107 : vector<16xi32>
    %swap3A_1016 = arith.constant 1296 : index
    %swap3A_1017 = tpu.vector_load %arg5[%swap3A_1016] {strides = array<i32>} : memref<1664xi32, #tpu.memory_space<vmem>>, vector<16xi32>,
    %swap3A_1018 = vector.shape_cast %swap3A_1017 : vector<16xi32> to vector<16xi32>
    %swap3A_1019 = vector.shape_cast %add3A_1015 : vector<16xi32> to vector<16xi32>
    tpu.vector_store %arg5[%swap3A_1016], %swap3A_1019 {strides = array<i32>} : memref<1664xi32, #tpu.memory_space<vmem>>, vector<16xi32>,
    %get3A_1020 = arith.constant 1312 : index
    %get3A_1021 = tpu.vector_load %arg5[%get3A_1020] {strides = array<i32>} : memref<1664xi32, #tpu.memory_space<vmem>>, vector<16xi32>,
    %get3A_1022 = vector.shape_cast %get3A_1021 : vector<16xi32> to vector<16xi32>
    %add3A_1023 = arith.addi %get3A_1022, %mul3A_135 : vector<16xi32>
    %swap3A_1024 = arith.constant 1312 : index
    %swap3A_1025 = tpu.vector_load %arg5[%swap3A_1024] {strides = array<i32>} : memref<1664xi32, #tpu.memory_space<vmem>>, vector<16xi32>,
    %swap3A_1026 = vector.shape_cast %swap3A_1025 : vector<16xi32> to vector<16xi32>
    %swap3A_1027 = vector.shape_cast %add3A_1023 : vector<16xi32> to vector<16xi32>
    tpu.vector_store %arg5[%swap3A_1024], %swap3A_1027 {strides = array<i32>} : memref<1664xi32, #tpu.memory_space<vmem>>, vector<16xi32>,
    %get3A_1028 = arith.constant 1328 : index
    %get3A_1029 = tpu.vector_load %arg5[%get3A_1028] {strides = array<i32>} : memref<1664xi32, #tpu.memory_space<vmem>>, vector<16xi32>,
    %get3A_1030 = vector.shape_cast %get3A_1029 : vector<16xi32> to vector<16xi32>
    %add3A_1031 = arith.addi %get3A_1030, %mul3A_163 : vector<16xi32>
    %swap3A_1032 = arith.constant 1328 : index
    %swap3A_1033 = tpu.vector_load %arg5[%swap3A_1032] {strides = array<i32>} : memref<1664xi32, #tpu.memory_space<vmem>>, vector<16xi32>,
    %swap3A_1034 = vector.shape_cast %swap3A_1033 : vector<16xi32> to vector<16xi32>
    %swap3A_1035 = vector.shape_cast %add3A_1031 : vector<16xi32> to vector<16xi32>
    tpu.vector_store %arg5[%swap3A_1032], %swap3A_1035 {strides = array<i32>} : memref<1664xi32, #tpu.memory_space<vmem>>, vector<16xi32>,
    %get3A_1036 = arith.constant 1344 : index
    %get3A_1037 = tpu.vector_load %arg5[%get3A_1036] {strides = array<i32>} : memref<1664xi32, #tpu.memory_space<vmem>>, vector<16xi32>,
    %get3A_1038 = vector.shape_cast %get3A_1037 : vector<16xi32> to vector<16xi32>
    %add3A_1039 = arith.addi %get3A_1038, %mul3A_191 : vector<16xi32>
    %swap3A_1040 = arith.constant 1344 : index
    %swap3A_1041 = tpu.vector_load %arg5[%swap3A_1040] {strides = array<i32>} : memref<1664xi32, #tpu.memory_space<vmem>>, vector<16xi32>,
    %swap3A_1042 = vector.shape_cast %swap3A_1041 : vector<16xi32> to vector<16xi32>
    %swap3A_1043 = vector.shape_cast %add3A_1039 : vector<16xi32> to vector<16xi32>
    tpu.vector_store %arg5[%swap3A_1040], %swap3A_1043 {strides = array<i32>} : memref<1664xi32, #tpu.memory_space<vmem>>, vector<16xi32>,
    %get3A_1044 = arith.constant 1360 : index
    %get3A_1045 = tpu.vector_load %arg5[%get3A_1044] {strides = array<i32>} : memref<1664xi32, #tpu.memory_space<vmem>>, vector<16xi32>,
    %get3A_1046 = vector.shape_cast %get3A_1045 : vector<16xi32> to vector<16xi32>
    %add3A_1047 = arith.addi %get3A_1046, %mul3A_219 : vector<16xi32>
    %swap3A_1048 = arith.constant 1360 : index
    %swap3A_1049 = tpu.vector_load %arg5[%swap3A_1048] {strides = array<i32>} : memref<1664xi32, #tpu.memory_space<vmem>>, vector<16xi32>,
    %swap3A_1050 = vector.shape_cast %swap3A_1049 : vector<16xi32> to vector<16xi32>
    %swap3A_1051 = vector.shape_cast %add3A_1047 : vector<16xi32> to vector<16xi32>
    tpu.vector_store %arg5[%swap3A_1048], %swap3A_1051 {strides = array<i32>} : memref<1664xi32, #tpu.memory_space<vmem>>, vector<16xi32>,
    %get3A_1052 = arith.constant 1376 : index
    %get3A_1053 = tpu.vector_load %arg5[%get3A_1052] {strides = array<i32>} : memref<1664xi32, #tpu.memory_space<vmem>>, vector<16xi32>,
    %get3A_1054 = vector.shape_cast %get3A_1053 : vector<16xi32> to vector<16xi32>
    %add3A_1055 = arith.addi %get3A_1054, %mul3A_247 : vector<16xi32>
    %swap3A_1056 = arith.constant 1376 : index
    %swap3A_1057 = tpu.vector_load %arg5[%swap3A_1056] {strides = array<i32>} : memref<1664xi32, #tpu.memory_space<vmem>>, vector<16xi32>,
    %swap3A_1058 = vector.shape_cast %swap3A_1057 : vector<16xi32> to vector<16xi32>
    %swap3A_1059 = vector.shape_cast %add3A_1055 : vector<16xi32> to vector<16xi32>
    tpu.vector_store %arg5[%swap3A_1056], %swap3A_1059 {strides = array<i32>} : memref<1664xi32, #tpu.memory_space<vmem>>, vector<16xi32>,
    %get3A_1060 = arith.constant 1392 : index
    %get3A_1061 = tpu.vector_load %arg5[%get3A_1060] {strides = array<i32>} : memref<1664xi32, #tpu.memory_space<vmem>>, vector<16xi32>,
    %get3A_1062 = vector.shape_cast %get3A_1061 : vector<16xi32> to vector<16xi32>
    %add3A_1063 = arith.addi %get3A_1062, %mul3A_275 : vector<16xi32>
    %swap3A_1064 = arith.constant 1392 : index
    %swap3A_1065 = tpu.vector_load %arg5[%swap3A_1064] {strides = array<i32>} : memref<1664xi32, #tpu.memory_space<vmem>>, vector<16xi32>,
    %swap3A_1066 = vector.shape_cast %swap3A_1065 : vector<16xi32> to vector<16xi32>
    %swap3A_1067 = vector.shape_cast %add3A_1063 : vector<16xi32> to vector<16xi32>
    tpu.vector_store %arg5[%swap3A_1064], %swap3A_1067 {strides = array<i32>} : memref<1664xi32, #tpu.memory_space<vmem>>, vector<16xi32>,
    %get3A_1068 = arith.constant 1408 : index
    %get3A_1069 = tpu.vector_load %arg5[%get3A_1068] {strides = array<i32>} : memref<1664xi32, #tpu.memory_space<vmem>>, vector<16xi32>,
    %get3A_1070 = vector.shape_cast %get3A_1069 : vector<16xi32> to vector<16xi32>
    %add3A_1071 = arith.addi %get3A_1070, %mul3A_303 : vector<16xi32>
    %swap3A_1072 = arith.constant 1408 : index
    %swap3A_1073 = tpu.vector_load %arg5[%swap3A_1072] {strides = array<i32>} : memref<1664xi32, #tpu.memory_space<vmem>>, vector<16xi32>,
    %swap3A_1074 = vector.shape_cast %swap3A_1073 : vector<16xi32> to vector<16xi32>
    %swap3A_1075 = vector.shape_cast %add3A_1071 : vector<16xi32> to vector<16xi32>
    tpu.vector_store %arg5[%swap3A_1072], %swap3A_1075 {strides = array<i32>} : memref<1664xi32, #tpu.memory_space<vmem>>, vector<16xi32>,
    %get3A_1076 = arith.constant 1424 : index
    %get3A_1077 = tpu.vector_load %arg5[%get3A_1076] {strides = array<i32>} : memref<1664xi32, #tpu.memory_space<vmem>>, vector<16xi32>,
    %get3A_1078 = vector.shape_cast %get3A_1077 : vector<16xi32> to vector<16xi32>
    %add3A_1079 = arith.addi %get3A_1078, %mul3A_331 : vector<16xi32>
    %swap3A_1080 = arith.constant 1424 : index
    %swap3A_1081 = tpu.vector_load %arg5[%swap3A_1080] {strides = array<i32>} : memref<1664xi32, #tpu.memory_space<vmem>>, vector<16xi32>,
    %swap3A_1082 = vector.shape_cast %swap3A_1081 : vector<16xi32> to vector<16xi32>
    %swap3A_1083 = vector.shape_cast %add3A_1079 : vector<16xi32> to vector<16xi32>
    tpu.vector_store %arg5[%swap3A_1080], %swap3A_1083 {strides = array<i32>} : memref<1664xi32, #tpu.memory_space<vmem>>, vector<16xi32>,
    %get3A_1084 = arith.constant 1440 : index
    %get3A_1085 = tpu.vector_load %arg5[%get3A_1084] {strides = array<i32>} : memref<1664xi32, #tpu.memory_space<vmem>>, vector<16xi32>,
    %get3A_1086 = vector.shape_cast %get3A_1085 : vector<16xi32> to vector<16xi32>
    %add3A_1087 = arith.addi %get3A_1086, %mul3A_359 : vector<16xi32>
    %swap3A_1088 = arith.constant 1440 : index
    %swap3A_1089 = tpu.vector_load %arg5[%swap3A_1088] {strides = array<i32>} : memref<1664xi32, #tpu.memory_space<vmem>>, vector<16xi32>,
    %swap3A_1090 = vector.shape_cast %swap3A_1089 : vector<16xi32> to vector<16xi32>
    %swap3A_1091 = vector.shape_cast %add3A_1087 : vector<16xi32> to vector<16xi32>
    tpu.vector_store %arg5[%swap3A_1088], %swap3A_1091 {strides = array<i32>} : memref<1664xi32, #tpu.memory_space<vmem>>, vector<16xi32>,
    %get3A_1092 = arith.constant 1456 : index
    %get3A_1093 = tpu.vector_load %arg5[%get3A_1092] {strides = array<i32>} : memref<1664xi32, #tpu.memory_space<vmem>>, vector<16xi32>,
    %get3A_1094 = vector.shape_cast %get3A_1093 : vector<16xi32> to vector<16xi32>
    %add3A_1095 = arith.addi %get3A_1094, %mul3A_23 : vector<16xi32>
    %swap3A_1096 = arith.constant 1456 : index
    %swap3A_1097 = tpu.vector_load %arg5[%swap3A_1096] {strides = array<i32>} : memref<1664xi32, #tpu.memory_space<vmem>>, vector<16xi32>,
    %swap3A_1098 = vector.shape_cast %swap3A_1097 : vector<16xi32> to vector<16xi32>
    %swap3A_1099 = vector.shape_cast %add3A_1095 : vector<16xi32> to vector<16xi32>
    tpu.vector_store %arg5[%swap3A_1096], %swap3A_1099 {strides = array<i32>} : memref<1664xi32, #tpu.memory_space<vmem>>, vector<16xi32>,
    %get3A_1100 = arith.constant 1472 : index
    %get3A_1101 = tpu.vector_load %arg5[%get3A_1100] {strides = array<i32>} : memref<1664xi32, #tpu.memory_space<vmem>>, vector<16xi32>,
    %get3A_1102 = vector.shape_cast %get3A_1101 : vector<16xi32> to vector<16xi32>
    %add3A_1103 = arith.addi %get3A_1102, %mul3A_51 : vector<16xi32>
    %swap3A_1104 = arith.constant 1472 : index
    %swap3A_1105 = tpu.vector_load %arg5[%swap3A_1104] {strides = array<i32>} : memref<1664xi32, #tpu.memory_space<vmem>>, vector<16xi32>,
    %swap3A_1106 = vector.shape_cast %swap3A_1105 : vector<16xi32> to vector<16xi32>
    %swap3A_1107 = vector.shape_cast %add3A_1103 : vector<16xi32> to vector<16xi32>
    tpu.vector_store %arg5[%swap3A_1104], %swap3A_1107 {strides = array<i32>} : memref<1664xi32, #tpu.memory_space<vmem>>, vector<16xi32>,
    %get3A_1108 = arith.constant 1488 : index
    %get3A_1109 = tpu.vector_load %arg5[%get3A_1108] {strides = array<i32>} : memref<1664xi32, #tpu.memory_space<vmem>>, vector<16xi32>,
    %get3A_1110 = vector.shape_cast %get3A_1109 : vector<16xi32> to vector<16xi32>
    %add3A_1111 = arith.addi %get3A_1110, %mul3A_79 : vector<16xi32>
    %swap3A_1112 = arith.constant 1488 : index
    %swap3A_1113 = tpu.vector_load %arg5[%swap3A_1112] {strides = array<i32>} : memref<1664xi32, #tpu.memory_space<vmem>>, vector<16xi32>,
    %swap3A_1114 = vector.shape_cast %swap3A_1113 : vector<16xi32> to vector<16xi32>
    %swap3A_1115 = vector.shape_cast %add3A_1111 : vector<16xi32> to vector<16xi32>
    tpu.vector_store %arg5[%swap3A_1112], %swap3A_1115 {strides = array<i32>} : memref<1664xi32, #tpu.memory_space<vmem>>, vector<16xi32>,
    %get3A_1116 = arith.constant 1504 : index
    %get3A_1117 = tpu.vector_load %arg5[%get3A_1116] {strides = array<i32>} : memref<1664xi32, #tpu.memory_space<vmem>>, vector<16xi32>,
    %get3A_1118 = vector.shape_cast %get3A_1117 : vector<16xi32> to vector<16xi32>
    %add3A_1119 = arith.addi %get3A_1118, %mul3A_107 : vector<16xi32>
    %swap3A_1120 = arith.constant 1504 : index
    %swap3A_1121 = tpu.vector_load %arg5[%swap3A_1120] {strides = array<i32>} : memref<1664xi32, #tpu.memory_space<vmem>>, vector<16xi32>,
    %swap3A_1122 = vector.shape_cast %swap3A_1121 : vector<16xi32> to vector<16xi32>
    %swap3A_1123 = vector.shape_cast %add3A_1119 : vector<16xi32> to vector<16xi32>
    tpu.vector_store %arg5[%swap3A_1120], %swap3A_1123 {strides = array<i32>} : memref<1664xi32, #tpu.memory_space<vmem>>, vector<16xi32>,
    %get3A_1124 = arith.constant 1520 : index
    %get3A_1125 = tpu.vector_load %arg5[%get3A_1124] {strides = array<i32>} : memref<1664xi32, #tpu.memory_space<vmem>>, vector<16xi32>,
    %get3A_1126 = vector.shape_cast %get3A_1125 : vector<16xi32> to vector<16xi32>
    %add3A_1127 = arith.addi %get3A_1126, %mul3A_135 : vector<16xi32>
    %swap3A_1128 = arith.constant 1520 : index
    %swap3A_1129 = tpu.vector_load %arg5[%swap3A_1128] {strides = array<i32>} : memref<1664xi32, #tpu.memory_space<vmem>>, vector<16xi32>,
    %swap3A_1130 = vector.shape_cast %swap3A_1129 : vector<16xi32> to vector<16xi32>
    %swap3A_1131 = vector.shape_cast %add3A_1127 : vector<16xi32> to vector<16xi32>
    tpu.vector_store %arg5[%swap3A_1128], %swap3A_1131 {strides = array<i32>} : memref<1664xi32, #tpu.memory_space<vmem>>, vector<16xi32>,
    %get3A_1132 = arith.constant 1536 : index
    %get3A_1133 = tpu.vector_load %arg5[%get3A_1132] {strides = array<i32>} : memref<1664xi32, #tpu.memory_space<vmem>>, vector<16xi32>,
    %get3A_1134 = vector.shape_cast %get3A_1133 : vector<16xi32> to vector<16xi32>
    %add3A_1135 = arith.addi %get3A_1134, %mul3A_163 : vector<16xi32>
    %swap3A_1136 = arith.constant 1536 : index
    %swap3A_1137 = tpu.vector_load %arg5[%swap3A_1136] {strides = array<i32>} : memref<1664xi32, #tpu.memory_space<vmem>>, vector<16xi32>,
    %swap3A_1138 = vector.shape_cast %swap3A_1137 : vector<16xi32> to vector<16xi32>
    %swap3A_1139 = vector.shape_cast %add3A_1135 : vector<16xi32> to vector<16xi32>
    tpu.vector_store %arg5[%swap3A_1136], %swap3A_1139 {strides = array<i32>} : memref<1664xi32, #tpu.memory_space<vmem>>, vector<16xi32>,
    %get3A_1140 = arith.constant 1552 : index
    %get3A_1141 = tpu.vector_load %arg5[%get3A_1140] {strides = array<i32>} : memref<1664xi32, #tpu.memory_space<vmem>>, vector<16xi32>,
    %get3A_1142 = vector.shape_cast %get3A_1141 : vector<16xi32> to vector<16xi32>
    %add3A_1143 = arith.addi %get3A_1142, %mul3A_191 : vector<16xi32>
    %swap3A_1144 = arith.constant 1552 : index
    %swap3A_1145 = tpu.vector_load %arg5[%swap3A_1144] {strides = array<i32>} : memref<1664xi32, #tpu.memory_space<vmem>>, vector<16xi32>,
    %swap3A_1146 = vector.shape_cast %swap3A_1145 : vector<16xi32> to vector<16xi32>
    %swap3A_1147 = vector.shape_cast %add3A_1143 : vector<16xi32> to vector<16xi32>
    tpu.vector_store %arg5[%swap3A_1144], %swap3A_1147 {strides = array<i32>} : memref<1664xi32, #tpu.memory_space<vmem>>, vector<16xi32>,
    %get3A_1148 = arith.constant 1568 : index
    %get3A_1149 = tpu.vector_load %arg5[%get3A_1148] {strides = array<i32>} : memref<1664xi32, #tpu.memory_space<vmem>>, vector<16xi32>,
    %get3A_1150 = vector.shape_cast %get3A_1149 : vector<16xi32> to vector<16xi32>
    %add3A_1151 = arith.addi %get3A_1150, %mul3A_219 : vector<16xi32>
    %swap3A_1152 = arith.constant 1568 : index
    %swap3A_1153 = tpu.vector_load %arg5[%swap3A_1152] {strides = array<i32>} : memref<1664xi32, #tpu.memory_space<vmem>>, vector<16xi32>,
    %swap3A_1154 = vector.shape_cast %swap3A_1153 : vector<16xi32> to vector<16xi32>
    %swap3A_1155 = vector.shape_cast %add3A_1151 : vector<16xi32> to vector<16xi32>
    tpu.vector_store %arg5[%swap3A_1152], %swap3A_1155 {strides = array<i32>} : memref<1664xi32, #tpu.memory_space<vmem>>, vector<16xi32>,
    %get3A_1156 = arith.constant 1584 : index
    %get3A_1157 = tpu.vector_load %arg5[%get3A_1156] {strides = array<i32>} : memref<1664xi32, #tpu.memory_space<vmem>>, vector<16xi32>,
    %get3A_1158 = vector.shape_cast %get3A_1157 : vector<16xi32> to vector<16xi32>
    %add3A_1159 = arith.addi %get3A_1158, %mul3A_247 : vector<16xi32>
    %swap3A_1160 = arith.constant 1584 : index
    %swap3A_1161 = tpu.vector_load %arg5[%swap3A_1160] {strides = array<i32>} : memref<1664xi32, #tpu.memory_space<vmem>>, vector<16xi32>,
    %swap3A_1162 = vector.shape_cast %swap3A_1161 : vector<16xi32> to vector<16xi32>
    %swap3A_1163 = vector.shape_cast %add3A_1159 : vector<16xi32> to vector<16xi32>
    tpu.vector_store %arg5[%swap3A_1160], %swap3A_1163 {strides = array<i32>} : memref<1664xi32, #tpu.memory_space<vmem>>, vector<16xi32>,
    %get3A_1164 = arith.constant 1600 : index
    %get3A_1165 = tpu.vector_load %arg5[%get3A_1164] {strides = array<i32>} : memref<1664xi32, #tpu.memory_space<vmem>>, vector<16xi32>,
    %get3A_1166 = vector.shape_cast %get3A_1165 : vector<16xi32> to vector<16xi32>
    %add3A_1167 = arith.addi %get3A_1166, %mul3A_275 : vector<16xi32>
    %swap3A_1168 = arith.constant 1600 : index
    %swap3A_1169 = tpu.vector_load %arg5[%swap3A_1168] {strides = array<i32>} : memref<1664xi32, #tpu.memory_space<vmem>>, vector<16xi32>,
    %swap3A_1170 = vector.shape_cast %swap3A_1169 : vector<16xi32> to vector<16xi32>
    %swap3A_1171 = vector.shape_cast %add3A_1167 : vector<16xi32> to vector<16xi32>
    tpu.vector_store %arg5[%swap3A_1168], %swap3A_1171 {strides = array<i32>} : memref<1664xi32, #tpu.memory_space<vmem>>, vector<16xi32>,
    %get3A_1172 = arith.constant 1616 : index
    %get3A_1173 = tpu.vector_load %arg5[%get3A_1172] {strides = array<i32>} : memref<1664xi32, #tpu.memory_space<vmem>>, vector<16xi32>,
    %get3A_1174 = vector.shape_cast %get3A_1173 : vector<16xi32> to vector<16xi32>
    %add3A_1175 = arith.addi %get3A_1174, %mul3A_303 : vector<16xi32>
    %swap3A_1176 = arith.constant 1616 : index
    %swap3A_1177 = tpu.vector_load %arg5[%swap3A_1176] {strides = array<i32>} : memref<1664xi32, #tpu.memory_space<vmem>>, vector<16xi32>,
    %swap3A_1178 = vector.shape_cast %swap3A_1177 : vector<16xi32> to vector<16xi32>
    %swap3A_1179 = vector.shape_cast %add3A_1175 : vector<16xi32> to vector<16xi32>
    tpu.vector_store %arg5[%swap3A_1176], %swap3A_1179 {strides = array<i32>} : memref<1664xi32, #tpu.memory_space<vmem>>, vector<16xi32>,
    %get3A_1180 = arith.constant 1632 : index
    %get3A_1181 = tpu.vector_load %arg5[%get3A_1180] {strides = array<i32>} : memref<1664xi32, #tpu.memory_space<vmem>>, vector<16xi32>,
    %get3A_1182 = vector.shape_cast %get3A_1181 : vector<16xi32> to vector<16xi32>
    %add3A_1183 = arith.addi %get3A_1182, %mul3A_331 : vector<16xi32>
    %swap3A_1184 = arith.constant 1632 : index
    %swap3A_1185 = tpu.vector_load %arg5[%swap3A_1184] {strides = array<i32>} : memref<1664xi32, #tpu.memory_space<vmem>>, vector<16xi32>,
    %swap3A_1186 = vector.shape_cast %swap3A_1185 : vector<16xi32> to vector<16xi32>
    %swap3A_1187 = vector.shape_cast %add3A_1183 : vector<16xi32> to vector<16xi32>
    tpu.vector_store %arg5[%swap3A_1184], %swap3A_1187 {strides = array<i32>} : memref<1664xi32, #tpu.memory_space<vmem>>, vector<16xi32>,
    %get3A_1188 = arith.constant 1648 : index
    %get3A_1189 = tpu.vector_load %arg5[%get3A_1188] {strides = array<i32>} : memref<1664xi32, #tpu.memory_space<vmem>>, vector<16xi32>,
    %get3A_1190 = vector.shape_cast %get3A_1189 : vector<16xi32> to vector<16xi32>
    %add3A_1191 = arith.addi %get3A_1190, %mul3A_359 : vector<16xi32>
    %swap3A_1192 = arith.constant 1648 : index
    %swap3A_1193 = tpu.vector_load %arg5[%swap3A_1192] {strides = array<i32>} : memref<1664xi32, #tpu.memory_space<vmem>>, vector<16xi32>,
    %swap3A_1194 = vector.shape_cast %swap3A_1193 : vector<16xi32> to vector<16xi32>
    %swap3A_1195 = vector.shape_cast %add3A_1191 : vector<16xi32> to vector<16xi32>
    tpu.vector_store %arg5[%swap3A_1192], %swap3A_1195 {strides = array<i32>} : memref<1664xi32, #tpu.memory_space<vmem>>, vector<16xi32>,
    %dma_start3A_1196 = arith.constant 0 : i32
    %dma_start3A_1197 = arith.constant 0 : i32
    %dma_start3A_1198 = arith.constant 0 : i32
    %dma_start3A_1199 = tpu.memref_slice %arg2[%dma_start3A_1196, %dma_start3A_1197, %dma_start3A_1198] : memref<26x100000x16xf32, #tpu.memory_space<hbm>> -> memref<1x100000x16xf32, #tpu.memory_space<hbm>>
    %dma_start3A_1200 = tpu.memref_squeeze %dma_start3A_1199 : memref<1x100000x16xf32, #tpu.memory_space<hbm>> -> memref<100000x16xf32, #tpu.memory_space<hbm>>
    %dma_start3A_1201 = arith.constant 0 : i32
    %dma_start3A_1202 = arith.constant 0 : i32
    %dma_start3A_1203 = tpu.memref_slice %dma_start3A_1200[%dma_start3A_1201, %dma_start3A_1202] : memref<100000x16xf32, #tpu.memory_space<hbm>> -> memref<100000x16xf32, #tpu.memory_space<hbm>>
    tpu.enqueue_indirect_dma source(%dma_start3A_1203 : memref<100000x16xf32, #tpu.memory_space<hbm>>) target(%arg7 : memref<1664x16xf32, #tpu.memory_space<vmem>>) offsets(%arg5 : memref<1664xi32, #tpu.memory_space<vmem>>) semaphore(%arg11 : memref<!tpu.dma_semaphore, #tpu.memory_space<semaphore_mem>>)
    %add3A_1204 = arith.constant 1664 : i32
    %add3A_1205 = arith.addi %mul3A_2, %add3A_1204 : i32
    %dma_start3A_1206 = tpu.memref_slice %arg3[%add3A_1205] : memref<5324800xi32, #tpu.memory_space<hbm>> -> memref<1664xi32, #tpu.memory_space<hbm>>
    %dma_start3A_1207 = tpu.memref_slice %arg3[%add3A_1205] : memref<5324800xi32, #tpu.memory_space<hbm>> -> memref<1664xi32, #tpu.memory_space<hbm>>
    tpu.enqueue_dma source(%dma_start3A_1207 : memref<1664xi32, #tpu.memory_space<hbm>>) target(%arg6 : memref<1664xi32, #tpu.memory_space<vmem>>) target_semaphore(%arg10 : memref<!tpu.dma_semaphore, #tpu.memory_space<semaphore_mem>>)
    %scan3A = arith.constant 0 : i32
    %scan3A_1208 = arith.constant 0 : i32
    %scan3A_1209 = arith.constant 50 : i32
    %scan3A_1210 = arith.addi %scan3A_1208, %scan3A_1209 : i32
    %scan3A_1211 = arith.constant 1 : i32
    scf.for %scan3A_1219 = %scan3A_1208 to %scan3A_1210 step %scan3A_1211  : i32 {
      %mul3A_1220 = arith.constant 2 : i32
      %mul3A_1221 = arith.muli %mul3A_1220, %scan3A_1219 : i32
      %add3A_1222 = arith.constant 1 : i32
      %add3A_1223 = arith.addi %mul3A_1221, %add3A_1222 : i32
      %lt3A_1224 = arith.constant 100 : i32
      %lt3A_1225 = arith.cmpi slt, %add3A_1223, %lt3A_1224 : i32
      %convert_element_type3A = arith.extui %lt3A_1225 : i1 to i32
      %cond3A = arith.constant 0 : i32
      %cond3A_1226 = arith.cmpi ne, %convert_element_type3A, %cond3A : i32
      scf.if %cond3A_1226 {
        %add3A_1303 = arith.constant 1 : i32
        %add3A_1304 = arith.addi %mul3A_1221, %add3A_1303 : i32
        %mul3A_1305 = arith.constant 1664 : i32
        %mul3A_1306 = arith.muli %add3A_1304, %mul3A_1305 : i32
        %add3A_1307 = arith.addi %mul3A_2, %mul3A_1306 : i32
        %dma_wait3A_1308 = tpu.memref_slice %arg3[%add3A_1307] : memref<5324800xi32, #tpu.memory_space<hbm>> -> memref<1664xi32, #tpu.memory_space<hbm>>
        %dma_wait3A_1309 = tpu.memref_slice %arg3[%add3A_1307] : memref<5324800xi32, #tpu.memory_space<hbm>> -> memref<1664xi32, #tpu.memory_space<hbm>>
        tpu.wait_dma2 semaphore(%arg10 : memref<!tpu.dma_semaphore, #tpu.memory_space<semaphore_mem>>) src(%dma_wait3A_1309 : memref<1664xi32, #tpu.memory_space<hbm>>) dst(%arg6 : memref<1664xi32, #tpu.memory_space<vmem>>)
        %get3A_1310 = arith.constant 0 : index
        %get3A_1311 = tpu.vector_load %arg6[%get3A_1310] {strides = array<i32>} : memref<1664xi32, #tpu.memory_space<vmem>>, vector<16xi32>,
        %get3A_1312 = vector.shape_cast %get3A_1311 : vector<16xi32> to vector<16xi32>
        %add3A_1313 = arith.addi %get3A_1312, %mul3A_23 : vector<16xi32>
        %swap3A_1314 = arith.constant 0 : index
        %swap3A_1315 = tpu.vector_load %arg6[%swap3A_1314] {strides = array<i32>} : memref<1664xi32, #tpu.memory_space<vmem>>, vector<16xi32>,
        %swap3A_1316 = vector.shape_cast %swap3A_1315 : vector<16xi32> to vector<16xi32>
        %swap3A_1317 = vector.shape_cast %add3A_1313 : vector<16xi32> to vector<16xi32>
        tpu.vector_store %arg6[%swap3A_1314], %swap3A_1317 {strides = array<i32>} : memref<1664xi32, #tpu.memory_space<vmem>>, vector<16xi32>,
        %get3A_1318 = arith.constant 16 : index
        %get3A_1319 = tpu.vector_load %arg6[%get3A_1318] {strides = array<i32>} : memref<1664xi32, #tpu.memory_space<vmem>>, vector<16xi32>,
        %get3A_1320 = vector.shape_cast %get3A_1319 : vector<16xi32> to vector<16xi32>
        %add3A_1321 = arith.addi %get3A_1320, %mul3A_51 : vector<16xi32>
        %swap3A_1322 = arith.constant 16 : index
        %swap3A_1323 = tpu.vector_load %arg6[%swap3A_1322] {strides = array<i32>} : memref<1664xi32, #tpu.memory_space<vmem>>, vector<16xi32>,
        %swap3A_1324 = vector.shape_cast %swap3A_1323 : vector<16xi32> to vector<16xi32>
        %swap3A_1325 = vector.shape_cast %add3A_1321 : vector<16xi32> to vector<16xi32>
        tpu.vector_store %arg6[%swap3A_1322], %swap3A_1325 {strides = array<i32>} : memref<1664xi32, #tpu.memory_space<vmem>>, vector<16xi32>,
        %get3A_1326 = arith.constant 32 : index
        %get3A_1327 = tpu.vector_load %arg6[%get3A_1326] {strides = array<i32>} : memref<1664xi32, #tpu.memory_space<vmem>>, vector<16xi32>,
        %get3A_1328 = vector.shape_cast %get3A_1327 : vector<16xi32> to vector<16xi32>
        %add3A_1329 = arith.addi %get3A_1328, %mul3A_79 : vector<16xi32>
        %swap3A_1330 = arith.constant 32 : index
        %swap3A_1331 = tpu.vector_load %arg6[%swap3A_1330] {strides = array<i32>} : memref<1664xi32, #tpu.memory_space<vmem>>, vector<16xi32>,
        %swap3A_1332 = vector.shape_cast %swap3A_1331 : vector<16xi32> to vector<16xi32>
        %swap3A_1333 = vector.shape_cast %add3A_1329 : vector<16xi32> to vector<16xi32>
        tpu.vector_store %arg6[%swap3A_1330], %swap3A_1333 {strides = array<i32>} : memref<1664xi32, #tpu.memory_space<vmem>>, vector<16xi32>,
        %get3A_1334 = arith.constant 48 : index
        %get3A_1335 = tpu.vector_load %arg6[%get3A_1334] {strides = array<i32>} : memref<1664xi32, #tpu.memory_space<vmem>>, vector<16xi32>,
        %get3A_1336 = vector.shape_cast %get3A_1335 : vector<16xi32> to vector<16xi32>
        %add3A_1337 = arith.addi %get3A_1336, %mul3A_107 : vector<16xi32>
        %swap3A_1338 = arith.constant 48 : index
        %swap3A_1339 = tpu.vector_load %arg6[%swap3A_1338] {strides = array<i32>} : memref<1664xi32, #tpu.memory_space<vmem>>, vector<16xi32>,
        %swap3A_1340 = vector.shape_cast %swap3A_1339 : vector<16xi32> to vector<16xi32>
        %swap3A_1341 = vector.shape_cast %add3A_1337 : vector<16xi32> to vector<16xi32>
        tpu.vector_store %arg6[%swap3A_1338], %swap3A_1341 {strides = array<i32>} : memref<1664xi32, #tpu.memory_space<vmem>>, vector<16xi32>,
        %get3A_1342 = arith.constant 64 : index
        %get3A_1343 = tpu.vector_load %arg6[%get3A_1342] {strides = array<i32>} : memref<1664xi32, #tpu.memory_space<vmem>>, vector<16xi32>,
        %get3A_1344 = vector.shape_cast %get3A_1343 : vector<16xi32> to vector<16xi32>
        %add3A_1345 = arith.addi %get3A_1344, %mul3A_135 : vector<16xi32>
        %swap3A_1346 = arith.constant 64 : index
        %swap3A_1347 = tpu.vector_load %arg6[%swap3A_1346] {strides = array<i32>} : memref<1664xi32, #tpu.memory_space<vmem>>, vector<16xi32>,
        %swap3A_1348 = vector.shape_cast %swap3A_1347 : vector<16xi32> to vector<16xi32>
        %swap3A_1349 = vector.shape_cast %add3A_1345 : vector<16xi32> to vector<16xi32>
        tpu.vector_store %arg6[%swap3A_1346], %swap3A_1349 {strides = array<i32>} : memref<1664xi32, #tpu.memory_space<vmem>>, vector<16xi32>,
        %get3A_1350 = arith.constant 80 : index
        %get3A_1351 = tpu.vector_load %arg6[%get3A_1350] {strides = array<i32>} : memref<1664xi32, #tpu.memory_space<vmem>>, vector<16xi32>,
        %get3A_1352 = vector.shape_cast %get3A_1351 : vector<16xi32> to vector<16xi32>
        %add3A_1353 = arith.addi %get3A_1352, %mul3A_163 : vector<16xi32>
        %swap3A_1354 = arith.constant 80 : index
        %swap3A_1355 = tpu.vector_load %arg6[%swap3A_1354] {strides = array<i32>} : memref<1664xi32, #tpu.memory_space<vmem>>, vector<16xi32>,
        %swap3A_1356 = vector.shape_cast %swap3A_1355 : vector<16xi32> to vector<16xi32>
        %swap3A_1357 = vector.shape_cast %add3A_1353 : vector<16xi32> to vector<16xi32>
        tpu.vector_store %arg6[%swap3A_1354], %swap3A_1357 {strides = array<i32>} : memref<1664xi32, #tpu.memory_space<vmem>>, vector<16xi32>,
        %get3A_1358 = arith.constant 96 : index
        %get3A_1359 = tpu.vector_load %arg6[%get3A_1358] {strides = array<i32>} : memref<1664xi32, #tpu.memory_space<vmem>>, vector<16xi32>,
        %get3A_1360 = vector.shape_cast %get3A_1359 : vector<16xi32> to vector<16xi32>
        %add3A_1361 = arith.addi %get3A_1360, %mul3A_191 : vector<16xi32>
        %swap3A_1362 = arith.constant 96 : index
        %swap3A_1363 = tpu.vector_load %arg6[%swap3A_1362] {strides = array<i32>} : memref<1664xi32, #tpu.memory_space<vmem>>, vector<16xi32>,
        %swap3A_1364 = vector.shape_cast %swap3A_1363 : vector<16xi32> to vector<16xi32>
        %swap3A_1365 = vector.shape_cast %add3A_1361 : vector<16xi32> to vector<16xi32>
        tpu.vector_store %arg6[%swap3A_1362], %swap3A_1365 {strides = array<i32>} : memref<1664xi32, #tpu.memory_space<vmem>>, vector<16xi32>,
        %get3A_1366 = arith.constant 112 : index
        %get3A_1367 = tpu.vector_load %arg6[%get3A_1366] {strides = array<i32>} : memref<1664xi32, #tpu.memory_space<vmem>>, vector<16xi32>,
        %get3A_1368 = vector.shape_cast %get3A_1367 : vector<16xi32> to vector<16xi32>
        %add3A_1369 = arith.addi %get3A_1368, %mul3A_219 : vector<16xi32>
        %swap3A_1370 = arith.constant 112 : index
        %swap3A_1371 = tpu.vector_load %arg6[%swap3A_1370] {strides = array<i32>} : memref<1664xi32, #tpu.memory_space<vmem>>, vector<16xi32>,
        %swap3A_1372 = vector.shape_cast %swap3A_1371 : vector<16xi32> to vector<16xi32>
        %swap3A_1373 = vector.shape_cast %add3A_1369 : vector<16xi32> to vector<16xi32>
        tpu.vector_store %arg6[%swap3A_1370], %swap3A_1373 {strides = array<i32>} : memref<1664xi32, #tpu.memory_space<vmem>>, vector<16xi32>,
        %get3A_1374 = arith.constant 128 : index
        %get3A_1375 = tpu.vector_load %arg6[%get3A_1374] {strides = array<i32>} : memref<1664xi32, #tpu.memory_space<vmem>>, vector<16xi32>,
        %get3A_1376 = vector.shape_cast %get3A_1375 : vector<16xi32> to vector<16xi32>
        %add3A_1377 = arith.addi %get3A_1376, %mul3A_247 : vector<16xi32>
        %swap3A_1378 = arith.constant 128 : index
        %swap3A_1379 = tpu.vector_load %arg6[%swap3A_1378] {strides = array<i32>} : memref<1664xi32, #tpu.memory_space<vmem>>, vector<16xi32>,
        %swap3A_1380 = vector.shape_cast %swap3A_1379 : vector<16xi32> to vector<16xi32>
        %swap3A_1381 = vector.shape_cast %add3A_1377 : vector<16xi32> to vector<16xi32>
        tpu.vector_store %arg6[%swap3A_1378], %swap3A_1381 {strides = array<i32>} : memref<1664xi32, #tpu.memory_space<vmem>>, vector<16xi32>,
        %get3A_1382 = arith.constant 144 : index
        %get3A_1383 = tpu.vector_load %arg6[%get3A_1382] {strides = array<i32>} : memref<1664xi32, #tpu.memory_space<vmem>>, vector<16xi32>,
        %get3A_1384 = vector.shape_cast %get3A_1383 : vector<16xi32> to vector<16xi32>
        %add3A_1385 = arith.addi %get3A_1384, %mul3A_275 : vector<16xi32>
        %swap3A_1386 = arith.constant 144 : index
        %swap3A_1387 = tpu.vector_load %arg6[%swap3A_1386] {strides = array<i32>} : memref<1664xi32, #tpu.memory_space<vmem>>, vector<16xi32>,
        %swap3A_1388 = vector.shape_cast %swap3A_1387 : vector<16xi32> to vector<16xi32>
        %swap3A_1389 = vector.shape_cast %add3A_1385 : vector<16xi32> to vector<16xi32>
        tpu.vector_store %arg6[%swap3A_1386], %swap3A_1389 {strides = array<i32>} : memref<1664xi32, #tpu.memory_space<vmem>>, vector<16xi32>,
        %get3A_1390 = arith.constant 160 : index
        %get3A_1391 = tpu.vector_load %arg6[%get3A_1390] {strides = array<i32>} : memref<1664xi32, #tpu.memory_space<vmem>>, vector<16xi32>,
        %get3A_1392 = vector.shape_cast %get3A_1391 : vector<16xi32> to vector<16xi32>
        %add3A_1393 = arith.addi %get3A_1392, %mul3A_303 : vector<16xi32>
        %swap3A_1394 = arith.constant 160 : index
        %swap3A_1395 = tpu.vector_load %arg6[%swap3A_1394] {strides = array<i32>} : memref<1664xi32, #tpu.memory_space<vmem>>, vector<16xi32>,
        %swap3A_1396 = vector.shape_cast %swap3A_1395 : vector<16xi32> to vector<16xi32>
        %swap3A_1397 = vector.shape_cast %add3A_1393 : vector<16xi32> to vector<16xi32>
        tpu.vector_store %arg6[%swap3A_1394], %swap3A_1397 {strides = array<i32>} : memref<1664xi32, #tpu.memory_space<vmem>>, vector<16xi32>,
        %get3A_1398 = arith.constant 176 : index
        %get3A_1399 = tpu.vector_load %arg6[%get3A_1398] {strides = array<i32>} : memref<1664xi32, #tpu.memory_space<vmem>>, vector<16xi32>,
        %get3A_1400 = vector.shape_cast %get3A_1399 : vector<16xi32> to vector<16xi32>
        %add3A_1401 = arith.addi %get3A_1400, %mul3A_331 : vector<16xi32>
        %swap3A_1402 = arith.constant 176 : index
        %swap3A_1403 = tpu.vector_load %arg6[%swap3A_1402] {strides = array<i32>} : memref<1664xi32, #tpu.memory_space<vmem>>, vector<16xi32>,
        %swap3A_1404 = vector.shape_cast %swap3A_1403 : vector<16xi32> to vector<16xi32>
        %swap3A_1405 = vector.shape_cast %add3A_1401 : vector<16xi32> to vector<16xi32>
        tpu.vector_store %arg6[%swap3A_1402], %swap3A_1405 {strides = array<i32>} : memref<1664xi32, #tpu.memory_space<vmem>>, vector<16xi32>,
        %get3A_1406 = arith.constant 192 : index
        %get3A_1407 = tpu.vector_load %arg6[%get3A_1406] {strides = array<i32>} : memref<1664xi32, #tpu.memory_space<vmem>>, vector<16xi32>,
        %get3A_1408 = vector.shape_cast %get3A_1407 : vector<16xi32> to vector<16xi32>
        %add3A_1409 = arith.addi %get3A_1408, %mul3A_359 : vector<16xi32>
        %swap3A_1410 = arith.constant 192 : index
        %swap3A_1411 = tpu.vector_load %arg6[%swap3A_1410] {strides = array<i32>} : memref<1664xi32, #tpu.memory_space<vmem>>, vector<16xi32>,
        %swap3A_1412 = vector.shape_cast %swap3A_1411 : vector<16xi32> to vector<16xi32>
        %swap3A_1413 = vector.shape_cast %add3A_1409 : vector<16xi32> to vector<16xi32>
        tpu.vector_store %arg6[%swap3A_1410], %swap3A_1413 {strides = array<i32>} : memref<1664xi32, #tpu.memory_space<vmem>>, vector<16xi32>,
        %get3A_1414 = arith.constant 208 : index
        %get3A_1415 = tpu.vector_load %arg6[%get3A_1414] {strides = array<i32>} : memref<1664xi32, #tpu.memory_space<vmem>>, vector<16xi32>,
        %get3A_1416 = vector.shape_cast %get3A_1415 : vector<16xi32> to vector<16xi32>
        %add3A_1417 = arith.addi %get3A_1416, %mul3A_23 : vector<16xi32>
        %swap3A_1418 = arith.constant 208 : index
        %swap3A_1419 = tpu.vector_load %arg6[%swap3A_1418] {strides = array<i32>} : memref<1664xi32, #tpu.memory_space<vmem>>, vector<16xi32>,
        %swap3A_1420 = vector.shape_cast %swap3A_1419 : vector<16xi32> to vector<16xi32>
        %swap3A_1421 = vector.shape_cast %add3A_1417 : vector<16xi32> to vector<16xi32>
        tpu.vector_store %arg6[%swap3A_1418], %swap3A_1421 {strides = array<i32>} : memref<1664xi32, #tpu.memory_space<vmem>>, vector<16xi32>,
        %get3A_1422 = arith.constant 224 : index
        %get3A_1423 = tpu.vector_load %arg6[%get3A_1422] {strides = array<i32>} : memref<1664xi32, #tpu.memory_space<vmem>>, vector<16xi32>,
        %get3A_1424 = vector.shape_cast %get3A_1423 : vector<16xi32> to vector<16xi32>
        %add3A_1425 = arith.addi %get3A_1424, %mul3A_51 : vector<16xi32>
        %swap3A_1426 = arith.constant 224 : index
        %swap3A_1427 = tpu.vector_load %arg6[%swap3A_1426] {strides = array<i32>} : memref<1664xi32, #tpu.memory_space<vmem>>, vector<16xi32>,
        %swap3A_1428 = vector.shape_cast %swap3A_1427 : vector<16xi32> to vector<16xi32>
        %swap3A_1429 = vector.shape_cast %add3A_1425 : vector<16xi32> to vector<16xi32>
        tpu.vector_store %arg6[%swap3A_1426], %swap3A_1429 {strides = array<i32>} : memref<1664xi32, #tpu.memory_space<vmem>>, vector<16xi32>,
        %get3A_1430 = arith.constant 240 : index
        %get3A_1431 = tpu.vector_load %arg6[%get3A_1430] {strides = array<i32>} : memref<1664xi32, #tpu.memory_space<vmem>>, vector<16xi32>,
        %get3A_1432 = vector.shape_cast %get3A_1431 : vector<16xi32> to vector<16xi32>
        %add3A_1433 = arith.addi %get3A_1432, %mul3A_79 : vector<16xi32>
        %swap3A_1434 = arith.constant 240 : index
        %swap3A_1435 = tpu.vector_load %arg6[%swap3A_1434] {strides = array<i32>} : memref<1664xi32, #tpu.memory_space<vmem>>, vector<16xi32>,
        %swap3A_1436 = vector.shape_cast %swap3A_1435 : vector<16xi32> to vector<16xi32>
        %swap3A_1437 = vector.shape_cast %add3A_1433 : vector<16xi32> to vector<16xi32>
        tpu.vector_store %arg6[%swap3A_1434], %swap3A_1437 {strides = array<i32>} : memref<1664xi32, #tpu.memory_space<vmem>>, vector<16xi32>,
        %get3A_1438 = arith.constant 256 : index
        %get3A_1439 = tpu.vector_load %arg6[%get3A_1438] {strides = array<i32>} : memref<1664xi32, #tpu.memory_space<vmem>>, vector<16xi32>,
        %get3A_1440 = vector.shape_cast %get3A_1439 : vector<16xi32> to vector<16xi32>
        %add3A_1441 = arith.addi %get3A_1440, %mul3A_107 : vector<16xi32>
        %swap3A_1442 = arith.constant 256 : index
        %swap3A_1443 = tpu.vector_load %arg6[%swap3A_1442] {strides = array<i32>} : memref<1664xi32, #tpu.memory_space<vmem>>, vector<16xi32>,
        %swap3A_1444 = vector.shape_cast %swap3A_1443 : vector<16xi32> to vector<16xi32>
        %swap3A_1445 = vector.shape_cast %add3A_1441 : vector<16xi32> to vector<16xi32>
        tpu.vector_store %arg6[%swap3A_1442], %swap3A_1445 {strides = array<i32>} : memref<1664xi32, #tpu.memory_space<vmem>>, vector<16xi32>,
        %get3A_1446 = arith.constant 272 : index
        %get3A_1447 = tpu.vector_load %arg6[%get3A_1446] {strides = array<i32>} : memref<1664xi32, #tpu.memory_space<vmem>>, vector<16xi32>,
        %get3A_1448 = vector.shape_cast %get3A_1447 : vector<16xi32> to vector<16xi32>
        %add3A_1449 = arith.addi %get3A_1448, %mul3A_135 : vector<16xi32>
        %swap3A_1450 = arith.constant 272 : index
        %swap3A_1451 = tpu.vector_load %arg6[%swap3A_1450] {strides = array<i32>} : memref<1664xi32, #tpu.memory_space<vmem>>, vector<16xi32>,
        %swap3A_1452 = vector.shape_cast %swap3A_1451 : vector<16xi32> to vector<16xi32>
        %swap3A_1453 = vector.shape_cast %add3A_1449 : vector<16xi32> to vector<16xi32>
        tpu.vector_store %arg6[%swap3A_1450], %swap3A_1453 {strides = array<i32>} : memref<1664xi32, #tpu.memory_space<vmem>>, vector<16xi32>,
        %get3A_1454 = arith.constant 288 : index
        %get3A_1455 = tpu.vector_load %arg6[%get3A_1454] {strides = array<i32>} : memref<1664xi32, #tpu.memory_space<vmem>>, vector<16xi32>,
        %get3A_1456 = vector.shape_cast %get3A_1455 : vector<16xi32> to vector<16xi32>
        %add3A_1457 = arith.addi %get3A_1456, %mul3A_163 : vector<16xi32>
        %swap3A_1458 = arith.constant 288 : index
        %swap3A_1459 = tpu.vector_load %arg6[%swap3A_1458] {strides = array<i32>} : memref<1664xi32, #tpu.memory_space<vmem>>, vector<16xi32>,
        %swap3A_1460 = vector.shape_cast %swap3A_1459 : vector<16xi32> to vector<16xi32>
        %swap3A_1461 = vector.shape_cast %add3A_1457 : vector<16xi32> to vector<16xi32>
        tpu.vector_store %arg6[%swap3A_1458], %swap3A_1461 {strides = array<i32>} : memref<1664xi32, #tpu.memory_space<vmem>>, vector<16xi32>,
        %get3A_1462 = arith.constant 304 : index
        %get3A_1463 = tpu.vector_load %arg6[%get3A_1462] {strides = array<i32>} : memref<1664xi32, #tpu.memory_space<vmem>>, vector<16xi32>,
        %get3A_1464 = vector.shape_cast %get3A_1463 : vector<16xi32> to vector<16xi32>
        %add3A_1465 = arith.addi %get3A_1464, %mul3A_191 : vector<16xi32>
        %swap3A_1466 = arith.constant 304 : index
        %swap3A_1467 = tpu.vector_load %arg6[%swap3A_1466] {strides = array<i32>} : memref<1664xi32, #tpu.memory_space<vmem>>, vector<16xi32>,
        %swap3A_1468 = vector.shape_cast %swap3A_1467 : vector<16xi32> to vector<16xi32>
        %swap3A_1469 = vector.shape_cast %add3A_1465 : vector<16xi32> to vector<16xi32>
        tpu.vector_store %arg6[%swap3A_1466], %swap3A_1469 {strides = array<i32>} : memref<1664xi32, #tpu.memory_space<vmem>>, vector<16xi32>,
        %get3A_1470 = arith.constant 320 : index
        %get3A_1471 = tpu.vector_load %arg6[%get3A_1470] {strides = array<i32>} : memref<1664xi32, #tpu.memory_space<vmem>>, vector<16xi32>,
        %get3A_1472 = vector.shape_cast %get3A_1471 : vector<16xi32> to vector<16xi32>
        %add3A_1473 = arith.addi %get3A_1472, %mul3A_219 : vector<16xi32>
        %swap3A_1474 = arith.constant 320 : index
        %swap3A_1475 = tpu.vector_load %arg6[%swap3A_1474] {strides = array<i32>} : memref<1664xi32, #tpu.memory_space<vmem>>, vector<16xi32>,
        %swap3A_1476 = vector.shape_cast %swap3A_1475 : vector<16xi32> to vector<16xi32>
        %swap3A_1477 = vector.shape_cast %add3A_1473 : vector<16xi32> to vector<16xi32>
        tpu.vector_store %arg6[%swap3A_1474], %swap3A_1477 {strides = array<i32>} : memref<1664xi32, #tpu.memory_space<vmem>>, vector<16xi32>,
        %get3A_1478 = arith.constant 336 : index
        %get3A_1479 = tpu.vector_load %arg6[%get3A_1478] {strides = array<i32>} : memref<1664xi32, #tpu.memory_space<vmem>>, vector<16xi32>,
        %get3A_1480 = vector.shape_cast %get3A_1479 : vector<16xi32> to vector<16xi32>
        %add3A_1481 = arith.addi %get3A_1480, %mul3A_247 : vector<16xi32>
        %swap3A_1482 = arith.constant 336 : index
        %swap3A_1483 = tpu.vector_load %arg6[%swap3A_1482] {strides = array<i32>} : memref<1664xi32, #tpu.memory_space<vmem>>, vector<16xi32>,
        %swap3A_1484 = vector.shape_cast %swap3A_1483 : vector<16xi32> to vector<16xi32>
        %swap3A_1485 = vector.shape_cast %add3A_1481 : vector<16xi32> to vector<16xi32>
        tpu.vector_store %arg6[%swap3A_1482], %swap3A_1485 {strides = array<i32>} : memref<1664xi32, #tpu.memory_space<vmem>>, vector<16xi32>,
        %get3A_1486 = arith.constant 352 : index
        %get3A_1487 = tpu.vector_load %arg6[%get3A_1486] {strides = array<i32>} : memref<1664xi32, #tpu.memory_space<vmem>>, vector<16xi32>,
        %get3A_1488 = vector.shape_cast %get3A_1487 : vector<16xi32> to vector<16xi32>
        %add3A_1489 = arith.addi %get3A_1488, %mul3A_275 : vector<16xi32>
        %swap3A_1490 = arith.constant 352 : index
        %swap3A_1491 = tpu.vector_load %arg6[%swap3A_1490] {strides = array<i32>} : memref<1664xi32, #tpu.memory_space<vmem>>, vector<16xi32>,
        %swap3A_1492 = vector.shape_cast %swap3A_1491 : vector<16xi32> to vector<16xi32>
        %swap3A_1493 = vector.shape_cast %add3A_1489 : vector<16xi32> to vector<16xi32>
        tpu.vector_store %arg6[%swap3A_1490], %swap3A_1493 {strides = array<i32>} : memref<1664xi32, #tpu.memory_space<vmem>>, vector<16xi32>,
        %get3A_1494 = arith.constant 368 : index
        %get3A_1495 = tpu.vector_load %arg6[%get3A_1494] {strides = array<i32>} : memref<1664xi32, #tpu.memory_space<vmem>>, vector<16xi32>,
        %get3A_1496 = vector.shape_cast %get3A_1495 : vector<16xi32> to vector<16xi32>
        %add3A_1497 = arith.addi %get3A_1496, %mul3A_303 : vector<16xi32>
        %swap3A_1498 = arith.constant 368 : index
        %swap3A_1499 = tpu.vector_load %arg6[%swap3A_1498] {strides = array<i32>} : memref<1664xi32, #tpu.memory_space<vmem>>, vector<16xi32>,
        %swap3A_1500 = vector.shape_cast %swap3A_1499 : vector<16xi32> to vector<16xi32>
        %swap3A_1501 = vector.shape_cast %add3A_1497 : vector<16xi32> to vector<16xi32>
        tpu.vector_store %arg6[%swap3A_1498], %swap3A_1501 {strides = array<i32>} : memref<1664xi32, #tpu.memory_space<vmem>>, vector<16xi32>,
        %get3A_1502 = arith.constant 384 : index
        %get3A_1503 = tpu.vector_load %arg6[%get3A_1502] {strides = array<i32>} : memref<1664xi32, #tpu.memory_space<vmem>>, vector<16xi32>,
        %get3A_1504 = vector.shape_cast %get3A_1503 : vector<16xi32> to vector<16xi32>
        %add3A_1505 = arith.addi %get3A_1504, %mul3A_331 : vector<16xi32>
        %swap3A_1506 = arith.constant 384 : index
        %swap3A_1507 = tpu.vector_load %arg6[%swap3A_1506] {strides = array<i32>} : memref<1664xi32, #tpu.memory_space<vmem>>, vector<16xi32>,
        %swap3A_1508 = vector.shape_cast %swap3A_1507 : vector<16xi32> to vector<16xi32>
        %swap3A_1509 = vector.shape_cast %add3A_1505 : vector<16xi32> to vector<16xi32>
        tpu.vector_store %arg6[%swap3A_1506], %swap3A_1509 {strides = array<i32>} : memref<1664xi32, #tpu.memory_space<vmem>>, vector<16xi32>,
        %get3A_1510 = arith.constant 400 : index
        %get3A_1511 = tpu.vector_load %arg6[%get3A_1510] {strides = array<i32>} : memref<1664xi32, #tpu.memory_space<vmem>>, vector<16xi32>,
        %get3A_1512 = vector.shape_cast %get3A_1511 : vector<16xi32> to vector<16xi32>
        %add3A_1513 = arith.addi %get3A_1512, %mul3A_359 : vector<16xi32>
        %swap3A_1514 = arith.constant 400 : index
        %swap3A_1515 = tpu.vector_load %arg6[%swap3A_1514] {strides = array<i32>} : memref<1664xi32, #tpu.memory_space<vmem>>, vector<16xi32>,
        %swap3A_1516 = vector.shape_cast %swap3A_1515 : vector<16xi32> to vector<16xi32>
        %swap3A_1517 = vector.shape_cast %add3A_1513 : vector<16xi32> to vector<16xi32>
        tpu.vector_store %arg6[%swap3A_1514], %swap3A_1517 {strides = array<i32>} : memref<1664xi32, #tpu.memory_space<vmem>>, vector<16xi32>,
        %get3A_1518 = arith.constant 416 : index
        %get3A_1519 = tpu.vector_load %arg6[%get3A_1518] {strides = array<i32>} : memref<1664xi32, #tpu.memory_space<vmem>>, vector<16xi32>,
        %get3A_1520 = vector.shape_cast %get3A_1519 : vector<16xi32> to vector<16xi32>
        %add3A_1521 = arith.addi %get3A_1520, %mul3A_23 : vector<16xi32>
        %swap3A_1522 = arith.constant 416 : index
        %swap3A_1523 = tpu.vector_load %arg6[%swap3A_1522] {strides = array<i32>} : memref<1664xi32, #tpu.memory_space<vmem>>, vector<16xi32>,
        %swap3A_1524 = vector.shape_cast %swap3A_1523 : vector<16xi32> to vector<16xi32>
        %swap3A_1525 = vector.shape_cast %add3A_1521 : vector<16xi32> to vector<16xi32>
        tpu.vector_store %arg6[%swap3A_1522], %swap3A_1525 {strides = array<i32>} : memref<1664xi32, #tpu.memory_space<vmem>>, vector<16xi32>,
        %get3A_1526 = arith.constant 432 : index
        %get3A_1527 = tpu.vector_load %arg6[%get3A_1526] {strides = array<i32>} : memref<1664xi32, #tpu.memory_space<vmem>>, vector<16xi32>,
        %get3A_1528 = vector.shape_cast %get3A_1527 : vector<16xi32> to vector<16xi32>
        %add3A_1529 = arith.addi %get3A_1528, %mul3A_51 : vector<16xi32>
        %swap3A_1530 = arith.constant 432 : index
        %swap3A_1531 = tpu.vector_load %arg6[%swap3A_1530] {strides = array<i32>} : memref<1664xi32, #tpu.memory_space<vmem>>, vector<16xi32>,
        %swap3A_1532 = vector.shape_cast %swap3A_1531 : vector<16xi32> to vector<16xi32>
        %swap3A_1533 = vector.shape_cast %add3A_1529 : vector<16xi32> to vector<16xi32>
        tpu.vector_store %arg6[%swap3A_1530], %swap3A_1533 {strides = array<i32>} : memref<1664xi32, #tpu.memory_space<vmem>>, vector<16xi32>,
        %get3A_1534 = arith.constant 448 : index
        %get3A_1535 = tpu.vector_load %arg6[%get3A_1534] {strides = array<i32>} : memref<1664xi32, #tpu.memory_space<vmem>>, vector<16xi32>,
        %get3A_1536 = vector.shape_cast %get3A_1535 : vector<16xi32> to vector<16xi32>
        %add3A_1537 = arith.addi %get3A_1536, %mul3A_79 : vector<16xi32>
        %swap3A_1538 = arith.constant 448 : index
        %swap3A_1539 = tpu.vector_load %arg6[%swap3A_1538] {strides = array<i32>} : memref<1664xi32, #tpu.memory_space<vmem>>, vector<16xi32>,
        %swap3A_1540 = vector.shape_cast %swap3A_1539 : vector<16xi32> to vector<16xi32>
        %swap3A_1541 = vector.shape_cast %add3A_1537 : vector<16xi32> to vector<16xi32>
        tpu.vector_store %arg6[%swap3A_1538], %swap3A_1541 {strides = array<i32>} : memref<1664xi32, #tpu.memory_space<vmem>>, vector<16xi32>,
        %get3A_1542 = arith.constant 464 : index
        %get3A_1543 = tpu.vector_load %arg6[%get3A_1542] {strides = array<i32>} : memref<1664xi32, #tpu.memory_space<vmem>>, vector<16xi32>,
        %get3A_1544 = vector.shape_cast %get3A_1543 : vector<16xi32> to vector<16xi32>
        %add3A_1545 = arith.addi %get3A_1544, %mul3A_107 : vector<16xi32>
        %swap3A_1546 = arith.constant 464 : index
        %swap3A_1547 = tpu.vector_load %arg6[%swap3A_1546] {strides = array<i32>} : memref<1664xi32, #tpu.memory_space<vmem>>, vector<16xi32>,
        %swap3A_1548 = vector.shape_cast %swap3A_1547 : vector<16xi32> to vector<16xi32>
        %swap3A_1549 = vector.shape_cast %add3A_1545 : vector<16xi32> to vector<16xi32>
        tpu.vector_store %arg6[%swap3A_1546], %swap3A_1549 {strides = array<i32>} : memref<1664xi32, #tpu.memory_space<vmem>>, vector<16xi32>,
        %get3A_1550 = arith.constant 480 : index
        %get3A_1551 = tpu.vector_load %arg6[%get3A_1550] {strides = array<i32>} : memref<1664xi32, #tpu.memory_space<vmem>>, vector<16xi32>,
        %get3A_1552 = vector.shape_cast %get3A_1551 : vector<16xi32> to vector<16xi32>
        %add3A_1553 = arith.addi %get3A_1552, %mul3A_135 : vector<16xi32>
        %swap3A_1554 = arith.constant 480 : index
        %swap3A_1555 = tpu.vector_load %arg6[%swap3A_1554] {strides = array<i32>} : memref<1664xi32, #tpu.memory_space<vmem>>, vector<16xi32>,
        %swap3A_1556 = vector.shape_cast %swap3A_1555 : vector<16xi32> to vector<16xi32>
        %swap3A_1557 = vector.shape_cast %add3A_1553 : vector<16xi32> to vector<16xi32>
        tpu.vector_store %arg6[%swap3A_1554], %swap3A_1557 {strides = array<i32>} : memref<1664xi32, #tpu.memory_space<vmem>>, vector<16xi32>,
        %get3A_1558 = arith.constant 496 : index
        %get3A_1559 = tpu.vector_load %arg6[%get3A_1558] {strides = array<i32>} : memref<1664xi32, #tpu.memory_space<vmem>>, vector<16xi32>,
        %get3A_1560 = vector.shape_cast %get3A_1559 : vector<16xi32> to vector<16xi32>
        %add3A_1561 = arith.addi %get3A_1560, %mul3A_163 : vector<16xi32>
        %swap3A_1562 = arith.constant 496 : index
        %swap3A_1563 = tpu.vector_load %arg6[%swap3A_1562] {strides = array<i32>} : memref<1664xi32, #tpu.memory_space<vmem>>, vector<16xi32>,
        %swap3A_1564 = vector.shape_cast %swap3A_1563 : vector<16xi32> to vector<16xi32>
        %swap3A_1565 = vector.shape_cast %add3A_1561 : vector<16xi32> to vector<16xi32>
        tpu.vector_store %arg6[%swap3A_1562], %swap3A_1565 {strides = array<i32>} : memref<1664xi32, #tpu.memory_space<vmem>>, vector<16xi32>,
        %get3A_1566 = arith.constant 512 : index
        %get3A_1567 = tpu.vector_load %arg6[%get3A_1566] {strides = array<i32>} : memref<1664xi32, #tpu.memory_space<vmem>>, vector<16xi32>,
        %get3A_1568 = vector.shape_cast %get3A_1567 : vector<16xi32> to vector<16xi32>
        %add3A_1569 = arith.addi %get3A_1568, %mul3A_191 : vector<16xi32>
        %swap3A_1570 = arith.constant 512 : index
        %swap3A_1571 = tpu.vector_load %arg6[%swap3A_1570] {strides = array<i32>} : memref<1664xi32, #tpu.memory_space<vmem>>, vector<16xi32>,
        %swap3A_1572 = vector.shape_cast %swap3A_1571 : vector<16xi32> to vector<16xi32>
        %swap3A_1573 = vector.shape_cast %add3A_1569 : vector<16xi32> to vector<16xi32>
        tpu.vector_store %arg6[%swap3A_1570], %swap3A_1573 {strides = array<i32>} : memref<1664xi32, #tpu.memory_space<vmem>>, vector<16xi32>,
        %get3A_1574 = arith.constant 528 : index
        %get3A_1575 = tpu.vector_load %arg6[%get3A_1574] {strides = array<i32>} : memref<1664xi32, #tpu.memory_space<vmem>>, vector<16xi32>,
        %get3A_1576 = vector.shape_cast %get3A_1575 : vector<16xi32> to vector<16xi32>
        %add3A_1577 = arith.addi %get3A_1576, %mul3A_219 : vector<16xi32>
        %swap3A_1578 = arith.constant 528 : index
        %swap3A_1579 = tpu.vector_load %arg6[%swap3A_1578] {strides = array<i32>} : memref<1664xi32, #tpu.memory_space<vmem>>, vector<16xi32>,
        %swap3A_1580 = vector.shape_cast %swap3A_1579 : vector<16xi32> to vector<16xi32>
        %swap3A_1581 = vector.shape_cast %add3A_1577 : vector<16xi32> to vector<16xi32>
        tpu.vector_store %arg6[%swap3A_1578], %swap3A_1581 {strides = array<i32>} : memref<1664xi32, #tpu.memory_space<vmem>>, vector<16xi32>,
        %get3A_1582 = arith.constant 544 : index
        %get3A_1583 = tpu.vector_load %arg6[%get3A_1582] {strides = array<i32>} : memref<1664xi32, #tpu.memory_space<vmem>>, vector<16xi32>,
        %get3A_1584 = vector.shape_cast %get3A_1583 : vector<16xi32> to vector<16xi32>
        %add3A_1585 = arith.addi %get3A_1584, %mul3A_247 : vector<16xi32>
        %swap3A_1586 = arith.constant 544 : index
        %swap3A_1587 = tpu.vector_load %arg6[%swap3A_1586] {strides = array<i32>} : memref<1664xi32, #tpu.memory_space<vmem>>, vector<16xi32>,
        %swap3A_1588 = vector.shape_cast %swap3A_1587 : vector<16xi32> to vector<16xi32>
        %swap3A_1589 = vector.shape_cast %add3A_1585 : vector<16xi32> to vector<16xi32>
        tpu.vector_store %arg6[%swap3A_1586], %swap3A_1589 {strides = array<i32>} : memref<1664xi32, #tpu.memory_space<vmem>>, vector<16xi32>,
        %get3A_1590 = arith.constant 560 : index
        %get3A_1591 = tpu.vector_load %arg6[%get3A_1590] {strides = array<i32>} : memref<1664xi32, #tpu.memory_space<vmem>>, vector<16xi32>,
        %get3A_1592 = vector.shape_cast %get3A_1591 : vector<16xi32> to vector<16xi32>
        %add3A_1593 = arith.addi %get3A_1592, %mul3A_275 : vector<16xi32>
        %swap3A_1594 = arith.constant 560 : index
        %swap3A_1595 = tpu.vector_load %arg6[%swap3A_1594] {strides = array<i32>} : memref<1664xi32, #tpu.memory_space<vmem>>, vector<16xi32>,
        %swap3A_1596 = vector.shape_cast %swap3A_1595 : vector<16xi32> to vector<16xi32>
        %swap3A_1597 = vector.shape_cast %add3A_1593 : vector<16xi32> to vector<16xi32>
        tpu.vector_store %arg6[%swap3A_1594], %swap3A_1597 {strides = array<i32>} : memref<1664xi32, #tpu.memory_space<vmem>>, vector<16xi32>,
        %get3A_1598 = arith.constant 576 : index
        %get3A_1599 = tpu.vector_load %arg6[%get3A_1598] {strides = array<i32>} : memref<1664xi32, #tpu.memory_space<vmem>>, vector<16xi32>,
        %get3A_1600 = vector.shape_cast %get3A_1599 : vector<16xi32> to vector<16xi32>
        %add3A_1601 = arith.addi %get3A_1600, %mul3A_303 : vector<16xi32>
        %swap3A_1602 = arith.constant 576 : index
        %swap3A_1603 = tpu.vector_load %arg6[%swap3A_1602] {strides = array<i32>} : memref<1664xi32, #tpu.memory_space<vmem>>, vector<16xi32>,
        %swap3A_1604 = vector.shape_cast %swap3A_1603 : vector<16xi32> to vector<16xi32>
        %swap3A_1605 = vector.shape_cast %add3A_1601 : vector<16xi32> to vector<16xi32>
        tpu.vector_store %arg6[%swap3A_1602], %swap3A_1605 {strides = array<i32>} : memref<1664xi32, #tpu.memory_space<vmem>>, vector<16xi32>,
        %get3A_1606 = arith.constant 592 : index
        %get3A_1607 = tpu.vector_load %arg6[%get3A_1606] {strides = array<i32>} : memref<1664xi32, #tpu.memory_space<vmem>>, vector<16xi32>,
        %get3A_1608 = vector.shape_cast %get3A_1607 : vector<16xi32> to vector<16xi32>
        %add3A_1609 = arith.addi %get3A_1608, %mul3A_331 : vector<16xi32>
        %swap3A_1610 = arith.constant 592 : index
        %swap3A_1611 = tpu.vector_load %arg6[%swap3A_1610] {strides = array<i32>} : memref<1664xi32, #tpu.memory_space<vmem>>, vector<16xi32>,
        %swap3A_1612 = vector.shape_cast %swap3A_1611 : vector<16xi32> to vector<16xi32>
        %swap3A_1613 = vector.shape_cast %add3A_1609 : vector<16xi32> to vector<16xi32>
        tpu.vector_store %arg6[%swap3A_1610], %swap3A_1613 {strides = array<i32>} : memref<1664xi32, #tpu.memory_space<vmem>>, vector<16xi32>,
        %get3A_1614 = arith.constant 608 : index
        %get3A_1615 = tpu.vector_load %arg6[%get3A_1614] {strides = array<i32>} : memref<1664xi32, #tpu.memory_space<vmem>>, vector<16xi32>,
        %get3A_1616 = vector.shape_cast %get3A_1615 : vector<16xi32> to vector<16xi32>
        %add3A_1617 = arith.addi %get3A_1616, %mul3A_359 : vector<16xi32>
        %swap3A_1618 = arith.constant 608 : index
        %swap3A_1619 = tpu.vector_load %arg6[%swap3A_1618] {strides = array<i32>} : memref<1664xi32, #tpu.memory_space<vmem>>, vector<16xi32>,
        %swap3A_1620 = vector.shape_cast %swap3A_1619 : vector<16xi32> to vector<16xi32>
        %swap3A_1621 = vector.shape_cast %add3A_1617 : vector<16xi32> to vector<16xi32>
        tpu.vector_store %arg6[%swap3A_1618], %swap3A_1621 {strides = array<i32>} : memref<1664xi32, #tpu.memory_space<vmem>>, vector<16xi32>,
        %get3A_1622 = arith.constant 624 : index
        %get3A_1623 = tpu.vector_load %arg6[%get3A_1622] {strides = array<i32>} : memref<1664xi32, #tpu.memory_space<vmem>>, vector<16xi32>,
        %get3A_1624 = vector.shape_cast %get3A_1623 : vector<16xi32> to vector<16xi32>
        %add3A_1625 = arith.addi %get3A_1624, %mul3A_23 : vector<16xi32>
        %swap3A_1626 = arith.constant 624 : index
        %swap3A_1627 = tpu.vector_load %arg6[%swap3A_1626] {strides = array<i32>} : memref<1664xi32, #tpu.memory_space<vmem>>, vector<16xi32>,
        %swap3A_1628 = vector.shape_cast %swap3A_1627 : vector<16xi32> to vector<16xi32>
        %swap3A_1629 = vector.shape_cast %add3A_1625 : vector<16xi32> to vector<16xi32>
        tpu.vector_store %arg6[%swap3A_1626], %swap3A_1629 {strides = array<i32>} : memref<1664xi32, #tpu.memory_space<vmem>>, vector<16xi32>,
        %get3A_1630 = arith.constant 640 : index
        %get3A_1631 = tpu.vector_load %arg6[%get3A_1630] {strides = array<i32>} : memref<1664xi32, #tpu.memory_space<vmem>>, vector<16xi32>,
        %get3A_1632 = vector.shape_cast %get3A_1631 : vector<16xi32> to vector<16xi32>
        %add3A_1633 = arith.addi %get3A_1632, %mul3A_51 : vector<16xi32>
        %swap3A_1634 = arith.constant 640 : index
        %swap3A_1635 = tpu.vector_load %arg6[%swap3A_1634] {strides = array<i32>} : memref<1664xi32, #tpu.memory_space<vmem>>, vector<16xi32>,
        %swap3A_1636 = vector.shape_cast %swap3A_1635 : vector<16xi32> to vector<16xi32>
        %swap3A_1637 = vector.shape_cast %add3A_1633 : vector<16xi32> to vector<16xi32>
        tpu.vector_store %arg6[%swap3A_1634], %swap3A_1637 {strides = array<i32>} : memref<1664xi32, #tpu.memory_space<vmem>>, vector<16xi32>,
        %get3A_1638 = arith.constant 656 : index
        %get3A_1639 = tpu.vector_load %arg6[%get3A_1638] {strides = array<i32>} : memref<1664xi32, #tpu.memory_space<vmem>>, vector<16xi32>,
        %get3A_1640 = vector.shape_cast %get3A_1639 : vector<16xi32> to vector<16xi32>
        %add3A_1641 = arith.addi %get3A_1640, %mul3A_79 : vector<16xi32>
        %swap3A_1642 = arith.constant 656 : index
        %swap3A_1643 = tpu.vector_load %arg6[%swap3A_1642] {strides = array<i32>} : memref<1664xi32, #tpu.memory_space<vmem>>, vector<16xi32>,
        %swap3A_1644 = vector.shape_cast %swap3A_1643 : vector<16xi32> to vector<16xi32>
        %swap3A_1645 = vector.shape_cast %add3A_1641 : vector<16xi32> to vector<16xi32>
        tpu.vector_store %arg6[%swap3A_1642], %swap3A_1645 {strides = array<i32>} : memref<1664xi32, #tpu.memory_space<vmem>>, vector<16xi32>,
        %get3A_1646 = arith.constant 672 : index
        %get3A_1647 = tpu.vector_load %arg6[%get3A_1646] {strides = array<i32>} : memref<1664xi32, #tpu.memory_space<vmem>>, vector<16xi32>,
        %get3A_1648 = vector.shape_cast %get3A_1647 : vector<16xi32> to vector<16xi32>
        %add3A_1649 = arith.addi %get3A_1648, %mul3A_107 : vector<16xi32>
        %swap3A_1650 = arith.constant 672 : index
        %swap3A_1651 = tpu.vector_load %arg6[%swap3A_1650] {strides = array<i32>} : memref<1664xi32, #tpu.memory_space<vmem>>, vector<16xi32>,
        %swap3A_1652 = vector.shape_cast %swap3A_1651 : vector<16xi32> to vector<16xi32>
        %swap3A_1653 = vector.shape_cast %add3A_1649 : vector<16xi32> to vector<16xi32>
        tpu.vector_store %arg6[%swap3A_1650], %swap3A_1653 {strides = array<i32>} : memref<1664xi32, #tpu.memory_space<vmem>>, vector<16xi32>,
        %get3A_1654 = arith.constant 688 : index
        %get3A_1655 = tpu.vector_load %arg6[%get3A_1654] {strides = array<i32>} : memref<1664xi32, #tpu.memory_space<vmem>>, vector<16xi32>,
        %get3A_1656 = vector.shape_cast %get3A_1655 : vector<16xi32> to vector<16xi32>
        %add3A_1657 = arith.addi %get3A_1656, %mul3A_135 : vector<16xi32>
        %swap3A_1658 = arith.constant 688 : index
        %swap3A_1659 = tpu.vector_load %arg6[%swap3A_1658] {strides = array<i32>} : memref<1664xi32, #tpu.memory_space<vmem>>, vector<16xi32>,
        %swap3A_1660 = vector.shape_cast %swap3A_1659 : vector<16xi32> to vector<16xi32>
        %swap3A_1661 = vector.shape_cast %add3A_1657 : vector<16xi32> to vector<16xi32>
        tpu.vector_store %arg6[%swap3A_1658], %swap3A_1661 {strides = array<i32>} : memref<1664xi32, #tpu.memory_space<vmem>>, vector<16xi32>,
        %get3A_1662 = arith.constant 704 : index
        %get3A_1663 = tpu.vector_load %arg6[%get3A_1662] {strides = array<i32>} : memref<1664xi32, #tpu.memory_space<vmem>>, vector<16xi32>,
        %get3A_1664 = vector.shape_cast %get3A_1663 : vector<16xi32> to vector<16xi32>
        %add3A_1665 = arith.addi %get3A_1664, %mul3A_163 : vector<16xi32>
        %swap3A_1666 = arith.constant 704 : index
        %swap3A_1667 = tpu.vector_load %arg6[%swap3A_1666] {strides = array<i32>} : memref<1664xi32, #tpu.memory_space<vmem>>, vector<16xi32>,
        %swap3A_1668 = vector.shape_cast %swap3A_1667 : vector<16xi32> to vector<16xi32>
        %swap3A_1669 = vector.shape_cast %add3A_1665 : vector<16xi32> to vector<16xi32>
        tpu.vector_store %arg6[%swap3A_1666], %swap3A_1669 {strides = array<i32>} : memref<1664xi32, #tpu.memory_space<vmem>>, vector<16xi32>,
        %get3A_1670 = arith.constant 720 : index
        %get3A_1671 = tpu.vector_load %arg6[%get3A_1670] {strides = array<i32>} : memref<1664xi32, #tpu.memory_space<vmem>>, vector<16xi32>,
        %get3A_1672 = vector.shape_cast %get3A_1671 : vector<16xi32> to vector<16xi32>
        %add3A_1673 = arith.addi %get3A_1672, %mul3A_191 : vector<16xi32>
        %swap3A_1674 = arith.constant 720 : index
        %swap3A_1675 = tpu.vector_load %arg6[%swap3A_1674] {strides = array<i32>} : memref<1664xi32, #tpu.memory_space<vmem>>, vector<16xi32>,
        %swap3A_1676 = vector.shape_cast %swap3A_1675 : vector<16xi32> to vector<16xi32>
        %swap3A_1677 = vector.shape_cast %add3A_1673 : vector<16xi32> to vector<16xi32>
        tpu.vector_store %arg6[%swap3A_1674], %swap3A_1677 {strides = array<i32>} : memref<1664xi32, #tpu.memory_space<vmem>>, vector<16xi32>,
        %get3A_1678 = arith.constant 736 : index
        %get3A_1679 = tpu.vector_load %arg6[%get3A_1678] {strides = array<i32>} : memref<1664xi32, #tpu.memory_space<vmem>>, vector<16xi32>,
        %get3A_1680 = vector.shape_cast %get3A_1679 : vector<16xi32> to vector<16xi32>
        %add3A_1681 = arith.addi %get3A_1680, %mul3A_219 : vector<16xi32>
        %swap3A_1682 = arith.constant 736 : index
        %swap3A_1683 = tpu.vector_load %arg6[%swap3A_1682] {strides = array<i32>} : memref<1664xi32, #tpu.memory_space<vmem>>, vector<16xi32>,
        %swap3A_1684 = vector.shape_cast %swap3A_1683 : vector<16xi32> to vector<16xi32>
        %swap3A_1685 = vector.shape_cast %add3A_1681 : vector<16xi32> to vector<16xi32>
        tpu.vector_store %arg6[%swap3A_1682], %swap3A_1685 {strides = array<i32>} : memref<1664xi32, #tpu.memory_space<vmem>>, vector<16xi32>,
        %get3A_1686 = arith.constant 752 : index
        %get3A_1687 = tpu.vector_load %arg6[%get3A_1686] {strides = array<i32>} : memref<1664xi32, #tpu.memory_space<vmem>>, vector<16xi32>,
        %get3A_1688 = vector.shape_cast %get3A_1687 : vector<16xi32> to vector<16xi32>
        %add3A_1689 = arith.addi %get3A_1688, %mul3A_247 : vector<16xi32>
        %swap3A_1690 = arith.constant 752 : index
        %swap3A_1691 = tpu.vector_load %arg6[%swap3A_1690] {strides = array<i32>} : memref<1664xi32, #tpu.memory_space<vmem>>, vector<16xi32>,
        %swap3A_1692 = vector.shape_cast %swap3A_1691 : vector<16xi32> to vector<16xi32>
        %swap3A_1693 = vector.shape_cast %add3A_1689 : vector<16xi32> to vector<16xi32>
        tpu.vector_store %arg6[%swap3A_1690], %swap3A_1693 {strides = array<i32>} : memref<1664xi32, #tpu.memory_space<vmem>>, vector<16xi32>,
        %get3A_1694 = arith.constant 768 : index
        %get3A_1695 = tpu.vector_load %arg6[%get3A_1694] {strides = array<i32>} : memref<1664xi32, #tpu.memory_space<vmem>>, vector<16xi32>,
        %get3A_1696 = vector.shape_cast %get3A_1695 : vector<16xi32> to vector<16xi32>
        %add3A_1697 = arith.addi %get3A_1696, %mul3A_275 : vector<16xi32>
        %swap3A_1698 = arith.constant 768 : index
        %swap3A_1699 = tpu.vector_load %arg6[%swap3A_1698] {strides = array<i32>} : memref<1664xi32, #tpu.memory_space<vmem>>, vector<16xi32>,
        %swap3A_1700 = vector.shape_cast %swap3A_1699 : vector<16xi32> to vector<16xi32>
        %swap3A_1701 = vector.shape_cast %add3A_1697 : vector<16xi32> to vector<16xi32>
        tpu.vector_store %arg6[%swap3A_1698], %swap3A_1701 {strides = array<i32>} : memref<1664xi32, #tpu.memory_space<vmem>>, vector<16xi32>,
        %get3A_1702 = arith.constant 784 : index
        %get3A_1703 = tpu.vector_load %arg6[%get3A_1702] {strides = array<i32>} : memref<1664xi32, #tpu.memory_space<vmem>>, vector<16xi32>,
        %get3A_1704 = vector.shape_cast %get3A_1703 : vector<16xi32> to vector<16xi32>
        %add3A_1705 = arith.addi %get3A_1704, %mul3A_303 : vector<16xi32>
        %swap3A_1706 = arith.constant 784 : index
        %swap3A_1707 = tpu.vector_load %arg6[%swap3A_1706] {strides = array<i32>} : memref<1664xi32, #tpu.memory_space<vmem>>, vector<16xi32>,
        %swap3A_1708 = vector.shape_cast %swap3A_1707 : vector<16xi32> to vector<16xi32>
        %swap3A_1709 = vector.shape_cast %add3A_1705 : vector<16xi32> to vector<16xi32>
        tpu.vector_store %arg6[%swap3A_1706], %swap3A_1709 {strides = array<i32>} : memref<1664xi32, #tpu.memory_space<vmem>>, vector<16xi32>,
        %get3A_1710 = arith.constant 800 : index
        %get3A_1711 = tpu.vector_load %arg6[%get3A_1710] {strides = array<i32>} : memref<1664xi32, #tpu.memory_space<vmem>>, vector<16xi32>,
        %get3A_1712 = vector.shape_cast %get3A_1711 : vector<16xi32> to vector<16xi32>
        %add3A_1713 = arith.addi %get3A_1712, %mul3A_331 : vector<16xi32>
        %swap3A_1714 = arith.constant 800 : index
        %swap3A_1715 = tpu.vector_load %arg6[%swap3A_1714] {strides = array<i32>} : memref<1664xi32, #tpu.memory_space<vmem>>, vector<16xi32>,
        %swap3A_1716 = vector.shape_cast %swap3A_1715 : vector<16xi32> to vector<16xi32>
        %swap3A_1717 = vector.shape_cast %add3A_1713 : vector<16xi32> to vector<16xi32>
        tpu.vector_store %arg6[%swap3A_1714], %swap3A_1717 {strides = array<i32>} : memref<1664xi32, #tpu.memory_space<vmem>>, vector<16xi32>,
        %get3A_1718 = arith.constant 816 : index
        %get3A_1719 = tpu.vector_load %arg6[%get3A_1718] {strides = array<i32>} : memref<1664xi32, #tpu.memory_space<vmem>>, vector<16xi32>,
        %get3A_1720 = vector.shape_cast %get3A_1719 : vector<16xi32> to vector<16xi32>
        %add3A_1721 = arith.addi %get3A_1720, %mul3A_359 : vector<16xi32>
        %swap3A_1722 = arith.constant 816 : index
        %swap3A_1723 = tpu.vector_load %arg6[%swap3A_1722] {strides = array<i32>} : memref<1664xi32, #tpu.memory_space<vmem>>, vector<16xi32>,
        %swap3A_1724 = vector.shape_cast %swap3A_1723 : vector<16xi32> to vector<16xi32>
        %swap3A_1725 = vector.shape_cast %add3A_1721 : vector<16xi32> to vector<16xi32>
        tpu.vector_store %arg6[%swap3A_1722], %swap3A_1725 {strides = array<i32>} : memref<1664xi32, #tpu.memory_space<vmem>>, vector<16xi32>,
        %get3A_1726 = arith.constant 832 : index
        %get3A_1727 = tpu.vector_load %arg6[%get3A_1726] {strides = array<i32>} : memref<1664xi32, #tpu.memory_space<vmem>>, vector<16xi32>,
        %get3A_1728 = vector.shape_cast %get3A_1727 : vector<16xi32> to vector<16xi32>
        %add3A_1729 = arith.addi %get3A_1728, %mul3A_23 : vector<16xi32>
        %swap3A_1730 = arith.constant 832 : index
        %swap3A_1731 = tpu.vector_load %arg6[%swap3A_1730] {strides = array<i32>} : memref<1664xi32, #tpu.memory_space<vmem>>, vector<16xi32>,
        %swap3A_1732 = vector.shape_cast %swap3A_1731 : vector<16xi32> to vector<16xi32>
        %swap3A_1733 = vector.shape_cast %add3A_1729 : vector<16xi32> to vector<16xi32>
        tpu.vector_store %arg6[%swap3A_1730], %swap3A_1733 {strides = array<i32>} : memref<1664xi32, #tpu.memory_space<vmem>>, vector<16xi32>,
        %get3A_1734 = arith.constant 848 : index
        %get3A_1735 = tpu.vector_load %arg6[%get3A_1734] {strides = array<i32>} : memref<1664xi32, #tpu.memory_space<vmem>>, vector<16xi32>,
        %get3A_1736 = vector.shape_cast %get3A_1735 : vector<16xi32> to vector<16xi32>
        %add3A_1737 = arith.addi %get3A_1736, %mul3A_51 : vector<16xi32>
        %swap3A_1738 = arith.constant 848 : index
        %swap3A_1739 = tpu.vector_load %arg6[%swap3A_1738] {strides = array<i32>} : memref<1664xi32, #tpu.memory_space<vmem>>, vector<16xi32>,
        %swap3A_1740 = vector.shape_cast %swap3A_1739 : vector<16xi32> to vector<16xi32>
        %swap3A_1741 = vector.shape_cast %add3A_1737 : vector<16xi32> to vector<16xi32>
        tpu.vector_store %arg6[%swap3A_1738], %swap3A_1741 {strides = array<i32>} : memref<1664xi32, #tpu.memory_space<vmem>>, vector<16xi32>,
        %get3A_1742 = arith.constant 864 : index
        %get3A_1743 = tpu.vector_load %arg6[%get3A_1742] {strides = array<i32>} : memref<1664xi32, #tpu.memory_space<vmem>>, vector<16xi32>,
        %get3A_1744 = vector.shape_cast %get3A_1743 : vector<16xi32> to vector<16xi32>
        %add3A_1745 = arith.addi %get3A_1744, %mul3A_79 : vector<16xi32>
        %swap3A_1746 = arith.constant 864 : index
        %swap3A_1747 = tpu.vector_load %arg6[%swap3A_1746] {strides = array<i32>} : memref<1664xi32, #tpu.memory_space<vmem>>, vector<16xi32>,
        %swap3A_1748 = vector.shape_cast %swap3A_1747 : vector<16xi32> to vector<16xi32>
        %swap3A_1749 = vector.shape_cast %add3A_1745 : vector<16xi32> to vector<16xi32>
        tpu.vector_store %arg6[%swap3A_1746], %swap3A_1749 {strides = array<i32>} : memref<1664xi32, #tpu.memory_space<vmem>>, vector<16xi32>,
        %get3A_1750 = arith.constant 880 : index
        %get3A_1751 = tpu.vector_load %arg6[%get3A_1750] {strides = array<i32>} : memref<1664xi32, #tpu.memory_space<vmem>>, vector<16xi32>,
        %get3A_1752 = vector.shape_cast %get3A_1751 : vector<16xi32> to vector<16xi32>
        %add3A_1753 = arith.addi %get3A_1752, %mul3A_107 : vector<16xi32>
        %swap3A_1754 = arith.constant 880 : index
        %swap3A_1755 = tpu.vector_load %arg6[%swap3A_1754] {strides = array<i32>} : memref<1664xi32, #tpu.memory_space<vmem>>, vector<16xi32>,
        %swap3A_1756 = vector.shape_cast %swap3A_1755 : vector<16xi32> to vector<16xi32>
        %swap3A_1757 = vector.shape_cast %add3A_1753 : vector<16xi32> to vector<16xi32>
        tpu.vector_store %arg6[%swap3A_1754], %swap3A_1757 {strides = array<i32>} : memref<1664xi32, #tpu.memory_space<vmem>>, vector<16xi32>,
        %get3A_1758 = arith.constant 896 : index
        %get3A_1759 = tpu.vector_load %arg6[%get3A_1758] {strides = array<i32>} : memref<1664xi32, #tpu.memory_space<vmem>>, vector<16xi32>,
        %get3A_1760 = vector.shape_cast %get3A_1759 : vector<16xi32> to vector<16xi32>
        %add3A_1761 = arith.addi %get3A_1760, %mul3A_135 : vector<16xi32>
        %swap3A_1762 = arith.constant 896 : index
        %swap3A_1763 = tpu.vector_load %arg6[%swap3A_1762] {strides = array<i32>} : memref<1664xi32, #tpu.memory_space<vmem>>, vector<16xi32>,
        %swap3A_1764 = vector.shape_cast %swap3A_1763 : vector<16xi32> to vector<16xi32>
        %swap3A_1765 = vector.shape_cast %add3A_1761 : vector<16xi32> to vector<16xi32>
        tpu.vector_store %arg6[%swap3A_1762], %swap3A_1765 {strides = array<i32>} : memref<1664xi32, #tpu.memory_space<vmem>>, vector<16xi32>,
        %get3A_1766 = arith.constant 912 : index
        %get3A_1767 = tpu.vector_load %arg6[%get3A_1766] {strides = array<i32>} : memref<1664xi32, #tpu.memory_space<vmem>>, vector<16xi32>,
        %get3A_1768 = vector.shape_cast %get3A_1767 : vector<16xi32> to vector<16xi32>
        %add3A_1769 = arith.addi %get3A_1768, %mul3A_163 : vector<16xi32>
        %swap3A_1770 = arith.constant 912 : index
        %swap3A_1771 = tpu.vector_load %arg6[%swap3A_1770] {strides = array<i32>} : memref<1664xi32, #tpu.memory_space<vmem>>, vector<16xi32>,
        %swap3A_1772 = vector.shape_cast %swap3A_1771 : vector<16xi32> to vector<16xi32>
        %swap3A_1773 = vector.shape_cast %add3A_1769 : vector<16xi32> to vector<16xi32>
        tpu.vector_store %arg6[%swap3A_1770], %swap3A_1773 {strides = array<i32>} : memref<1664xi32, #tpu.memory_space<vmem>>, vector<16xi32>,
        %get3A_1774 = arith.constant 928 : index
        %get3A_1775 = tpu.vector_load %arg6[%get3A_1774] {strides = array<i32>} : memref<1664xi32, #tpu.memory_space<vmem>>, vector<16xi32>,
        %get3A_1776 = vector.shape_cast %get3A_1775 : vector<16xi32> to vector<16xi32>
        %add3A_1777 = arith.addi %get3A_1776, %mul3A_191 : vector<16xi32>
        %swap3A_1778 = arith.constant 928 : index
        %swap3A_1779 = tpu.vector_load %arg6[%swap3A_1778] {strides = array<i32>} : memref<1664xi32, #tpu.memory_space<vmem>>, vector<16xi32>,
        %swap3A_1780 = vector.shape_cast %swap3A_1779 : vector<16xi32> to vector<16xi32>
        %swap3A_1781 = vector.shape_cast %add3A_1777 : vector<16xi32> to vector<16xi32>
        tpu.vector_store %arg6[%swap3A_1778], %swap3A_1781 {strides = array<i32>} : memref<1664xi32, #tpu.memory_space<vmem>>, vector<16xi32>,
        %get3A_1782 = arith.constant 944 : index
        %get3A_1783 = tpu.vector_load %arg6[%get3A_1782] {strides = array<i32>} : memref<1664xi32, #tpu.memory_space<vmem>>, vector<16xi32>,
        %get3A_1784 = vector.shape_cast %get3A_1783 : vector<16xi32> to vector<16xi32>
        %add3A_1785 = arith.addi %get3A_1784, %mul3A_219 : vector<16xi32>
        %swap3A_1786 = arith.constant 944 : index
        %swap3A_1787 = tpu.vector_load %arg6[%swap3A_1786] {strides = array<i32>} : memref<1664xi32, #tpu.memory_space<vmem>>, vector<16xi32>,
        %swap3A_1788 = vector.shape_cast %swap3A_1787 : vector<16xi32> to vector<16xi32>
        %swap3A_1789 = vector.shape_cast %add3A_1785 : vector<16xi32> to vector<16xi32>
        tpu.vector_store %arg6[%swap3A_1786], %swap3A_1789 {strides = array<i32>} : memref<1664xi32, #tpu.memory_space<vmem>>, vector<16xi32>,
        %get3A_1790 = arith.constant 960 : index
        %get3A_1791 = tpu.vector_load %arg6[%get3A_1790] {strides = array<i32>} : memref<1664xi32, #tpu.memory_space<vmem>>, vector<16xi32>,
        %get3A_1792 = vector.shape_cast %get3A_1791 : vector<16xi32> to vector<16xi32>
        %add3A_1793 = arith.addi %get3A_1792, %mul3A_247 : vector<16xi32>
        %swap3A_1794 = arith.constant 960 : index
        %swap3A_1795 = tpu.vector_load %arg6[%swap3A_1794] {strides = array<i32>} : memref<1664xi32, #tpu.memory_space<vmem>>, vector<16xi32>,
        %swap3A_1796 = vector.shape_cast %swap3A_1795 : vector<16xi32> to vector<16xi32>
        %swap3A_1797 = vector.shape_cast %add3A_1793 : vector<16xi32> to vector<16xi32>
        tpu.vector_store %arg6[%swap3A_1794], %swap3A_1797 {strides = array<i32>} : memref<1664xi32, #tpu.memory_space<vmem>>, vector<16xi32>,
        %get3A_1798 = arith.constant 976 : index
        %get3A_1799 = tpu.vector_load %arg6[%get3A_1798] {strides = array<i32>} : memref<1664xi32, #tpu.memory_space<vmem>>, vector<16xi32>,
        %get3A_1800 = vector.shape_cast %get3A_1799 : vector<16xi32> to vector<16xi32>
        %add3A_1801 = arith.addi %get3A_1800, %mul3A_275 : vector<16xi32>
        %swap3A_1802 = arith.constant 976 : index
        %swap3A_1803 = tpu.vector_load %arg6[%swap3A_1802] {strides = array<i32>} : memref<1664xi32, #tpu.memory_space<vmem>>, vector<16xi32>,
        %swap3A_1804 = vector.shape_cast %swap3A_1803 : vector<16xi32> to vector<16xi32>
        %swap3A_1805 = vector.shape_cast %add3A_1801 : vector<16xi32> to vector<16xi32>
        tpu.vector_store %arg6[%swap3A_1802], %swap3A_1805 {strides = array<i32>} : memref<1664xi32, #tpu.memory_space<vmem>>, vector<16xi32>,
        %get3A_1806 = arith.constant 992 : index
        %get3A_1807 = tpu.vector_load %arg6[%get3A_1806] {strides = array<i32>} : memref<1664xi32, #tpu.memory_space<vmem>>, vector<16xi32>,
        %get3A_1808 = vector.shape_cast %get3A_1807 : vector<16xi32> to vector<16xi32>
        %add3A_1809 = arith.addi %get3A_1808, %mul3A_303 : vector<16xi32>
        %swap3A_1810 = arith.constant 992 : index
        %swap3A_1811 = tpu.vector_load %arg6[%swap3A_1810] {strides = array<i32>} : memref<1664xi32, #tpu.memory_space<vmem>>, vector<16xi32>,
        %swap3A_1812 = vector.shape_cast %swap3A_1811 : vector<16xi32> to vector<16xi32>
        %swap3A_1813 = vector.shape_cast %add3A_1809 : vector<16xi32> to vector<16xi32>
        tpu.vector_store %arg6[%swap3A_1810], %swap3A_1813 {strides = array<i32>} : memref<1664xi32, #tpu.memory_space<vmem>>, vector<16xi32>,
        %get3A_1814 = arith.constant 1008 : index
        %get3A_1815 = tpu.vector_load %arg6[%get3A_1814] {strides = array<i32>} : memref<1664xi32, #tpu.memory_space<vmem>>, vector<16xi32>,
        %get3A_1816 = vector.shape_cast %get3A_1815 : vector<16xi32> to vector<16xi32>
        %add3A_1817 = arith.addi %get3A_1816, %mul3A_331 : vector<16xi32>
        %swap3A_1818 = arith.constant 1008 : index
        %swap3A_1819 = tpu.vector_load %arg6[%swap3A_1818] {strides = array<i32>} : memref<1664xi32, #tpu.memory_space<vmem>>, vector<16xi32>,
        %swap3A_1820 = vector.shape_cast %swap3A_1819 : vector<16xi32> to vector<16xi32>
        %swap3A_1821 = vector.shape_cast %add3A_1817 : vector<16xi32> to vector<16xi32>
        tpu.vector_store %arg6[%swap3A_1818], %swap3A_1821 {strides = array<i32>} : memref<1664xi32, #tpu.memory_space<vmem>>, vector<16xi32>,
        %get3A_1822 = arith.constant 1024 : index
        %get3A_1823 = tpu.vector_load %arg6[%get3A_1822] {strides = array<i32>} : memref<1664xi32, #tpu.memory_space<vmem>>, vector<16xi32>,
        %get3A_1824 = vector.shape_cast %get3A_1823 : vector<16xi32> to vector<16xi32>
        %add3A_1825 = arith.addi %get3A_1824, %mul3A_359 : vector<16xi32>
        %swap3A_1826 = arith.constant 1024 : index
        %swap3A_1827 = tpu.vector_load %arg6[%swap3A_1826] {strides = array<i32>} : memref<1664xi32, #tpu.memory_space<vmem>>, vector<16xi32>,
        %swap3A_1828 = vector.shape_cast %swap3A_1827 : vector<16xi32> to vector<16xi32>
        %swap3A_1829 = vector.shape_cast %add3A_1825 : vector<16xi32> to vector<16xi32>
        tpu.vector_store %arg6[%swap3A_1826], %swap3A_1829 {strides = array<i32>} : memref<1664xi32, #tpu.memory_space<vmem>>, vector<16xi32>,
        %get3A_1830 = arith.constant 1040 : index
        %get3A_1831 = tpu.vector_load %arg6[%get3A_1830] {strides = array<i32>} : memref<1664xi32, #tpu.memory_space<vmem>>, vector<16xi32>,
        %get3A_1832 = vector.shape_cast %get3A_1831 : vector<16xi32> to vector<16xi32>
        %add3A_1833 = arith.addi %get3A_1832, %mul3A_23 : vector<16xi32>
        %swap3A_1834 = arith.constant 1040 : index
        %swap3A_1835 = tpu.vector_load %arg6[%swap3A_1834] {strides = array<i32>} : memref<1664xi32, #tpu.memory_space<vmem>>, vector<16xi32>,
        %swap3A_1836 = vector.shape_cast %swap3A_1835 : vector<16xi32> to vector<16xi32>
        %swap3A_1837 = vector.shape_cast %add3A_1833 : vector<16xi32> to vector<16xi32>
        tpu.vector_store %arg6[%swap3A_1834], %swap3A_1837 {strides = array<i32>} : memref<1664xi32, #tpu.memory_space<vmem>>, vector<16xi32>,
        %get3A_1838 = arith.constant 1056 : index
        %get3A_1839 = tpu.vector_load %arg6[%get3A_1838] {strides = array<i32>} : memref<1664xi32, #tpu.memory_space<vmem>>, vector<16xi32>,
        %get3A_1840 = vector.shape_cast %get3A_1839 : vector<16xi32> to vector<16xi32>
        %add3A_1841 = arith.addi %get3A_1840, %mul3A_51 : vector<16xi32>
        %swap3A_1842 = arith.constant 1056 : index
        %swap3A_1843 = tpu.vector_load %arg6[%swap3A_1842] {strides = array<i32>} : memref<1664xi32, #tpu.memory_space<vmem>>, vector<16xi32>,
        %swap3A_1844 = vector.shape_cast %swap3A_1843 : vector<16xi32> to vector<16xi32>
        %swap3A_1845 = vector.shape_cast %add3A_1841 : vector<16xi32> to vector<16xi32>
        tpu.vector_store %arg6[%swap3A_1842], %swap3A_1845 {strides = array<i32>} : memref<1664xi32, #tpu.memory_space<vmem>>, vector<16xi32>,
        %get3A_1846 = arith.constant 1072 : index
        %get3A_1847 = tpu.vector_load %arg6[%get3A_1846] {strides = array<i32>} : memref<1664xi32, #tpu.memory_space<vmem>>, vector<16xi32>,
        %get3A_1848 = vector.shape_cast %get3A_1847 : vector<16xi32> to vector<16xi32>
        %add3A_1849 = arith.addi %get3A_1848, %mul3A_79 : vector<16xi32>
        %swap3A_1850 = arith.constant 1072 : index
        %swap3A_1851 = tpu.vector_load %arg6[%swap3A_1850] {strides = array<i32>} : memref<1664xi32, #tpu.memory_space<vmem>>, vector<16xi32>,
        %swap3A_1852 = vector.shape_cast %swap3A_1851 : vector<16xi32> to vector<16xi32>
        %swap3A_1853 = vector.shape_cast %add3A_1849 : vector<16xi32> to vector<16xi32>
        tpu.vector_store %arg6[%swap3A_1850], %swap3A_1853 {strides = array<i32>} : memref<1664xi32, #tpu.memory_space<vmem>>, vector<16xi32>,
        %get3A_1854 = arith.constant 1088 : index
        %get3A_1855 = tpu.vector_load %arg6[%get3A_1854] {strides = array<i32>} : memref<1664xi32, #tpu.memory_space<vmem>>, vector<16xi32>,
        %get3A_1856 = vector.shape_cast %get3A_1855 : vector<16xi32> to vector<16xi32>
        %add3A_1857 = arith.addi %get3A_1856, %mul3A_107 : vector<16xi32>
        %swap3A_1858 = arith.constant 1088 : index
        %swap3A_1859 = tpu.vector_load %arg6[%swap3A_1858] {strides = array<i32>} : memref<1664xi32, #tpu.memory_space<vmem>>, vector<16xi32>,
        %swap3A_1860 = vector.shape_cast %swap3A_1859 : vector<16xi32> to vector<16xi32>
        %swap3A_1861 = vector.shape_cast %add3A_1857 : vector<16xi32> to vector<16xi32>
        tpu.vector_store %arg6[%swap3A_1858], %swap3A_1861 {strides = array<i32>} : memref<1664xi32, #tpu.memory_space<vmem>>, vector<16xi32>,
        %get3A_1862 = arith.constant 1104 : index
        %get3A_1863 = tpu.vector_load %arg6[%get3A_1862] {strides = array<i32>} : memref<1664xi32, #tpu.memory_space<vmem>>, vector<16xi32>,
        %get3A_1864 = vector.shape_cast %get3A_1863 : vector<16xi32> to vector<16xi32>
        %add3A_1865 = arith.addi %get3A_1864, %mul3A_135 : vector<16xi32>
        %swap3A_1866 = arith.constant 1104 : index
        %swap3A_1867 = tpu.vector_load %arg6[%swap3A_1866] {strides = array<i32>} : memref<1664xi32, #tpu.memory_space<vmem>>, vector<16xi32>,
        %swap3A_1868 = vector.shape_cast %swap3A_1867 : vector<16xi32> to vector<16xi32>
        %swap3A_1869 = vector.shape_cast %add3A_1865 : vector<16xi32> to vector<16xi32>
        tpu.vector_store %arg6[%swap3A_1866], %swap3A_1869 {strides = array<i32>} : memref<1664xi32, #tpu.memory_space<vmem>>, vector<16xi32>,
        %get3A_1870 = arith.constant 1120 : index
        %get3A_1871 = tpu.vector_load %arg6[%get3A_1870] {strides = array<i32>} : memref<1664xi32, #tpu.memory_space<vmem>>, vector<16xi32>,
        %get3A_1872 = vector.shape_cast %get3A_1871 : vector<16xi32> to vector<16xi32>
        %add3A_1873 = arith.addi %get3A_1872, %mul3A_163 : vector<16xi32>
        %swap3A_1874 = arith.constant 1120 : index
        %swap3A_1875 = tpu.vector_load %arg6[%swap3A_1874] {strides = array<i32>} : memref<1664xi32, #tpu.memory_space<vmem>>, vector<16xi32>,
        %swap3A_1876 = vector.shape_cast %swap3A_1875 : vector<16xi32> to vector<16xi32>
        %swap3A_1877 = vector.shape_cast %add3A_1873 : vector<16xi32> to vector<16xi32>
        tpu.vector_store %arg6[%swap3A_1874], %swap3A_1877 {strides = array<i32>} : memref<1664xi32, #tpu.memory_space<vmem>>, vector<16xi32>,
        %get3A_1878 = arith.constant 1136 : index
        %get3A_1879 = tpu.vector_load %arg6[%get3A_1878] {strides = array<i32>} : memref<1664xi32, #tpu.memory_space<vmem>>, vector<16xi32>,
        %get3A_1880 = vector.shape_cast %get3A_1879 : vector<16xi32> to vector<16xi32>
        %add3A_1881 = arith.addi %get3A_1880, %mul3A_191 : vector<16xi32>
        %swap3A_1882 = arith.constant 1136 : index
        %swap3A_1883 = tpu.vector_load %arg6[%swap3A_1882] {strides = array<i32>} : memref<1664xi32, #tpu.memory_space<vmem>>, vector<16xi32>,
        %swap3A_1884 = vector.shape_cast %swap3A_1883 : vector<16xi32> to vector<16xi32>
        %swap3A_1885 = vector.shape_cast %add3A_1881 : vector<16xi32> to vector<16xi32>
        tpu.vector_store %arg6[%swap3A_1882], %swap3A_1885 {strides = array<i32>} : memref<1664xi32, #tpu.memory_space<vmem>>, vector<16xi32>,
        %get3A_1886 = arith.constant 1152 : index
        %get3A_1887 = tpu.vector_load %arg6[%get3A_1886] {strides = array<i32>} : memref<1664xi32, #tpu.memory_space<vmem>>, vector<16xi32>,
        %get3A_1888 = vector.shape_cast %get3A_1887 : vector<16xi32> to vector<16xi32>
        %add3A_1889 = arith.addi %get3A_1888, %mul3A_219 : vector<16xi32>
        %swap3A_1890 = arith.constant 1152 : index
        %swap3A_1891 = tpu.vector_load %arg6[%swap3A_1890] {strides = array<i32>} : memref<1664xi32, #tpu.memory_space<vmem>>, vector<16xi32>,
        %swap3A_1892 = vector.shape_cast %swap3A_1891 : vector<16xi32> to vector<16xi32>
        %swap3A_1893 = vector.shape_cast %add3A_1889 : vector<16xi32> to vector<16xi32>
        tpu.vector_store %arg6[%swap3A_1890], %swap3A_1893 {strides = array<i32>} : memref<1664xi32, #tpu.memory_space<vmem>>, vector<16xi32>,
        %get3A_1894 = arith.constant 1168 : index
        %get3A_1895 = tpu.vector_load %arg6[%get3A_1894] {strides = array<i32>} : memref<1664xi32, #tpu.memory_space<vmem>>, vector<16xi32>,
        %get3A_1896 = vector.shape_cast %get3A_1895 : vector<16xi32> to vector<16xi32>
        %add3A_1897 = arith.addi %get3A_1896, %mul3A_247 : vector<16xi32>
        %swap3A_1898 = arith.constant 1168 : index
        %swap3A_1899 = tpu.vector_load %arg6[%swap3A_1898] {strides = array<i32>} : memref<1664xi32, #tpu.memory_space<vmem>>, vector<16xi32>,
        %swap3A_1900 = vector.shape_cast %swap3A_1899 : vector<16xi32> to vector<16xi32>
        %swap3A_1901 = vector.shape_cast %add3A_1897 : vector<16xi32> to vector<16xi32>
        tpu.vector_store %arg6[%swap3A_1898], %swap3A_1901 {strides = array<i32>} : memref<1664xi32, #tpu.memory_space<vmem>>, vector<16xi32>,
        %get3A_1902 = arith.constant 1184 : index
        %get3A_1903 = tpu.vector_load %arg6[%get3A_1902] {strides = array<i32>} : memref<1664xi32, #tpu.memory_space<vmem>>, vector<16xi32>,
        %get3A_1904 = vector.shape_cast %get3A_1903 : vector<16xi32> to vector<16xi32>
        %add3A_1905 = arith.addi %get3A_1904, %mul3A_275 : vector<16xi32>
        %swap3A_1906 = arith.constant 1184 : index
        %swap3A_1907 = tpu.vector_load %arg6[%swap3A_1906] {strides = array<i32>} : memref<1664xi32, #tpu.memory_space<vmem>>, vector<16xi32>,
        %swap3A_1908 = vector.shape_cast %swap3A_1907 : vector<16xi32> to vector<16xi32>
        %swap3A_1909 = vector.shape_cast %add3A_1905 : vector<16xi32> to vector<16xi32>
        tpu.vector_store %arg6[%swap3A_1906], %swap3A_1909 {strides = array<i32>} : memref<1664xi32, #tpu.memory_space<vmem>>, vector<16xi32>,
        %get3A_1910 = arith.constant 1200 : index
        %get3A_1911 = tpu.vector_load %arg6[%get3A_1910] {strides = array<i32>} : memref<1664xi32, #tpu.memory_space<vmem>>, vector<16xi32>,
        %get3A_1912 = vector.shape_cast %get3A_1911 : vector<16xi32> to vector<16xi32>
        %add3A_1913 = arith.addi %get3A_1912, %mul3A_303 : vector<16xi32>
        %swap3A_1914 = arith.constant 1200 : index
        %swap3A_1915 = tpu.vector_load %arg6[%swap3A_1914] {strides = array<i32>} : memref<1664xi32, #tpu.memory_space<vmem>>, vector<16xi32>,
        %swap3A_1916 = vector.shape_cast %swap3A_1915 : vector<16xi32> to vector<16xi32>
        %swap3A_1917 = vector.shape_cast %add3A_1913 : vector<16xi32> to vector<16xi32>
        tpu.vector_store %arg6[%swap3A_1914], %swap3A_1917 {strides = array<i32>} : memref<1664xi32, #tpu.memory_space<vmem>>, vector<16xi32>,
        %get3A_1918 = arith.constant 1216 : index
        %get3A_1919 = tpu.vector_load %arg6[%get3A_1918] {strides = array<i32>} : memref<1664xi32, #tpu.memory_space<vmem>>, vector<16xi32>,
        %get3A_1920 = vector.shape_cast %get3A_1919 : vector<16xi32> to vector<16xi32>
        %add3A_1921 = arith.addi %get3A_1920, %mul3A_331 : vector<16xi32>
        %swap3A_1922 = arith.constant 1216 : index
        %swap3A_1923 = tpu.vector_load %arg6[%swap3A_1922] {strides = array<i32>} : memref<1664xi32, #tpu.memory_space<vmem>>, vector<16xi32>,
        %swap3A_1924 = vector.shape_cast %swap3A_1923 : vector<16xi32> to vector<16xi32>
        %swap3A_1925 = vector.shape_cast %add3A_1921 : vector<16xi32> to vector<16xi32>
        tpu.vector_store %arg6[%swap3A_1922], %swap3A_1925 {strides = array<i32>} : memref<1664xi32, #tpu.memory_space<vmem>>, vector<16xi32>,
        %get3A_1926 = arith.constant 1232 : index
        %get3A_1927 = tpu.vector_load %arg6[%get3A_1926] {strides = array<i32>} : memref<1664xi32, #tpu.memory_space<vmem>>, vector<16xi32>,
        %get3A_1928 = vector.shape_cast %get3A_1927 : vector<16xi32> to vector<16xi32>
        %add3A_1929 = arith.addi %get3A_1928, %mul3A_359 : vector<16xi32>
        %swap3A_1930 = arith.constant 1232 : index
        %swap3A_1931 = tpu.vector_load %arg6[%swap3A_1930] {strides = array<i32>} : memref<1664xi32, #tpu.memory_space<vmem>>, vector<16xi32>,
        %swap3A_1932 = vector.shape_cast %swap3A_1931 : vector<16xi32> to vector<16xi32>
        %swap3A_1933 = vector.shape_cast %add3A_1929 : vector<16xi32> to vector<16xi32>
        tpu.vector_store %arg6[%swap3A_1930], %swap3A_1933 {strides = array<i32>} : memref<1664xi32, #tpu.memory_space<vmem>>, vector<16xi32>,
        %get3A_1934 = arith.constant 1248 : index
        %get3A_1935 = tpu.vector_load %arg6[%get3A_1934] {strides = array<i32>} : memref<1664xi32, #tpu.memory_space<vmem>>, vector<16xi32>,
        %get3A_1936 = vector.shape_cast %get3A_1935 : vector<16xi32> to vector<16xi32>
        %add3A_1937 = arith.addi %get3A_1936, %mul3A_23 : vector<16xi32>
        %swap3A_1938 = arith.constant 1248 : index
        %swap3A_1939 = tpu.vector_load %arg6[%swap3A_1938] {strides = array<i32>} : memref<1664xi32, #tpu.memory_space<vmem>>, vector<16xi32>,
        %swap3A_1940 = vector.shape_cast %swap3A_1939 : vector<16xi32> to vector<16xi32>
        %swap3A_1941 = vector.shape_cast %add3A_1937 : vector<16xi32> to vector<16xi32>
        tpu.vector_store %arg6[%swap3A_1938], %swap3A_1941 {strides = array<i32>} : memref<1664xi32, #tpu.memory_space<vmem>>, vector<16xi32>,
        %get3A_1942 = arith.constant 1264 : index
        %get3A_1943 = tpu.vector_load %arg6[%get3A_1942] {strides = array<i32>} : memref<1664xi32, #tpu.memory_space<vmem>>, vector<16xi32>,
        %get3A_1944 = vector.shape_cast %get3A_1943 : vector<16xi32> to vector<16xi32>
        %add3A_1945 = arith.addi %get3A_1944, %mul3A_51 : vector<16xi32>
        %swap3A_1946 = arith.constant 1264 : index
        %swap3A_1947 = tpu.vector_load %arg6[%swap3A_1946] {strides = array<i32>} : memref<1664xi32, #tpu.memory_space<vmem>>, vector<16xi32>,
        %swap3A_1948 = vector.shape_cast %swap3A_1947 : vector<16xi32> to vector<16xi32>
        %swap3A_1949 = vector.shape_cast %add3A_1945 : vector<16xi32> to vector<16xi32>
        tpu.vector_store %arg6[%swap3A_1946], %swap3A_1949 {strides = array<i32>} : memref<1664xi32, #tpu.memory_space<vmem>>, vector<16xi32>,
        %get3A_1950 = arith.constant 1280 : index
        %get3A_1951 = tpu.vector_load %arg6[%get3A_1950] {strides = array<i32>} : memref<1664xi32, #tpu.memory_space<vmem>>, vector<16xi32>,
        %get3A_1952 = vector.shape_cast %get3A_1951 : vector<16xi32> to vector<16xi32>
        %add3A_1953 = arith.addi %get3A_1952, %mul3A_79 : vector<16xi32>
        %swap3A_1954 = arith.constant 1280 : index
        %swap3A_1955 = tpu.vector_load %arg6[%swap3A_1954] {strides = array<i32>} : memref<1664xi32, #tpu.memory_space<vmem>>, vector<16xi32>,
        %swap3A_1956 = vector.shape_cast %swap3A_1955 : vector<16xi32> to vector<16xi32>
        %swap3A_1957 = vector.shape_cast %add3A_1953 : vector<16xi32> to vector<16xi32>
        tpu.vector_store %arg6[%swap3A_1954], %swap3A_1957 {strides = array<i32>} : memref<1664xi32, #tpu.memory_space<vmem>>, vector<16xi32>,
        %get3A_1958 = arith.constant 1296 : index
        %get3A_1959 = tpu.vector_load %arg6[%get3A_1958] {strides = array<i32>} : memref<1664xi32, #tpu.memory_space<vmem>>, vector<16xi32>,
        %get3A_1960 = vector.shape_cast %get3A_1959 : vector<16xi32> to vector<16xi32>
        %add3A_1961 = arith.addi %get3A_1960, %mul3A_107 : vector<16xi32>
        %swap3A_1962 = arith.constant 1296 : index
        %swap3A_1963 = tpu.vector_load %arg6[%swap3A_1962] {strides = array<i32>} : memref<1664xi32, #tpu.memory_space<vmem>>, vector<16xi32>,
        %swap3A_1964 = vector.shape_cast %swap3A_1963 : vector<16xi32> to vector<16xi32>
        %swap3A_1965 = vector.shape_cast %add3A_1961 : vector<16xi32> to vector<16xi32>
        tpu.vector_store %arg6[%swap3A_1962], %swap3A_1965 {strides = array<i32>} : memref<1664xi32, #tpu.memory_space<vmem>>, vector<16xi32>,
        %get3A_1966 = arith.constant 1312 : index
        %get3A_1967 = tpu.vector_load %arg6[%get3A_1966] {strides = array<i32>} : memref<1664xi32, #tpu.memory_space<vmem>>, vector<16xi32>,
        %get3A_1968 = vector.shape_cast %get3A_1967 : vector<16xi32> to vector<16xi32>
        %add3A_1969 = arith.addi %get3A_1968, %mul3A_135 : vector<16xi32>
        %swap3A_1970 = arith.constant 1312 : index
        %swap3A_1971 = tpu.vector_load %arg6[%swap3A_1970] {strides = array<i32>} : memref<1664xi32, #tpu.memory_space<vmem>>, vector<16xi32>,
        %swap3A_1972 = vector.shape_cast %swap3A_1971 : vector<16xi32> to vector<16xi32>
        %swap3A_1973 = vector.shape_cast %add3A_1969 : vector<16xi32> to vector<16xi32>
        tpu.vector_store %arg6[%swap3A_1970], %swap3A_1973 {strides = array<i32>} : memref<1664xi32, #tpu.memory_space<vmem>>, vector<16xi32>,
        %get3A_1974 = arith.constant 1328 : index
        %get3A_1975 = tpu.vector_load %arg6[%get3A_1974] {strides = array<i32>} : memref<1664xi32, #tpu.memory_space<vmem>>, vector<16xi32>,
        %get3A_1976 = vector.shape_cast %get3A_1975 : vector<16xi32> to vector<16xi32>
        %add3A_1977 = arith.addi %get3A_1976, %mul3A_163 : vector<16xi32>
        %swap3A_1978 = arith.constant 1328 : index
        %swap3A_1979 = tpu.vector_load %arg6[%swap3A_1978] {strides = array<i32>} : memref<1664xi32, #tpu.memory_space<vmem>>, vector<16xi32>,
        %swap3A_1980 = vector.shape_cast %swap3A_1979 : vector<16xi32> to vector<16xi32>
        %swap3A_1981 = vector.shape_cast %add3A_1977 : vector<16xi32> to vector<16xi32>
        tpu.vector_store %arg6[%swap3A_1978], %swap3A_1981 {strides = array<i32>} : memref<1664xi32, #tpu.memory_space<vmem>>, vector<16xi32>,
        %get3A_1982 = arith.constant 1344 : index
        %get3A_1983 = tpu.vector_load %arg6[%get3A_1982] {strides = array<i32>} : memref<1664xi32, #tpu.memory_space<vmem>>, vector<16xi32>,
        %get3A_1984 = vector.shape_cast %get3A_1983 : vector<16xi32> to vector<16xi32>
        %add3A_1985 = arith.addi %get3A_1984, %mul3A_191 : vector<16xi32>
        %swap3A_1986 = arith.constant 1344 : index
        %swap3A_1987 = tpu.vector_load %arg6[%swap3A_1986] {strides = array<i32>} : memref<1664xi32, #tpu.memory_space<vmem>>, vector<16xi32>,
        %swap3A_1988 = vector.shape_cast %swap3A_1987 : vector<16xi32> to vector<16xi32>
        %swap3A_1989 = vector.shape_cast %add3A_1985 : vector<16xi32> to vector<16xi32>
        tpu.vector_store %arg6[%swap3A_1986], %swap3A_1989 {strides = array<i32>} : memref<1664xi32, #tpu.memory_space<vmem>>, vector<16xi32>,
        %get3A_1990 = arith.constant 1360 : index
        %get3A_1991 = tpu.vector_load %arg6[%get3A_1990] {strides = array<i32>} : memref<1664xi32, #tpu.memory_space<vmem>>, vector<16xi32>,
        %get3A_1992 = vector.shape_cast %get3A_1991 : vector<16xi32> to vector<16xi32>
        %add3A_1993 = arith.addi %get3A_1992, %mul3A_219 : vector<16xi32>
        %swap3A_1994 = arith.constant 1360 : index
        %swap3A_1995 = tpu.vector_load %arg6[%swap3A_1994] {strides = array<i32>} : memref<1664xi32, #tpu.memory_space<vmem>>, vector<16xi32>,
        %swap3A_1996 = vector.shape_cast %swap3A_1995 : vector<16xi32> to vector<16xi32>
        %swap3A_1997 = vector.shape_cast %add3A_1993 : vector<16xi32> to vector<16xi32>
        tpu.vector_store %arg6[%swap3A_1994], %swap3A_1997 {strides = array<i32>} : memref<1664xi32, #tpu.memory_space<vmem>>, vector<16xi32>,
        %get3A_1998 = arith.constant 1376 : index
        %get3A_1999 = tpu.vector_load %arg6[%get3A_1998] {strides = array<i32>} : memref<1664xi32, #tpu.memory_space<vmem>>, vector<16xi32>,
        %get3A_2000 = vector.shape_cast %get3A_1999 : vector<16xi32> to vector<16xi32>
        %add3A_2001 = arith.addi %get3A_2000, %mul3A_247 : vector<16xi32>
        %swap3A_2002 = arith.constant 1376 : index
        %swap3A_2003 = tpu.vector_load %arg6[%swap3A_2002] {strides = array<i32>} : memref<1664xi32, #tpu.memory_space<vmem>>, vector<16xi32>,
        %swap3A_2004 = vector.shape_cast %swap3A_2003 : vector<16xi32> to vector<16xi32>
        %swap3A_2005 = vector.shape_cast %add3A_2001 : vector<16xi32> to vector<16xi32>
        tpu.vector_store %arg6[%swap3A_2002], %swap3A_2005 {strides = array<i32>} : memref<1664xi32, #tpu.memory_space<vmem>>, vector<16xi32>,
        %get3A_2006 = arith.constant 1392 : index
        %get3A_2007 = tpu.vector_load %arg6[%get3A_2006] {strides = array<i32>} : memref<1664xi32, #tpu.memory_space<vmem>>, vector<16xi32>,
        %get3A_2008 = vector.shape_cast %get3A_2007 : vector<16xi32> to vector<16xi32>
        %add3A_2009 = arith.addi %get3A_2008, %mul3A_275 : vector<16xi32>
        %swap3A_2010 = arith.constant 1392 : index
        %swap3A_2011 = tpu.vector_load %arg6[%swap3A_2010] {strides = array<i32>} : memref<1664xi32, #tpu.memory_space<vmem>>, vector<16xi32>,
        %swap3A_2012 = vector.shape_cast %swap3A_2011 : vector<16xi32> to vector<16xi32>
        %swap3A_2013 = vector.shape_cast %add3A_2009 : vector<16xi32> to vector<16xi32>
        tpu.vector_store %arg6[%swap3A_2010], %swap3A_2013 {strides = array<i32>} : memref<1664xi32, #tpu.memory_space<vmem>>, vector<16xi32>,
        %get3A_2014 = arith.constant 1408 : index
        %get3A_2015 = tpu.vector_load %arg6[%get3A_2014] {strides = array<i32>} : memref<1664xi32, #tpu.memory_space<vmem>>, vector<16xi32>,
        %get3A_2016 = vector.shape_cast %get3A_2015 : vector<16xi32> to vector<16xi32>
        %add3A_2017 = arith.addi %get3A_2016, %mul3A_303 : vector<16xi32>
        %swap3A_2018 = arith.constant 1408 : index
        %swap3A_2019 = tpu.vector_load %arg6[%swap3A_2018] {strides = array<i32>} : memref<1664xi32, #tpu.memory_space<vmem>>, vector<16xi32>,
        %swap3A_2020 = vector.shape_cast %swap3A_2019 : vector<16xi32> to vector<16xi32>
        %swap3A_2021 = vector.shape_cast %add3A_2017 : vector<16xi32> to vector<16xi32>
        tpu.vector_store %arg6[%swap3A_2018], %swap3A_2021 {strides = array<i32>} : memref<1664xi32, #tpu.memory_space<vmem>>, vector<16xi32>,
        %get3A_2022 = arith.constant 1424 : index
        %get3A_2023 = tpu.vector_load %arg6[%get3A_2022] {strides = array<i32>} : memref<1664xi32, #tpu.memory_space<vmem>>, vector<16xi32>,
        %get3A_2024 = vector.shape_cast %get3A_2023 : vector<16xi32> to vector<16xi32>
        %add3A_2025 = arith.addi %get3A_2024, %mul3A_331 : vector<16xi32>
        %swap3A_2026 = arith.constant 1424 : index
        %swap3A_2027 = tpu.vector_load %arg6[%swap3A_2026] {strides = array<i32>} : memref<1664xi32, #tpu.memory_space<vmem>>, vector<16xi32>,
        %swap3A_2028 = vector.shape_cast %swap3A_2027 : vector<16xi32> to vector<16xi32>
        %swap3A_2029 = vector.shape_cast %add3A_2025 : vector<16xi32> to vector<16xi32>
        tpu.vector_store %arg6[%swap3A_2026], %swap3A_2029 {strides = array<i32>} : memref<1664xi32, #tpu.memory_space<vmem>>, vector<16xi32>,
        %get3A_2030 = arith.constant 1440 : index
        %get3A_2031 = tpu.vector_load %arg6[%get3A_2030] {strides = array<i32>} : memref<1664xi32, #tpu.memory_space<vmem>>, vector<16xi32>,
        %get3A_2032 = vector.shape_cast %get3A_2031 : vector<16xi32> to vector<16xi32>
        %add3A_2033 = arith.addi %get3A_2032, %mul3A_359 : vector<16xi32>
        %swap3A_2034 = arith.constant 1440 : index
        %swap3A_2035 = tpu.vector_load %arg6[%swap3A_2034] {strides = array<i32>} : memref<1664xi32, #tpu.memory_space<vmem>>, vector<16xi32>,
        %swap3A_2036 = vector.shape_cast %swap3A_2035 : vector<16xi32> to vector<16xi32>
        %swap3A_2037 = vector.shape_cast %add3A_2033 : vector<16xi32> to vector<16xi32>
        tpu.vector_store %arg6[%swap3A_2034], %swap3A_2037 {strides = array<i32>} : memref<1664xi32, #tpu.memory_space<vmem>>, vector<16xi32>,
        %get3A_2038 = arith.constant 1456 : index
        %get3A_2039 = tpu.vector_load %arg6[%get3A_2038] {strides = array<i32>} : memref<1664xi32, #tpu.memory_space<vmem>>, vector<16xi32>,
        %get3A_2040 = vector.shape_cast %get3A_2039 : vector<16xi32> to vector<16xi32>
        %add3A_2041 = arith.addi %get3A_2040, %mul3A_23 : vector<16xi32>
        %swap3A_2042 = arith.constant 1456 : index
        %swap3A_2043 = tpu.vector_load %arg6[%swap3A_2042] {strides = array<i32>} : memref<1664xi32, #tpu.memory_space<vmem>>, vector<16xi32>,
        %swap3A_2044 = vector.shape_cast %swap3A_2043 : vector<16xi32> to vector<16xi32>
        %swap3A_2045 = vector.shape_cast %add3A_2041 : vector<16xi32> to vector<16xi32>
        tpu.vector_store %arg6[%swap3A_2042], %swap3A_2045 {strides = array<i32>} : memref<1664xi32, #tpu.memory_space<vmem>>, vector<16xi32>,
        %get3A_2046 = arith.constant 1472 : index
        %get3A_2047 = tpu.vector_load %arg6[%get3A_2046] {strides = array<i32>} : memref<1664xi32, #tpu.memory_space<vmem>>, vector<16xi32>,
        %get3A_2048 = vector.shape_cast %get3A_2047 : vector<16xi32> to vector<16xi32>
        %add3A_2049 = arith.addi %get3A_2048, %mul3A_51 : vector<16xi32>
        %swap3A_2050 = arith.constant 1472 : index
        %swap3A_2051 = tpu.vector_load %arg6[%swap3A_2050] {strides = array<i32>} : memref<1664xi32, #tpu.memory_space<vmem>>, vector<16xi32>,
        %swap3A_2052 = vector.shape_cast %swap3A_2051 : vector<16xi32> to vector<16xi32>
        %swap3A_2053 = vector.shape_cast %add3A_2049 : vector<16xi32> to vector<16xi32>
        tpu.vector_store %arg6[%swap3A_2050], %swap3A_2053 {strides = array<i32>} : memref<1664xi32, #tpu.memory_space<vmem>>, vector<16xi32>,
        %get3A_2054 = arith.constant 1488 : index
        %get3A_2055 = tpu.vector_load %arg6[%get3A_2054] {strides = array<i32>} : memref<1664xi32, #tpu.memory_space<vmem>>, vector<16xi32>,
        %get3A_2056 = vector.shape_cast %get3A_2055 : vector<16xi32> to vector<16xi32>
        %add3A_2057 = arith.addi %get3A_2056, %mul3A_79 : vector<16xi32>
        %swap3A_2058 = arith.constant 1488 : index
        %swap3A_2059 = tpu.vector_load %arg6[%swap3A_2058] {strides = array<i32>} : memref<1664xi32, #tpu.memory_space<vmem>>, vector<16xi32>,
        %swap3A_2060 = vector.shape_cast %swap3A_2059 : vector<16xi32> to vector<16xi32>
        %swap3A_2061 = vector.shape_cast %add3A_2057 : vector<16xi32> to vector<16xi32>
        tpu.vector_store %arg6[%swap3A_2058], %swap3A_2061 {strides = array<i32>} : memref<1664xi32, #tpu.memory_space<vmem>>, vector<16xi32>,
        %get3A_2062 = arith.constant 1504 : index
        %get3A_2063 = tpu.vector_load %arg6[%get3A_2062] {strides = array<i32>} : memref<1664xi32, #tpu.memory_space<vmem>>, vector<16xi32>,
        %get3A_2064 = vector.shape_cast %get3A_2063 : vector<16xi32> to vector<16xi32>
        %add3A_2065 = arith.addi %get3A_2064, %mul3A_107 : vector<16xi32>
        %swap3A_2066 = arith.constant 1504 : index
        %swap3A_2067 = tpu.vector_load %arg6[%swap3A_2066] {strides = array<i32>} : memref<1664xi32, #tpu.memory_space<vmem>>, vector<16xi32>,
        %swap3A_2068 = vector.shape_cast %swap3A_2067 : vector<16xi32> to vector<16xi32>
        %swap3A_2069 = vector.shape_cast %add3A_2065 : vector<16xi32> to vector<16xi32>
        tpu.vector_store %arg6[%swap3A_2066], %swap3A_2069 {strides = array<i32>} : memref<1664xi32, #tpu.memory_space<vmem>>, vector<16xi32>,
        %get3A_2070 = arith.constant 1520 : index
        %get3A_2071 = tpu.vector_load %arg6[%get3A_2070] {strides = array<i32>} : memref<1664xi32, #tpu.memory_space<vmem>>, vector<16xi32>,
        %get3A_2072 = vector.shape_cast %get3A_2071 : vector<16xi32> to vector<16xi32>
        %add3A_2073 = arith.addi %get3A_2072, %mul3A_135 : vector<16xi32>
        %swap3A_2074 = arith.constant 1520 : index
        %swap3A_2075 = tpu.vector_load %arg6[%swap3A_2074] {strides = array<i32>} : memref<1664xi32, #tpu.memory_space<vmem>>, vector<16xi32>,
        %swap3A_2076 = vector.shape_cast %swap3A_2075 : vector<16xi32> to vector<16xi32>
        %swap3A_2077 = vector.shape_cast %add3A_2073 : vector<16xi32> to vector<16xi32>
        tpu.vector_store %arg6[%swap3A_2074], %swap3A_2077 {strides = array<i32>} : memref<1664xi32, #tpu.memory_space<vmem>>, vector<16xi32>,
        %get3A_2078 = arith.constant 1536 : index
        %get3A_2079 = tpu.vector_load %arg6[%get3A_2078] {strides = array<i32>} : memref<1664xi32, #tpu.memory_space<vmem>>, vector<16xi32>,
        %get3A_2080 = vector.shape_cast %get3A_2079 : vector<16xi32> to vector<16xi32>
        %add3A_2081 = arith.addi %get3A_2080, %mul3A_163 : vector<16xi32>
        %swap3A_2082 = arith.constant 1536 : index
        %swap3A_2083 = tpu.vector_load %arg6[%swap3A_2082] {strides = array<i32>} : memref<1664xi32, #tpu.memory_space<vmem>>, vector<16xi32>,
        %swap3A_2084 = vector.shape_cast %swap3A_2083 : vector<16xi32> to vector<16xi32>
        %swap3A_2085 = vector.shape_cast %add3A_2081 : vector<16xi32> to vector<16xi32>
        tpu.vector_store %arg6[%swap3A_2082], %swap3A_2085 {strides = array<i32>} : memref<1664xi32, #tpu.memory_space<vmem>>, vector<16xi32>,
        %get3A_2086 = arith.constant 1552 : index
        %get3A_2087 = tpu.vector_load %arg6[%get3A_2086] {strides = array<i32>} : memref<1664xi32, #tpu.memory_space<vmem>>, vector<16xi32>,
        %get3A_2088 = vector.shape_cast %get3A_2087 : vector<16xi32> to vector<16xi32>
        %add3A_2089 = arith.addi %get3A_2088, %mul3A_191 : vector<16xi32>
        %swap3A_2090 = arith.constant 1552 : index
        %swap3A_2091 = tpu.vector_load %arg6[%swap3A_2090] {strides = array<i32>} : memref<1664xi32, #tpu.memory_space<vmem>>, vector<16xi32>,
        %swap3A_2092 = vector.shape_cast %swap3A_2091 : vector<16xi32> to vector<16xi32>
        %swap3A_2093 = vector.shape_cast %add3A_2089 : vector<16xi32> to vector<16xi32>
        tpu.vector_store %arg6[%swap3A_2090], %swap3A_2093 {strides = array<i32>} : memref<1664xi32, #tpu.memory_space<vmem>>, vector<16xi32>,
        %get3A_2094 = arith.constant 1568 : index
        %get3A_2095 = tpu.vector_load %arg6[%get3A_2094] {strides = array<i32>} : memref<1664xi32, #tpu.memory_space<vmem>>, vector<16xi32>,
        %get3A_2096 = vector.shape_cast %get3A_2095 : vector<16xi32> to vector<16xi32>
        %add3A_2097 = arith.addi %get3A_2096, %mul3A_219 : vector<16xi32>
        %swap3A_2098 = arith.constant 1568 : index
        %swap3A_2099 = tpu.vector_load %arg6[%swap3A_2098] {strides = array<i32>} : memref<1664xi32, #tpu.memory_space<vmem>>, vector<16xi32>,
        %swap3A_2100 = vector.shape_cast %swap3A_2099 : vector<16xi32> to vector<16xi32>
        %swap3A_2101 = vector.shape_cast %add3A_2097 : vector<16xi32> to vector<16xi32>
        tpu.vector_store %arg6[%swap3A_2098], %swap3A_2101 {strides = array<i32>} : memref<1664xi32, #tpu.memory_space<vmem>>, vector<16xi32>,
        %get3A_2102 = arith.constant 1584 : index
        %get3A_2103 = tpu.vector_load %arg6[%get3A_2102] {strides = array<i32>} : memref<1664xi32, #tpu.memory_space<vmem>>, vector<16xi32>,
        %get3A_2104 = vector.shape_cast %get3A_2103 : vector<16xi32> to vector<16xi32>
        %add3A_2105 = arith.addi %get3A_2104, %mul3A_247 : vector<16xi32>
        %swap3A_2106 = arith.constant 1584 : index
        %swap3A_2107 = tpu.vector_load %arg6[%swap3A_2106] {strides = array<i32>} : memref<1664xi32, #tpu.memory_space<vmem>>, vector<16xi32>,
        %swap3A_2108 = vector.shape_cast %swap3A_2107 : vector<16xi32> to vector<16xi32>
        %swap3A_2109 = vector.shape_cast %add3A_2105 : vector<16xi32> to vector<16xi32>
        tpu.vector_store %arg6[%swap3A_2106], %swap3A_2109 {strides = array<i32>} : memref<1664xi32, #tpu.memory_space<vmem>>, vector<16xi32>,
        %get3A_2110 = arith.constant 1600 : index
        %get3A_2111 = tpu.vector_load %arg6[%get3A_2110] {strides = array<i32>} : memref<1664xi32, #tpu.memory_space<vmem>>, vector<16xi32>,
        %get3A_2112 = vector.shape_cast %get3A_2111 : vector<16xi32> to vector<16xi32>
        %add3A_2113 = arith.addi %get3A_2112, %mul3A_275 : vector<16xi32>
        %swap3A_2114 = arith.constant 1600 : index
        %swap3A_2115 = tpu.vector_load %arg6[%swap3A_2114] {strides = array<i32>} : memref<1664xi32, #tpu.memory_space<vmem>>, vector<16xi32>,
        %swap3A_2116 = vector.shape_cast %swap3A_2115 : vector<16xi32> to vector<16xi32>
        %swap3A_2117 = vector.shape_cast %add3A_2113 : vector<16xi32> to vector<16xi32>
        tpu.vector_store %arg6[%swap3A_2114], %swap3A_2117 {strides = array<i32>} : memref<1664xi32, #tpu.memory_space<vmem>>, vector<16xi32>,
        %get3A_2118 = arith.constant 1616 : index
        %get3A_2119 = tpu.vector_load %arg6[%get3A_2118] {strides = array<i32>} : memref<1664xi32, #tpu.memory_space<vmem>>, vector<16xi32>,
        %get3A_2120 = vector.shape_cast %get3A_2119 : vector<16xi32> to vector<16xi32>
        %add3A_2121 = arith.addi %get3A_2120, %mul3A_303 : vector<16xi32>
        %swap3A_2122 = arith.constant 1616 : index
        %swap3A_2123 = tpu.vector_load %arg6[%swap3A_2122] {strides = array<i32>} : memref<1664xi32, #tpu.memory_space<vmem>>, vector<16xi32>,
        %swap3A_2124 = vector.shape_cast %swap3A_2123 : vector<16xi32> to vector<16xi32>
        %swap3A_2125 = vector.shape_cast %add3A_2121 : vector<16xi32> to vector<16xi32>
        tpu.vector_store %arg6[%swap3A_2122], %swap3A_2125 {strides = array<i32>} : memref<1664xi32, #tpu.memory_space<vmem>>, vector<16xi32>,
        %get3A_2126 = arith.constant 1632 : index
        %get3A_2127 = tpu.vector_load %arg6[%get3A_2126] {strides = array<i32>} : memref<1664xi32, #tpu.memory_space<vmem>>, vector<16xi32>,
        %get3A_2128 = vector.shape_cast %get3A_2127 : vector<16xi32> to vector<16xi32>
        %add3A_2129 = arith.addi %get3A_2128, %mul3A_331 : vector<16xi32>
        %swap3A_2130 = arith.constant 1632 : index
        %swap3A_2131 = tpu.vector_load %arg6[%swap3A_2130] {strides = array<i32>} : memref<1664xi32, #tpu.memory_space<vmem>>, vector<16xi32>,
        %swap3A_2132 = vector.shape_cast %swap3A_2131 : vector<16xi32> to vector<16xi32>
        %swap3A_2133 = vector.shape_cast %add3A_2129 : vector<16xi32> to vector<16xi32>
        tpu.vector_store %arg6[%swap3A_2130], %swap3A_2133 {strides = array<i32>} : memref<1664xi32, #tpu.memory_space<vmem>>, vector<16xi32>,
        %get3A_2134 = arith.constant 1648 : index
        %get3A_2135 = tpu.vector_load %arg6[%get3A_2134] {strides = array<i32>} : memref<1664xi32, #tpu.memory_space<vmem>>, vector<16xi32>,
        %get3A_2136 = vector.shape_cast %get3A_2135 : vector<16xi32> to vector<16xi32>
        %add3A_2137 = arith.addi %get3A_2136, %mul3A_359 : vector<16xi32>
        %swap3A_2138 = arith.constant 1648 : index
        %swap3A_2139 = tpu.vector_load %arg6[%swap3A_2138] {strides = array<i32>} : memref<1664xi32, #tpu.memory_space<vmem>>, vector<16xi32>,
        %swap3A_2140 = vector.shape_cast %swap3A_2139 : vector<16xi32> to vector<16xi32>
        %swap3A_2141 = vector.shape_cast %add3A_2137 : vector<16xi32> to vector<16xi32>
        tpu.vector_store %arg6[%swap3A_2138], %swap3A_2141 {strides = array<i32>} : memref<1664xi32, #tpu.memory_space<vmem>>, vector<16xi32>,
      } else {
      }
      %dma_wait3A_1227 = arith.constant 0 : i32
      %dma_wait3A_1228 = arith.constant 0 : i32
      %dma_wait3A_1229 = tpu.memref_slice %arg2[%scan3A, %dma_wait3A_1227, %dma_wait3A_1228] : memref<26x100000x16xf32, #tpu.memory_space<hbm>> -> memref<1x100000x16xf32, #tpu.memory_space<hbm>>
      %dma_wait3A_1230 = tpu.memref_squeeze %dma_wait3A_1229 : memref<1x100000x16xf32, #tpu.memory_space<hbm>> -> memref<100000x16xf32, #tpu.memory_space<hbm>>
      %dma_wait3A_1231 = arith.constant 0 : i32
      %dma_wait3A_1232 = arith.constant 0 : i32
      %dma_wait3A_1233 = tpu.memref_slice %dma_wait3A_1230[%dma_wait3A_1231, %dma_wait3A_1232] : memref<100000x16xf32, #tpu.memory_space<hbm>> -> memref<100000x16xf32, #tpu.memory_space<hbm>>
      tpu.wait_indirect_dma semaphore(%arg11 : memref<!tpu.dma_semaphore, #tpu.memory_space<semaphore_mem>>) src(%dma_wait3A_1233 : memref<100000x16xf32, #tpu.memory_space<hbm>>) dst(%arg7 : memref<1664x16xf32, #tpu.memory_space<vmem>>)
      %mul3A_1234 = arith.constant 1664 : i32
      %mul3A_1235 = arith.muli %mul3A_1221, %mul3A_1234 : i32
      %add3A_1236 = arith.addi %mul3A_2, %mul3A_1235 : i32
      %dma_start3A_1237 = arith.constant 0 : i32
      %dma_start3A_1238 = tpu.memref_slice %arg4[%add3A_1236, %dma_start3A_1237] : memref<5324800x16xf32, #tpu.memory_space<hbm>> -> memref<1664x16xf32, #tpu.memory_space<hbm>>
      %dma_start3A_1239 = arith.constant 0 : i32
      %dma_start3A_1240 = tpu.memref_slice %arg4[%add3A_1236, %dma_start3A_1239] : memref<5324800x16xf32, #tpu.memory_space<hbm>> -> memref<1664x16xf32, #tpu.memory_space<hbm>>
      tpu.enqueue_dma source(%arg7 : memref<1664x16xf32, #tpu.memory_space<vmem>>) target(%dma_start3A_1240 : memref<1664x16xf32, #tpu.memory_space<hbm>>) target_semaphore(%arg12 : memref<!tpu.dma_semaphore, #tpu.memory_space<semaphore_mem>>)
      %gt3A = arith.constant 0 : i32
      %gt3A_1241 = arith.cmpi sgt, %mul3A_1221, %gt3A : i32
      %convert_element_type3A_1242 = arith.extui %gt3A_1241 : i1 to i32
      %cond3A_1243 = arith.constant 0 : i32
      %cond3A_1244 = arith.cmpi ne, %convert_element_type3A_1242, %cond3A_1243 : i32
      scf.if %cond3A_1244 {
        %sub3A = arith.constant 1 : i32
        %sub3A_1303 = arith.subi %mul3A_1221, %sub3A : i32
        %mul3A_1304 = arith.constant 1664 : i32
        %mul3A_1305 = arith.muli %sub3A_1303, %mul3A_1304 : i32
        %add3A_1306 = arith.addi %mul3A_2, %mul3A_1305 : i32
        %dma_wait3A_1307 = arith.constant 0 : i32
        %dma_wait3A_1308 = tpu.memref_slice %arg4[%add3A_1306, %dma_wait3A_1307] : memref<5324800x16xf32, #tpu.memory_space<hbm>> -> memref<1664x16xf32, #tpu.memory_space<hbm>>
        %dma_wait3A_1309 = arith.constant 0 : i32
        %dma_wait3A_1310 = tpu.memref_slice %arg4[%add3A_1306, %dma_wait3A_1309] : memref<5324800x16xf32, #tpu.memory_space<hbm>> -> memref<1664x16xf32, #tpu.memory_space<hbm>>
        tpu.wait_dma2 semaphore(%arg13 : memref<!tpu.dma_semaphore, #tpu.memory_space<semaphore_mem>>) src(%arg8 : memref<1664x16xf32, #tpu.memory_space<vmem>>) dst(%dma_wait3A_1310 : memref<1664x16xf32, #tpu.memory_space<hbm>>)
      } else {
      }
      %add3A_1245 = arith.constant 1 : i32
      %add3A_1246 = arith.addi %mul3A_1221, %add3A_1245 : i32
      %lt3A_1247 = arith.constant 100 : i32
      %lt3A_1248 = arith.cmpi slt, %add3A_1246, %lt3A_1247 : i32
      %convert_element_type3A_1249 = arith.extui %lt3A_1248 : i1 to i32
      %cond3A_1250 = arith.constant 0 : i32
      %cond3A_1251 = arith.cmpi ne, %convert_element_type3A_1249, %cond3A_1250 : i32
      scf.if %cond3A_1251 {
        %dma_start3A_1303 = arith.constant 0 : i32
        %dma_start3A_1304 = arith.constant 0 : i32
        %dma_start3A_1305 = tpu.memref_slice %arg2[%scan3A, %dma_start3A_1303, %dma_start3A_1304] : memref<26x100000x16xf32, #tpu.memory_space<hbm>> -> memref<1x100000x16xf32, #tpu.memory_space<hbm>>
        %dma_start3A_1306 = tpu.memref_squeeze %dma_start3A_1305 : memref<1x100000x16xf32, #tpu.memory_space<hbm>> -> memref<100000x16xf32, #tpu.memory_space<hbm>>
        %dma_start3A_1307 = arith.constant 0 : i32
        %dma_start3A_1308 = arith.constant 0 : i32
        %dma_start3A_1309 = tpu.memref_slice %dma_start3A_1306[%dma_start3A_1307, %dma_start3A_1308] : memref<100000x16xf32, #tpu.memory_space<hbm>> -> memref<100000x16xf32, #tpu.memory_space<hbm>>
        tpu.enqueue_indirect_dma source(%dma_start3A_1309 : memref<100000x16xf32, #tpu.memory_space<hbm>>) target(%arg8 : memref<1664x16xf32, #tpu.memory_space<vmem>>) offsets(%arg6 : memref<1664xi32, #tpu.memory_space<vmem>>) semaphore(%arg11 : memref<!tpu.dma_semaphore, #tpu.memory_space<semaphore_mem>>)
      } else {
      }
      %add3A_1252 = arith.constant 2 : i32
      %add3A_1253 = arith.addi %mul3A_1221, %add3A_1252 : i32
      %lt3A_1254 = arith.constant 100 : i32
      %lt3A_1255 = arith.cmpi slt, %add3A_1253, %lt3A_1254 : i32
      %convert_element_type3A_1256 = arith.extui %lt3A_1255 : i1 to i32
      %cond3A_1257 = arith.constant 0 : i32
      %cond3A_1258 = arith.cmpi ne, %convert_element_type3A_1256, %cond3A_1257 : i32
      scf.if %cond3A_1258 {
        %add3A_1303 = arith.constant 2 : i32
        %add3A_1304 = arith.addi %mul3A_1221, %add3A_1303 : i32
        %mul3A_1305 = arith.constant 1664 : i32
        %mul3A_1306 = arith.muli %add3A_1304, %mul3A_1305 : i32
        %add3A_1307 = arith.addi %mul3A_2, %mul3A_1306 : i32
        %dma_start3A_1308 = tpu.memref_slice %arg3[%add3A_1307] : memref<5324800xi32, #tpu.memory_space<hbm>> -> memref<1664xi32, #tpu.memory_space<hbm>>
        %dma_start3A_1309 = tpu.memref_slice %arg3[%add3A_1307] : memref<5324800xi32, #tpu.memory_space<hbm>> -> memref<1664xi32, #tpu.memory_space<hbm>>
        tpu.enqueue_dma source(%dma_start3A_1309 : memref<1664xi32, #tpu.memory_space<hbm>>) target(%arg5 : memref<1664xi32, #tpu.memory_space<vmem>>) target_semaphore(%arg9 : memref<!tpu.dma_semaphore, #tpu.memory_space<semaphore_mem>>)
      } else {
      }
      %mul3A_1259 = arith.constant 2 : i32
      %mul3A_1260 = arith.muli %mul3A_1259, %scan3A_1219 : i32
      %add3A_1261 = arith.constant 1 : i32
      %add3A_1262 = arith.addi %mul3A_1260, %add3A_1261 : i32
      %add3A_1263 = arith.constant 1 : i32
      %add3A_1264 = arith.addi %add3A_1262, %add3A_1263 : i32
      %lt3A_1265 = arith.constant 100 : i32
      %lt3A_1266 = arith.cmpi slt, %add3A_1264, %lt3A_1265 : i32
      %convert_element_type3A_1267 = arith.extui %lt3A_1266 : i1 to i32
      %cond3A_1268 = arith.constant 0 : i32
      %cond3A_1269 = arith.cmpi ne, %convert_element_type3A_1267, %cond3A_1268 : i32
      scf.if %cond3A_1269 {
        %add3A_1303 = arith.constant 1 : i32
        %add3A_1304 = arith.addi %add3A_1262, %add3A_1303 : i32
        %mul3A_1305 = arith.constant 1664 : i32
        %mul3A_1306 = arith.muli %add3A_1304, %mul3A_1305 : i32
        %add3A_1307 = arith.addi %mul3A_2, %mul3A_1306 : i32
        %dma_wait3A_1308 = tpu.memref_slice %arg3[%add3A_1307] : memref<5324800xi32, #tpu.memory_space<hbm>> -> memref<1664xi32, #tpu.memory_space<hbm>>
        %dma_wait3A_1309 = tpu.memref_slice %arg3[%add3A_1307] : memref<5324800xi32, #tpu.memory_space<hbm>> -> memref<1664xi32, #tpu.memory_space<hbm>>
        tpu.wait_dma2 semaphore(%arg9 : memref<!tpu.dma_semaphore, #tpu.memory_space<semaphore_mem>>) src(%dma_wait3A_1309 : memref<1664xi32, #tpu.memory_space<hbm>>) dst(%arg5 : memref<1664xi32, #tpu.memory_space<vmem>>)
        %get3A_1310 = arith.constant 0 : index
        %get3A_1311 = tpu.vector_load %arg5[%get3A_1310] {strides = array<i32>} : memref<1664xi32, #tpu.memory_space<vmem>>, vector<16xi32>,
        %get3A_1312 = vector.shape_cast %get3A_1311 : vector<16xi32> to vector<16xi32>
        %add3A_1313 = arith.addi %get3A_1312, %mul3A_23 : vector<16xi32>
        %swap3A_1314 = arith.constant 0 : index
        %swap3A_1315 = tpu.vector_load %arg5[%swap3A_1314] {strides = array<i32>} : memref<1664xi32, #tpu.memory_space<vmem>>, vector<16xi32>,
        %swap3A_1316 = vector.shape_cast %swap3A_1315 : vector<16xi32> to vector<16xi32>
        %swap3A_1317 = vector.shape_cast %add3A_1313 : vector<16xi32> to vector<16xi32>
        tpu.vector_store %arg5[%swap3A_1314], %swap3A_1317 {strides = array<i32>} : memref<1664xi32, #tpu.memory_space<vmem>>, vector<16xi32>,
        %get3A_1318 = arith.constant 16 : index
        %get3A_1319 = tpu.vector_load %arg5[%get3A_1318] {strides = array<i32>} : memref<1664xi32, #tpu.memory_space<vmem>>, vector<16xi32>,
        %get3A_1320 = vector.shape_cast %get3A_1319 : vector<16xi32> to vector<16xi32>
        %add3A_1321 = arith.addi %get3A_1320, %mul3A_51 : vector<16xi32>
        %swap3A_1322 = arith.constant 16 : index
        %swap3A_1323 = tpu.vector_load %arg5[%swap3A_1322] {strides = array<i32>} : memref<1664xi32, #tpu.memory_space<vmem>>, vector<16xi32>,
        %swap3A_1324 = vector.shape_cast %swap3A_1323 : vector<16xi32> to vector<16xi32>
        %swap3A_1325 = vector.shape_cast %add3A_1321 : vector<16xi32> to vector<16xi32>
        tpu.vector_store %arg5[%swap3A_1322], %swap3A_1325 {strides = array<i32>} : memref<1664xi32, #tpu.memory_space<vmem>>, vector<16xi32>,
        %get3A_1326 = arith.constant 32 : index
        %get3A_1327 = tpu.vector_load %arg5[%get3A_1326] {strides = array<i32>} : memref<1664xi32, #tpu.memory_space<vmem>>, vector<16xi32>,
        %get3A_1328 = vector.shape_cast %get3A_1327 : vector<16xi32> to vector<16xi32>
        %add3A_1329 = arith.addi %get3A_1328, %mul3A_79 : vector<16xi32>
        %swap3A_1330 = arith.constant 32 : index
        %swap3A_1331 = tpu.vector_load %arg5[%swap3A_1330] {strides = array<i32>} : memref<1664xi32, #tpu.memory_space<vmem>>, vector<16xi32>,
        %swap3A_1332 = vector.shape_cast %swap3A_1331 : vector<16xi32> to vector<16xi32>
        %swap3A_1333 = vector.shape_cast %add3A_1329 : vector<16xi32> to vector<16xi32>
        tpu.vector_store %arg5[%swap3A_1330], %swap3A_1333 {strides = array<i32>} : memref<1664xi32, #tpu.memory_space<vmem>>, vector<16xi32>,
        %get3A_1334 = arith.constant 48 : index
        %get3A_1335 = tpu.vector_load %arg5[%get3A_1334] {strides = array<i32>} : memref<1664xi32, #tpu.memory_space<vmem>>, vector<16xi32>,
        %get3A_1336 = vector.shape_cast %get3A_1335 : vector<16xi32> to vector<16xi32>
        %add3A_1337 = arith.addi %get3A_1336, %mul3A_107 : vector<16xi32>
        %swap3A_1338 = arith.constant 48 : index
        %swap3A_1339 = tpu.vector_load %arg5[%swap3A_1338] {strides = array<i32>} : memref<1664xi32, #tpu.memory_space<vmem>>, vector<16xi32>,
        %swap3A_1340 = vector.shape_cast %swap3A_1339 : vector<16xi32> to vector<16xi32>
        %swap3A_1341 = vector.shape_cast %add3A_1337 : vector<16xi32> to vector<16xi32>
        tpu.vector_store %arg5[%swap3A_1338], %swap3A_1341 {strides = array<i32>} : memref<1664xi32, #tpu.memory_space<vmem>>, vector<16xi32>,
        %get3A_1342 = arith.constant 64 : index
        %get3A_1343 = tpu.vector_load %arg5[%get3A_1342] {strides = array<i32>} : memref<1664xi32, #tpu.memory_space<vmem>>, vector<16xi32>,
        %get3A_1344 = vector.shape_cast %get3A_1343 : vector<16xi32> to vector<16xi32>
        %add3A_1345 = arith.addi %get3A_1344, %mul3A_135 : vector<16xi32>
        %swap3A_1346 = arith.constant 64 : index
        %swap3A_1347 = tpu.vector_load %arg5[%swap3A_1346] {strides = array<i32>} : memref<1664xi32, #tpu.memory_space<vmem>>, vector<16xi32>,
        %swap3A_1348 = vector.shape_cast %swap3A_1347 : vector<16xi32> to vector<16xi32>
        %swap3A_1349 = vector.shape_cast %add3A_1345 : vector<16xi32> to vector<16xi32>
        tpu.vector_store %arg5[%swap3A_1346], %swap3A_1349 {strides = array<i32>} : memref<1664xi32, #tpu.memory_space<vmem>>, vector<16xi32>,
        %get3A_1350 = arith.constant 80 : index
        %get3A_1351 = tpu.vector_load %arg5[%get3A_1350] {strides = array<i32>} : memref<1664xi32, #tpu.memory_space<vmem>>, vector<16xi32>,
        %get3A_1352 = vector.shape_cast %get3A_1351 : vector<16xi32> to vector<16xi32>
        %add3A_1353 = arith.addi %get3A_1352, %mul3A_163 : vector<16xi32>
        %swap3A_1354 = arith.constant 80 : index
        %swap3A_1355 = tpu.vector_load %arg5[%swap3A_1354] {strides = array<i32>} : memref<1664xi32, #tpu.memory_space<vmem>>, vector<16xi32>,
        %swap3A_1356 = vector.shape_cast %swap3A_1355 : vector<16xi32> to vector<16xi32>
        %swap3A_1357 = vector.shape_cast %add3A_1353 : vector<16xi32> to vector<16xi32>
        tpu.vector_store %arg5[%swap3A_1354], %swap3A_1357 {strides = array<i32>} : memref<1664xi32, #tpu.memory_space<vmem>>, vector<16xi32>,
        %get3A_1358 = arith.constant 96 : index
        %get3A_1359 = tpu.vector_load %arg5[%get3A_1358] {strides = array<i32>} : memref<1664xi32, #tpu.memory_space<vmem>>, vector<16xi32>,
        %get3A_1360 = vector.shape_cast %get3A_1359 : vector<16xi32> to vector<16xi32>
        %add3A_1361 = arith.addi %get3A_1360, %mul3A_191 : vector<16xi32>
        %swap3A_1362 = arith.constant 96 : index
        %swap3A_1363 = tpu.vector_load %arg5[%swap3A_1362] {strides = array<i32>} : memref<1664xi32, #tpu.memory_space<vmem>>, vector<16xi32>,
        %swap3A_1364 = vector.shape_cast %swap3A_1363 : vector<16xi32> to vector<16xi32>
        %swap3A_1365 = vector.shape_cast %add3A_1361 : vector<16xi32> to vector<16xi32>
        tpu.vector_store %arg5[%swap3A_1362], %swap3A_1365 {strides = array<i32>} : memref<1664xi32, #tpu.memory_space<vmem>>, vector<16xi32>,
        %get3A_1366 = arith.constant 112 : index
        %get3A_1367 = tpu.vector_load %arg5[%get3A_1366] {strides = array<i32>} : memref<1664xi32, #tpu.memory_space<vmem>>, vector<16xi32>,
        %get3A_1368 = vector.shape_cast %get3A_1367 : vector<16xi32> to vector<16xi32>
        %add3A_1369 = arith.addi %get3A_1368, %mul3A_219 : vector<16xi32>
        %swap3A_1370 = arith.constant 112 : index
        %swap3A_1371 = tpu.vector_load %arg5[%swap3A_1370] {strides = array<i32>} : memref<1664xi32, #tpu.memory_space<vmem>>, vector<16xi32>,
        %swap3A_1372 = vector.shape_cast %swap3A_1371 : vector<16xi32> to vector<16xi32>
        %swap3A_1373 = vector.shape_cast %add3A_1369 : vector<16xi32> to vector<16xi32>
        tpu.vector_store %arg5[%swap3A_1370], %swap3A_1373 {strides = array<i32>} : memref<1664xi32, #tpu.memory_space<vmem>>, vector<16xi32>,
        %get3A_1374 = arith.constant 128 : index
        %get3A_1375 = tpu.vector_load %arg5[%get3A_1374] {strides = array<i32>} : memref<1664xi32, #tpu.memory_space<vmem>>, vector<16xi32>,
        %get3A_1376 = vector.shape_cast %get3A_1375 : vector<16xi32> to vector<16xi32>
        %add3A_1377 = arith.addi %get3A_1376, %mul3A_247 : vector<16xi32>
        %swap3A_1378 = arith.constant 128 : index
        %swap3A_1379 = tpu.vector_load %arg5[%swap3A_1378] {strides = array<i32>} : memref<1664xi32, #tpu.memory_space<vmem>>, vector<16xi32>,
        %swap3A_1380 = vector.shape_cast %swap3A_1379 : vector<16xi32> to vector<16xi32>
        %swap3A_1381 = vector.shape_cast %add3A_1377 : vector<16xi32> to vector<16xi32>
        tpu.vector_store %arg5[%swap3A_1378], %swap3A_1381 {strides = array<i32>} : memref<1664xi32, #tpu.memory_space<vmem>>, vector<16xi32>,
        %get3A_1382 = arith.constant 144 : index
        %get3A_1383 = tpu.vector_load %arg5[%get3A_1382] {strides = array<i32>} : memref<1664xi32, #tpu.memory_space<vmem>>, vector<16xi32>,
        %get3A_1384 = vector.shape_cast %get3A_1383 : vector<16xi32> to vector<16xi32>
        %add3A_1385 = arith.addi %get3A_1384, %mul3A_275 : vector<16xi32>
        %swap3A_1386 = arith.constant 144 : index
        %swap3A_1387 = tpu.vector_load %arg5[%swap3A_1386] {strides = array<i32>} : memref<1664xi32, #tpu.memory_space<vmem>>, vector<16xi32>,
        %swap3A_1388 = vector.shape_cast %swap3A_1387 : vector<16xi32> to vector<16xi32>
        %swap3A_1389 = vector.shape_cast %add3A_1385 : vector<16xi32> to vector<16xi32>
        tpu.vector_store %arg5[%swap3A_1386], %swap3A_1389 {strides = array<i32>} : memref<1664xi32, #tpu.memory_space<vmem>>, vector<16xi32>,
        %get3A_1390 = arith.constant 160 : index
        %get3A_1391 = tpu.vector_load %arg5[%get3A_1390] {strides = array<i32>} : memref<1664xi32, #tpu.memory_space<vmem>>, vector<16xi32>,
        %get3A_1392 = vector.shape_cast %get3A_1391 : vector<16xi32> to vector<16xi32>
        %add3A_1393 = arith.addi %get3A_1392, %mul3A_303 : vector<16xi32>
        %swap3A_1394 = arith.constant 160 : index
        %swap3A_1395 = tpu.vector_load %arg5[%swap3A_1394] {strides = array<i32>} : memref<1664xi32, #tpu.memory_space<vmem>>, vector<16xi32>,
        %swap3A_1396 = vector.shape_cast %swap3A_1395 : vector<16xi32> to vector<16xi32>
        %swap3A_1397 = vector.shape_cast %add3A_1393 : vector<16xi32> to vector<16xi32>
        tpu.vector_store %arg5[%swap3A_1394], %swap3A_1397 {strides = array<i32>} : memref<1664xi32, #tpu.memory_space<vmem>>, vector<16xi32>,
        %get3A_1398 = arith.constant 176 : index
        %get3A_1399 = tpu.vector_load %arg5[%get3A_1398] {strides = array<i32>} : memref<1664xi32, #tpu.memory_space<vmem>>, vector<16xi32>,
        %get3A_1400 = vector.shape_cast %get3A_1399 : vector<16xi32> to vector<16xi32>
        %add3A_1401 = arith.addi %get3A_1400, %mul3A_331 : vector<16xi32>
        %swap3A_1402 = arith.constant 176 : index
        %swap3A_1403 = tpu.vector_load %arg5[%swap3A_1402] {strides = array<i32>} : memref<1664xi32, #tpu.memory_space<vmem>>, vector<16xi32>,
        %swap3A_1404 = vector.shape_cast %swap3A_1403 : vector<16xi32> to vector<16xi32>
        %swap3A_1405 = vector.shape_cast %add3A_1401 : vector<16xi32> to vector<16xi32>
        tpu.vector_store %arg5[%swap3A_1402], %swap3A_1405 {strides = array<i32>} : memref<1664xi32, #tpu.memory_space<vmem>>, vector<16xi32>,
        %get3A_1406 = arith.constant 192 : index
        %get3A_1407 = tpu.vector_load %arg5[%get3A_1406] {strides = array<i32>} : memref<1664xi32, #tpu.memory_space<vmem>>, vector<16xi32>,
        %get3A_1408 = vector.shape_cast %get3A_1407 : vector<16xi32> to vector<16xi32>
        %add3A_1409 = arith.addi %get3A_1408, %mul3A_359 : vector<16xi32>
        %swap3A_1410 = arith.constant 192 : index
        %swap3A_1411 = tpu.vector_load %arg5[%swap3A_1410] {strides = array<i32>} : memref<1664xi32, #tpu.memory_space<vmem>>, vector<16xi32>,
        %swap3A_1412 = vector.shape_cast %swap3A_1411 : vector<16xi32> to vector<16xi32>
        %swap3A_1413 = vector.shape_cast %add3A_1409 : vector<16xi32> to vector<16xi32>
        tpu.vector_store %arg5[%swap3A_1410], %swap3A_1413 {strides = array<i32>} : memref<1664xi32, #tpu.memory_space<vmem>>, vector<16xi32>,
        %get3A_1414 = arith.constant 208 : index
        %get3A_1415 = tpu.vector_load %arg5[%get3A_1414] {strides = array<i32>} : memref<1664xi32, #tpu.memory_space<vmem>>, vector<16xi32>,
        %get3A_1416 = vector.shape_cast %get3A_1415 : vector<16xi32> to vector<16xi32>
        %add3A_1417 = arith.addi %get3A_1416, %mul3A_23 : vector<16xi32>
        %swap3A_1418 = arith.constant 208 : index
        %swap3A_1419 = tpu.vector_load %arg5[%swap3A_1418] {strides = array<i32>} : memref<1664xi32, #tpu.memory_space<vmem>>, vector<16xi32>,
        %swap3A_1420 = vector.shape_cast %swap3A_1419 : vector<16xi32> to vector<16xi32>
        %swap3A_1421 = vector.shape_cast %add3A_1417 : vector<16xi32> to vector<16xi32>
        tpu.vector_store %arg5[%swap3A_1418], %swap3A_1421 {strides = array<i32>} : memref<1664xi32, #tpu.memory_space<vmem>>, vector<16xi32>,
        %get3A_1422 = arith.constant 224 : index
        %get3A_1423 = tpu.vector_load %arg5[%get3A_1422] {strides = array<i32>} : memref<1664xi32, #tpu.memory_space<vmem>>, vector<16xi32>,
        %get3A_1424 = vector.shape_cast %get3A_1423 : vector<16xi32> to vector<16xi32>
        %add3A_1425 = arith.addi %get3A_1424, %mul3A_51 : vector<16xi32>
        %swap3A_1426 = arith.constant 224 : index
        %swap3A_1427 = tpu.vector_load %arg5[%swap3A_1426] {strides = array<i32>} : memref<1664xi32, #tpu.memory_space<vmem>>, vector<16xi32>,
        %swap3A_1428 = vector.shape_cast %swap3A_1427 : vector<16xi32> to vector<16xi32>
        %swap3A_1429 = vector.shape_cast %add3A_1425 : vector<16xi32> to vector<16xi32>
        tpu.vector_store %arg5[%swap3A_1426], %swap3A_1429 {strides = array<i32>} : memref<1664xi32, #tpu.memory_space<vmem>>, vector<16xi32>,
        %get3A_1430 = arith.constant 240 : index
        %get3A_1431 = tpu.vector_load %arg5[%get3A_1430] {strides = array<i32>} : memref<1664xi32, #tpu.memory_space<vmem>>, vector<16xi32>,
        %get3A_1432 = vector.shape_cast %get3A_1431 : vector<16xi32> to vector<16xi32>
        %add3A_1433 = arith.addi %get3A_1432, %mul3A_79 : vector<16xi32>
        %swap3A_1434 = arith.constant 240 : index
        %swap3A_1435 = tpu.vector_load %arg5[%swap3A_1434] {strides = array<i32>} : memref<1664xi32, #tpu.memory_space<vmem>>, vector<16xi32>,
        %swap3A_1436 = vector.shape_cast %swap3A_1435 : vector<16xi32> to vector<16xi32>
        %swap3A_1437 = vector.shape_cast %add3A_1433 : vector<16xi32> to vector<16xi32>
        tpu.vector_store %arg5[%swap3A_1434], %swap3A_1437 {strides = array<i32>} : memref<1664xi32, #tpu.memory_space<vmem>>, vector<16xi32>,
        %get3A_1438 = arith.constant 256 : index
        %get3A_1439 = tpu.vector_load %arg5[%get3A_1438] {strides = array<i32>} : memref<1664xi32, #tpu.memory_space<vmem>>, vector<16xi32>,
        %get3A_1440 = vector.shape_cast %get3A_1439 : vector<16xi32> to vector<16xi32>
        %add3A_1441 = arith.addi %get3A_1440, %mul3A_107 : vector<16xi32>
        %swap3A_1442 = arith.constant 256 : index
        %swap3A_1443 = tpu.vector_load %arg5[%swap3A_1442] {strides = array<i32>} : memref<1664xi32, #tpu.memory_space<vmem>>, vector<16xi32>,
        %swap3A_1444 = vector.shape_cast %swap3A_1443 : vector<16xi32> to vector<16xi32>
        %swap3A_1445 = vector.shape_cast %add3A_1441 : vector<16xi32> to vector<16xi32>
        tpu.vector_store %arg5[%swap3A_1442], %swap3A_1445 {strides = array<i32>} : memref<1664xi32, #tpu.memory_space<vmem>>, vector<16xi32>,
        %get3A_1446 = arith.constant 272 : index
        %get3A_1447 = tpu.vector_load %arg5[%get3A_1446] {strides = array<i32>} : memref<1664xi32, #tpu.memory_space<vmem>>, vector<16xi32>,
        %get3A_1448 = vector.shape_cast %get3A_1447 : vector<16xi32> to vector<16xi32>
        %add3A_1449 = arith.addi %get3A_1448, %mul3A_135 : vector<16xi32>
        %swap3A_1450 = arith.constant 272 : index
        %swap3A_1451 = tpu.vector_load %arg5[%swap3A_1450] {strides = array<i32>} : memref<1664xi32, #tpu.memory_space<vmem>>, vector<16xi32>,
        %swap3A_1452 = vector.shape_cast %swap3A_1451 : vector<16xi32> to vector<16xi32>
        %swap3A_1453 = vector.shape_cast %add3A_1449 : vector<16xi32> to vector<16xi32>
        tpu.vector_store %arg5[%swap3A_1450], %swap3A_1453 {strides = array<i32>} : memref<1664xi32, #tpu.memory_space<vmem>>, vector<16xi32>,
        %get3A_1454 = arith.constant 288 : index
        %get3A_1455 = tpu.vector_load %arg5[%get3A_1454] {strides = array<i32>} : memref<1664xi32, #tpu.memory_space<vmem>>, vector<16xi32>,
        %get3A_1456 = vector.shape_cast %get3A_1455 : vector<16xi32> to vector<16xi32>
        %add3A_1457 = arith.addi %get3A_1456, %mul3A_163 : vector<16xi32>
        %swap3A_1458 = arith.constant 288 : index
        %swap3A_1459 = tpu.vector_load %arg5[%swap3A_1458] {strides = array<i32>} : memref<1664xi32, #tpu.memory_space<vmem>>, vector<16xi32>,
        %swap3A_1460 = vector.shape_cast %swap3A_1459 : vector<16xi32> to vector<16xi32>
        %swap3A_1461 = vector.shape_cast %add3A_1457 : vector<16xi32> to vector<16xi32>
        tpu.vector_store %arg5[%swap3A_1458], %swap3A_1461 {strides = array<i32>} : memref<1664xi32, #tpu.memory_space<vmem>>, vector<16xi32>,
        %get3A_1462 = arith.constant 304 : index
        %get3A_1463 = tpu.vector_load %arg5[%get3A_1462] {strides = array<i32>} : memref<1664xi32, #tpu.memory_space<vmem>>, vector<16xi32>,
        %get3A_1464 = vector.shape_cast %get3A_1463 : vector<16xi32> to vector<16xi32>
        %add3A_1465 = arith.addi %get3A_1464, %mul3A_191 : vector<16xi32>
        %swap3A_1466 = arith.constant 304 : index
        %swap3A_1467 = tpu.vector_load %arg5[%swap3A_1466] {strides = array<i32>} : memref<1664xi32, #tpu.memory_space<vmem>>, vector<16xi32>,
        %swap3A_1468 = vector.shape_cast %swap3A_1467 : vector<16xi32> to vector<16xi32>
        %swap3A_1469 = vector.shape_cast %add3A_1465 : vector<16xi32> to vector<16xi32>
        tpu.vector_store %arg5[%swap3A_1466], %swap3A_1469 {strides = array<i32>} : memref<1664xi32, #tpu.memory_space<vmem>>, vector<16xi32>,
        %get3A_1470 = arith.constant 320 : index
        %get3A_1471 = tpu.vector_load %arg5[%get3A_1470] {strides = array<i32>} : memref<1664xi32, #tpu.memory_space<vmem>>, vector<16xi32>,
        %get3A_1472 = vector.shape_cast %get3A_1471 : vector<16xi32> to vector<16xi32>
        %add3A_1473 = arith.addi %get3A_1472, %mul3A_219 : vector<16xi32>
        %swap3A_1474 = arith.constant 320 : index
        %swap3A_1475 = tpu.vector_load %arg5[%swap3A_1474] {strides = array<i32>} : memref<1664xi32, #tpu.memory_space<vmem>>, vector<16xi32>,
        %swap3A_1476 = vector.shape_cast %swap3A_1475 : vector<16xi32> to vector<16xi32>
        %swap3A_1477 = vector.shape_cast %add3A_1473 : vector<16xi32> to vector<16xi32>
        tpu.vector_store %arg5[%swap3A_1474], %swap3A_1477 {strides = array<i32>} : memref<1664xi32, #tpu.memory_space<vmem>>, vector<16xi32>,
        %get3A_1478 = arith.constant 336 : index
        %get3A_1479 = tpu.vector_load %arg5[%get3A_1478] {strides = array<i32>} : memref<1664xi32, #tpu.memory_space<vmem>>, vector<16xi32>,
        %get3A_1480 = vector.shape_cast %get3A_1479 : vector<16xi32> to vector<16xi32>
        %add3A_1481 = arith.addi %get3A_1480, %mul3A_247 : vector<16xi32>
        %swap3A_1482 = arith.constant 336 : index
        %swap3A_1483 = tpu.vector_load %arg5[%swap3A_1482] {strides = array<i32>} : memref<1664xi32, #tpu.memory_space<vmem>>, vector<16xi32>,
        %swap3A_1484 = vector.shape_cast %swap3A_1483 : vector<16xi32> to vector<16xi32>
        %swap3A_1485 = vector.shape_cast %add3A_1481 : vector<16xi32> to vector<16xi32>
        tpu.vector_store %arg5[%swap3A_1482], %swap3A_1485 {strides = array<i32>} : memref<1664xi32, #tpu.memory_space<vmem>>, vector<16xi32>,
        %get3A_1486 = arith.constant 352 : index
        %get3A_1487 = tpu.vector_load %arg5[%get3A_1486] {strides = array<i32>} : memref<1664xi32, #tpu.memory_space<vmem>>, vector<16xi32>,
        %get3A_1488 = vector.shape_cast %get3A_1487 : vector<16xi32> to vector<16xi32>
        %add3A_1489 = arith.addi %get3A_1488, %mul3A_275 : vector<16xi32>
        %swap3A_1490 = arith.constant 352 : index
        %swap3A_1491 = tpu.vector_load %arg5[%swap3A_1490] {strides = array<i32>} : memref<1664xi32, #tpu.memory_space<vmem>>, vector<16xi32>,
        %swap3A_1492 = vector.shape_cast %swap3A_1491 : vector<16xi32> to vector<16xi32>
        %swap3A_1493 = vector.shape_cast %add3A_1489 : vector<16xi32> to vector<16xi32>
        tpu.vector_store %arg5[%swap3A_1490], %swap3A_1493 {strides = array<i32>} : memref<1664xi32, #tpu.memory_space<vmem>>, vector<16xi32>,
        %get3A_1494 = arith.constant 368 : index
        %get3A_1495 = tpu.vector_load %arg5[%get3A_1494] {strides = array<i32>} : memref<1664xi32, #tpu.memory_space<vmem>>, vector<16xi32>,
        %get3A_1496 = vector.shape_cast %get3A_1495 : vector<16xi32> to vector<16xi32>
        %add3A_1497 = arith.addi %get3A_1496, %mul3A_303 : vector<16xi32>
        %swap3A_1498 = arith.constant 368 : index
        %swap3A_1499 = tpu.vector_load %arg5[%swap3A_1498] {strides = array<i32>} : memref<1664xi32, #tpu.memory_space<vmem>>, vector<16xi32>,
        %swap3A_1500 = vector.shape_cast %swap3A_1499 : vector<16xi32> to vector<16xi32>
        %swap3A_1501 = vector.shape_cast %add3A_1497 : vector<16xi32> to vector<16xi32>
        tpu.vector_store %arg5[%swap3A_1498], %swap3A_1501 {strides = array<i32>} : memref<1664xi32, #tpu.memory_space<vmem>>, vector<16xi32>,
        %get3A_1502 = arith.constant 384 : index
        %get3A_1503 = tpu.vector_load %arg5[%get3A_1502] {strides = array<i32>} : memref<1664xi32, #tpu.memory_space<vmem>>, vector<16xi32>,
        %get3A_1504 = vector.shape_cast %get3A_1503 : vector<16xi32> to vector<16xi32>
        %add3A_1505 = arith.addi %get3A_1504, %mul3A_331 : vector<16xi32>
        %swap3A_1506 = arith.constant 384 : index
        %swap3A_1507 = tpu.vector_load %arg5[%swap3A_1506] {strides = array<i32>} : memref<1664xi32, #tpu.memory_space<vmem>>, vector<16xi32>,
        %swap3A_1508 = vector.shape_cast %swap3A_1507 : vector<16xi32> to vector<16xi32>
        %swap3A_1509 = vector.shape_cast %add3A_1505 : vector<16xi32> to vector<16xi32>
        tpu.vector_store %arg5[%swap3A_1506], %swap3A_1509 {strides = array<i32>} : memref<1664xi32, #tpu.memory_space<vmem>>, vector<16xi32>,
        %get3A_1510 = arith.constant 400 : index
        %get3A_1511 = tpu.vector_load %arg5[%get3A_1510] {strides = array<i32>} : memref<1664xi32, #tpu.memory_space<vmem>>, vector<16xi32>,
        %get3A_1512 = vector.shape_cast %get3A_1511 : vector<16xi32> to vector<16xi32>
        %add3A_1513 = arith.addi %get3A_1512, %mul3A_359 : vector<16xi32>
        %swap3A_1514 = arith.constant 400 : index
        %swap3A_1515 = tpu.vector_load %arg5[%swap3A_1514] {strides = array<i32>} : memref<1664xi32, #tpu.memory_space<vmem>>, vector<16xi32>,
        %swap3A_1516 = vector.shape_cast %swap3A_1515 : vector<16xi32> to vector<16xi32>
        %swap3A_1517 = vector.shape_cast %add3A_1513 : vector<16xi32> to vector<16xi32>
        tpu.vector_store %arg5[%swap3A_1514], %swap3A_1517 {strides = array<i32>} : memref<1664xi32, #tpu.memory_space<vmem>>, vector<16xi32>,
        %get3A_1518 = arith.constant 416 : index
        %get3A_1519 = tpu.vector_load %arg5[%get3A_1518] {strides = array<i32>} : memref<1664xi32, #tpu.memory_space<vmem>>, vector<16xi32>,
        %get3A_1520 = vector.shape_cast %get3A_1519 : vector<16xi32> to vector<16xi32>
        %add3A_1521 = arith.addi %get3A_1520, %mul3A_23 : vector<16xi32>
        %swap3A_1522 = arith.constant 416 : index
        %swap3A_1523 = tpu.vector_load %arg5[%swap3A_1522] {strides = array<i32>} : memref<1664xi32, #tpu.memory_space<vmem>>, vector<16xi32>,
        %swap3A_1524 = vector.shape_cast %swap3A_1523 : vector<16xi32> to vector<16xi32>
        %swap3A_1525 = vector.shape_cast %add3A_1521 : vector<16xi32> to vector<16xi32>
        tpu.vector_store %arg5[%swap3A_1522], %swap3A_1525 {strides = array<i32>} : memref<1664xi32, #tpu.memory_space<vmem>>, vector<16xi32>,
        %get3A_1526 = arith.constant 432 : index
        %get3A_1527 = tpu.vector_load %arg5[%get3A_1526] {strides = array<i32>} : memref<1664xi32, #tpu.memory_space<vmem>>, vector<16xi32>,
        %get3A_1528 = vector.shape_cast %get3A_1527 : vector<16xi32> to vector<16xi32>
        %add3A_1529 = arith.addi %get3A_1528, %mul3A_51 : vector<16xi32>
        %swap3A_1530 = arith.constant 432 : index
        %swap3A_1531 = tpu.vector_load %arg5[%swap3A_1530] {strides = array<i32>} : memref<1664xi32, #tpu.memory_space<vmem>>, vector<16xi32>,
        %swap3A_1532 = vector.shape_cast %swap3A_1531 : vector<16xi32> to vector<16xi32>
        %swap3A_1533 = vector.shape_cast %add3A_1529 : vector<16xi32> to vector<16xi32>
        tpu.vector_store %arg5[%swap3A_1530], %swap3A_1533 {strides = array<i32>} : memref<1664xi32, #tpu.memory_space<vmem>>, vector<16xi32>,
        %get3A_1534 = arith.constant 448 : index
        %get3A_1535 = tpu.vector_load %arg5[%get3A_1534] {strides = array<i32>} : memref<1664xi32, #tpu.memory_space<vmem>>, vector<16xi32>,
        %get3A_1536 = vector.shape_cast %get3A_1535 : vector<16xi32> to vector<16xi32>
        %add3A_1537 = arith.addi %get3A_1536, %mul3A_79 : vector<16xi32>
        %swap3A_1538 = arith.constant 448 : index
        %swap3A_1539 = tpu.vector_load %arg5[%swap3A_1538] {strides = array<i32>} : memref<1664xi32, #tpu.memory_space<vmem>>, vector<16xi32>,
        %swap3A_1540 = vector.shape_cast %swap3A_1539 : vector<16xi32> to vector<16xi32>
        %swap3A_1541 = vector.shape_cast %add3A_1537 : vector<16xi32> to vector<16xi32>
        tpu.vector_store %arg5[%swap3A_1538], %swap3A_1541 {strides = array<i32>} : memref<1664xi32, #tpu.memory_space<vmem>>, vector<16xi32>,
        %get3A_1542 = arith.constant 464 : index
        %get3A_1543 = tpu.vector_load %arg5[%get3A_1542] {strides = array<i32>} : memref<1664xi32, #tpu.memory_space<vmem>>, vector<16xi32>,
        %get3A_1544 = vector.shape_cast %get3A_1543 : vector<16xi32> to vector<16xi32>
        %add3A_1545 = arith.addi %get3A_1544, %mul3A_107 : vector<16xi32>
        %swap3A_1546 = arith.constant 464 : index
        %swap3A_1547 = tpu.vector_load %arg5[%swap3A_1546] {strides = array<i32>} : memref<1664xi32, #tpu.memory_space<vmem>>, vector<16xi32>,
        %swap3A_1548 = vector.shape_cast %swap3A_1547 : vector<16xi32> to vector<16xi32>
        %swap3A_1549 = vector.shape_cast %add3A_1545 : vector<16xi32> to vector<16xi32>
        tpu.vector_store %arg5[%swap3A_1546], %swap3A_1549 {strides = array<i32>} : memref<1664xi32, #tpu.memory_space<vmem>>, vector<16xi32>,
        %get3A_1550 = arith.constant 480 : index
        %get3A_1551 = tpu.vector_load %arg5[%get3A_1550] {strides = array<i32>} : memref<1664xi32, #tpu.memory_space<vmem>>, vector<16xi32>,
        %get3A_1552 = vector.shape_cast %get3A_1551 : vector<16xi32> to vector<16xi32>
        %add3A_1553 = arith.addi %get3A_1552, %mul3A_135 : vector<16xi32>
        %swap3A_1554 = arith.constant 480 : index
        %swap3A_1555 = tpu.vector_load %arg5[%swap3A_1554] {strides = array<i32>} : memref<1664xi32, #tpu.memory_space<vmem>>, vector<16xi32>,
        %swap3A_1556 = vector.shape_cast %swap3A_1555 : vector<16xi32> to vector<16xi32>
        %swap3A_1557 = vector.shape_cast %add3A_1553 : vector<16xi32> to vector<16xi32>
        tpu.vector_store %arg5[%swap3A_1554], %swap3A_1557 {strides = array<i32>} : memref<1664xi32, #tpu.memory_space<vmem>>, vector<16xi32>,
        %get3A_1558 = arith.constant 496 : index
        %get3A_1559 = tpu.vector_load %arg5[%get3A_1558] {strides = array<i32>} : memref<1664xi32, #tpu.memory_space<vmem>>, vector<16xi32>,
        %get3A_1560 = vector.shape_cast %get3A_1559 : vector<16xi32> to vector<16xi32>
        %add3A_1561 = arith.addi %get3A_1560, %mul3A_163 : vector<16xi32>
        %swap3A_1562 = arith.constant 496 : index
        %swap3A_1563 = tpu.vector_load %arg5[%swap3A_1562] {strides = array<i32>} : memref<1664xi32, #tpu.memory_space<vmem>>, vector<16xi32>,
        %swap3A_1564 = vector.shape_cast %swap3A_1563 : vector<16xi32> to vector<16xi32>
        %swap3A_1565 = vector.shape_cast %add3A_1561 : vector<16xi32> to vector<16xi32>
        tpu.vector_store %arg5[%swap3A_1562], %swap3A_1565 {strides = array<i32>} : memref<1664xi32, #tpu.memory_space<vmem>>, vector<16xi32>,
        %get3A_1566 = arith.constant 512 : index
        %get3A_1567 = tpu.vector_load %arg5[%get3A_1566] {strides = array<i32>} : memref<1664xi32, #tpu.memory_space<vmem>>, vector<16xi32>,
        %get3A_1568 = vector.shape_cast %get3A_1567 : vector<16xi32> to vector<16xi32>
        %add3A_1569 = arith.addi %get3A_1568, %mul3A_191 : vector<16xi32>
        %swap3A_1570 = arith.constant 512 : index
        %swap3A_1571 = tpu.vector_load %arg5[%swap3A_1570] {strides = array<i32>} : memref<1664xi32, #tpu.memory_space<vmem>>, vector<16xi32>,
        %swap3A_1572 = vector.shape_cast %swap3A_1571 : vector<16xi32> to vector<16xi32>
        %swap3A_1573 = vector.shape_cast %add3A_1569 : vector<16xi32> to vector<16xi32>
        tpu.vector_store %arg5[%swap3A_1570], %swap3A_1573 {strides = array<i32>} : memref<1664xi32, #tpu.memory_space<vmem>>, vector<16xi32>,
        %get3A_1574 = arith.constant 528 : index
        %get3A_1575 = tpu.vector_load %arg5[%get3A_1574] {strides = array<i32>} : memref<1664xi32, #tpu.memory_space<vmem>>, vector<16xi32>,
        %get3A_1576 = vector.shape_cast %get3A_1575 : vector<16xi32> to vector<16xi32>
        %add3A_1577 = arith.addi %get3A_1576, %mul3A_219 : vector<16xi32>
        %swap3A_1578 = arith.constant 528 : index
        %swap3A_1579 = tpu.vector_load %arg5[%swap3A_1578] {strides = array<i32>} : memref<1664xi32, #tpu.memory_space<vmem>>, vector<16xi32>,
        %swap3A_1580 = vector.shape_cast %swap3A_1579 : vector<16xi32> to vector<16xi32>
        %swap3A_1581 = vector.shape_cast %add3A_1577 : vector<16xi32> to vector<16xi32>
        tpu.vector_store %arg5[%swap3A_1578], %swap3A_1581 {strides = array<i32>} : memref<1664xi32, #tpu.memory_space<vmem>>, vector<16xi32>,
        %get3A_1582 = arith.constant 544 : index
        %get3A_1583 = tpu.vector_load %arg5[%get3A_1582] {strides = array<i32>} : memref<1664xi32, #tpu.memory_space<vmem>>, vector<16xi32>,
        %get3A_1584 = vector.shape_cast %get3A_1583 : vector<16xi32> to vector<16xi32>
        %add3A_1585 = arith.addi %get3A_1584, %mul3A_247 : vector<16xi32>
        %swap3A_1586 = arith.constant 544 : index
        %swap3A_1587 = tpu.vector_load %arg5[%swap3A_1586] {strides = array<i32>} : memref<1664xi32, #tpu.memory_space<vmem>>, vector<16xi32>,
        %swap3A_1588 = vector.shape_cast %swap3A_1587 : vector<16xi32> to vector<16xi32>
        %swap3A_1589 = vector.shape_cast %add3A_1585 : vector<16xi32> to vector<16xi32>
        tpu.vector_store %arg5[%swap3A_1586], %swap3A_1589 {strides = array<i32>} : memref<1664xi32, #tpu.memory_space<vmem>>, vector<16xi32>,
        %get3A_1590 = arith.constant 560 : index
        %get3A_1591 = tpu.vector_load %arg5[%get3A_1590] {strides = array<i32>} : memref<1664xi32, #tpu.memory_space<vmem>>, vector<16xi32>,
        %get3A_1592 = vector.shape_cast %get3A_1591 : vector<16xi32> to vector<16xi32>
        %add3A_1593 = arith.addi %get3A_1592, %mul3A_275 : vector<16xi32>
        %swap3A_1594 = arith.constant 560 : index
        %swap3A_1595 = tpu.vector_load %arg5[%swap3A_1594] {strides = array<i32>} : memref<1664xi32, #tpu.memory_space<vmem>>, vector<16xi32>,
        %swap3A_1596 = vector.shape_cast %swap3A_1595 : vector<16xi32> to vector<16xi32>
        %swap3A_1597 = vector.shape_cast %add3A_1593 : vector<16xi32> to vector<16xi32>
        tpu.vector_store %arg5[%swap3A_1594], %swap3A_1597 {strides = array<i32>} : memref<1664xi32, #tpu.memory_space<vmem>>, vector<16xi32>,
        %get3A_1598 = arith.constant 576 : index
        %get3A_1599 = tpu.vector_load %arg5[%get3A_1598] {strides = array<i32>} : memref<1664xi32, #tpu.memory_space<vmem>>, vector<16xi32>,
        %get3A_1600 = vector.shape_cast %get3A_1599 : vector<16xi32> to vector<16xi32>
        %add3A_1601 = arith.addi %get3A_1600, %mul3A_303 : vector<16xi32>
        %swap3A_1602 = arith.constant 576 : index
        %swap3A_1603 = tpu.vector_load %arg5[%swap3A_1602] {strides = array<i32>} : memref<1664xi32, #tpu.memory_space<vmem>>, vector<16xi32>,
        %swap3A_1604 = vector.shape_cast %swap3A_1603 : vector<16xi32> to vector<16xi32>
        %swap3A_1605 = vector.shape_cast %add3A_1601 : vector<16xi32> to vector<16xi32>
        tpu.vector_store %arg5[%swap3A_1602], %swap3A_1605 {strides = array<i32>} : memref<1664xi32, #tpu.memory_space<vmem>>, vector<16xi32>,
        %get3A_1606 = arith.constant 592 : index
        %get3A_1607 = tpu.vector_load %arg5[%get3A_1606] {strides = array<i32>} : memref<1664xi32, #tpu.memory_space<vmem>>, vector<16xi32>,
        %get3A_1608 = vector.shape_cast %get3A_1607 : vector<16xi32> to vector<16xi32>
        %add3A_1609 = arith.addi %get3A_1608, %mul3A_331 : vector<16xi32>
        %swap3A_1610 = arith.constant 592 : index
        %swap3A_1611 = tpu.vector_load %arg5[%swap3A_1610] {strides = array<i32>} : memref<1664xi32, #tpu.memory_space<vmem>>, vector<16xi32>,
        %swap3A_1612 = vector.shape_cast %swap3A_1611 : vector<16xi32> to vector<16xi32>
        %swap3A_1613 = vector.shape_cast %add3A_1609 : vector<16xi32> to vector<16xi32>
        tpu.vector_store %arg5[%swap3A_1610], %swap3A_1613 {strides = array<i32>} : memref<1664xi32, #tpu.memory_space<vmem>>, vector<16xi32>,
        %get3A_1614 = arith.constant 608 : index
        %get3A_1615 = tpu.vector_load %arg5[%get3A_1614] {strides = array<i32>} : memref<1664xi32, #tpu.memory_space<vmem>>, vector<16xi32>,
        %get3A_1616 = vector.shape_cast %get3A_1615 : vector<16xi32> to vector<16xi32>
        %add3A_1617 = arith.addi %get3A_1616, %mul3A_359 : vector<16xi32>
        %swap3A_1618 = arith.constant 608 : index
        %swap3A_1619 = tpu.vector_load %arg5[%swap3A_1618] {strides = array<i32>} : memref<1664xi32, #tpu.memory_space<vmem>>, vector<16xi32>,
        %swap3A_1620 = vector.shape_cast %swap3A_1619 : vector<16xi32> to vector<16xi32>
        %swap3A_1621 = vector.shape_cast %add3A_1617 : vector<16xi32> to vector<16xi32>
        tpu.vector_store %arg5[%swap3A_1618], %swap3A_1621 {strides = array<i32>} : memref<1664xi32, #tpu.memory_space<vmem>>, vector<16xi32>,
        %get3A_1622 = arith.constant 624 : index
        %get3A_1623 = tpu.vector_load %arg5[%get3A_1622] {strides = array<i32>} : memref<1664xi32, #tpu.memory_space<vmem>>, vector<16xi32>,
        %get3A_1624 = vector.shape_cast %get3A_1623 : vector<16xi32> to vector<16xi32>
        %add3A_1625 = arith.addi %get3A_1624, %mul3A_23 : vector<16xi32>
        %swap3A_1626 = arith.constant 624 : index
        %swap3A_1627 = tpu.vector_load %arg5[%swap3A_1626] {strides = array<i32>} : memref<1664xi32, #tpu.memory_space<vmem>>, vector<16xi32>,
        %swap3A_1628 = vector.shape_cast %swap3A_1627 : vector<16xi32> to vector<16xi32>
        %swap3A_1629 = vector.shape_cast %add3A_1625 : vector<16xi32> to vector<16xi32>
        tpu.vector_store %arg5[%swap3A_1626], %swap3A_1629 {strides = array<i32>} : memref<1664xi32, #tpu.memory_space<vmem>>, vector<16xi32>,
        %get3A_1630 = arith.constant 640 : index
        %get3A_1631 = tpu.vector_load %arg5[%get3A_1630] {strides = array<i32>} : memref<1664xi32, #tpu.memory_space<vmem>>, vector<16xi32>,
        %get3A_1632 = vector.shape_cast %get3A_1631 : vector<16xi32> to vector<16xi32>
        %add3A_1633 = arith.addi %get3A_1632, %mul3A_51 : vector<16xi32>
        %swap3A_1634 = arith.constant 640 : index
        %swap3A_1635 = tpu.vector_load %arg5[%swap3A_1634] {strides = array<i32>} : memref<1664xi32, #tpu.memory_space<vmem>>, vector<16xi32>,
        %swap3A_1636 = vector.shape_cast %swap3A_1635 : vector<16xi32> to vector<16xi32>
        %swap3A_1637 = vector.shape_cast %add3A_1633 : vector<16xi32> to vector<16xi32>
        tpu.vector_store %arg5[%swap3A_1634], %swap3A_1637 {strides = array<i32>} : memref<1664xi32, #tpu.memory_space<vmem>>, vector<16xi32>,
        %get3A_1638 = arith.constant 656 : index
        %get3A_1639 = tpu.vector_load %arg5[%get3A_1638] {strides = array<i32>} : memref<1664xi32, #tpu.memory_space<vmem>>, vector<16xi32>,
        %get3A_1640 = vector.shape_cast %get3A_1639 : vector<16xi32> to vector<16xi32>
        %add3A_1641 = arith.addi %get3A_1640, %mul3A_79 : vector<16xi32>
        %swap3A_1642 = arith.constant 656 : index
        %swap3A_1643 = tpu.vector_load %arg5[%swap3A_1642] {strides = array<i32>} : memref<1664xi32, #tpu.memory_space<vmem>>, vector<16xi32>,
        %swap3A_1644 = vector.shape_cast %swap3A_1643 : vector<16xi32> to vector<16xi32>
        %swap3A_1645 = vector.shape_cast %add3A_1641 : vector<16xi32> to vector<16xi32>
        tpu.vector_store %arg5[%swap3A_1642], %swap3A_1645 {strides = array<i32>} : memref<1664xi32, #tpu.memory_space<vmem>>, vector<16xi32>,
        %get3A_1646 = arith.constant 672 : index
        %get3A_1647 = tpu.vector_load %arg5[%get3A_1646] {strides = array<i32>} : memref<1664xi32, #tpu.memory_space<vmem>>, vector<16xi32>,
        %get3A_1648 = vector.shape_cast %get3A_1647 : vector<16xi32> to vector<16xi32>
        %add3A_1649 = arith.addi %get3A_1648, %mul3A_107 : vector<16xi32>
        %swap3A_1650 = arith.constant 672 : index
        %swap3A_1651 = tpu.vector_load %arg5[%swap3A_1650] {strides = array<i32>} : memref<1664xi32, #tpu.memory_space<vmem>>, vector<16xi32>,
        %swap3A_1652 = vector.shape_cast %swap3A_1651 : vector<16xi32> to vector<16xi32>
        %swap3A_1653 = vector.shape_cast %add3A_1649 : vector<16xi32> to vector<16xi32>
        tpu.vector_store %arg5[%swap3A_1650], %swap3A_1653 {strides = array<i32>} : memref<1664xi32, #tpu.memory_space<vmem>>, vector<16xi32>,
        %get3A_1654 = arith.constant 688 : index
        %get3A_1655 = tpu.vector_load %arg5[%get3A_1654] {strides = array<i32>} : memref<1664xi32, #tpu.memory_space<vmem>>, vector<16xi32>,
        %get3A_1656 = vector.shape_cast %get3A_1655 : vector<16xi32> to vector<16xi32>
        %add3A_1657 = arith.addi %get3A_1656, %mul3A_135 : vector<16xi32>
        %swap3A_1658 = arith.constant 688 : index
        %swap3A_1659 = tpu.vector_load %arg5[%swap3A_1658] {strides = array<i32>} : memref<1664xi32, #tpu.memory_space<vmem>>, vector<16xi32>,
        %swap3A_1660 = vector.shape_cast %swap3A_1659 : vector<16xi32> to vector<16xi32>
        %swap3A_1661 = vector.shape_cast %add3A_1657 : vector<16xi32> to vector<16xi32>
        tpu.vector_store %arg5[%swap3A_1658], %swap3A_1661 {strides = array<i32>} : memref<1664xi32, #tpu.memory_space<vmem>>, vector<16xi32>,
        %get3A_1662 = arith.constant 704 : index
        %get3A_1663 = tpu.vector_load %arg5[%get3A_1662] {strides = array<i32>} : memref<1664xi32, #tpu.memory_space<vmem>>, vector<16xi32>,
        %get3A_1664 = vector.shape_cast %get3A_1663 : vector<16xi32> to vector<16xi32>
        %add3A_1665 = arith.addi %get3A_1664, %mul3A_163 : vector<16xi32>
        %swap3A_1666 = arith.constant 704 : index
        %swap3A_1667 = tpu.vector_load %arg5[%swap3A_1666] {strides = array<i32>} : memref<1664xi32, #tpu.memory_space<vmem>>, vector<16xi32>,
        %swap3A_1668 = vector.shape_cast %swap3A_1667 : vector<16xi32> to vector<16xi32>
        %swap3A_1669 = vector.shape_cast %add3A_1665 : vector<16xi32> to vector<16xi32>
        tpu.vector_store %arg5[%swap3A_1666], %swap3A_1669 {strides = array<i32>} : memref<1664xi32, #tpu.memory_space<vmem>>, vector<16xi32>,
        %get3A_1670 = arith.constant 720 : index
        %get3A_1671 = tpu.vector_load %arg5[%get3A_1670] {strides = array<i32>} : memref<1664xi32, #tpu.memory_space<vmem>>, vector<16xi32>,
        %get3A_1672 = vector.shape_cast %get3A_1671 : vector<16xi32> to vector<16xi32>
        %add3A_1673 = arith.addi %get3A_1672, %mul3A_191 : vector<16xi32>
        %swap3A_1674 = arith.constant 720 : index
        %swap3A_1675 = tpu.vector_load %arg5[%swap3A_1674] {strides = array<i32>} : memref<1664xi32, #tpu.memory_space<vmem>>, vector<16xi32>,
        %swap3A_1676 = vector.shape_cast %swap3A_1675 : vector<16xi32> to vector<16xi32>
        %swap3A_1677 = vector.shape_cast %add3A_1673 : vector<16xi32> to vector<16xi32>
        tpu.vector_store %arg5[%swap3A_1674], %swap3A_1677 {strides = array<i32>} : memref<1664xi32, #tpu.memory_space<vmem>>, vector<16xi32>,
        %get3A_1678 = arith.constant 736 : index
        %get3A_1679 = tpu.vector_load %arg5[%get3A_1678] {strides = array<i32>} : memref<1664xi32, #tpu.memory_space<vmem>>, vector<16xi32>,
        %get3A_1680 = vector.shape_cast %get3A_1679 : vector<16xi32> to vector<16xi32>
        %add3A_1681 = arith.addi %get3A_1680, %mul3A_219 : vector<16xi32>
        %swap3A_1682 = arith.constant 736 : index
        %swap3A_1683 = tpu.vector_load %arg5[%swap3A_1682] {strides = array<i32>} : memref<1664xi32, #tpu.memory_space<vmem>>, vector<16xi32>,
        %swap3A_1684 = vector.shape_cast %swap3A_1683 : vector<16xi32> to vector<16xi32>
        %swap3A_1685 = vector.shape_cast %add3A_1681 : vector<16xi32> to vector<16xi32>
        tpu.vector_store %arg5[%swap3A_1682], %swap3A_1685 {strides = array<i32>} : memref<1664xi32, #tpu.memory_space<vmem>>, vector<16xi32>,
        %get3A_1686 = arith.constant 752 : index
        %get3A_1687 = tpu.vector_load %arg5[%get3A_1686] {strides = array<i32>} : memref<1664xi32, #tpu.memory_space<vmem>>, vector<16xi32>,
        %get3A_1688 = vector.shape_cast %get3A_1687 : vector<16xi32> to vector<16xi32>
        %add3A_1689 = arith.addi %get3A_1688, %mul3A_247 : vector<16xi32>
        %swap3A_1690 = arith.constant 752 : index
        %swap3A_1691 = tpu.vector_load %arg5[%swap3A_1690] {strides = array<i32>} : memref<1664xi32, #tpu.memory_space<vmem>>, vector<16xi32>,
        %swap3A_1692 = vector.shape_cast %swap3A_1691 : vector<16xi32> to vector<16xi32>
        %swap3A_1693 = vector.shape_cast %add3A_1689 : vector<16xi32> to vector<16xi32>
        tpu.vector_store %arg5[%swap3A_1690], %swap3A_1693 {strides = array<i32>} : memref<1664xi32, #tpu.memory_space<vmem>>, vector<16xi32>,
        %get3A_1694 = arith.constant 768 : index
        %get3A_1695 = tpu.vector_load %arg5[%get3A_1694] {strides = array<i32>} : memref<1664xi32, #tpu.memory_space<vmem>>, vector<16xi32>,
        %get3A_1696 = vector.shape_cast %get3A_1695 : vector<16xi32> to vector<16xi32>
        %add3A_1697 = arith.addi %get3A_1696, %mul3A_275 : vector<16xi32>
        %swap3A_1698 = arith.constant 768 : index
        %swap3A_1699 = tpu.vector_load %arg5[%swap3A_1698] {strides = array<i32>} : memref<1664xi32, #tpu.memory_space<vmem>>, vector<16xi32>,
        %swap3A_1700 = vector.shape_cast %swap3A_1699 : vector<16xi32> to vector<16xi32>
        %swap3A_1701 = vector.shape_cast %add3A_1697 : vector<16xi32> to vector<16xi32>
        tpu.vector_store %arg5[%swap3A_1698], %swap3A_1701 {strides = array<i32>} : memref<1664xi32, #tpu.memory_space<vmem>>, vector<16xi32>,
        %get3A_1702 = arith.constant 784 : index
        %get3A_1703 = tpu.vector_load %arg5[%get3A_1702] {strides = array<i32>} : memref<1664xi32, #tpu.memory_space<vmem>>, vector<16xi32>,
        %get3A_1704 = vector.shape_cast %get3A_1703 : vector<16xi32> to vector<16xi32>
        %add3A_1705 = arith.addi %get3A_1704, %mul3A_303 : vector<16xi32>
        %swap3A_1706 = arith.constant 784 : index
        %swap3A_1707 = tpu.vector_load %arg5[%swap3A_1706] {strides = array<i32>} : memref<1664xi32, #tpu.memory_space<vmem>>, vector<16xi32>,
        %swap3A_1708 = vector.shape_cast %swap3A_1707 : vector<16xi32> to vector<16xi32>
        %swap3A_1709 = vector.shape_cast %add3A_1705 : vector<16xi32> to vector<16xi32>
        tpu.vector_store %arg5[%swap3A_1706], %swap3A_1709 {strides = array<i32>} : memref<1664xi32, #tpu.memory_space<vmem>>, vector<16xi32>,
        %get3A_1710 = arith.constant 800 : index
        %get3A_1711 = tpu.vector_load %arg5[%get3A_1710] {strides = array<i32>} : memref<1664xi32, #tpu.memory_space<vmem>>, vector<16xi32>,
        %get3A_1712 = vector.shape_cast %get3A_1711 : vector<16xi32> to vector<16xi32>
        %add3A_1713 = arith.addi %get3A_1712, %mul3A_331 : vector<16xi32>
        %swap3A_1714 = arith.constant 800 : index
        %swap3A_1715 = tpu.vector_load %arg5[%swap3A_1714] {strides = array<i32>} : memref<1664xi32, #tpu.memory_space<vmem>>, vector<16xi32>,
        %swap3A_1716 = vector.shape_cast %swap3A_1715 : vector<16xi32> to vector<16xi32>
        %swap3A_1717 = vector.shape_cast %add3A_1713 : vector<16xi32> to vector<16xi32>
        tpu.vector_store %arg5[%swap3A_1714], %swap3A_1717 {strides = array<i32>} : memref<1664xi32, #tpu.memory_space<vmem>>, vector<16xi32>,
        %get3A_1718 = arith.constant 816 : index
        %get3A_1719 = tpu.vector_load %arg5[%get3A_1718] {strides = array<i32>} : memref<1664xi32, #tpu.memory_space<vmem>>, vector<16xi32>,
        %get3A_1720 = vector.shape_cast %get3A_1719 : vector<16xi32> to vector<16xi32>
        %add3A_1721 = arith.addi %get3A_1720, %mul3A_359 : vector<16xi32>
        %swap3A_1722 = arith.constant 816 : index
        %swap3A_1723 = tpu.vector_load %arg5[%swap3A_1722] {strides = array<i32>} : memref<1664xi32, #tpu.memory_space<vmem>>, vector<16xi32>,
        %swap3A_1724 = vector.shape_cast %swap3A_1723 : vector<16xi32> to vector<16xi32>
        %swap3A_1725 = vector.shape_cast %add3A_1721 : vector<16xi32> to vector<16xi32>
        tpu.vector_store %arg5[%swap3A_1722], %swap3A_1725 {strides = array<i32>} : memref<1664xi32, #tpu.memory_space<vmem>>, vector<16xi32>,
        %get3A_1726 = arith.constant 832 : index
        %get3A_1727 = tpu.vector_load %arg5[%get3A_1726] {strides = array<i32>} : memref<1664xi32, #tpu.memory_space<vmem>>, vector<16xi32>,
        %get3A_1728 = vector.shape_cast %get3A_1727 : vector<16xi32> to vector<16xi32>
        %add3A_1729 = arith.addi %get3A_1728, %mul3A_23 : vector<16xi32>
        %swap3A_1730 = arith.constant 832 : index
        %swap3A_1731 = tpu.vector_load %arg5[%swap3A_1730] {strides = array<i32>} : memref<1664xi32, #tpu.memory_space<vmem>>, vector<16xi32>,
        %swap3A_1732 = vector.shape_cast %swap3A_1731 : vector<16xi32> to vector<16xi32>
        %swap3A_1733 = vector.shape_cast %add3A_1729 : vector<16xi32> to vector<16xi32>
        tpu.vector_store %arg5[%swap3A_1730], %swap3A_1733 {strides = array<i32>} : memref<1664xi32, #tpu.memory_space<vmem>>, vector<16xi32>,
        %get3A_1734 = arith.constant 848 : index
        %get3A_1735 = tpu.vector_load %arg5[%get3A_1734] {strides = array<i32>} : memref<1664xi32, #tpu.memory_space<vmem>>, vector<16xi32>,
        %get3A_1736 = vector.shape_cast %get3A_1735 : vector<16xi32> to vector<16xi32>
        %add3A_1737 = arith.addi %get3A_1736, %mul3A_51 : vector<16xi32>
        %swap3A_1738 = arith.constant 848 : index
        %swap3A_1739 = tpu.vector_load %arg5[%swap3A_1738] {strides = array<i32>} : memref<1664xi32, #tpu.memory_space<vmem>>, vector<16xi32>,
        %swap3A_1740 = vector.shape_cast %swap3A_1739 : vector<16xi32> to vector<16xi32>
        %swap3A_1741 = vector.shape_cast %add3A_1737 : vector<16xi32> to vector<16xi32>
        tpu.vector_store %arg5[%swap3A_1738], %swap3A_1741 {strides = array<i32>} : memref<1664xi32, #tpu.memory_space<vmem>>, vector<16xi32>,
        %get3A_1742 = arith.constant 864 : index
        %get3A_1743 = tpu.vector_load %arg5[%get3A_1742] {strides = array<i32>} : memref<1664xi32, #tpu.memory_space<vmem>>, vector<16xi32>,
        %get3A_1744 = vector.shape_cast %get3A_1743 : vector<16xi32> to vector<16xi32>
        %add3A_1745 = arith.addi %get3A_1744, %mul3A_79 : vector<16xi32>
        %swap3A_1746 = arith.constant 864 : index
        %swap3A_1747 = tpu.vector_load %arg5[%swap3A_1746] {strides = array<i32>} : memref<1664xi32, #tpu.memory_space<vmem>>, vector<16xi32>,
        %swap3A_1748 = vector.shape_cast %swap3A_1747 : vector<16xi32> to vector<16xi32>
        %swap3A_1749 = vector.shape_cast %add3A_1745 : vector<16xi32> to vector<16xi32>
        tpu.vector_store %arg5[%swap3A_1746], %swap3A_1749 {strides = array<i32>} : memref<1664xi32, #tpu.memory_space<vmem>>, vector<16xi32>,
        %get3A_1750 = arith.constant 880 : index
        %get3A_1751 = tpu.vector_load %arg5[%get3A_1750] {strides = array<i32>} : memref<1664xi32, #tpu.memory_space<vmem>>, vector<16xi32>,
        %get3A_1752 = vector.shape_cast %get3A_1751 : vector<16xi32> to vector<16xi32>
        %add3A_1753 = arith.addi %get3A_1752, %mul3A_107 : vector<16xi32>
        %swap3A_1754 = arith.constant 880 : index
        %swap3A_1755 = tpu.vector_load %arg5[%swap3A_1754] {strides = array<i32>} : memref<1664xi32, #tpu.memory_space<vmem>>, vector<16xi32>,
        %swap3A_1756 = vector.shape_cast %swap3A_1755 : vector<16xi32> to vector<16xi32>
        %swap3A_1757 = vector.shape_cast %add3A_1753 : vector<16xi32> to vector<16xi32>
        tpu.vector_store %arg5[%swap3A_1754], %swap3A_1757 {strides = array<i32>} : memref<1664xi32, #tpu.memory_space<vmem>>, vector<16xi32>,
        %get3A_1758 = arith.constant 896 : index
        %get3A_1759 = tpu.vector_load %arg5[%get3A_1758] {strides = array<i32>} : memref<1664xi32, #tpu.memory_space<vmem>>, vector<16xi32>,
        %get3A_1760 = vector.shape_cast %get3A_1759 : vector<16xi32> to vector<16xi32>
        %add3A_1761 = arith.addi %get3A_1760, %mul3A_135 : vector<16xi32>
        %swap3A_1762 = arith.constant 896 : index
        %swap3A_1763 = tpu.vector_load %arg5[%swap3A_1762] {strides = array<i32>} : memref<1664xi32, #tpu.memory_space<vmem>>, vector<16xi32>,
        %swap3A_1764 = vector.shape_cast %swap3A_1763 : vector<16xi32> to vector<16xi32>
        %swap3A_1765 = vector.shape_cast %add3A_1761 : vector<16xi32> to vector<16xi32>
        tpu.vector_store %arg5[%swap3A_1762], %swap3A_1765 {strides = array<i32>} : memref<1664xi32, #tpu.memory_space<vmem>>, vector<16xi32>,
        %get3A_1766 = arith.constant 912 : index
        %get3A_1767 = tpu.vector_load %arg5[%get3A_1766] {strides = array<i32>} : memref<1664xi32, #tpu.memory_space<vmem>>, vector<16xi32>,
        %get3A_1768 = vector.shape_cast %get3A_1767 : vector<16xi32> to vector<16xi32>
        %add3A_1769 = arith.addi %get3A_1768, %mul3A_163 : vector<16xi32>
        %swap3A_1770 = arith.constant 912 : index
        %swap3A_1771 = tpu.vector_load %arg5[%swap3A_1770] {strides = array<i32>} : memref<1664xi32, #tpu.memory_space<vmem>>, vector<16xi32>,
        %swap3A_1772 = vector.shape_cast %swap3A_1771 : vector<16xi32> to vector<16xi32>
        %swap3A_1773 = vector.shape_cast %add3A_1769 : vector<16xi32> to vector<16xi32>
        tpu.vector_store %arg5[%swap3A_1770], %swap3A_1773 {strides = array<i32>} : memref<1664xi32, #tpu.memory_space<vmem>>, vector<16xi32>,
        %get3A_1774 = arith.constant 928 : index
        %get3A_1775 = tpu.vector_load %arg5[%get3A_1774] {strides = array<i32>} : memref<1664xi32, #tpu.memory_space<vmem>>, vector<16xi32>,
        %get3A_1776 = vector.shape_cast %get3A_1775 : vector<16xi32> to vector<16xi32>
        %add3A_1777 = arith.addi %get3A_1776, %mul3A_191 : vector<16xi32>
        %swap3A_1778 = arith.constant 928 : index
        %swap3A_1779 = tpu.vector_load %arg5[%swap3A_1778] {strides = array<i32>} : memref<1664xi32, #tpu.memory_space<vmem>>, vector<16xi32>,
        %swap3A_1780 = vector.shape_cast %swap3A_1779 : vector<16xi32> to vector<16xi32>
        %swap3A_1781 = vector.shape_cast %add3A_1777 : vector<16xi32> to vector<16xi32>
        tpu.vector_store %arg5[%swap3A_1778], %swap3A_1781 {strides = array<i32>} : memref<1664xi32, #tpu.memory_space<vmem>>, vector<16xi32>,
        %get3A_1782 = arith.constant 944 : index
        %get3A_1783 = tpu.vector_load %arg5[%get3A_1782] {strides = array<i32>} : memref<1664xi32, #tpu.memory_space<vmem>>, vector<16xi32>,
        %get3A_1784 = vector.shape_cast %get3A_1783 : vector<16xi32> to vector<16xi32>
        %add3A_1785 = arith.addi %get3A_1784, %mul3A_219 : vector<16xi32>
        %swap3A_1786 = arith.constant 944 : index
        %swap3A_1787 = tpu.vector_load %arg5[%swap3A_1786] {strides = array<i32>} : memref<1664xi32, #tpu.memory_space<vmem>>, vector<16xi32>,
        %swap3A_1788 = vector.shape_cast %swap3A_1787 : vector<16xi32> to vector<16xi32>
        %swap3A_1789 = vector.shape_cast %add3A_1785 : vector<16xi32> to vector<16xi32>
        tpu.vector_store %arg5[%swap3A_1786], %swap3A_1789 {strides = array<i32>} : memref<1664xi32, #tpu.memory_space<vmem>>, vector<16xi32>,
        %get3A_1790 = arith.constant 960 : index
        %get3A_1791 = tpu.vector_load %arg5[%get3A_1790] {strides = array<i32>} : memref<1664xi32, #tpu.memory_space<vmem>>, vector<16xi32>,
        %get3A_1792 = vector.shape_cast %get3A_1791 : vector<16xi32> to vector<16xi32>
        %add3A_1793 = arith.addi %get3A_1792, %mul3A_247 : vector<16xi32>
        %swap3A_1794 = arith.constant 960 : index
        %swap3A_1795 = tpu.vector_load %arg5[%swap3A_1794] {strides = array<i32>} : memref<1664xi32, #tpu.memory_space<vmem>>, vector<16xi32>,
        %swap3A_1796 = vector.shape_cast %swap3A_1795 : vector<16xi32> to vector<16xi32>
        %swap3A_1797 = vector.shape_cast %add3A_1793 : vector<16xi32> to vector<16xi32>
        tpu.vector_store %arg5[%swap3A_1794], %swap3A_1797 {strides = array<i32>} : memref<1664xi32, #tpu.memory_space<vmem>>, vector<16xi32>,
        %get3A_1798 = arith.constant 976 : index
        %get3A_1799 = tpu.vector_load %arg5[%get3A_1798] {strides = array<i32>} : memref<1664xi32, #tpu.memory_space<vmem>>, vector<16xi32>,
        %get3A_1800 = vector.shape_cast %get3A_1799 : vector<16xi32> to vector<16xi32>
        %add3A_1801 = arith.addi %get3A_1800, %mul3A_275 : vector<16xi32>
        %swap3A_1802 = arith.constant 976 : index
        %swap3A_1803 = tpu.vector_load %arg5[%swap3A_1802] {strides = array<i32>} : memref<1664xi32, #tpu.memory_space<vmem>>, vector<16xi32>,
        %swap3A_1804 = vector.shape_cast %swap3A_1803 : vector<16xi32> to vector<16xi32>
        %swap3A_1805 = vector.shape_cast %add3A_1801 : vector<16xi32> to vector<16xi32>
        tpu.vector_store %arg5[%swap3A_1802], %swap3A_1805 {strides = array<i32>} : memref<1664xi32, #tpu.memory_space<vmem>>, vector<16xi32>,
        %get3A_1806 = arith.constant 992 : index
        %get3A_1807 = tpu.vector_load %arg5[%get3A_1806] {strides = array<i32>} : memref<1664xi32, #tpu.memory_space<vmem>>, vector<16xi32>,
        %get3A_1808 = vector.shape_cast %get3A_1807 : vector<16xi32> to vector<16xi32>
        %add3A_1809 = arith.addi %get3A_1808, %mul3A_303 : vector<16xi32>
        %swap3A_1810 = arith.constant 992 : index
        %swap3A_1811 = tpu.vector_load %arg5[%swap3A_1810] {strides = array<i32>} : memref<1664xi32, #tpu.memory_space<vmem>>, vector<16xi32>,
        %swap3A_1812 = vector.shape_cast %swap3A_1811 : vector<16xi32> to vector<16xi32>
        %swap3A_1813 = vector.shape_cast %add3A_1809 : vector<16xi32> to vector<16xi32>
        tpu.vector_store %arg5[%swap3A_1810], %swap3A_1813 {strides = array<i32>} : memref<1664xi32, #tpu.memory_space<vmem>>, vector<16xi32>,
        %get3A_1814 = arith.constant 1008 : index
        %get3A_1815 = tpu.vector_load %arg5[%get3A_1814] {strides = array<i32>} : memref<1664xi32, #tpu.memory_space<vmem>>, vector<16xi32>,
        %get3A_1816 = vector.shape_cast %get3A_1815 : vector<16xi32> to vector<16xi32>
        %add3A_1817 = arith.addi %get3A_1816, %mul3A_331 : vector<16xi32>
        %swap3A_1818 = arith.constant 1008 : index
        %swap3A_1819 = tpu.vector_load %arg5[%swap3A_1818] {strides = array<i32>} : memref<1664xi32, #tpu.memory_space<vmem>>, vector<16xi32>,
        %swap3A_1820 = vector.shape_cast %swap3A_1819 : vector<16xi32> to vector<16xi32>
        %swap3A_1821 = vector.shape_cast %add3A_1817 : vector<16xi32> to vector<16xi32>
        tpu.vector_store %arg5[%swap3A_1818], %swap3A_1821 {strides = array<i32>} : memref<1664xi32, #tpu.memory_space<vmem>>, vector<16xi32>,
        %get3A_1822 = arith.constant 1024 : index
        %get3A_1823 = tpu.vector_load %arg5[%get3A_1822] {strides = array<i32>} : memref<1664xi32, #tpu.memory_space<vmem>>, vector<16xi32>,
        %get3A_1824 = vector.shape_cast %get3A_1823 : vector<16xi32> to vector<16xi32>
        %add3A_1825 = arith.addi %get3A_1824, %mul3A_359 : vector<16xi32>
        %swap3A_1826 = arith.constant 1024 : index
        %swap3A_1827 = tpu.vector_load %arg5[%swap3A_1826] {strides = array<i32>} : memref<1664xi32, #tpu.memory_space<vmem>>, vector<16xi32>,
        %swap3A_1828 = vector.shape_cast %swap3A_1827 : vector<16xi32> to vector<16xi32>
        %swap3A_1829 = vector.shape_cast %add3A_1825 : vector<16xi32> to vector<16xi32>
        tpu.vector_store %arg5[%swap3A_1826], %swap3A_1829 {strides = array<i32>} : memref<1664xi32, #tpu.memory_space<vmem>>, vector<16xi32>,
        %get3A_1830 = arith.constant 1040 : index
        %get3A_1831 = tpu.vector_load %arg5[%get3A_1830] {strides = array<i32>} : memref<1664xi32, #tpu.memory_space<vmem>>, vector<16xi32>,
        %get3A_1832 = vector.shape_cast %get3A_1831 : vector<16xi32> to vector<16xi32>
        %add3A_1833 = arith.addi %get3A_1832, %mul3A_23 : vector<16xi32>
        %swap3A_1834 = arith.constant 1040 : index
        %swap3A_1835 = tpu.vector_load %arg5[%swap3A_1834] {strides = array<i32>} : memref<1664xi32, #tpu.memory_space<vmem>>, vector<16xi32>,
        %swap3A_1836 = vector.shape_cast %swap3A_1835 : vector<16xi32> to vector<16xi32>
        %swap3A_1837 = vector.shape_cast %add3A_1833 : vector<16xi32> to vector<16xi32>
        tpu.vector_store %arg5[%swap3A_1834], %swap3A_1837 {strides = array<i32>} : memref<1664xi32, #tpu.memory_space<vmem>>, vector<16xi32>,
        %get3A_1838 = arith.constant 1056 : index
        %get3A_1839 = tpu.vector_load %arg5[%get3A_1838] {strides = array<i32>} : memref<1664xi32, #tpu.memory_space<vmem>>, vector<16xi32>,
        %get3A_1840 = vector.shape_cast %get3A_1839 : vector<16xi32> to vector<16xi32>
        %add3A_1841 = arith.addi %get3A_1840, %mul3A_51 : vector<16xi32>
        %swap3A_1842 = arith.constant 1056 : index
        %swap3A_1843 = tpu.vector_load %arg5[%swap3A_1842] {strides = array<i32>} : memref<1664xi32, #tpu.memory_space<vmem>>, vector<16xi32>,
        %swap3A_1844 = vector.shape_cast %swap3A_1843 : vector<16xi32> to vector<16xi32>
        %swap3A_1845 = vector.shape_cast %add3A_1841 : vector<16xi32> to vector<16xi32>
        tpu.vector_store %arg5[%swap3A_1842], %swap3A_1845 {strides = array<i32>} : memref<1664xi32, #tpu.memory_space<vmem>>, vector<16xi32>,
        %get3A_1846 = arith.constant 1072 : index
        %get3A_1847 = tpu.vector_load %arg5[%get3A_1846] {strides = array<i32>} : memref<1664xi32, #tpu.memory_space<vmem>>, vector<16xi32>,
        %get3A_1848 = vector.shape_cast %get3A_1847 : vector<16xi32> to vector<16xi32>
        %add3A_1849 = arith.addi %get3A_1848, %mul3A_79 : vector<16xi32>
        %swap3A_1850 = arith.constant 1072 : index
        %swap3A_1851 = tpu.vector_load %arg5[%swap3A_1850] {strides = array<i32>} : memref<1664xi32, #tpu.memory_space<vmem>>, vector<16xi32>,
        %swap3A_1852 = vector.shape_cast %swap3A_1851 : vector<16xi32> to vector<16xi32>
        %swap3A_1853 = vector.shape_cast %add3A_1849 : vector<16xi32> to vector<16xi32>
        tpu.vector_store %arg5[%swap3A_1850], %swap3A_1853 {strides = array<i32>} : memref<1664xi32, #tpu.memory_space<vmem>>, vector<16xi32>,
        %get3A_1854 = arith.constant 1088 : index
        %get3A_1855 = tpu.vector_load %arg5[%get3A_1854] {strides = array<i32>} : memref<1664xi32, #tpu.memory_space<vmem>>, vector<16xi32>,
        %get3A_1856 = vector.shape_cast %get3A_1855 : vector<16xi32> to vector<16xi32>
        %add3A_1857 = arith.addi %get3A_1856, %mul3A_107 : vector<16xi32>
        %swap3A_1858 = arith.constant 1088 : index
        %swap3A_1859 = tpu.vector_load %arg5[%swap3A_1858] {strides = array<i32>} : memref<1664xi32, #tpu.memory_space<vmem>>, vector<16xi32>,
        %swap3A_1860 = vector.shape_cast %swap3A_1859 : vector<16xi32> to vector<16xi32>
        %swap3A_1861 = vector.shape_cast %add3A_1857 : vector<16xi32> to vector<16xi32>
        tpu.vector_store %arg5[%swap3A_1858], %swap3A_1861 {strides = array<i32>} : memref<1664xi32, #tpu.memory_space<vmem>>, vector<16xi32>,
        %get3A_1862 = arith.constant 1104 : index
        %get3A_1863 = tpu.vector_load %arg5[%get3A_1862] {strides = array<i32>} : memref<1664xi32, #tpu.memory_space<vmem>>, vector<16xi32>,
        %get3A_1864 = vector.shape_cast %get3A_1863 : vector<16xi32> to vector<16xi32>
        %add3A_1865 = arith.addi %get3A_1864, %mul3A_135 : vector<16xi32>
        %swap3A_1866 = arith.constant 1104 : index
        %swap3A_1867 = tpu.vector_load %arg5[%swap3A_1866] {strides = array<i32>} : memref<1664xi32, #tpu.memory_space<vmem>>, vector<16xi32>,
        %swap3A_1868 = vector.shape_cast %swap3A_1867 : vector<16xi32> to vector<16xi32>
        %swap3A_1869 = vector.shape_cast %add3A_1865 : vector<16xi32> to vector<16xi32>
        tpu.vector_store %arg5[%swap3A_1866], %swap3A_1869 {strides = array<i32>} : memref<1664xi32, #tpu.memory_space<vmem>>, vector<16xi32>,
        %get3A_1870 = arith.constant 1120 : index
        %get3A_1871 = tpu.vector_load %arg5[%get3A_1870] {strides = array<i32>} : memref<1664xi32, #tpu.memory_space<vmem>>, vector<16xi32>,
        %get3A_1872 = vector.shape_cast %get3A_1871 : vector<16xi32> to vector<16xi32>
        %add3A_1873 = arith.addi %get3A_1872, %mul3A_163 : vector<16xi32>
        %swap3A_1874 = arith.constant 1120 : index
        %swap3A_1875 = tpu.vector_load %arg5[%swap3A_1874] {strides = array<i32>} : memref<1664xi32, #tpu.memory_space<vmem>>, vector<16xi32>,
        %swap3A_1876 = vector.shape_cast %swap3A_1875 : vector<16xi32> to vector<16xi32>
        %swap3A_1877 = vector.shape_cast %add3A_1873 : vector<16xi32> to vector<16xi32>
        tpu.vector_store %arg5[%swap3A_1874], %swap3A_1877 {strides = array<i32>} : memref<1664xi32, #tpu.memory_space<vmem>>, vector<16xi32>,
        %get3A_1878 = arith.constant 1136 : index
        %get3A_1879 = tpu.vector_load %arg5[%get3A_1878] {strides = array<i32>} : memref<1664xi32, #tpu.memory_space<vmem>>, vector<16xi32>,
        %get3A_1880 = vector.shape_cast %get3A_1879 : vector<16xi32> to vector<16xi32>
        %add3A_1881 = arith.addi %get3A_1880, %mul3A_191 : vector<16xi32>
        %swap3A_1882 = arith.constant 1136 : index
        %swap3A_1883 = tpu.vector_load %arg5[%swap3A_1882] {strides = array<i32>} : memref<1664xi32, #tpu.memory_space<vmem>>, vector<16xi32>,
        %swap3A_1884 = vector.shape_cast %swap3A_1883 : vector<16xi32> to vector<16xi32>
        %swap3A_1885 = vector.shape_cast %add3A_1881 : vector<16xi32> to vector<16xi32>
        tpu.vector_store %arg5[%swap3A_1882], %swap3A_1885 {strides = array<i32>} : memref<1664xi32, #tpu.memory_space<vmem>>, vector<16xi32>,
        %get3A_1886 = arith.constant 1152 : index
        %get3A_1887 = tpu.vector_load %arg5[%get3A_1886] {strides = array<i32>} : memref<1664xi32, #tpu.memory_space<vmem>>, vector<16xi32>,
        %get3A_1888 = vector.shape_cast %get3A_1887 : vector<16xi32> to vector<16xi32>
        %add3A_1889 = arith.addi %get3A_1888, %mul3A_219 : vector<16xi32>
        %swap3A_1890 = arith.constant 1152 : index
        %swap3A_1891 = tpu.vector_load %arg5[%swap3A_1890] {strides = array<i32>} : memref<1664xi32, #tpu.memory_space<vmem>>, vector<16xi32>,
        %swap3A_1892 = vector.shape_cast %swap3A_1891 : vector<16xi32> to vector<16xi32>
        %swap3A_1893 = vector.shape_cast %add3A_1889 : vector<16xi32> to vector<16xi32>
        tpu.vector_store %arg5[%swap3A_1890], %swap3A_1893 {strides = array<i32>} : memref<1664xi32, #tpu.memory_space<vmem>>, vector<16xi32>,
        %get3A_1894 = arith.constant 1168 : index
        %get3A_1895 = tpu.vector_load %arg5[%get3A_1894] {strides = array<i32>} : memref<1664xi32, #tpu.memory_space<vmem>>, vector<16xi32>,
        %get3A_1896 = vector.shape_cast %get3A_1895 : vector<16xi32> to vector<16xi32>
        %add3A_1897 = arith.addi %get3A_1896, %mul3A_247 : vector<16xi32>
        %swap3A_1898 = arith.constant 1168 : index
        %swap3A_1899 = tpu.vector_load %arg5[%swap3A_1898] {strides = array<i32>} : memref<1664xi32, #tpu.memory_space<vmem>>, vector<16xi32>,
        %swap3A_1900 = vector.shape_cast %swap3A_1899 : vector<16xi32> to vector<16xi32>
        %swap3A_1901 = vector.shape_cast %add3A_1897 : vector<16xi32> to vector<16xi32>
        tpu.vector_store %arg5[%swap3A_1898], %swap3A_1901 {strides = array<i32>} : memref<1664xi32, #tpu.memory_space<vmem>>, vector<16xi32>,
        %get3A_1902 = arith.constant 1184 : index
        %get3A_1903 = tpu.vector_load %arg5[%get3A_1902] {strides = array<i32>} : memref<1664xi32, #tpu.memory_space<vmem>>, vector<16xi32>,
        %get3A_1904 = vector.shape_cast %get3A_1903 : vector<16xi32> to vector<16xi32>
        %add3A_1905 = arith.addi %get3A_1904, %mul3A_275 : vector<16xi32>
        %swap3A_1906 = arith.constant 1184 : index
        %swap3A_1907 = tpu.vector_load %arg5[%swap3A_1906] {strides = array<i32>} : memref<1664xi32, #tpu.memory_space<vmem>>, vector<16xi32>,
        %swap3A_1908 = vector.shape_cast %swap3A_1907 : vector<16xi32> to vector<16xi32>
        %swap3A_1909 = vector.shape_cast %add3A_1905 : vector<16xi32> to vector<16xi32>
        tpu.vector_store %arg5[%swap3A_1906], %swap3A_1909 {strides = array<i32>} : memref<1664xi32, #tpu.memory_space<vmem>>, vector<16xi32>,
        %get3A_1910 = arith.constant 1200 : index
        %get3A_1911 = tpu.vector_load %arg5[%get3A_1910] {strides = array<i32>} : memref<1664xi32, #tpu.memory_space<vmem>>, vector<16xi32>,
        %get3A_1912 = vector.shape_cast %get3A_1911 : vector<16xi32> to vector<16xi32>
        %add3A_1913 = arith.addi %get3A_1912, %mul3A_303 : vector<16xi32>
        %swap3A_1914 = arith.constant 1200 : index
        %swap3A_1915 = tpu.vector_load %arg5[%swap3A_1914] {strides = array<i32>} : memref<1664xi32, #tpu.memory_space<vmem>>, vector<16xi32>,
        %swap3A_1916 = vector.shape_cast %swap3A_1915 : vector<16xi32> to vector<16xi32>
        %swap3A_1917 = vector.shape_cast %add3A_1913 : vector<16xi32> to vector<16xi32>
        tpu.vector_store %arg5[%swap3A_1914], %swap3A_1917 {strides = array<i32>} : memref<1664xi32, #tpu.memory_space<vmem>>, vector<16xi32>,
        %get3A_1918 = arith.constant 1216 : index
        %get3A_1919 = tpu.vector_load %arg5[%get3A_1918] {strides = array<i32>} : memref<1664xi32, #tpu.memory_space<vmem>>, vector<16xi32>,
        %get3A_1920 = vector.shape_cast %get3A_1919 : vector<16xi32> to vector<16xi32>
        %add3A_1921 = arith.addi %get3A_1920, %mul3A_331 : vector<16xi32>
        %swap3A_1922 = arith.constant 1216 : index
        %swap3A_1923 = tpu.vector_load %arg5[%swap3A_1922] {strides = array<i32>} : memref<1664xi32, #tpu.memory_space<vmem>>, vector<16xi32>,
        %swap3A_1924 = vector.shape_cast %swap3A_1923 : vector<16xi32> to vector<16xi32>
        %swap3A_1925 = vector.shape_cast %add3A_1921 : vector<16xi32> to vector<16xi32>
        tpu.vector_store %arg5[%swap3A_1922], %swap3A_1925 {strides = array<i32>} : memref<1664xi32, #tpu.memory_space<vmem>>, vector<16xi32>,
        %get3A_1926 = arith.constant 1232 : index
        %get3A_1927 = tpu.vector_load %arg5[%get3A_1926] {strides = array<i32>} : memref<1664xi32, #tpu.memory_space<vmem>>, vector<16xi32>,
        %get3A_1928 = vector.shape_cast %get3A_1927 : vector<16xi32> to vector<16xi32>
        %add3A_1929 = arith.addi %get3A_1928, %mul3A_359 : vector<16xi32>
        %swap3A_1930 = arith.constant 1232 : index
        %swap3A_1931 = tpu.vector_load %arg5[%swap3A_1930] {strides = array<i32>} : memref<1664xi32, #tpu.memory_space<vmem>>, vector<16xi32>,
        %swap3A_1932 = vector.shape_cast %swap3A_1931 : vector<16xi32> to vector<16xi32>
        %swap3A_1933 = vector.shape_cast %add3A_1929 : vector<16xi32> to vector<16xi32>
        tpu.vector_store %arg5[%swap3A_1930], %swap3A_1933 {strides = array<i32>} : memref<1664xi32, #tpu.memory_space<vmem>>, vector<16xi32>,
        %get3A_1934 = arith.constant 1248 : index
        %get3A_1935 = tpu.vector_load %arg5[%get3A_1934] {strides = array<i32>} : memref<1664xi32, #tpu.memory_space<vmem>>, vector<16xi32>,
        %get3A_1936 = vector.shape_cast %get3A_1935 : vector<16xi32> to vector<16xi32>
        %add3A_1937 = arith.addi %get3A_1936, %mul3A_23 : vector<16xi32>
        %swap3A_1938 = arith.constant 1248 : index
        %swap3A_1939 = tpu.vector_load %arg5[%swap3A_1938] {strides = array<i32>} : memref<1664xi32, #tpu.memory_space<vmem>>, vector<16xi32>,
        %swap3A_1940 = vector.shape_cast %swap3A_1939 : vector<16xi32> to vector<16xi32>
        %swap3A_1941 = vector.shape_cast %add3A_1937 : vector<16xi32> to vector<16xi32>
        tpu.vector_store %arg5[%swap3A_1938], %swap3A_1941 {strides = array<i32>} : memref<1664xi32, #tpu.memory_space<vmem>>, vector<16xi32>,
        %get3A_1942 = arith.constant 1264 : index
        %get3A_1943 = tpu.vector_load %arg5[%get3A_1942] {strides = array<i32>} : memref<1664xi32, #tpu.memory_space<vmem>>, vector<16xi32>,
        %get3A_1944 = vector.shape_cast %get3A_1943 : vector<16xi32> to vector<16xi32>
        %add3A_1945 = arith.addi %get3A_1944, %mul3A_51 : vector<16xi32>
        %swap3A_1946 = arith.constant 1264 : index
        %swap3A_1947 = tpu.vector_load %arg5[%swap3A_1946] {strides = array<i32>} : memref<1664xi32, #tpu.memory_space<vmem>>, vector<16xi32>,
        %swap3A_1948 = vector.shape_cast %swap3A_1947 : vector<16xi32> to vector<16xi32>
        %swap3A_1949 = vector.shape_cast %add3A_1945 : vector<16xi32> to vector<16xi32>
        tpu.vector_store %arg5[%swap3A_1946], %swap3A_1949 {strides = array<i32>} : memref<1664xi32, #tpu.memory_space<vmem>>, vector<16xi32>,
        %get3A_1950 = arith.constant 1280 : index
        %get3A_1951 = tpu.vector_load %arg5[%get3A_1950] {strides = array<i32>} : memref<1664xi32, #tpu.memory_space<vmem>>, vector<16xi32>,
        %get3A_1952 = vector.shape_cast %get3A_1951 : vector<16xi32> to vector<16xi32>
        %add3A_1953 = arith.addi %get3A_1952, %mul3A_79 : vector<16xi32>
        %swap3A_1954 = arith.constant 1280 : index
        %swap3A_1955 = tpu.vector_load %arg5[%swap3A_1954] {strides = array<i32>} : memref<1664xi32, #tpu.memory_space<vmem>>, vector<16xi32>,
        %swap3A_1956 = vector.shape_cast %swap3A_1955 : vector<16xi32> to vector<16xi32>
        %swap3A_1957 = vector.shape_cast %add3A_1953 : vector<16xi32> to vector<16xi32>
        tpu.vector_store %arg5[%swap3A_1954], %swap3A_1957 {strides = array<i32>} : memref<1664xi32, #tpu.memory_space<vmem>>, vector<16xi32>,
        %get3A_1958 = arith.constant 1296 : index
        %get3A_1959 = tpu.vector_load %arg5[%get3A_1958] {strides = array<i32>} : memref<1664xi32, #tpu.memory_space<vmem>>, vector<16xi32>,
        %get3A_1960 = vector.shape_cast %get3A_1959 : vector<16xi32> to vector<16xi32>
        %add3A_1961 = arith.addi %get3A_1960, %mul3A_107 : vector<16xi32>
        %swap3A_1962 = arith.constant 1296 : index
        %swap3A_1963 = tpu.vector_load %arg5[%swap3A_1962] {strides = array<i32>} : memref<1664xi32, #tpu.memory_space<vmem>>, vector<16xi32>,
        %swap3A_1964 = vector.shape_cast %swap3A_1963 : vector<16xi32> to vector<16xi32>
        %swap3A_1965 = vector.shape_cast %add3A_1961 : vector<16xi32> to vector<16xi32>
        tpu.vector_store %arg5[%swap3A_1962], %swap3A_1965 {strides = array<i32>} : memref<1664xi32, #tpu.memory_space<vmem>>, vector<16xi32>,
        %get3A_1966 = arith.constant 1312 : index
        %get3A_1967 = tpu.vector_load %arg5[%get3A_1966] {strides = array<i32>} : memref<1664xi32, #tpu.memory_space<vmem>>, vector<16xi32>,
        %get3A_1968 = vector.shape_cast %get3A_1967 : vector<16xi32> to vector<16xi32>
        %add3A_1969 = arith.addi %get3A_1968, %mul3A_135 : vector<16xi32>
        %swap3A_1970 = arith.constant 1312 : index
        %swap3A_1971 = tpu.vector_load %arg5[%swap3A_1970] {strides = array<i32>} : memref<1664xi32, #tpu.memory_space<vmem>>, vector<16xi32>,
        %swap3A_1972 = vector.shape_cast %swap3A_1971 : vector<16xi32> to vector<16xi32>
        %swap3A_1973 = vector.shape_cast %add3A_1969 : vector<16xi32> to vector<16xi32>
        tpu.vector_store %arg5[%swap3A_1970], %swap3A_1973 {strides = array<i32>} : memref<1664xi32, #tpu.memory_space<vmem>>, vector<16xi32>,
        %get3A_1974 = arith.constant 1328 : index
        %get3A_1975 = tpu.vector_load %arg5[%get3A_1974] {strides = array<i32>} : memref<1664xi32, #tpu.memory_space<vmem>>, vector<16xi32>,
        %get3A_1976 = vector.shape_cast %get3A_1975 : vector<16xi32> to vector<16xi32>
        %add3A_1977 = arith.addi %get3A_1976, %mul3A_163 : vector<16xi32>
        %swap3A_1978 = arith.constant 1328 : index
        %swap3A_1979 = tpu.vector_load %arg5[%swap3A_1978] {strides = array<i32>} : memref<1664xi32, #tpu.memory_space<vmem>>, vector<16xi32>,
        %swap3A_1980 = vector.shape_cast %swap3A_1979 : vector<16xi32> to vector<16xi32>
        %swap3A_1981 = vector.shape_cast %add3A_1977 : vector<16xi32> to vector<16xi32>
        tpu.vector_store %arg5[%swap3A_1978], %swap3A_1981 {strides = array<i32>} : memref<1664xi32, #tpu.memory_space<vmem>>, vector<16xi32>,
        %get3A_1982 = arith.constant 1344 : index
        %get3A_1983 = tpu.vector_load %arg5[%get3A_1982] {strides = array<i32>} : memref<1664xi32, #tpu.memory_space<vmem>>, vector<16xi32>,
        %get3A_1984 = vector.shape_cast %get3A_1983 : vector<16xi32> to vector<16xi32>
        %add3A_1985 = arith.addi %get3A_1984, %mul3A_191 : vector<16xi32>
        %swap3A_1986 = arith.constant 1344 : index
        %swap3A_1987 = tpu.vector_load %arg5[%swap3A_1986] {strides = array<i32>} : memref<1664xi32, #tpu.memory_space<vmem>>, vector<16xi32>,
        %swap3A_1988 = vector.shape_cast %swap3A_1987 : vector<16xi32> to vector<16xi32>
        %swap3A_1989 = vector.shape_cast %add3A_1985 : vector<16xi32> to vector<16xi32>
        tpu.vector_store %arg5[%swap3A_1986], %swap3A_1989 {strides = array<i32>} : memref<1664xi32, #tpu.memory_space<vmem>>, vector<16xi32>,
        %get3A_1990 = arith.constant 1360 : index
        %get3A_1991 = tpu.vector_load %arg5[%get3A_1990] {strides = array<i32>} : memref<1664xi32, #tpu.memory_space<vmem>>, vector<16xi32>,
        %get3A_1992 = vector.shape_cast %get3A_1991 : vector<16xi32> to vector<16xi32>
        %add3A_1993 = arith.addi %get3A_1992, %mul3A_219 : vector<16xi32>
        %swap3A_1994 = arith.constant 1360 : index
        %swap3A_1995 = tpu.vector_load %arg5[%swap3A_1994] {strides = array<i32>} : memref<1664xi32, #tpu.memory_space<vmem>>, vector<16xi32>,
        %swap3A_1996 = vector.shape_cast %swap3A_1995 : vector<16xi32> to vector<16xi32>
        %swap3A_1997 = vector.shape_cast %add3A_1993 : vector<16xi32> to vector<16xi32>
        tpu.vector_store %arg5[%swap3A_1994], %swap3A_1997 {strides = array<i32>} : memref<1664xi32, #tpu.memory_space<vmem>>, vector<16xi32>,
        %get3A_1998 = arith.constant 1376 : index
        %get3A_1999 = tpu.vector_load %arg5[%get3A_1998] {strides = array<i32>} : memref<1664xi32, #tpu.memory_space<vmem>>, vector<16xi32>,
        %get3A_2000 = vector.shape_cast %get3A_1999 : vector<16xi32> to vector<16xi32>
        %add3A_2001 = arith.addi %get3A_2000, %mul3A_247 : vector<16xi32>
        %swap3A_2002 = arith.constant 1376 : index
        %swap3A_2003 = tpu.vector_load %arg5[%swap3A_2002] {strides = array<i32>} : memref<1664xi32, #tpu.memory_space<vmem>>, vector<16xi32>,
        %swap3A_2004 = vector.shape_cast %swap3A_2003 : vector<16xi32> to vector<16xi32>
        %swap3A_2005 = vector.shape_cast %add3A_2001 : vector<16xi32> to vector<16xi32>
        tpu.vector_store %arg5[%swap3A_2002], %swap3A_2005 {strides = array<i32>} : memref<1664xi32, #tpu.memory_space<vmem>>, vector<16xi32>,
        %get3A_2006 = arith.constant 1392 : index
        %get3A_2007 = tpu.vector_load %arg5[%get3A_2006] {strides = array<i32>} : memref<1664xi32, #tpu.memory_space<vmem>>, vector<16xi32>,
        %get3A_2008 = vector.shape_cast %get3A_2007 : vector<16xi32> to vector<16xi32>
        %add3A_2009 = arith.addi %get3A_2008, %mul3A_275 : vector<16xi32>
        %swap3A_2010 = arith.constant 1392 : index
        %swap3A_2011 = tpu.vector_load %arg5[%swap3A_2010] {strides = array<i32>} : memref<1664xi32, #tpu.memory_space<vmem>>, vector<16xi32>,
        %swap3A_2012 = vector.shape_cast %swap3A_2011 : vector<16xi32> to vector<16xi32>
        %swap3A_2013 = vector.shape_cast %add3A_2009 : vector<16xi32> to vector<16xi32>
        tpu.vector_store %arg5[%swap3A_2010], %swap3A_2013 {strides = array<i32>} : memref<1664xi32, #tpu.memory_space<vmem>>, vector<16xi32>,
        %get3A_2014 = arith.constant 1408 : index
        %get3A_2015 = tpu.vector_load %arg5[%get3A_2014] {strides = array<i32>} : memref<1664xi32, #tpu.memory_space<vmem>>, vector<16xi32>,
        %get3A_2016 = vector.shape_cast %get3A_2015 : vector<16xi32> to vector<16xi32>
        %add3A_2017 = arith.addi %get3A_2016, %mul3A_303 : vector<16xi32>
        %swap3A_2018 = arith.constant 1408 : index
        %swap3A_2019 = tpu.vector_load %arg5[%swap3A_2018] {strides = array<i32>} : memref<1664xi32, #tpu.memory_space<vmem>>, vector<16xi32>,
        %swap3A_2020 = vector.shape_cast %swap3A_2019 : vector<16xi32> to vector<16xi32>
        %swap3A_2021 = vector.shape_cast %add3A_2017 : vector<16xi32> to vector<16xi32>
        tpu.vector_store %arg5[%swap3A_2018], %swap3A_2021 {strides = array<i32>} : memref<1664xi32, #tpu.memory_space<vmem>>, vector<16xi32>,
        %get3A_2022 = arith.constant 1424 : index
        %get3A_2023 = tpu.vector_load %arg5[%get3A_2022] {strides = array<i32>} : memref<1664xi32, #tpu.memory_space<vmem>>, vector<16xi32>,
        %get3A_2024 = vector.shape_cast %get3A_2023 : vector<16xi32> to vector<16xi32>
        %add3A_2025 = arith.addi %get3A_2024, %mul3A_331 : vector<16xi32>
        %swap3A_2026 = arith.constant 1424 : index
        %swap3A_2027 = tpu.vector_load %arg5[%swap3A_2026] {strides = array<i32>} : memref<1664xi32, #tpu.memory_space<vmem>>, vector<16xi32>,
        %swap3A_2028 = vector.shape_cast %swap3A_2027 : vector<16xi32> to vector<16xi32>
        %swap3A_2029 = vector.shape_cast %add3A_2025 : vector<16xi32> to vector<16xi32>
        tpu.vector_store %arg5[%swap3A_2026], %swap3A_2029 {strides = array<i32>} : memref<1664xi32, #tpu.memory_space<vmem>>, vector<16xi32>,
        %get3A_2030 = arith.constant 1440 : index
        %get3A_2031 = tpu.vector_load %arg5[%get3A_2030] {strides = array<i32>} : memref<1664xi32, #tpu.memory_space<vmem>>, vector<16xi32>,
        %get3A_2032 = vector.shape_cast %get3A_2031 : vector<16xi32> to vector<16xi32>
        %add3A_2033 = arith.addi %get3A_2032, %mul3A_359 : vector<16xi32>
        %swap3A_2034 = arith.constant 1440 : index
        %swap3A_2035 = tpu.vector_load %arg5[%swap3A_2034] {strides = array<i32>} : memref<1664xi32, #tpu.memory_space<vmem>>, vector<16xi32>,
        %swap3A_2036 = vector.shape_cast %swap3A_2035 : vector<16xi32> to vector<16xi32>
        %swap3A_2037 = vector.shape_cast %add3A_2033 : vector<16xi32> to vector<16xi32>
        tpu.vector_store %arg5[%swap3A_2034], %swap3A_2037 {strides = array<i32>} : memref<1664xi32, #tpu.memory_space<vmem>>, vector<16xi32>,
        %get3A_2038 = arith.constant 1456 : index
        %get3A_2039 = tpu.vector_load %arg5[%get3A_2038] {strides = array<i32>} : memref<1664xi32, #tpu.memory_space<vmem>>, vector<16xi32>,
        %get3A_2040 = vector.shape_cast %get3A_2039 : vector<16xi32> to vector<16xi32>
        %add3A_2041 = arith.addi %get3A_2040, %mul3A_23 : vector<16xi32>
        %swap3A_2042 = arith.constant 1456 : index
        %swap3A_2043 = tpu.vector_load %arg5[%swap3A_2042] {strides = array<i32>} : memref<1664xi32, #tpu.memory_space<vmem>>, vector<16xi32>,
        %swap3A_2044 = vector.shape_cast %swap3A_2043 : vector<16xi32> to vector<16xi32>
        %swap3A_2045 = vector.shape_cast %add3A_2041 : vector<16xi32> to vector<16xi32>
        tpu.vector_store %arg5[%swap3A_2042], %swap3A_2045 {strides = array<i32>} : memref<1664xi32, #tpu.memory_space<vmem>>, vector<16xi32>,
        %get3A_2046 = arith.constant 1472 : index
        %get3A_2047 = tpu.vector_load %arg5[%get3A_2046] {strides = array<i32>} : memref<1664xi32, #tpu.memory_space<vmem>>, vector<16xi32>,
        %get3A_2048 = vector.shape_cast %get3A_2047 : vector<16xi32> to vector<16xi32>
        %add3A_2049 = arith.addi %get3A_2048, %mul3A_51 : vector<16xi32>
        %swap3A_2050 = arith.constant 1472 : index
        %swap3A_2051 = tpu.vector_load %arg5[%swap3A_2050] {strides = array<i32>} : memref<1664xi32, #tpu.memory_space<vmem>>, vector<16xi32>,
        %swap3A_2052 = vector.shape_cast %swap3A_2051 : vector<16xi32> to vector<16xi32>
        %swap3A_2053 = vector.shape_cast %add3A_2049 : vector<16xi32> to vector<16xi32>
        tpu.vector_store %arg5[%swap3A_2050], %swap3A_2053 {strides = array<i32>} : memref<1664xi32, #tpu.memory_space<vmem>>, vector<16xi32>,
        %get3A_2054 = arith.constant 1488 : index
        %get3A_2055 = tpu.vector_load %arg5[%get3A_2054] {strides = array<i32>} : memref<1664xi32, #tpu.memory_space<vmem>>, vector<16xi32>,
        %get3A_2056 = vector.shape_cast %get3A_2055 : vector<16xi32> to vector<16xi32>
        %add3A_2057 = arith.addi %get3A_2056, %mul3A_79 : vector<16xi32>
        %swap3A_2058 = arith.constant 1488 : index
        %swap3A_2059 = tpu.vector_load %arg5[%swap3A_2058] {strides = array<i32>} : memref<1664xi32, #tpu.memory_space<vmem>>, vector<16xi32>,
        %swap3A_2060 = vector.shape_cast %swap3A_2059 : vector<16xi32> to vector<16xi32>
        %swap3A_2061 = vector.shape_cast %add3A_2057 : vector<16xi32> to vector<16xi32>
        tpu.vector_store %arg5[%swap3A_2058], %swap3A_2061 {strides = array<i32>} : memref<1664xi32, #tpu.memory_space<vmem>>, vector<16xi32>,
        %get3A_2062 = arith.constant 1504 : index
        %get3A_2063 = tpu.vector_load %arg5[%get3A_2062] {strides = array<i32>} : memref<1664xi32, #tpu.memory_space<vmem>>, vector<16xi32>,
        %get3A_2064 = vector.shape_cast %get3A_2063 : vector<16xi32> to vector<16xi32>
        %add3A_2065 = arith.addi %get3A_2064, %mul3A_107 : vector<16xi32>
        %swap3A_2066 = arith.constant 1504 : index
        %swap3A_2067 = tpu.vector_load %arg5[%swap3A_2066] {strides = array<i32>} : memref<1664xi32, #tpu.memory_space<vmem>>, vector<16xi32>,
        %swap3A_2068 = vector.shape_cast %swap3A_2067 : vector<16xi32> to vector<16xi32>
        %swap3A_2069 = vector.shape_cast %add3A_2065 : vector<16xi32> to vector<16xi32>
        tpu.vector_store %arg5[%swap3A_2066], %swap3A_2069 {strides = array<i32>} : memref<1664xi32, #tpu.memory_space<vmem>>, vector<16xi32>,
        %get3A_2070 = arith.constant 1520 : index
        %get3A_2071 = tpu.vector_load %arg5[%get3A_2070] {strides = array<i32>} : memref<1664xi32, #tpu.memory_space<vmem>>, vector<16xi32>,
        %get3A_2072 = vector.shape_cast %get3A_2071 : vector<16xi32> to vector<16xi32>
        %add3A_2073 = arith.addi %get3A_2072, %mul3A_135 : vector<16xi32>
        %swap3A_2074 = arith.constant 1520 : index
        %swap3A_2075 = tpu.vector_load %arg5[%swap3A_2074] {strides = array<i32>} : memref<1664xi32, #tpu.memory_space<vmem>>, vector<16xi32>,
        %swap3A_2076 = vector.shape_cast %swap3A_2075 : vector<16xi32> to vector<16xi32>
        %swap3A_2077 = vector.shape_cast %add3A_2073 : vector<16xi32> to vector<16xi32>
        tpu.vector_store %arg5[%swap3A_2074], %swap3A_2077 {strides = array<i32>} : memref<1664xi32, #tpu.memory_space<vmem>>, vector<16xi32>,
        %get3A_2078 = arith.constant 1536 : index
        %get3A_2079 = tpu.vector_load %arg5[%get3A_2078] {strides = array<i32>} : memref<1664xi32, #tpu.memory_space<vmem>>, vector<16xi32>,
        %get3A_2080 = vector.shape_cast %get3A_2079 : vector<16xi32> to vector<16xi32>
        %add3A_2081 = arith.addi %get3A_2080, %mul3A_163 : vector<16xi32>
        %swap3A_2082 = arith.constant 1536 : index
        %swap3A_2083 = tpu.vector_load %arg5[%swap3A_2082] {strides = array<i32>} : memref<1664xi32, #tpu.memory_space<vmem>>, vector<16xi32>,
        %swap3A_2084 = vector.shape_cast %swap3A_2083 : vector<16xi32> to vector<16xi32>
        %swap3A_2085 = vector.shape_cast %add3A_2081 : vector<16xi32> to vector<16xi32>
        tpu.vector_store %arg5[%swap3A_2082], %swap3A_2085 {strides = array<i32>} : memref<1664xi32, #tpu.memory_space<vmem>>, vector<16xi32>,
        %get3A_2086 = arith.constant 1552 : index
        %get3A_2087 = tpu.vector_load %arg5[%get3A_2086] {strides = array<i32>} : memref<1664xi32, #tpu.memory_space<vmem>>, vector<16xi32>,
        %get3A_2088 = vector.shape_cast %get3A_2087 : vector<16xi32> to vector<16xi32>
        %add3A_2089 = arith.addi %get3A_2088, %mul3A_191 : vector<16xi32>
        %swap3A_2090 = arith.constant 1552 : index
        %swap3A_2091 = tpu.vector_load %arg5[%swap3A_2090] {strides = array<i32>} : memref<1664xi32, #tpu.memory_space<vmem>>, vector<16xi32>,
        %swap3A_2092 = vector.shape_cast %swap3A_2091 : vector<16xi32> to vector<16xi32>
        %swap3A_2093 = vector.shape_cast %add3A_2089 : vector<16xi32> to vector<16xi32>
        tpu.vector_store %arg5[%swap3A_2090], %swap3A_2093 {strides = array<i32>} : memref<1664xi32, #tpu.memory_space<vmem>>, vector<16xi32>,
        %get3A_2094 = arith.constant 1568 : index
        %get3A_2095 = tpu.vector_load %arg5[%get3A_2094] {strides = array<i32>} : memref<1664xi32, #tpu.memory_space<vmem>>, vector<16xi32>,
        %get3A_2096 = vector.shape_cast %get3A_2095 : vector<16xi32> to vector<16xi32>
        %add3A_2097 = arith.addi %get3A_2096, %mul3A_219 : vector<16xi32>
        %swap3A_2098 = arith.constant 1568 : index
        %swap3A_2099 = tpu.vector_load %arg5[%swap3A_2098] {strides = array<i32>} : memref<1664xi32, #tpu.memory_space<vmem>>, vector<16xi32>,
        %swap3A_2100 = vector.shape_cast %swap3A_2099 : vector<16xi32> to vector<16xi32>
        %swap3A_2101 = vector.shape_cast %add3A_2097 : vector<16xi32> to vector<16xi32>
        tpu.vector_store %arg5[%swap3A_2098], %swap3A_2101 {strides = array<i32>} : memref<1664xi32, #tpu.memory_space<vmem>>, vector<16xi32>,
        %get3A_2102 = arith.constant 1584 : index
        %get3A_2103 = tpu.vector_load %arg5[%get3A_2102] {strides = array<i32>} : memref<1664xi32, #tpu.memory_space<vmem>>, vector<16xi32>,
        %get3A_2104 = vector.shape_cast %get3A_2103 : vector<16xi32> to vector<16xi32>
        %add3A_2105 = arith.addi %get3A_2104, %mul3A_247 : vector<16xi32>
        %swap3A_2106 = arith.constant 1584 : index
        %swap3A_2107 = tpu.vector_load %arg5[%swap3A_2106] {strides = array<i32>} : memref<1664xi32, #tpu.memory_space<vmem>>, vector<16xi32>,
        %swap3A_2108 = vector.shape_cast %swap3A_2107 : vector<16xi32> to vector<16xi32>
        %swap3A_2109 = vector.shape_cast %add3A_2105 : vector<16xi32> to vector<16xi32>
        tpu.vector_store %arg5[%swap3A_2106], %swap3A_2109 {strides = array<i32>} : memref<1664xi32, #tpu.memory_space<vmem>>, vector<16xi32>,
        %get3A_2110 = arith.constant 1600 : index
        %get3A_2111 = tpu.vector_load %arg5[%get3A_2110] {strides = array<i32>} : memref<1664xi32, #tpu.memory_space<vmem>>, vector<16xi32>,
        %get3A_2112 = vector.shape_cast %get3A_2111 : vector<16xi32> to vector<16xi32>
        %add3A_2113 = arith.addi %get3A_2112, %mul3A_275 : vector<16xi32>
        %swap3A_2114 = arith.constant 1600 : index
        %swap3A_2115 = tpu.vector_load %arg5[%swap3A_2114] {strides = array<i32>} : memref<1664xi32, #tpu.memory_space<vmem>>, vector<16xi32>,
        %swap3A_2116 = vector.shape_cast %swap3A_2115 : vector<16xi32> to vector<16xi32>
        %swap3A_2117 = vector.shape_cast %add3A_2113 : vector<16xi32> to vector<16xi32>
        tpu.vector_store %arg5[%swap3A_2114], %swap3A_2117 {strides = array<i32>} : memref<1664xi32, #tpu.memory_space<vmem>>, vector<16xi32>,
        %get3A_2118 = arith.constant 1616 : index
        %get3A_2119 = tpu.vector_load %arg5[%get3A_2118] {strides = array<i32>} : memref<1664xi32, #tpu.memory_space<vmem>>, vector<16xi32>,
        %get3A_2120 = vector.shape_cast %get3A_2119 : vector<16xi32> to vector<16xi32>
        %add3A_2121 = arith.addi %get3A_2120, %mul3A_303 : vector<16xi32>
        %swap3A_2122 = arith.constant 1616 : index
        %swap3A_2123 = tpu.vector_load %arg5[%swap3A_2122] {strides = array<i32>} : memref<1664xi32, #tpu.memory_space<vmem>>, vector<16xi32>,
        %swap3A_2124 = vector.shape_cast %swap3A_2123 : vector<16xi32> to vector<16xi32>
        %swap3A_2125 = vector.shape_cast %add3A_2121 : vector<16xi32> to vector<16xi32>
        tpu.vector_store %arg5[%swap3A_2122], %swap3A_2125 {strides = array<i32>} : memref<1664xi32, #tpu.memory_space<vmem>>, vector<16xi32>,
        %get3A_2126 = arith.constant 1632 : index
        %get3A_2127 = tpu.vector_load %arg5[%get3A_2126] {strides = array<i32>} : memref<1664xi32, #tpu.memory_space<vmem>>, vector<16xi32>,
        %get3A_2128 = vector.shape_cast %get3A_2127 : vector<16xi32> to vector<16xi32>
        %add3A_2129 = arith.addi %get3A_2128, %mul3A_331 : vector<16xi32>
        %swap3A_2130 = arith.constant 1632 : index
        %swap3A_2131 = tpu.vector_load %arg5[%swap3A_2130] {strides = array<i32>} : memref<1664xi32, #tpu.memory_space<vmem>>, vector<16xi32>,
        %swap3A_2132 = vector.shape_cast %swap3A_2131 : vector<16xi32> to vector<16xi32>
        %swap3A_2133 = vector.shape_cast %add3A_2129 : vector<16xi32> to vector<16xi32>
        tpu.vector_store %arg5[%swap3A_2130], %swap3A_2133 {strides = array<i32>} : memref<1664xi32, #tpu.memory_space<vmem>>, vector<16xi32>,
        %get3A_2134 = arith.constant 1648 : index
        %get3A_2135 = tpu.vector_load %arg5[%get3A_2134] {strides = array<i32>} : memref<1664xi32, #tpu.memory_space<vmem>>, vector<16xi32>,
        %get3A_2136 = vector.shape_cast %get3A_2135 : vector<16xi32> to vector<16xi32>
        %add3A_2137 = arith.addi %get3A_2136, %mul3A_359 : vector<16xi32>
        %swap3A_2138 = arith.constant 1648 : index
        %swap3A_2139 = tpu.vector_load %arg5[%swap3A_2138] {strides = array<i32>} : memref<1664xi32, #tpu.memory_space<vmem>>, vector<16xi32>,
        %swap3A_2140 = vector.shape_cast %swap3A_2139 : vector<16xi32> to vector<16xi32>
        %swap3A_2141 = vector.shape_cast %add3A_2137 : vector<16xi32> to vector<16xi32>
        tpu.vector_store %arg5[%swap3A_2138], %swap3A_2141 {strides = array<i32>} : memref<1664xi32, #tpu.memory_space<vmem>>, vector<16xi32>,
      } else {
      }
      %dma_wait3A_1270 = arith.constant 0 : i32
      %dma_wait3A_1271 = arith.constant 0 : i32
      %dma_wait3A_1272 = tpu.memref_slice %arg2[%scan3A, %dma_wait3A_1270, %dma_wait3A_1271] : memref<26x100000x16xf32, #tpu.memory_space<hbm>> -> memref<1x100000x16xf32, #tpu.memory_space<hbm>>
      %dma_wait3A_1273 = tpu.memref_squeeze %dma_wait3A_1272 : memref<1x100000x16xf32, #tpu.memory_space<hbm>> -> memref<100000x16xf32, #tpu.memory_space<hbm>>
      %dma_wait3A_1274 = arith.constant 0 : i32
      %dma_wait3A_1275 = arith.constant 0 : i32
      %dma_wait3A_1276 = tpu.memref_slice %dma_wait3A_1273[%dma_wait3A_1274, %dma_wait3A_1275] : memref<100000x16xf32, #tpu.memory_space<hbm>> -> memref<100000x16xf32, #tpu.memory_space<hbm>>
      tpu.wait_indirect_dma semaphore(%arg11 : memref<!tpu.dma_semaphore, #tpu.memory_space<semaphore_mem>>) src(%dma_wait3A_1276 : memref<100000x16xf32, #tpu.memory_space<hbm>>) dst(%arg8 : memref<1664x16xf32, #tpu.memory_space<vmem>>)
      %mul3A_1277 = arith.constant 1664 : i32
      %mul3A_1278 = arith.muli %add3A_1262, %mul3A_1277 : i32
      %add3A_1279 = arith.addi %mul3A_2, %mul3A_1278 : i32
      %dma_start3A_1280 = arith.constant 0 : i32
      %dma_start3A_1281 = tpu.memref_slice %arg4[%add3A_1279, %dma_start3A_1280] : memref<5324800x16xf32, #tpu.memory_space<hbm>> -> memref<1664x16xf32, #tpu.memory_space<hbm>>
      %dma_start3A_1282 = arith.constant 0 : i32
      %dma_start3A_1283 = tpu.memref_slice %arg4[%add3A_1279, %dma_start3A_1282] : memref<5324800x16xf32, #tpu.memory_space<hbm>> -> memref<1664x16xf32, #tpu.memory_space<hbm>>
      tpu.enqueue_dma source(%arg8 : memref<1664x16xf32, #tpu.memory_space<vmem>>) target(%dma_start3A_1283 : memref<1664x16xf32, #tpu.memory_space<hbm>>) target_semaphore(%arg13 : memref<!tpu.dma_semaphore, #tpu.memory_space<semaphore_mem>>)
      %gt3A_1284 = arith.constant 0 : i32
      %gt3A_1285 = arith.cmpi sgt, %add3A_1262, %gt3A_1284 : i32
      %convert_element_type3A_1286 = arith.extui %gt3A_1285 : i1 to i32
      %cond3A_1287 = arith.constant 0 : i32
      %cond3A_1288 = arith.cmpi ne, %convert_element_type3A_1286, %cond3A_1287 : i32
      scf.if %cond3A_1288 {
        %sub3A = arith.constant 1 : i32
        %sub3A_1303 = arith.subi %add3A_1262, %sub3A : i32
        %mul3A_1304 = arith.constant 1664 : i32
        %mul3A_1305 = arith.muli %sub3A_1303, %mul3A_1304 : i32
        %add3A_1306 = arith.addi %mul3A_2, %mul3A_1305 : i32
        %dma_wait3A_1307 = arith.constant 0 : i32
        %dma_wait3A_1308 = tpu.memref_slice %arg4[%add3A_1306, %dma_wait3A_1307] : memref<5324800x16xf32, #tpu.memory_space<hbm>> -> memref<1664x16xf32, #tpu.memory_space<hbm>>
        %dma_wait3A_1309 = arith.constant 0 : i32
        %dma_wait3A_1310 = tpu.memref_slice %arg4[%add3A_1306, %dma_wait3A_1309] : memref<5324800x16xf32, #tpu.memory_space<hbm>> -> memref<1664x16xf32, #tpu.memory_space<hbm>>
        tpu.wait_dma2 semaphore(%arg12 : memref<!tpu.dma_semaphore, #tpu.memory_space<semaphore_mem>>) src(%arg7 : memref<1664x16xf32, #tpu.memory_space<vmem>>) dst(%dma_wait3A_1310 : memref<1664x16xf32, #tpu.memory_space<hbm>>)
      } else {
      }
      %add3A_1289 = arith.constant 1 : i32
      %add3A_1290 = arith.addi %add3A_1262, %add3A_1289 : i32
      %lt3A_1291 = arith.constant 100 : i32
      %lt3A_1292 = arith.cmpi slt, %add3A_1290, %lt3A_1291 : i32
      %convert_element_type3A_1293 = arith.extui %lt3A_1292 : i1 to i32
      %cond3A_1294 = arith.constant 0 : i32
      %cond3A_1295 = arith.cmpi ne, %convert_element_type3A_1293, %cond3A_1294 : i32
      scf.if %cond3A_1295 {
        %dma_start3A_1303 = arith.constant 0 : i32
        %dma_start3A_1304 = arith.constant 0 : i32
        %dma_start3A_1305 = tpu.memref_slice %arg2[%scan3A, %dma_start3A_1303, %dma_start3A_1304] : memref<26x100000x16xf32, #tpu.memory_space<hbm>> -> memref<1x100000x16xf32, #tpu.memory_space<hbm>>
        %dma_start3A_1306 = tpu.memref_squeeze %dma_start3A_1305 : memref<1x100000x16xf32, #tpu.memory_space<hbm>> -> memref<100000x16xf32, #tpu.memory_space<hbm>>
        %dma_start3A_1307 = arith.constant 0 : i32
        %dma_start3A_1308 = arith.constant 0 : i32
        %dma_start3A_1309 = tpu.memref_slice %dma_start3A_1306[%dma_start3A_1307, %dma_start3A_1308] : memref<100000x16xf32, #tpu.memory_space<hbm>> -> memref<100000x16xf32, #tpu.memory_space<hbm>>
        tpu.enqueue_indirect_dma source(%dma_start3A_1309 : memref<100000x16xf32, #tpu.memory_space<hbm>>) target(%arg7 : memref<1664x16xf32, #tpu.memory_space<vmem>>) offsets(%arg5 : memref<1664xi32, #tpu.memory_space<vmem>>) semaphore(%arg11 : memref<!tpu.dma_semaphore, #tpu.memory_space<semaphore_mem>>)
      } else {
      }
      %add3A_1296 = arith.constant 2 : i32
      %add3A_1297 = arith.addi %add3A_1262, %add3A_1296 : i32
      %lt3A_1298 = arith.constant 100 : i32
      %lt3A_1299 = arith.cmpi slt, %add3A_1297, %lt3A_1298 : i32
      %convert_element_type3A_1300 = arith.extui %lt3A_1299 : i1 to i32
      %cond3A_1301 = arith.constant 0 : i32
      %cond3A_1302 = arith.cmpi ne, %convert_element_type3A_1300, %cond3A_1301 : i32
      scf.if %cond3A_1302 {
        %add3A_1303 = arith.constant 2 : i32
        %add3A_1304 = arith.addi %add3A_1262, %add3A_1303 : i32
        %mul3A_1305 = arith.constant 1664 : i32
        %mul3A_1306 = arith.muli %add3A_1304, %mul3A_1305 : i32
        %add3A_1307 = arith.addi %mul3A_2, %mul3A_1306 : i32
        %dma_start3A_1308 = tpu.memref_slice %arg3[%add3A_1307] : memref<5324800xi32, #tpu.memory_space<hbm>> -> memref<1664xi32, #tpu.memory_space<hbm>>
        %dma_start3A_1309 = tpu.memref_slice %arg3[%add3A_1307] : memref<5324800xi32, #tpu.memory_space<hbm>> -> memref<1664xi32, #tpu.memory_space<hbm>>
        tpu.enqueue_dma source(%dma_start3A_1309 : memref<1664xi32, #tpu.memory_space<hbm>>) target(%arg6 : memref<1664xi32, #tpu.memory_space<vmem>>) target_semaphore(%arg10 : memref<!tpu.dma_semaphore, #tpu.memory_space<semaphore_mem>>)
      } else {
      }
    }
    %scan3A_1212 = arith.constant 50 : i32
    %add3A_1213 = arith.constant 164736 : i32
    %add3A_1214 = arith.addi %mul3A_2, %add3A_1213 : i32
    %dma_wait3A_1215 = arith.constant 0 : i32
    %dma_wait3A_1216 = tpu.memref_slice %arg4[%add3A_1214, %dma_wait3A_1215] : memref<5324800x16xf32, #tpu.memory_space<hbm>> -> memref<1664x16xf32, #tpu.memory_space<hbm>>
    %dma_wait3A_1217 = arith.constant 0 : i32
    %dma_wait3A_1218 = tpu.memref_slice %arg4[%add3A_1214, %dma_wait3A_1217] : memref<5324800x16xf32, #tpu.memory_space<hbm>> -> memref<1664x16xf32, #tpu.memory_space<hbm>>
    tpu.wait_dma2 semaphore(%arg13 : memref<!tpu.dma_semaphore, #tpu.memory_space<semaphore_mem>>) src(%arg8 : memref<1664x16xf32, #tpu.memory_space<vmem>>) dst(%dma_wait3A_1218 : memref<1664x16xf32, #tpu.memory_space<hbm>>)
    return
  }
}

</mosaic_0001>

<sc_bundles>
// kernel: _sc_gather.3.cloned.1.call-start
scs
__scs_entry_jumppad:
0x0: {  	(pc) =	sbr.rel $0x88, $3  }
0x1: {  	(tag) =	ssettag $0x0;
	lr =	simm.s32 $0x1  }
0x2: {  	[smem:$0x3F9F] =	sst lr;
	_ =	strace $0xD0000000  }
0x3: {  	_ = 	snop  }
0x4: {  	_ = 	snop  }
0x5: {  	_ = 	snop  }
0x6: {  	_ = 	snop  }
0x7: {  	_ = 	snop  }
__scs_overlays_trampoline_lowered:
0x8: {  	[smem:$0x3FAE] =	sst s0  }
0x9: {  	[smem:$0x3FAF] =	sst s1  }
0xa: {  	[smem:$0x3FB0] =	sst s2  }
0xb: {  	[smem:$0x3FB1] =	sst s3  }
0xc: {  	[smem:$0x3FB2] =	sst s4  }
0xd: {  	[smem:$0x3FB3] =	sst s5  }
0xe: {  	[smem:$0x3FB4] =	sst s6  }
0xf: {  	[smem:$0x3FB5] =	sst s7  }
0x10: {  	[smem:$0x3FB6] =	sst s8  }
0x11: {  	[smem:$0x3FB7] =	sst s9;
	s0 =	simm.s32 @!p0 $0x0  }
0x12: {  	s1 =	sld [smem:$0x3F9D];
	s0 =	simm.s32 @p0 $0x1  }
0x13: {  	[smem:$0x3FB8] =	sst s0;
	s0 =	simm.s32 @!p1 $0x0  }
0x14: {  	s2 =	sld [smem:$0x3F9C];
	s0 =	simm.s32 @p1 $0x1  }
0x15: {  	[smem:$0x3FB9] =	sst s0;
	s0 =	simm.s32 @!p2 $0x0  }
0x16: {  	s3 =	sld [smem:$0x3FDB];
	s0 =	simm.s32 @p2 $0x1  }
0x17: {  	s4 =	simm.s32 $0x1BF5;
	[smem:$0x3FBB] =	sst s0  }
0x18: {  	s0 =	sld [smem:$0x3F9E];
	_ =	swait.ge [sflag:s4], $0x0  }
0x19: {  	s7 =	sld [smem:$0x3F9F]  }
0x1a: {  	s8 =	sadd.s32 $0xFFFFE003, lr  }
0x1b: {  	s9 =	sadd.s32 $0xFFFFFEF7, lr;
	s5 =	simm.s32 $0xFFFFFFFF;
	p2 =	slt.u32 s8, $0xFFFFF086  }
0x1c: {  	p1 =	slt.u32 s9, $0xF7A;
	s5 =	simm.s32 @!p2 $0x0  }
0x1d: {  	s5 =	simm.s32 @p1 $0x1;
	p0 =	seq.s32 s7, s2  }
0x1e: {  	s7 =	smul.u32 @!p0 $0xF7A, s2;
	p2 =	seq.s32 @!p0 s5, $0x0  }
0x1f: {  	s9 =	smul.u32 $0xF7A, s1;
	s8 =	simm.s32 @!p0 $0x1BF5;
	p2 =	por !p2, p0  }
0x20: {  	[sflag:s8] =	ssyncset.s32 @!p0 $0xFFFFF086;
	s6 =	sadd.s32 @!p0 s3, s7;
	s7 =	simm.s32 @!p0 $0x108  }
0x21: {  	s3 =	sadd.s32 s3, s9;
	s6 =	sadd.s32 @!p0 $0x88, s6;
	s7 =	simm.s32 @p2 $0x1082  }
0x22: {  	[simem:s7], [sflag:s8] =	dma.local @!p0 [hbm:s6], $0xF7A  }
0x23: {  	s9 =	sor.u32 $0xD0000000, s2;
	s6 =	simm.s32 $0x108;
	_ =	swait.ge @!p0 [sflag:s8], $0x0  }
0x24: {  	s3 =	sadd.s32 $0x88, s3;
	s6 =	simm.s32 @!p1 $0x1082;
	[sflag:s4] =	ssyncset.s32 $0xFFFFF086  }
0x25: {  	[simem:s6], [sflag:s4] =	dma.local [hbm:s3], $0xF7A  }
0x26: {  	[smem:$0x3F9F] =	sst s1;
	(tag) =	ssettag s2;
	_ =	strace s9  }
0x27: {  	s1 =	sld [smem:$0x3FAF]  }
0x28: {  	s2 =	sld [smem:$0x3FB0]  }
0x29: {  	s4 =	sld [smem:$0x3FB2]  }
0x2a: {  	p0 =	seq.s32 s5, $0x0;
	s5 =	sld [smem:$0x3FB3]  }
0x2b: {  	s6 =	sld [smem:$0x3FB4]  }
0x2c: {  	s7 =	sld [smem:$0x3FB5]  }
0x2d: {  	s3 =	simm.s32 $0x108;
	s8 =	sld [smem:$0x3FB6]  }
0x2e: {  	s3 =	simm.s32 @!p0 $0x1082;
	s9 =	sld [smem:$0x3FB7]  }
0x2f: {  	lr =	sadd.s32 s0, s3;
	s0 =	sld [smem:$0x3FAE]  }
0x30: {  	s3 =	sld [smem:$0x3FB1]  }
0x31: {  	[smem:$0x3FBA] =	sst s10  }
0x32: {  	s10 =	sld [smem:$0x3FB8];
	_ =	sdelay $0x3  }
0x33: {  	p0 =	seq.s32 s10, $0x1;
	s10 =	sld [smem:$0x3FBA];
	_ =	sdelay $0x3  }
0x34: {  	[smem:$0x3FBA] =	sst s10  }
0x35: {  	s10 =	sld [smem:$0x3FB9];
	_ =	sdelay $0x3  }
0x36: {  	p1 =	seq.s32 s10, $0x1;
	s10 =	sld [smem:$0x3FBA];
	_ =	sdelay $0x3  }
0x37: {  	[smem:$0x3FBA] =	sst s10  }
0x38: {  	s10 =	sld [smem:$0x3FBB]  }
0x39: {  	_ = 	snop;
	(pc) =	sbr.ind lr, $3  }
0x3a: {  	_ = 	snop  }
0x3b: {  	_ = 	snop  }
0x3c: {  	p2 =	seq.s32 s10, $0x1;
	s10 =	sld [smem:$0x3FBA]  }
0x3d: {  	_ =	shalt  }
0x3e: {  	_ =	shalt  }
0x3f: {  	_ =	shalt  }
0x40: {  	_ =	shalt  }
0x41: {  	_ =	shalt  }
0x42: {  	_ =	shalt  }
0x43: {  	_ =	shalt  }
0x44: {  	_ =	shalt  }
0x45: {  	_ =	shalt  }
0x46: {  	_ =	shalt  }
0x47: {  	_ =	shalt  }
0x48: {  	_ =	shalt  }
0x49: {  	_ =	shalt  }
0x4a: {  	_ =	shalt  }
0x4b: {  	_ =	shalt  }
0x4c: {  	_ =	shalt  }
0x4d: {  	_ =	shalt  }
0x4e: {  	_ =	shalt  }
0x4f: {  	_ =	shalt  }
0x50: {  	_ =	shalt  }
0x51: {  	_ =	shalt  }
0x52: {  	_ =	shalt  }
0x53: {  	_ =	shalt  }
0x54: {  	_ =	shalt  }
0x55: {  	_ =	shalt  }
0x56: {  	_ =	shalt  }
0x57: {  	_ =	shalt  }
0x58: {  	_ =	shalt  }
0x59: {  	_ =	shalt  }
0x5a: {  	_ =	shalt  }
0x5b: {  	_ =	shalt  }
0x5c: {  	_ =	shalt  }
0x5d: {  	_ =	shalt  }
0x5e: {  	_ =	shalt  }
0x5f: {  	_ =	shalt  }
0x60: {  	_ =	shalt  }
0x61: {  	_ =	shalt  }
0x62: {  	_ =	shalt  }
0x63: {  	_ =	shalt  }
0x64: {  	_ =	shalt  }
0x65: {  	_ =	shalt  }
0x66: {  	_ =	shalt  }
0x67: {  	_ =	shalt  }
0x68: {  	_ =	shalt  }
0x69: {  	_ =	shalt  }
0x6a: {  	_ =	shalt  }
0x6b: {  	_ =	shalt  }
0x6c: {  	_ =	shalt  }
0x6d: {  	_ =	shalt  }
0x6e: {  	_ =	shalt  }
0x6f: {  	_ =	shalt  }
0x70: {  	_ =	shalt  }
0x71: {  	_ =	shalt  }
0x72: {  	_ =	shalt  }
0x73: {  	_ =	shalt  }
0x74: {  	_ =	shalt  }
0x75: {  	_ =	shalt  }
0x76: {  	_ =	shalt  }
0x77: {  	_ =	shalt  }
0x78: {  	_ =	shalt  }
0x79: {  	_ =	shalt  }
0x7a: {  	_ =	shalt  }
0x7b: {  	_ =	shalt  }
0x7c: {  	_ =	shalt  }
0x7d: {  	_ =	shalt  }
0x7e: {  	_ =	shalt  }
0x7f: {  	_ =	shalt  }
0x80: {  	_ =	shalt  }
0x81: {  	_ =	shalt  }
0x82: {  	_ =	shalt  }
0x83: {  	_ =	shalt  }
0x84: {  	_ =	shalt  }
0x85: {  	_ =	shalt  }
0x86: {  	_ =	shalt  }
0x87: {  	_ =	shalt  }
.Lfunc_end0:
.L_simem_size_0:
called_computation.1_lowered:
.L_overlay_start_0:
0x88: {  	s2 =	sld [smem:$0x3FD9]  }
0x89: {  	s3 =	sld [smem:$0x3FFE];
	_ =	sdelay $0x1  }
0x8a: {  	s1 =	srdreg.scid  }
0x8b: {  	s0 =	sand.u32 $0x1, s1  }
0x8c: {  	s17 =	sshll.u32 s0, $0xA;
	s2 =	sadd.s32 s3, s2  }
0x8d: {  	s2 =	sadd.s32 s2, s17  }
0x8e: {  	[smem:$0x3FC6] =	sst s2  }
0x8f: {  	_ = 	snop  }
0x90: {  	s2 =	sld [smem:$0x3FC8]  }
0x91: {  	s18 =	sld [smem:$0x3FD0];
	(tm) =	ssettm $0x1  }
0x92: {  	s4 =	sld [smem:$0x3FFB];
	_ =	sdelay $0x3  }
0x93: {  	_ =	strace s4  }
0x94: {  	s4 =	sld [smem:$0x3FFC];
	_ =	sdelay $0x3  }
0x95: {  	_ =	strace s4  }
0x96: {  	s4 =	sld [smem:$0x3FFD];
	_ =	sdelay $0x3  }
0x97: {  	_ =	strace s4  }
0x98: {  	_ =	strace $0x8FFFFFFF  }
0x99: {  	s19 =	sld [smem:$0x3FDB];
	_ =	sdelay $0x1  }
0x9a: {  	s5 =	simm.s32 $_scs_section_size  }
0x9b: {  	s6 =	simm.s32 $_size__tile_overlayer_lowered;
	s7 =	simm.s32 $_tile_overlayer_lowered  }
0x9c: {  	s22 =	simm.s32 $0x1BFF;
	s21 =	sshll.u32 s7, $0x1;
	s4 =	sadd.s32 s5, s19  }
0x9d: {  	s8 =	simm.s32 $0x0;
	s20 =	sshll.u32 s6, $0x1;
	s6 =	sadd.s32 s21, s4  }
0x9e: {  	[timem:s8], [sflag:s22] =	dma.local [hbm:s6], s20  }
0x9f: {  	_ =	swait.ge [sflag:s22], s20  }
0xa0: {  	s5 =	ssub.s32 $0x0, s20;
	[sflag:s22] =	ssyncset.done $0x0  }
0xa1: {  	[sflag:s22] =	ssyncadd.s32 s5;
	_ =	sdelay $0x1  }
0xa2: {  	s23 =	simm.s32 $0x1B8B  }
0xa3: {  	_ =	swait.ge [sflag:s23], $0x1  }
0xa4: {  	[sflag:s23] =	ssyncset.done $0x0  }
0xa5: {  	s25 =	simm.s32 $0x1B8E;
	s24 =	sld [smem:$0x3FFE];
	[sflag:s23] =	ssyncadd.s32 $0xFFFFFFFF  }
0xa6: {  	s26 =	simm.s32 $execute0_lowered;
	[smem:$0x3FD2] =	sst s25  }
0xa7: {  	s6 =	sshll.u32 s26, $0x1;
	_ =	strace $0x80000046;
	[dreg:$0x1] =	wrdreg $0xFFFFFFFF  }
0xa8: {  	s28 =	simm.s32 $_size_execute0_lowered;
	s4 =	sadd.s32 s4, s6;
	[dreg:$0x0] =	wrdreg $0x0  }
0xa9: {  	s6 =	sshll.u32 s28, $0x1;
	[dreg:$0x2] =	wrdreg s4  }
0xaa: {  	[dreg:$0x3] =	wrdreg s6  }
0xab: {  	[dreg:$0x4] =	wrdreg $0xC0  }
0xac: {  	_ =	task [dreg:s8], $0x5FFFF  }
0xad: {  	[dreg:$0x1] =	wrdreg $0xFFFFFFFF  }
0xae: {  	[dreg:$0x0] =	wrdreg $0x60  }
0xaf: {  	[dreg:$0x2] =	wrdreg s24  }
0xb0: {  	[dreg:$0x3] =	wrdreg s2  }
0xb1: {  	[dreg:$0x4] =	wrdreg s18  }
0xb2: {  	[dreg:$0x5] =	wrdreg $0x9  }
0xb3: {  	_ =	task.clear_ibuf [dreg:s8], $0x6FFFF;
	_ =	strace $0x90000046  }
0xb4: {  	s29 =	simm.s32 $0x9;
	_ =	strace $0x80000048  }
0xb5: {  	_ =	swait.ge [sflag:s29], $0x1  }
0xb6: {  	[sflag:s29] =	ssyncadd.s32 $0xFFFFFFFF  }
0xb7: {  	_ =	strace $0x90000048  }
0xb8: {  	_ =	sfence  }
0xb9: {  	s30 =	sld [smem:$0x0];
	_ =	sdelay $0x2  }
0xba: {  	s31 =	sshll.u32 s1, $0xD;
	s1 =	sshrl.u32 s1, $0x2  }
0xbb: {  	s3 =	sand.u32 $0x4000, s31;
	s1 =	sadd.s32 s1, s30  }
0xbc: {  	s0 =	sor.u32 s3, s0;
	s1 =	sshll.u32 s1, $0x11  }
0xbd: {  	s0 =	sor.u32 s1, s0  }
0xbe: {  	s0 =	sadd.s32 $0x8F2B, s0  }
0xbf: {  	[sflag:s0] =	ssyncadd.remote.s32 $0x1  }
0xc0: {  	_ =	sfence.sel $0xFFFF  }
0xc1: {  	[dreg:$0x0] =	wrdreg $0xFFFFFFFF;
	(pc) =	sbr.abs _section_cstart, $3  }
0xc2: {  	[dreg:$0x1] =	wrdreg $0xFFFFFFFF  }
0xc3: {  	_ =	task.clear_ibuf [dreg:s8], $0x2FFFF;
	_ =	strace $0x9FFFFFFF  }
0xc4: {  	(tm) =	ssettm $0x7FFFFFFF  }
0xc5: {  	_ =	shalt  }
tec
execute0_lowered:
.L_overlay_start_1:
0x0: {  	(tag) =	ssettag $0x1  }
0x1: {  	vm14 =	vcmask $0x300;
	v0 =	vimm.s32 $0x7A120  }
0x2: {  	vm13 =	vcmask $0x704;
	vm12 =	vcmask $0xB08;
	vm11 =	vcmask $0xF0C  }
0x3: {  	vm10 =	vcmask $0x1310;
	vm9 =	vcmask $0x1714;
	vm8 =	vcmask $0x1B18  }
0x4: {  	vm7 =	vcmask $0x1F1C;
	vm6 =	vcmask $0x2320;
	vm5 =	vcmask $0x2724  }
0x5: {  	vm4 =	vcmask $0x2B28;
	vm3 =	vcmask $0x2F2C;
	v1 =	vlaneseq.u32  }
0x6: {  	vm2 =	vcmask $0x3330;
	vm1 =	vcmask $0x3734;
	vm0 =	vcmask $0x3B38  }
0x7: {  	v3 =	vimm.s32 $0x10C8E0;
	v4 =	vimm.s32 $0x186A0;
	v5 =	vimm.s32 $0xAAE60  }
0x8: {  	v8 =	vimm.s32 $0x13D620;
	v9 =	vimm.s32 $0x493E0;
	v10 =	vimm.s32 $0xDBBA0  }
0x9: {  	v0 =	vsel vm14, $0x186A00, v0;
	v3 =	vsel vm14, $0x2191C0, v3;
	v4 =	vsel vm14, $0x124F80, v4  }
0xa: {  	v5 =	vsel vm14, $0x1B7740, v5;
	v8 =	vsel vm14, $0x249F00, v8;
	v9 =	vsel vm14, $0x155CC0, v9  }
0xb: {  	v10 =	vsel vm14, $0x1E8480, v10;
	v0 =	vsel vm13, $0x19F0A0, v0;
	v3 =	vsel vm13, $0x231860, v3  }
0xc: {  	v4 =	vsel vm13, $0x13D620, v4;
	v5 =	vsel vm13, $0x1CFDE0, v5;
	v8 =	vsel vm13, $0x2625A0, v8  }
0xd: {  	v9 =	vsel vm13, $0x16E360, v9;
	v10 =	vsel vm13, $0x200B20, v10;
	v0 =	vsel vm12, $0x1B7740, v0  }
0xe: {  	v3 =	vsel vm12, $0x249F00, v3;
	v4 =	vsel vm12, $0x155CC0, v4;
	v5 =	vsel vm12, $0x1E8480, v5  }
0xf: {  	v8 =	vsel vm12, $0x0, v8;
	v9 =	vsel vm12, $0x186A00, v9;
	v10 =	vsel vm12, $0x2191C0, v10  }
0x10: {  	v0 =	vsel vm11, $0x1CFDE0, v0;
	v3 =	vsel vm11, $0x2625A0, v3;
	v4 =	vsel vm11, $0x16E360, v4  }
0x11: {  	v5 =	vsel vm11, $0x200B20, v5;
	v8 =	vsel vm11, $0x186A0, v8;
	v9 =	vsel vm11, $0x19F0A0, v9  }
0x12: {  	v10 =	vsel vm11, $0x231860, v10;
	v0 =	vsel vm10, $0x1E8480, v0;
	v3 =	vsel vm10, $0x0, v3  }
0x13: {  	v4 =	vsel vm10, $0x186A00, v4;
	v5 =	vsel vm10, $0x2191C0, v5;
	v8 =	vsel vm10, $0x30D40, v8  }
0x14: {  	v9 =	vsel vm10, $0x1B7740, v9;
	v10 =	vsel vm10, $0x249F00, v10;
	v0 =	vsel vm9, $0x200B20, v0  }
0x15: {  	v3 =	vsel vm9, $0x186A0, v3;
	v4 =	vsel vm9, $0x19F0A0, v4;
	v5 =	vsel vm9, $0x231860, v5  }
0x16: {  	v8 =	vsel vm9, $0x493E0, v8;
	v9 =	vsel vm9, $0x1CFDE0, v9;
	v10 =	vsel vm9, $0x2625A0, v10  }
0x17: {  	v0 =	vsel vm8, $0x2191C0, v0;
	v3 =	vsel vm8, $0x30D40, v3;
	v4 =	vsel vm8, $0x1B7740, v4  }
0x18: {  	v5 =	vsel vm8, $0x249F00, v5;
	v8 =	vsel vm8, $0x61A80, v8;
	v9 =	vsel vm8, $0x1E8480, v9  }
0x19: {  	v10 =	vsel vm8, $0x0, v10;
	v0 =	vsel vm7, $0x231860, v0;
	v3 =	vsel vm7, $0x493E0, v3  }
0x1a: {  	v4 =	vsel vm7, $0x1CFDE0, v4;
	v5 =	vsel vm7, $0x2625A0, v5;
	v8 =	vsel vm7, $0x7A120, v8  }
0x1b: {  	v9 =	vsel vm7, $0x200B20, v9;
	v10 =	vsel vm7, $0x186A0, v10;
	v0 =	vsel vm6, $0x249F00, v0  }
0x1c: {  	v3 =	vsel vm6, $0x61A80, v3;
	v4 =	vsel vm6, $0x1E8480, v4;
	v5 =	vsel vm6, $0x0, v5  }
0x1d: {  	s4 =	rddreg [dreg:$0x0];
	v8 =	vsel vm6, $0x927C0, v8;
	v9 =	vsel vm6, $0x2191C0, v9;
	v10 =	vsel vm6, $0x30D40, v10  }
0x1e: {  	s0 =	rddreg [dreg:$0x1];
	v0 =	vsel vm5, $0x2625A0, v0;
	v3 =	vsel vm5, $0x7A120, v3;
	v4 =	vsel vm5, $0x200B20, v4  }
0x1f: {  	s9 =	rddreg [dreg:$0x2];
	v5 =	vsel vm5, $0x186A0, v5;
	v8 =	vsel vm5, $0xAAE60, v8;
	v9 =	vsel vm5, $0x231860, v9  }
0x20: {  	s1 =	simm.s32 $0x0;
	s3 =	srdreg.scid;
	s2 =	rddreg [dreg:$0x3];
	v10 =	vsel vm5, $0x493E0, v10;
	v0 =	vsel vm4, $0x0, v0;
	v3 =	vsel vm4, $0x927C0, v3  }
0x21: {  	s14 =	simm.s32 $0xD00;
	s15 =	simm.s32 $0x2;
	s16 =	simm.s32 $0x3;
	v4 =	vsel vm4, $0x2191C0, v4;
	v5 =	vsel vm4, $0x30D40, v5;
	v8 =	vsel vm4, $0xC3500, v8  }
0x22: {  	s17 =	simm.s32 $0x7500;
	s18 =	simm.s32 $0x4;
	s8 =	sand.u32 $0x1, s3;
	v9 =	vsel vm4, $0x249F00, v9;
	v10 =	vsel vm4, $0x61A80, v10;
	v2 =	vsel vm3, $0x186A0, v0  }
0x23: {  	s19 =	simm.s32 $0x5;
	s3 =	stileid.u32;
	s7 =	smul.u32 $0x28A000, s8;
	v0 =	vmul.u32 $0x186A0, v1;
	v3 =	vsel vm3, $0xAAE60, v3;
	v4 =	vsel vm3, $0x231860, v4  }
0x24: {  	s20 =	simm.s32 $0x0;
	[smem:$0x7FF] =	sst s1;
	s10 =	smul.u32 $0x28A00, s3;
	v5 =	vsel vm3, $0x493E0, v5;
	v8 =	vsel vm3, $0xDBBA0, v8;
	v9 =	vsel vm3, $0x2625A0, v9  }
0x25: {  	s4 =	sadd.s32 $0x27ACC00, s4;
	s5 =	sshll.u32 s8, $0x4;
	s12 =	smul.u32 $0x514000, s8;
	v10 =	vsel vm3, $0x7A120, v10;
	v1 =	vsel vm2, $0x30D40, v2;
	v3 =	vsel vm2, $0xC3500, v3  }
0x26: {  	s6 =	ssub.s32 $0x2, s8;
	s13 =	smul.u32 $0x51400, s3;
	s5 =	sor.u32 s3, s5;
	v4 =	vsel vm2, $0x249F00, v4;
	v5 =	vsel vm2, $0x61A80, v5;
	v8 =	vsel vm2, $0xF4240, v8  }
0x27: {  	_ =	strace $0x80000047;
	s11 =	sshrl.u32 s6, $0x1;
	s5 =	smul.u32 $0x28A00, s5;
	v9 =	vsel vm2, $0x0, v9;
	v10 =	vsel vm2, $0x927C0, v10;
	v1 =	vsel vm1, $0x493E0, v1  }
0x28: {  	s11 =	ssub.s32 s6, s11;
	s10 =	sadd.s32 s10, s7;
	s12 =	sadd.s32 s12, s9;
	v2 =	vadd.s32 $0x927C0, v0;
	v3 =	vsel vm1, $0xDBBA0, v3;
	v4 =	vsel vm1, $0x2625A0, v4  }
.Ltmp0:
0x29: {  	s7 =	smax.u32 s11, $0x1;
	s29 =	sadd.s32 $0x1380, s10;
	v6 =	vsel vm1, $0x7A120, v5;
	v5 =	vadd.s32 $0x30D40, v0;
	v7 =	vadd.s32 $0xC3500, v0;
	(pc) =	sbr.rel .LBB2_1-.Ltmp0, $4  }
0x2a: {  	s31 =	sshll.u32 s10, $0x1;
	s10 =	sadd.s32 $0xD00, s10;
	s5 =	sshrl.u32 s5, $0x3;
	v8 =	vsel vm1, $0x10C8E0, v8;
	v9 =	vsel vm1, $0x186A0, v9;
	v11 =	vsel vm1, $0xAAE60, v10  }
0x2b: {  	s30 =	sshrl.u32 s29, $0x3;
	s11 =	sadd.s32 s9, s31;
	s5 =	sadd.s32 s0, s5;
	v10 =	vadd.s32 $0x61A80, v0;
	v12 =	vadd.s32 $0xF4240, v0;
	v1 =	vsel vm0, $0x61A80, v1  }
0x2c: {  	s8 =	sadd.s32 s30, s0;
	s9 =	sadd.s32 $0xD00, s11;
	s11 =	sadd.s32 s13, s12;
	v3 =	vsel vm0, $0xF4240, v3;
	v4 =	vsel vm0, $0x0, v4;
	v6 =	vsel vm0, $0x927C0, v6  }
0x2d: {  	s12 =	simm.s32 $0x1;
	s13 =	simm.s32 $0x680;
	s6 =	sadd.s32 $0xD0, s5;
	v8 =	vsel vm0, $0x124F80, v8;
	v9 =	vsel vm0, $0x30D40, v9;
	v11 =	vsel vm0, $0xC3500, v11  }
.LBB2_7:
0x2e: {  	s20 =	sadd.s32 $0x1, s20  }
0x2f: {  	p0 =	sne.s32 s20, s7  }
.Ltmp1:
0x30: {  	_ = 	snop;
	(pc) =	sbr.rel @!p0 .LBB2_8-.Ltmp1, $4  }
0x31: {  	_ = 	snop  }
0x32: {  	_ =	swait.ge [sflag:s19], $0x6800  }
0x33: {  	[sflag:s19] =	ssyncset.done $0x0  }
0x34: {  	[sflag:s19] =	ssyncadd.s32 $0xFFFF9800  }
.LBB2_1:
0x35: {  	[tilespmem:s1], [sflag:$0x1] =	stream.linear.gather [hbm4b:s5+s1], $0x680, $0x38;
	[tilespmem:$0xDD00] =	vst v63  }
0x36: {  	_ =	swait.ge [sflag:s12], $0x680  }
0x37: {  	[sflag:s12] =	ssyncset.done $0x0  }
0x38: {  	[sflag:s12] =	ssyncadd.s32 $0xFFFFF980  }
0x39: {  	v13 =	vld [tilespmem:$0x0]  }
0x3a: {  	v14 =	vld [tilespmem:$0x10]  }
0x3b: {  	v15 =	vld [tilespmem:$0x20]  }
0x3c: {  	v16 =	vld [tilespmem:$0x30]  }
0x3d: {  	v17 =	vld [tilespmem:$0x40]  }
0x3e: {  	v18 =	vld [tilespmem:$0x50];
	v13 =	vadd.s32 v0, v13  }
0x3f: {  	[tilespmem:$0x0] =	vst v13;
	v13 =	vadd.s32 v1, v14;
	v14 =	vld [tilespmem:$0x60]  }
0x40: {  	[tilespmem:$0x10] =	vst v13;
	v13 =	vadd.s32 v2, v15;
	v15 =	vld [tilespmem:$0x70]  }
0x41: {  	v49 =	vld [tilespmem:$0x80];
	[tilespmem:$0x20] =	vst v13;
	v13 =	vadd.s32 v3, v16  }
0x42: {  	v50 =	vld [tilespmem:$0x90];
	[tilespmem:$0x30] =	vst v13;
	v13 =	vadd.s32 v4, v17  }
0x43: {  	v51 =	vld [tilespmem:$0xA0];
	[tilespmem:$0x40] =	vst v13;
	v13 =	vadd.s32 v5, v18  }
0x44: {  	[tilespmem:$0x50] =	vst v13;
	v13 =	vadd.s32 v6, v14;
	v14 =	vld [tilespmem:$0xB0]  }
0x45: {  	[tilespmem:$0x60] =	vst v13;
	v13 =	vadd.s32 v7, v15;
	v15 =	vld [tilespmem:$0xC0]  }
0x46: {  	v52 =	vld [tilespmem:$0xD0];
	[tilespmem:$0x70] =	vst v13;
	v13 =	vadd.s32 v8, v49  }
0x47: {  	v53 =	vld [tilespmem:$0xE0];
	[tilespmem:$0x80] =	vst v13;
	v13 =	vadd.s32 v9, v50  }
0x48: {  	v54 =	vld [tilespmem:$0xF0];
	[tilespmem:$0x90] =	vst v13;
	v13 =	vadd.s32 v10, v51  }
0x49: {  	[tilespmem:$0xA0] =	vst v13;
	v13 =	vadd.s32 v11, v14;
	v14 =	vld [tilespmem:$0x100]  }
0x4a: {  	[tilespmem:$0xB0] =	vst v13;
	v13 =	vadd.s32 v12, v15;
	v15 =	vld [tilespmem:$0x110]  }
0x4b: {  	v55 =	vld [tilespmem:$0x120];
	[tilespmem:$0xC0] =	vst v13;
	v13 =	vadd.s32 v0, v52  }
0x4c: {  	v56 =	vld [tilespmem:$0x130];
	[tilespmem:$0xD0] =	vst v13;
	v13 =	vadd.s32 v1, v53  }
0x4d: {  	v57 =	vld [tilespmem:$0x140];
	[tilespmem:$0xE0] =	vst v13;
	v13 =	vadd.s32 v2, v54  }
0x4e: {  	[tilespmem:$0xF0] =	vst v13;
	v13 =	vadd.s32 v3, v14;
	v14 =	vld [tilespmem:$0x150]  }
0x4f: {  	[tilespmem:$0x100] =	vst v13;
	v13 =	vadd.s32 v4, v15;
	v15 =	vld [tilespmem:$0x160]  }
0x50: {  	v58 =	vld [tilespmem:$0x170];
	[tilespmem:$0x110] =	vst v13;
	v13 =	vadd.s32 v5, v55  }
0x51: {  	v59 =	vld [tilespmem:$0x180];
	[tilespmem:$0x120] =	vst v13;
	v13 =	vadd.s32 v6, v56  }
0x52: {  	v60 =	vld [tilespmem:$0x190];
	[tilespmem:$0x130] =	vst v13;
	v13 =	vadd.s32 v7, v57  }
0x53: {  	[tilespmem:$0x140] =	vst v13;
	v13 =	vadd.s32 v8, v14;
	v14 =	vld [tilespmem:$0x1A0]  }
0x54: {  	[tilespmem:$0x150] =	vst v13;
	v13 =	vadd.s32 v9, v15;
	v15 =	vld [tilespmem:$0x1B0]  }
0x55: {  	v61 =	vld [tilespmem:$0x1C0];
	[tilespmem:$0x160] =	vst v13;
	v13 =	vadd.s32 v10, v58  }
0x56: {  	v62 =	vld [tilespmem:$0x1D0];
	[tilespmem:$0x170] =	vst v13;
	v13 =	vadd.s32 v11, v59  }
0x57: {  	v63 =	vld [tilespmem:$0x1E0];
	[tilespmem:$0x180] =	vst v13;
	v13 =	vadd.s32 v12, v60  }
0x58: {  	[tilespmem:$0x190] =	vst v13;
	v13 =	vadd.s32 v0, v14;
	v14 =	vld [tilespmem:$0x1F0]  }
0x59: {  	[tilespmem:$0x1A0] =	vst v13;
	v13 =	vadd.s32 v1, v15;
	v15 =	vld [tilespmem:$0x200]  }
0x5a: {  	v21 =	vld [tilespmem:$0x210];
	[tilespmem:$0x1B0] =	vst v13;
	v13 =	vadd.s32 v2, v61  }
0x5b: {  	v22 =	vld [tilespmem:$0x220];
	[tilespmem:$0x1C0] =	vst v13;
	v13 =	vadd.s32 v3, v62  }
0x5c: {  	v23 =	vld [tilespmem:$0x230];
	[tilespmem:$0x1D0] =	vst v13;
	v13 =	vadd.s32 v4, v63  }
0x5d: {  	[tilespmem:$0x1E0] =	vst v13;
	v13 =	vadd.s32 v5, v14;
	v14 =	vld [tilespmem:$0x240]  }
0x5e: {  	[tilespmem:$0x1F0] =	vst v13;
	v13 =	vadd.s32 v6, v15;
	v15 =	vld [tilespmem:$0x250]  }
0x5f: {  	v24 =	vld [tilespmem:$0x260];
	[tilespmem:$0x200] =	vst v13;
	v13 =	vadd.s32 v7, v21  }
0x60: {  	v25 =	vld [tilespmem:$0x270];
	[tilespmem:$0x210] =	vst v13;
	v13 =	vadd.s32 v8, v22  }
0x61: {  	v26 =	vld [tilespmem:$0x280];
	[tilespmem:$0x220] =	vst v13;
	v13 =	vadd.s32 v9, v23  }
0x62: {  	[tilespmem:$0x230] =	vst v13;
	v13 =	vadd.s32 v10, v14;
	v14 =	vld [tilespmem:$0x290]  }
0x63: {  	[tilespmem:$0x240] =	vst v13;
	v13 =	vadd.s32 v11, v15;
	v15 =	vld [tilespmem:$0x2A0]  }
0x64: {  	v27 =	vld [tilespmem:$0x2B0];
	[tilespmem:$0x250] =	vst v13;
	v13 =	vadd.s32 v12, v24  }
0x65: {  	v28 =	vld [tilespmem:$0x2C0];
	[tilespmem:$0x260] =	vst v13;
	v13 =	vadd.s32 v0, v25  }
0x66: {  	v29 =	vld [tilespmem:$0x2D0];
	[tilespmem:$0x270] =	vst v13;
	v13 =	vadd.s32 v1, v26  }
0x67: {  	[tilespmem:$0x280] =	vst v13;
	v13 =	vadd.s32 v2, v14;
	v14 =	vld [tilespmem:$0x2E0]  }
0x68: {  	[tilespmem:$0x290] =	vst v13;
	v13 =	vadd.s32 v3, v15;
	v15 =	vld [tilespmem:$0x2F0]  }
0x69: {  	v30 =	vld [tilespmem:$0x300];
	[tilespmem:$0x2A0] =	vst v13;
	v13 =	vadd.s32 v4, v27  }
0x6a: {  	v31 =	vld [tilespmem:$0x310];
	[tilespmem:$0x2B0] =	vst v13;
	v13 =	vadd.s32 v5, v28  }
0x6b: {  	v32 =	vld [tilespmem:$0x320];
	[tilespmem:$0x2C0] =	vst v13;
	v13 =	vadd.s32 v6, v29  }
0x6c: {  	[tilespmem:$0x2D0] =	vst v13;
	v13 =	vadd.s32 v7, v14;
	v14 =	vld [tilespmem:$0x330]  }
0x6d: {  	[tilespmem:$0x2E0] =	vst v13;
	v13 =	vadd.s32 v8, v15;
	v15 =	vld [tilespmem:$0x340]  }
0x6e: {  	v33 =	vld [tilespmem:$0x350];
	[tilespmem:$0x2F0] =	vst v13;
	v13 =	vadd.s32 v9, v30  }
0x6f: {  	v34 =	vld [tilespmem:$0x360];
	[tilespmem:$0x300] =	vst v13;
	v13 =	vadd.s32 v10, v31  }
0x70: {  	v35 =	vld [tilespmem:$0x370];
	[tilespmem:$0x310] =	vst v13;
	v13 =	vadd.s32 v11, v32  }
0x71: {  	[tilespmem:$0x320] =	vst v13;
	v13 =	vadd.s32 v12, v14;
	v14 =	vld [tilespmem:$0x380]  }
0x72: {  	[tilespmem:$0x330] =	vst v13;
	v13 =	vadd.s32 v0, v15;
	v15 =	vld [tilespmem:$0x390]  }
0x73: {  	v36 =	vld [tilespmem:$0x3A0];
	[tilespmem:$0x340] =	vst v13;
	v13 =	vadd.s32 v1, v33  }
0x74: {  	v37 =	vld [tilespmem:$0x3B0];
	[tilespmem:$0x350] =	vst v13;
	v13 =	vadd.s32 v2, v34  }
0x75: {  	v38 =	vld [tilespmem:$0x3C0];
	[tilespmem:$0x360] =	vst v13;
	v13 =	vadd.s32 v3, v35  }
0x76: {  	[tilespmem:$0x370] =	vst v13;
	v13 =	vadd.s32 v4, v14;
	v14 =	vld [tilespmem:$0x3D0]  }
0x77: {  	[tilespmem:$0x380] =	vst v13;
	v13 =	vadd.s32 v5, v15;
	v15 =	vld [tilespmem:$0x3E0]  }
0x78: {  	v39 =	vld [tilespmem:$0x3F0];
	[tilespmem:$0x390] =	vst v13;
	v13 =	vadd.s32 v6, v36  }
0x79: {  	v40 =	vld [tilespmem:$0x400];
	[tilespmem:$0x3A0] =	vst v13;
	v13 =	vadd.s32 v7, v37  }
0x7a: {  	v41 =	vld [tilespmem:$0x410];
	[tilespmem:$0x3B0] =	vst v13;
	v13 =	vadd.s32 v8, v38  }
0x7b: {  	[tilespmem:$0x3C0] =	vst v13;
	v13 =	vadd.s32 v9, v14;
	v14 =	vld [tilespmem:$0x420]  }
0x7c: {  	[tilespmem:$0x3D0] =	vst v13;
	v13 =	vadd.s32 v10, v15;
	v15 =	vld [tilespmem:$0x430]  }
0x7d: {  	v42 =	vld [tilespmem:$0x440];
	[tilespmem:$0x3E0] =	vst v13;
	v13 =	vadd.s32 v11, v39  }
0x7e: {  	v43 =	vld [tilespmem:$0x450];
	[tilespmem:$0x3F0] =	vst v13;
	v13 =	vadd.s32 v12, v40  }
0x7f: {  	v44 =	vld [tilespmem:$0x460];
	[tilespmem:$0x400] =	vst v13;
	v13 =	vadd.s32 v0, v41  }
0x80: {  	[tilespmem:$0x410] =	vst v13;
	v13 =	vadd.s32 v1, v14;
	v14 =	vld [tilespmem:$0x470]  }
0x81: {  	[tilespmem:$0x420] =	vst v13;
	v13 =	vadd.s32 v2, v15;
	v15 =	vld [tilespmem:$0x480]  }
0x82: {  	v45 =	vld [tilespmem:$0x490];
	[tilespmem:$0x430] =	vst v13;
	v13 =	vadd.s32 v3, v42  }
0x83: {  	v46 =	vld [tilespmem:$0x4A0];
	[tilespmem:$0x440] =	vst v13;
	v13 =	vadd.s32 v4, v43  }
0x84: {  	v47 =	vld [tilespmem:$0x4B0];
	[tilespmem:$0x450] =	vst v13;
	v13 =	vadd.s32 v5, v44  }
0x85: {  	[tilespmem:$0x460] =	vst v13;
	v13 =	vadd.s32 v6, v14;
	v14 =	vld [tilespmem:$0x4C0]  }
0x86: {  	[tilespmem:$0x470] =	vst v13;
	v13 =	vadd.s32 v7, v15;
	v15 =	vld [tilespmem:$0x4D0]  }
0x87: {  	v48 =	vld [tilespmem:$0x4E0];
	[tilespmem:$0x480] =	vst v13;
	v13 =	vadd.s32 v8, v45  }
0x88: {  	v49 =	vld [tilespmem:$0x4F0];
	[tilespmem:$0x490] =	vst v13;
	v13 =	vadd.s32 v9, v46  }
0x89: {  	v50 =	vld [tilespmem:$0x500];
	[tilespmem:$0x4A0] =	vst v13;
	v13 =	vadd.s32 v10, v47  }
0x8a: {  	[tilespmem:$0x4B0] =	vst v13;
	v13 =	vadd.s32 v11, v14;
	v14 =	vld [tilespmem:$0x510]  }
0x8b: {  	[tilespmem:$0x4C0] =	vst v13;
	v13 =	vadd.s32 v12, v15;
	v15 =	vld [tilespmem:$0x520]  }
0x8c: {  	v51 =	vld [tilespmem:$0x530];
	[tilespmem:$0x4D0] =	vst v13;
	v13 =	vadd.s32 v0, v48  }
0x8d: {  	v52 =	vld [tilespmem:$0x540];
	[tilespmem:$0x4E0] =	vst v13;
	v13 =	vadd.s32 v1, v49  }
0x8e: {  	v53 =	vld [tilespmem:$0x550];
	[tilespmem:$0x4F0] =	vst v13;
	v13 =	vadd.s32 v2, v50  }
0x8f: {  	[tilespmem:$0x500] =	vst v13;
	v13 =	vadd.s32 v3, v14;
	v14 =	vld [tilespmem:$0x560]  }
0x90: {  	[tilespmem:$0x510] =	vst v13;
	v13 =	vadd.s32 v4, v15;
	v15 =	vld [tilespmem:$0x570]  }
0x91: {  	v54 =	vld [tilespmem:$0x580];
	[tilespmem:$0x520] =	vst v13;
	v13 =	vadd.s32 v5, v51  }
0x92: {  	v55 =	vld [tilespmem:$0x590];
	[tilespmem:$0x530] =	vst v13;
	v13 =	vadd.s32 v6, v52  }
0x93: {  	v56 =	vld [tilespmem:$0x5A0];
	[tilespmem:$0x540] =	vst v13;
	v13 =	vadd.s32 v7, v53  }
0x94: {  	[tilespmem:$0x550] =	vst v13;
	v13 =	vadd.s32 v8, v14;
	v14 =	vld [tilespmem:$0x5B0]  }
0x95: {  	[tilespmem:$0x560] =	vst v13;
	v13 =	vadd.s32 v9, v15;
	v15 =	vld [tilespmem:$0x5C0]  }
0x96: {  	v57 =	vld [tilespmem:$0x5D0];
	[tilespmem:$0x570] =	vst v13;
	v13 =	vadd.s32 v10, v54  }
0x97: {  	v58 =	vld [tilespmem:$0x5E0];
	[tilespmem:$0x580] =	vst v13;
	v13 =	vadd.s32 v11, v55  }
0x98: {  	v59 =	vld [tilespmem:$0x5F0];
	[tilespmem:$0x590] =	vst v13;
	v13 =	vadd.s32 v12, v56  }
0x99: {  	[tilespmem:$0x5A0] =	vst v13;
	v13 =	vadd.s32 v0, v14;
	v14 =	vld [tilespmem:$0x600]  }
0x9a: {  	[tilespmem:$0x5B0] =	vst v13;
	v13 =	vadd.s32 v1, v15;
	v15 =	vld [tilespmem:$0x610]  }
0x9b: {  	v60 =	vld [tilespmem:$0x620];
	[tilespmem:$0x5C0] =	vst v13;
	v13 =	vadd.s32 v2, v57  }
0x9c: {  	v61 =	vld [tilespmem:$0x630];
	[tilespmem:$0x5D0] =	vst v13;
	v13 =	vadd.s32 v3, v58  }
0x9d: {  	v62 =	vld [tilespmem:$0x640];
	[tilespmem:$0x5E0] =	vst v13;
	v13 =	vadd.s32 v4, v59  }
0x9e: {  	[tilespmem:$0x5F0] =	vst v13;
	v13 =	vadd.s32 v5, v14;
	v14 =	vld [tilespmem:$0x650]  }
0x9f: {  	[tilespmem:$0x600] =	vst v13;
	v13 =	vadd.s32 v6, v15;
	v15 =	vld [tilespmem:$0x660]  }
0xa0: {  	v63 =	vld [tilespmem:$0x670];
	[tilespmem:$0x610] =	vst v13;
	v13 =	vadd.s32 v7, v60  }
0xa1: {  	[tilespmem:$0x620] =	vst v13;
	v13 =	vadd.s32 v8, v61  }
0xa2: {  	[tilespmem:$0x630] =	vst v13;
	v13 =	vadd.s32 v9, v62  }
0xa3: {  	[tilespmem:$0x640] =	vst v13;
	v13 =	vadd.s32 v10, v14  }
0xa4: {  	[tilespmem:$0x650] =	vst v13;
	v13 =	vadd.s32 v11, v15  }
.Ltmp2:
0xa5: {  	[tilespmem:$0x660] =	vst v13;
	v13 =	vadd.s32 v12, v63;
	(pc) =	sbr.rel .LBB2_2-.Ltmp2, $4  }
0xa6: {  	[tilespmem:$0x670] =	vst v13  }
0xa7: {  	[tilespmem:s14], [sflag:$0x3] =	stream.indirect.gather [hbm4b:s4+s13], $0x10, s1, s13, $0xb8;
	[tilespmem:$0xDD00] =	vst v63  }
0xa8: {  	s21 =	smov.u32 s10;
	s22 =	smov.u32 s8;
	s23 =	simm.s32 $0x0  }
0xa9: {  	[tilespmem:s13], [sflag:$0x2] =	stream.linear.gather [hbm4b:s6+s1], $0x680, $0x38;
	[tilespmem:$0xDD00] =	vst v63  }
.LBB2_3:
0xaa: {  	[tilespmem:s17], [sflag:$0x3] =	stream.indirect.gather [hbm4b:s4+s13], $0x10, s13, s13, $0xb8;
	[tilespmem:$0xDD00] =	vst v63  }
.LBB2_5:
0xab: {  	s24 =	sshrl.u32 s21, $0x3  }
0xac: {  	s24 =	sadd.s32 s0, s24  }
0xad: {  	[tilespmem:s1], [sflag:$0x1] =	stream.linear.gather [hbm4b:s24+s1], $0x680, $0x38;
	[tilespmem:$0xDD00] =	vst v63  }
0xae: {  	_ =	swait.ge [sflag:s12], $0x680  }
0xaf: {  	[sflag:s12] =	ssyncset.done $0x0  }
0xb0: {  	[sflag:s12] =	ssyncadd.s32 $0xFFFFF980  }
0xb1: {  	v13 =	vld [tilespmem:$0x0]  }
0xb2: {  	v14 =	vld [tilespmem:$0x10]  }
0xb3: {  	v15 =	vld [tilespmem:$0x20]  }
0xb4: {  	v16 =	vld [tilespmem:$0x30]  }
0xb5: {  	v17 =	vld [tilespmem:$0x40]  }
0xb6: {  	v18 =	vld [tilespmem:$0x50];
	v13 =	vadd.s32 v0, v13  }
0xb7: {  	[tilespmem:$0x0] =	vst v13;
	v13 =	vadd.s32 v1, v14;
	v14 =	vld [tilespmem:$0x60]  }
0xb8: {  	[tilespmem:$0x10] =	vst v13;
	v13 =	vadd.s32 v2, v15;
	v15 =	vld [tilespmem:$0x70]  }
0xb9: {  	v49 =	vld [tilespmem:$0x80];
	[tilespmem:$0x20] =	vst v13;
	v13 =	vadd.s32 v3, v16  }
0xba: {  	v50 =	vld [tilespmem:$0x90];
	[tilespmem:$0x30] =	vst v13;
	v13 =	vadd.s32 v4, v17  }
0xbb: {  	v51 =	vld [tilespmem:$0xA0];
	[tilespmem:$0x40] =	vst v13;
	v13 =	vadd.s32 v5, v18  }
0xbc: {  	[tilespmem:$0x50] =	vst v13;
	v13 =	vadd.s32 v6, v14;
	v14 =	vld [tilespmem:$0xB0]  }
0xbd: {  	[tilespmem:$0x60] =	vst v13;
	v13 =	vadd.s32 v7, v15;
	v15 =	vld [tilespmem:$0xC0]  }
0xbe: {  	v52 =	vld [tilespmem:$0xD0];
	[tilespmem:$0x70] =	vst v13;
	v13 =	vadd.s32 v8, v49  }
0xbf: {  	v53 =	vld [tilespmem:$0xE0];
	[tilespmem:$0x80] =	vst v13;
	v13 =	vadd.s32 v9, v50  }
0xc0: {  	v54 =	vld [tilespmem:$0xF0];
	[tilespmem:$0x90] =	vst v13;
	v13 =	vadd.s32 v10, v51  }
0xc1: {  	[tilespmem:$0xA0] =	vst v13;
	v13 =	vadd.s32 v11, v14;
	v14 =	vld [tilespmem:$0x100]  }
0xc2: {  	[tilespmem:$0xB0] =	vst v13;
	v13 =	vadd.s32 v12, v15;
	v15 =	vld [tilespmem:$0x110]  }
0xc3: {  	v55 =	vld [tilespmem:$0x120];
	[tilespmem:$0xC0] =	vst v13;
	v13 =	vadd.s32 v0, v52  }
0xc4: {  	v56 =	vld [tilespmem:$0x130];
	[tilespmem:$0xD0] =	vst v13;
	v13 =	vadd.s32 v1, v53  }
0xc5: {  	v57 =	vld [tilespmem:$0x140];
	[tilespmem:$0xE0] =	vst v13;
	v13 =	vadd.s32 v2, v54  }
0xc6: {  	[tilespmem:$0xF0] =	vst v13;
	v13 =	vadd.s32 v3, v14;
	v14 =	vld [tilespmem:$0x150]  }
0xc7: {  	[tilespmem:$0x100] =	vst v13;
	v13 =	vadd.s32 v4, v15;
	v15 =	vld [tilespmem:$0x160]  }
0xc8: {  	v58 =	vld [tilespmem:$0x170];
	[tilespmem:$0x110] =	vst v13;
	v13 =	vadd.s32 v5, v55  }
0xc9: {  	v59 =	vld [tilespmem:$0x180];
	[tilespmem:$0x120] =	vst v13;
	v13 =	vadd.s32 v6, v56  }
0xca: {  	v60 =	vld [tilespmem:$0x190];
	[tilespmem:$0x130] =	vst v13;
	v13 =	vadd.s32 v7, v57  }
0xcb: {  	[tilespmem:$0x140] =	vst v13;
	v13 =	vadd.s32 v8, v14;
	v14 =	vld [tilespmem:$0x1A0]  }
0xcc: {  	[tilespmem:$0x150] =	vst v13;
	v13 =	vadd.s32 v9, v15;
	v15 =	vld [tilespmem:$0x1B0]  }
0xcd: {  	v61 =	vld [tilespmem:$0x1C0];
	[tilespmem:$0x160] =	vst v13;
	v13 =	vadd.s32 v10, v58  }
0xce: {  	v62 =	vld [tilespmem:$0x1D0];
	[tilespmem:$0x170] =	vst v13;
	v13 =	vadd.s32 v11, v59  }
0xcf: {  	v63 =	vld [tilespmem:$0x1E0];
	[tilespmem:$0x180] =	vst v13;
	v13 =	vadd.s32 v12, v60  }
0xd0: {  	[tilespmem:$0x190] =	vst v13;
	v13 =	vadd.s32 v0, v14;
	v14 =	vld [tilespmem:$0x1F0]  }
0xd1: {  	[tilespmem:$0x1A0] =	vst v13;
	v13 =	vadd.s32 v1, v15;
	v15 =	vld [tilespmem:$0x200]  }
0xd2: {  	v21 =	vld [tilespmem:$0x210];
	[tilespmem:$0x1B0] =	vst v13;
	v13 =	vadd.s32 v2, v61  }
0xd3: {  	v22 =	vld [tilespmem:$0x220];
	[tilespmem:$0x1C0] =	vst v13;
	v13 =	vadd.s32 v3, v62  }
0xd4: {  	v23 =	vld [tilespmem:$0x230];
	[tilespmem:$0x1D0] =	vst v13;
	v13 =	vadd.s32 v4, v63  }
0xd5: {  	[tilespmem:$0x1E0] =	vst v13;
	v13 =	vadd.s32 v5, v14;
	v14 =	vld [tilespmem:$0x240]  }
0xd6: {  	[tilespmem:$0x1F0] =	vst v13;
	v13 =	vadd.s32 v6, v15;
	v15 =	vld [tilespmem:$0x250]  }
0xd7: {  	v24 =	vld [tilespmem:$0x260];
	[tilespmem:$0x200] =	vst v13;
	v13 =	vadd.s32 v7, v21  }
0xd8: {  	v25 =	vld [tilespmem:$0x270];
	[tilespmem:$0x210] =	vst v13;
	v13 =	vadd.s32 v8, v22  }
0xd9: {  	v26 =	vld [tilespmem:$0x280];
	[tilespmem:$0x220] =	vst v13;
	v13 =	vadd.s32 v9, v23  }
0xda: {  	[tilespmem:$0x230] =	vst v13;
	v13 =	vadd.s32 v10, v14;
	v14 =	vld [tilespmem:$0x290]  }
0xdb: {  	[tilespmem:$0x240] =	vst v13;
	v13 =	vadd.s32 v11, v15;
	v15 =	vld [tilespmem:$0x2A0]  }
0xdc: {  	v27 =	vld [tilespmem:$0x2B0];
	[tilespmem:$0x250] =	vst v13;
	v13 =	vadd.s32 v12, v24  }
0xdd: {  	v28 =	vld [tilespmem:$0x2C0];
	[tilespmem:$0x260] =	vst v13;
	v13 =	vadd.s32 v0, v25  }
0xde: {  	v29 =	vld [tilespmem:$0x2D0];
	[tilespmem:$0x270] =	vst v13;
	v13 =	vadd.s32 v1, v26  }
0xdf: {  	[tilespmem:$0x280] =	vst v13;
	v13 =	vadd.s32 v2, v14;
	v14 =	vld [tilespmem:$0x2E0]  }
0xe0: {  	[tilespmem:$0x290] =	vst v13;
	v13 =	vadd.s32 v3, v15;
	v15 =	vld [tilespmem:$0x2F0]  }
0xe1: {  	v30 =	vld [tilespmem:$0x300];
	[tilespmem:$0x2A0] =	vst v13;
	v13 =	vadd.s32 v4, v27  }
0xe2: {  	v31 =	vld [tilespmem:$0x310];
	[tilespmem:$0x2B0] =	vst v13;
	v13 =	vadd.s32 v5, v28  }
0xe3: {  	v32 =	vld [tilespmem:$0x320];
	[tilespmem:$0x2C0] =	vst v13;
	v13 =	vadd.s32 v6, v29  }
0xe4: {  	[tilespmem:$0x2D0] =	vst v13;
	v13 =	vadd.s32 v7, v14;
	v14 =	vld [tilespmem:$0x330]  }
0xe5: {  	[tilespmem:$0x2E0] =	vst v13;
	v13 =	vadd.s32 v8, v15;
	v15 =	vld [tilespmem:$0x340]  }
0xe6: {  	v33 =	vld [tilespmem:$0x350];
	[tilespmem:$0x2F0] =	vst v13;
	v13 =	vadd.s32 v9, v30  }
0xe7: {  	v34 =	vld [tilespmem:$0x360];
	[tilespmem:$0x300] =	vst v13;
	v13 =	vadd.s32 v10, v31  }
0xe8: {  	v35 =	vld [tilespmem:$0x370];
	[tilespmem:$0x310] =	vst v13;
	v13 =	vadd.s32 v11, v32  }
0xe9: {  	[tilespmem:$0x320] =	vst v13;
	v13 =	vadd.s32 v12, v14;
	v14 =	vld [tilespmem:$0x380]  }
0xea: {  	[tilespmem:$0x330] =	vst v13;
	v13 =	vadd.s32 v0, v15;
	v15 =	vld [tilespmem:$0x390]  }
0xeb: {  	v36 =	vld [tilespmem:$0x3A0];
	[tilespmem:$0x340] =	vst v13;
	v13 =	vadd.s32 v1, v33  }
0xec: {  	v37 =	vld [tilespmem:$0x3B0];
	[tilespmem:$0x350] =	vst v13;
	v13 =	vadd.s32 v2, v34  }
0xed: {  	v38 =	vld [tilespmem:$0x3C0];
	[tilespmem:$0x360] =	vst v13;
	v13 =	vadd.s32 v3, v35  }
0xee: {  	[tilespmem:$0x370] =	vst v13;
	v13 =	vadd.s32 v4, v14;
	v14 =	vld [tilespmem:$0x3D0]  }
0xef: {  	[tilespmem:$0x380] =	vst v13;
	v13 =	vadd.s32 v5, v15;
	v15 =	vld [tilespmem:$0x3E0]  }
0xf0: {  	v39 =	vld [tilespmem:$0x3F0];
	[tilespmem:$0x390] =	vst v13;
	v13 =	vadd.s32 v6, v36  }
0xf1: {  	v40 =	vld [tilespmem:$0x400];
	[tilespmem:$0x3A0] =	vst v13;
	v13 =	vadd.s32 v7, v37  }
0xf2: {  	v41 =	vld [tilespmem:$0x410];
	[tilespmem:$0x3B0] =	vst v13;
	v13 =	vadd.s32 v8, v38  }
0xf3: {  	[tilespmem:$0x3C0] =	vst v13;
	v13 =	vadd.s32 v9, v14;
	v14 =	vld [tilespmem:$0x420]  }
0xf4: {  	[tilespmem:$0x3D0] =	vst v13;
	v13 =	vadd.s32 v10, v15;
	v15 =	vld [tilespmem:$0x430]  }
0xf5: {  	v42 =	vld [tilespmem:$0x440];
	[tilespmem:$0x3E0] =	vst v13;
	v13 =	vadd.s32 v11, v39  }
0xf6: {  	v43 =	vld [tilespmem:$0x450];
	[tilespmem:$0x3F0] =	vst v13;
	v13 =	vadd.s32 v12, v40  }
0xf7: {  	v44 =	vld [tilespmem:$0x460];
	[tilespmem:$0x400] =	vst v13;
	v13 =	vadd.s32 v0, v41  }
0xf8: {  	[tilespmem:$0x410] =	vst v13;
	v13 =	vadd.s32 v1, v14;
	v14 =	vld [tilespmem:$0x470]  }
0xf9: {  	[tilespmem:$0x420] =	vst v13;
	v13 =	vadd.s32 v2, v15;
	v15 =	vld [tilespmem:$0x480]  }
0xfa: {  	v45 =	vld [tilespmem:$0x490];
	[tilespmem:$0x430] =	vst v13;
	v13 =	vadd.s32 v3, v42  }
0xfb: {  	v46 =	vld [tilespmem:$0x4A0];
	[tilespmem:$0x440] =	vst v13;
	v13 =	vadd.s32 v4, v43  }
0xfc: {  	v47 =	vld [tilespmem:$0x4B0];
	[tilespmem:$0x450] =	vst v13;
	v13 =	vadd.s32 v5, v44  }
0xfd: {  	[tilespmem:$0x460] =	vst v13;
	v13 =	vadd.s32 v6, v14;
	v14 =	vld [tilespmem:$0x4C0]  }
0xfe: {  	[tilespmem:$0x470] =	vst v13;
	v13 =	vadd.s32 v7, v15;
	v15 =	vld [tilespmem:$0x4D0]  }
0xff: {  	v48 =	vld [tilespmem:$0x4E0];
	[tilespmem:$0x480] =	vst v13;
	v13 =	vadd.s32 v8, v45  }
0x100: {  	v49 =	vld [tilespmem:$0x4F0];
	[tilespmem:$0x490] =	vst v13;
	v13 =	vadd.s32 v9, v46  }
0x101: {  	v50 =	vld [tilespmem:$0x500];
	[tilespmem:$0x4A0] =	vst v13;
	v13 =	vadd.s32 v10, v47  }
0x102: {  	[tilespmem:$0x4B0] =	vst v13;
	v13 =	vadd.s32 v11, v14;
	v14 =	vld [tilespmem:$0x510]  }
0x103: {  	[tilespmem:$0x4C0] =	vst v13;
	v13 =	vadd.s32 v12, v15;
	v15 =	vld [tilespmem:$0x520]  }
0x104: {  	v51 =	vld [tilespmem:$0x530];
	[tilespmem:$0x4D0] =	vst v13;
	v13 =	vadd.s32 v0, v48  }
0x105: {  	v52 =	vld [tilespmem:$0x540];
	[tilespmem:$0x4E0] =	vst v13;
	v13 =	vadd.s32 v1, v49  }
0x106: {  	v53 =	vld [tilespmem:$0x550];
	[tilespmem:$0x4F0] =	vst v13;
	v13 =	vadd.s32 v2, v50  }
0x107: {  	[tilespmem:$0x500] =	vst v13;
	v13 =	vadd.s32 v3, v14;
	v14 =	vld [tilespmem:$0x560]  }
0x108: {  	[tilespmem:$0x510] =	vst v13;
	v13 =	vadd.s32 v4, v15;
	v15 =	vld [tilespmem:$0x570]  }
0x109: {  	v54 =	vld [tilespmem:$0x580];
	[tilespmem:$0x520] =	vst v13;
	v13 =	vadd.s32 v5, v51  }
0x10a: {  	v55 =	vld [tilespmem:$0x590];
	[tilespmem:$0x530] =	vst v13;
	v13 =	vadd.s32 v6, v52  }
0x10b: {  	v56 =	vld [tilespmem:$0x5A0];
	[tilespmem:$0x540] =	vst v13;
	v13 =	vadd.s32 v7, v53  }
0x10c: {  	[tilespmem:$0x550] =	vst v13;
	v13 =	vadd.s32 v8, v14;
	v14 =	vld [tilespmem:$0x5B0]  }
0x10d: {  	[tilespmem:$0x560] =	vst v13;
	v13 =	vadd.s32 v9, v15;
	v15 =	vld [tilespmem:$0x5C0]  }
0x10e: {  	v57 =	vld [tilespmem:$0x5D0];
	[tilespmem:$0x570] =	vst v13;
	v13 =	vadd.s32 v10, v54  }
0x10f: {  	v58 =	vld [tilespmem:$0x5E0];
	[tilespmem:$0x580] =	vst v13;
	v13 =	vadd.s32 v11, v55  }
0x110: {  	v59 =	vld [tilespmem:$0x5F0];
	[tilespmem:$0x590] =	vst v13;
	v13 =	vadd.s32 v12, v56  }
0x111: {  	[tilespmem:$0x5A0] =	vst v13;
	v13 =	vadd.s32 v0, v14;
	v14 =	vld [tilespmem:$0x600]  }
0x112: {  	[tilespmem:$0x5B0] =	vst v13;
	v13 =	vadd.s32 v1, v15;
	v15 =	vld [tilespmem:$0x610]  }
0x113: {  	v60 =	vld [tilespmem:$0x620];
	[tilespmem:$0x5C0] =	vst v13;
	v13 =	vadd.s32 v2, v57  }
0x114: {  	v61 =	vld [tilespmem:$0x630];
	[tilespmem:$0x5D0] =	vst v13;
	v13 =	vadd.s32 v3, v58  }
0x115: {  	v62 =	vld [tilespmem:$0x640];
	[tilespmem:$0x5E0] =	vst v13;
	v13 =	vadd.s32 v4, v59  }
0x116: {  	[tilespmem:$0x5F0] =	vst v13;
	v13 =	vadd.s32 v5, v14;
	v14 =	vld [tilespmem:$0x650]  }
0x117: {  	[tilespmem:$0x600] =	vst v13;
	v13 =	vadd.s32 v6, v15;
	v15 =	vld [tilespmem:$0x660]  }
0x118: {  	v63 =	vld [tilespmem:$0x670];
	[tilespmem:$0x610] =	vst v13;
	v13 =	vadd.s32 v7, v60  }
0x119: {  	[tilespmem:$0x620] =	vst v13;
	v13 =	vadd.s32 v8, v61  }
0x11a: {  	[tilespmem:$0x630] =	vst v13;
	v13 =	vadd.s32 v9, v62  }
0x11b: {  	[tilespmem:$0x640] =	vst v13;
	v13 =	vadd.s32 v10, v14  }
0x11c: {  	[tilespmem:$0x650] =	vst v13;
	v13 =	vadd.s32 v11, v15  }
0x11d: {  	[tilespmem:$0x660] =	vst v13;
	v13 =	vadd.s32 v12, v63  }
0x11e: {  	p0 =	por $0x0, $0x0;
	[tilespmem:$0x670] =	vst v13  }
.LBB2_6:
0x11f: {  	_ =	swait.ge [sflag:s16], $0x6800  }
0x120: {  	[sflag:s16] =	ssyncset.done $0x0  }
0x121: {  	s24 =	sadd.s32 s23, s9;
	[sflag:s16] =	ssyncadd.s32 $0xFFFF9800  }
0x122: {  	[hbm4b:s24+s1] =	stream.linear.scatter [tilespmem:s17], [sflag:$0x5], $0x6800, $0x38;
	[tilespmem:$0xDD00] =	vst v63  }
0x123: {  	_ =	swait.ge [sflag:s18], $0x6800  }
0x124: {  	s25 =	simm.s32 @!p0 $0x0;
	[sflag:s18] =	ssyncset.done $0x0  }
0x125: {  	s26 =	simm.s32 @!p0 $0xD00;
	s24 =	simm.s32 @!p0 $0x680;
	[sflag:s18] =	ssyncadd.s32 $0xFFFF9800  }
0x126: {  	[tilespmem:s26], [sflag:$0x3] =	stream.indirect.gather @!p0 [hbm4b:s4+s24], $0x10, s25, s24, $0xb8;
	[tilespmem:$0xDD00] =	vst v63  }
0x127: {  	s23 =	sadd.s32 $0x1A00, s23  }
0x128: {  	[tilespmem:s24], [sflag:$0x2] =	stream.linear.gather @!p0 [hbm4b:s22+s25], $0x680, $0x38;
	[tilespmem:$0xDD00] =	vst v63  }
0x129: {  	p0 =	sne.s32 s23, $0x51400  }
.Ltmp3:
0x12a: {  	_ = 	snop;
	(pc) =	sbr.rel @!p0 .LBB2_7-.Ltmp3, $2  }
0x12b: {  	_ =	sdelay $0x2  }
0x12c: {  	s21 =	sadd.s32 $0xD00, s21;
	s22 =	sadd.s32 $0x1A0, s22  }
.LBB2_2:
0x12d: {  	_ =	swait.ge [sflag:s15], $0x680  }
0x12e: {  	[sflag:s15] =	ssyncset.done $0x0  }
0x12f: {  	[sflag:s15] =	ssyncadd.s32 $0xFFFFF980  }
0x130: {  	v13 =	vld [tilespmem:$0x680]  }
0x131: {  	v14 =	vld [tilespmem:$0x690]  }
0x132: {  	v15 =	vld [tilespmem:$0x6A0]  }
0x133: {  	v16 =	vld [tilespmem:$0x6B0]  }
0x134: {  	v17 =	vld [tilespmem:$0x6C0]  }
0x135: {  	v18 =	vld [tilespmem:$0x6D0];
	v13 =	vadd.s32 v0, v13  }
0x136: {  	[tilespmem:$0x680] =	vst v13;
	v13 =	vadd.s32 v1, v14;
	v14 =	vld [tilespmem:$0x6E0]  }
0x137: {  	[tilespmem:$0x690] =	vst v13;
	v13 =	vadd.s32 v2, v15;
	v15 =	vld [tilespmem:$0x6F0]  }
0x138: {  	v49 =	vld [tilespmem:$0x700];
	[tilespmem:$0x6A0] =	vst v13;
	v13 =	vadd.s32 v3, v16  }
0x139: {  	v50 =	vld [tilespmem:$0x710];
	[tilespmem:$0x6B0] =	vst v13;
	v13 =	vadd.s32 v4, v17  }
0x13a: {  	v51 =	vld [tilespmem:$0x720];
	[tilespmem:$0x6C0] =	vst v13;
	v13 =	vadd.s32 v5, v18  }
0x13b: {  	[tilespmem:$0x6D0] =	vst v13;
	v13 =	vadd.s32 v6, v14;
	v14 =	vld [tilespmem:$0x730]  }
0x13c: {  	[tilespmem:$0x6E0] =	vst v13;
	v13 =	vadd.s32 v7, v15;
	v15 =	vld [tilespmem:$0x740]  }
0x13d: {  	v52 =	vld [tilespmem:$0x750];
	[tilespmem:$0x6F0] =	vst v13;
	v13 =	vadd.s32 v8, v49  }
0x13e: {  	v53 =	vld [tilespmem:$0x760];
	[tilespmem:$0x700] =	vst v13;
	v13 =	vadd.s32 v9, v50  }
0x13f: {  	v54 =	vld [tilespmem:$0x770];
	[tilespmem:$0x710] =	vst v13;
	v13 =	vadd.s32 v10, v51  }
0x140: {  	[tilespmem:$0x720] =	vst v13;
	v13 =	vadd.s32 v11, v14;
	v14 =	vld [tilespmem:$0x780]  }
0x141: {  	[tilespmem:$0x730] =	vst v13;
	v13 =	vadd.s32 v12, v15;
	v15 =	vld [tilespmem:$0x790]  }
0x142: {  	v55 =	vld [tilespmem:$0x7A0];
	[tilespmem:$0x740] =	vst v13;
	v13 =	vadd.s32 v0, v52  }
0x143: {  	v56 =	vld [tilespmem:$0x7B0];
	[tilespmem:$0x750] =	vst v13;
	v13 =	vadd.s32 v1, v53  }
0x144: {  	v57 =	vld [tilespmem:$0x7C0];
	[tilespmem:$0x760] =	vst v13;
	v13 =	vadd.s32 v2, v54  }
0x145: {  	[tilespmem:$0x770] =	vst v13;
	v13 =	vadd.s32 v3, v14;
	v14 =	vld [tilespmem:$0x7D0]  }
0x146: {  	[tilespmem:$0x780] =	vst v13;
	v13 =	vadd.s32 v4, v15;
	v15 =	vld [tilespmem:$0x7E0]  }
0x147: {  	v58 =	vld [tilespmem:$0x7F0];
	[tilespmem:$0x790] =	vst v13;
	v13 =	vadd.s32 v5, v55  }
0x148: {  	v59 =	vld [tilespmem:$0x800];
	[tilespmem:$0x7A0] =	vst v13;
	v13 =	vadd.s32 v6, v56  }
0x149: {  	v60 =	vld [tilespmem:$0x810];
	[tilespmem:$0x7B0] =	vst v13;
	v13 =	vadd.s32 v7, v57  }
0x14a: {  	[tilespmem:$0x7C0] =	vst v13;
	v13 =	vadd.s32 v8, v14;
	v14 =	vld [tilespmem:$0x820]  }
0x14b: {  	[tilespmem:$0x7D0] =	vst v13;
	v13 =	vadd.s32 v9, v15;
	v15 =	vld [tilespmem:$0x830]  }
0x14c: {  	v61 =	vld [tilespmem:$0x840];
	[tilespmem:$0x7E0] =	vst v13;
	v13 =	vadd.s32 v10, v58  }
0x14d: {  	v62 =	vld [tilespmem:$0x850];
	[tilespmem:$0x7F0] =	vst v13;
	v13 =	vadd.s32 v11, v59  }
0x14e: {  	v63 =	vld [tilespmem:$0x860];
	[tilespmem:$0x800] =	vst v13;
	v13 =	vadd.s32 v12, v60  }
0x14f: {  	[tilespmem:$0x810] =	vst v13;
	v13 =	vadd.s32 v0, v14;
	v14 =	vld [tilespmem:$0x870]  }
0x150: {  	[tilespmem:$0x820] =	vst v13;
	v13 =	vadd.s32 v1, v15;
	v15 =	vld [tilespmem:$0x880]  }
0x151: {  	v21 =	vld [tilespmem:$0x890];
	[tilespmem:$0x830] =	vst v13;
	v13 =	vadd.s32 v2, v61  }
0x152: {  	v22 =	vld [tilespmem:$0x8A0];
	[tilespmem:$0x840] =	vst v13;
	v13 =	vadd.s32 v3, v62  }
0x153: {  	v23 =	vld [tilespmem:$0x8B0];
	[tilespmem:$0x850] =	vst v13;
	v13 =	vadd.s32 v4, v63  }
0x154: {  	[tilespmem:$0x860] =	vst v13;
	v13 =	vadd.s32 v5, v14;
	v14 =	vld [tilespmem:$0x8C0]  }
0x155: {  	[tilespmem:$0x870] =	vst v13;
	v13 =	vadd.s32 v6, v15;
	v15 =	vld [tilespmem:$0x8D0]  }
0x156: {  	v24 =	vld [tilespmem:$0x8E0];
	[tilespmem:$0x880] =	vst v13;
	v13 =	vadd.s32 v7, v21  }
0x157: {  	v25 =	vld [tilespmem:$0x8F0];
	[tilespmem:$0x890] =	vst v13;
	v13 =	vadd.s32 v8, v22  }
0x158: {  	v26 =	vld [tilespmem:$0x900];
	[tilespmem:$0x8A0] =	vst v13;
	v13 =	vadd.s32 v9, v23  }
0x159: {  	[tilespmem:$0x8B0] =	vst v13;
	v13 =	vadd.s32 v10, v14;
	v14 =	vld [tilespmem:$0x910]  }
0x15a: {  	[tilespmem:$0x8C0] =	vst v13;
	v13 =	vadd.s32 v11, v15;
	v15 =	vld [tilespmem:$0x920]  }
0x15b: {  	v27 =	vld [tilespmem:$0x930];
	[tilespmem:$0x8D0] =	vst v13;
	v13 =	vadd.s32 v12, v24  }
0x15c: {  	v28 =	vld [tilespmem:$0x940];
	[tilespmem:$0x8E0] =	vst v13;
	v13 =	vadd.s32 v0, v25  }
0x15d: {  	v29 =	vld [tilespmem:$0x950];
	[tilespmem:$0x8F0] =	vst v13;
	v13 =	vadd.s32 v1, v26  }
0x15e: {  	[tilespmem:$0x900] =	vst v13;
	v13 =	vadd.s32 v2, v14;
	v14 =	vld [tilespmem:$0x960]  }
0x15f: {  	[tilespmem:$0x910] =	vst v13;
	v13 =	vadd.s32 v3, v15;
	v15 =	vld [tilespmem:$0x970]  }
0x160: {  	v30 =	vld [tilespmem:$0x980];
	[tilespmem:$0x920] =	vst v13;
	v13 =	vadd.s32 v4, v27  }
0x161: {  	v31 =	vld [tilespmem:$0x990];
	[tilespmem:$0x930] =	vst v13;
	v13 =	vadd.s32 v5, v28  }
0x162: {  	v32 =	vld [tilespmem:$0x9A0];
	[tilespmem:$0x940] =	vst v13;
	v13 =	vadd.s32 v6, v29  }
0x163: {  	[tilespmem:$0x950] =	vst v13;
	v13 =	vadd.s32 v7, v14;
	v14 =	vld [tilespmem:$0x9B0]  }
0x164: {  	[tilespmem:$0x960] =	vst v13;
	v13 =	vadd.s32 v8, v15;
	v15 =	vld [tilespmem:$0x9C0]  }
0x165: {  	v33 =	vld [tilespmem:$0x9D0];
	[tilespmem:$0x970] =	vst v13;
	v13 =	vadd.s32 v9, v30  }
0x166: {  	v34 =	vld [tilespmem:$0x9E0];
	[tilespmem:$0x980] =	vst v13;
	v13 =	vadd.s32 v10, v31  }
0x167: {  	v35 =	vld [tilespmem:$0x9F0];
	[tilespmem:$0x990] =	vst v13;
	v13 =	vadd.s32 v11, v32  }
0x168: {  	[tilespmem:$0x9A0] =	vst v13;
	v13 =	vadd.s32 v12, v14;
	v14 =	vld [tilespmem:$0xA00]  }
0x169: {  	[tilespmem:$0x9B0] =	vst v13;
	v13 =	vadd.s32 v0, v15;
	v15 =	vld [tilespmem:$0xA10]  }
0x16a: {  	v36 =	vld [tilespmem:$0xA20];
	[tilespmem:$0x9C0] =	vst v13;
	v13 =	vadd.s32 v1, v33  }
0x16b: {  	v37 =	vld [tilespmem:$0xA30];
	[tilespmem:$0x9D0] =	vst v13;
	v13 =	vadd.s32 v2, v34  }
0x16c: {  	v38 =	vld [tilespmem:$0xA40];
	[tilespmem:$0x9E0] =	vst v13;
	v13 =	vadd.s32 v3, v35  }
0x16d: {  	[tilespmem:$0x9F0] =	vst v13;
	v13 =	vadd.s32 v4, v14;
	v14 =	vld [tilespmem:$0xA50]  }
0x16e: {  	[tilespmem:$0xA00] =	vst v13;
	v13 =	vadd.s32 v5, v15;
	v15 =	vld [tilespmem:$0xA60]  }
0x16f: {  	v39 =	vld [tilespmem:$0xA70];
	[tilespmem:$0xA10] =	vst v13;
	v13 =	vadd.s32 v6, v36  }
0x170: {  	v40 =	vld [tilespmem:$0xA80];
	[tilespmem:$0xA20] =	vst v13;
	v13 =	vadd.s32 v7, v37  }
0x171: {  	v41 =	vld [tilespmem:$0xA90];
	[tilespmem:$0xA30] =	vst v13;
	v13 =	vadd.s32 v8, v38  }
0x172: {  	[tilespmem:$0xA40] =	vst v13;
	v13 =	vadd.s32 v9, v14;
	v14 =	vld [tilespmem:$0xAA0]  }
0x173: {  	[tilespmem:$0xA50] =	vst v13;
	v13 =	vadd.s32 v10, v15;
	v15 =	vld [tilespmem:$0xAB0]  }
0x174: {  	v42 =	vld [tilespmem:$0xAC0];
	[tilespmem:$0xA60] =	vst v13;
	v13 =	vadd.s32 v11, v39  }
0x175: {  	v43 =	vld [tilespmem:$0xAD0];
	[tilespmem:$0xA70] =	vst v13;
	v13 =	vadd.s32 v12, v40  }
0x176: {  	v44 =	vld [tilespmem:$0xAE0];
	[tilespmem:$0xA80] =	vst v13;
	v13 =	vadd.s32 v0, v41  }
0x177: {  	[tilespmem:$0xA90] =	vst v13;
	v13 =	vadd.s32 v1, v14;
	v14 =	vld [tilespmem:$0xAF0]  }
0x178: {  	[tilespmem:$0xAA0] =	vst v13;
	v13 =	vadd.s32 v2, v15;
	v15 =	vld [tilespmem:$0xB00]  }
0x179: {  	v45 =	vld [tilespmem:$0xB10];
	[tilespmem:$0xAB0] =	vst v13;
	v13 =	vadd.s32 v3, v42  }
0x17a: {  	v46 =	vld [tilespmem:$0xB20];
	[tilespmem:$0xAC0] =	vst v13;
	v13 =	vadd.s32 v4, v43  }
0x17b: {  	v47 =	vld [tilespmem:$0xB30];
	[tilespmem:$0xAD0] =	vst v13;
	v13 =	vadd.s32 v5, v44  }
0x17c: {  	[tilespmem:$0xAE0] =	vst v13;
	v13 =	vadd.s32 v6, v14;
	v14 =	vld [tilespmem:$0xB40]  }
0x17d: {  	[tilespmem:$0xAF0] =	vst v13;
	v13 =	vadd.s32 v7, v15;
	v15 =	vld [tilespmem:$0xB50]  }
0x17e: {  	v48 =	vld [tilespmem:$0xB60];
	[tilespmem:$0xB00] =	vst v13;
	v13 =	vadd.s32 v8, v45  }
0x17f: {  	v49 =	vld [tilespmem:$0xB70];
	[tilespmem:$0xB10] =	vst v13;
	v13 =	vadd.s32 v9, v46  }
0x180: {  	v50 =	vld [tilespmem:$0xB80];
	[tilespmem:$0xB20] =	vst v13;
	v13 =	vadd.s32 v10, v47  }
0x181: {  	[tilespmem:$0xB30] =	vst v13;
	v13 =	vadd.s32 v11, v14;
	v14 =	vld [tilespmem:$0xB90]  }
0x182: {  	[tilespmem:$0xB40] =	vst v13;
	v13 =	vadd.s32 v12, v15;
	v15 =	vld [tilespmem:$0xBA0]  }
0x183: {  	v51 =	vld [tilespmem:$0xBB0];
	[tilespmem:$0xB50] =	vst v13;
	v13 =	vadd.s32 v0, v48  }
0x184: {  	v52 =	vld [tilespmem:$0xBC0];
	[tilespmem:$0xB60] =	vst v13;
	v13 =	vadd.s32 v1, v49  }
0x185: {  	v53 =	vld [tilespmem:$0xBD0];
	[tilespmem:$0xB70] =	vst v13;
	v13 =	vadd.s32 v2, v50  }
0x186: {  	[tilespmem:$0xB80] =	vst v13;
	v13 =	vadd.s32 v3, v14;
	v14 =	vld [tilespmem:$0xBE0]  }
0x187: {  	[tilespmem:$0xB90] =	vst v13;
	v13 =	vadd.s32 v4, v15;
	v15 =	vld [tilespmem:$0xBF0]  }
0x188: {  	v54 =	vld [tilespmem:$0xC00];
	[tilespmem:$0xBA0] =	vst v13;
	v13 =	vadd.s32 v5, v51  }
0x189: {  	v55 =	vld [tilespmem:$0xC10];
	[tilespmem:$0xBB0] =	vst v13;
	v13 =	vadd.s32 v6, v52  }
0x18a: {  	v56 =	vld [tilespmem:$0xC20];
	[tilespmem:$0xBC0] =	vst v13;
	v13 =	vadd.s32 v7, v53  }
0x18b: {  	[tilespmem:$0xBD0] =	vst v13;
	v13 =	vadd.s32 v8, v14;
	v14 =	vld [tilespmem:$0xC30]  }
0x18c: {  	[tilespmem:$0xBE0] =	vst v13;
	v13 =	vadd.s32 v9, v15;
	v15 =	vld [tilespmem:$0xC40]  }
0x18d: {  	v57 =	vld [tilespmem:$0xC50];
	[tilespmem:$0xBF0] =	vst v13;
	v13 =	vadd.s32 v10, v54  }
0x18e: {  	v58 =	vld [tilespmem:$0xC60];
	[tilespmem:$0xC00] =	vst v13;
	v13 =	vadd.s32 v11, v55  }
0x18f: {  	v59 =	vld [tilespmem:$0xC70];
	[tilespmem:$0xC10] =	vst v13;
	v13 =	vadd.s32 v12, v56  }
0x190: {  	[tilespmem:$0xC20] =	vst v13;
	v13 =	vadd.s32 v0, v14;
	v14 =	vld [tilespmem:$0xC80]  }
0x191: {  	[tilespmem:$0xC30] =	vst v13;
	v13 =	vadd.s32 v1, v15;
	v15 =	vld [tilespmem:$0xC90]  }
0x192: {  	v60 =	vld [tilespmem:$0xCA0];
	[tilespmem:$0xC40] =	vst v13;
	v13 =	vadd.s32 v2, v57  }
0x193: {  	v61 =	vld [tilespmem:$0xCB0];
	[tilespmem:$0xC50] =	vst v13;
	v13 =	vadd.s32 v3, v58  }
0x194: {  	v62 =	vld [tilespmem:$0xCC0];
	[tilespmem:$0xC60] =	vst v13;
	v13 =	vadd.s32 v4, v59  }
0x195: {  	[tilespmem:$0xC70] =	vst v13;
	v13 =	vadd.s32 v5, v14;
	v14 =	vld [tilespmem:$0xCD0]  }
0x196: {  	[tilespmem:$0xC80] =	vst v13;
	v13 =	vadd.s32 v6, v15;
	v15 =	vld [tilespmem:$0xCE0]  }
0x197: {  	v63 =	vld [tilespmem:$0xCF0];
	[tilespmem:$0xC90] =	vst v13;
	v13 =	vadd.s32 v7, v60  }
0x198: {  	[tilespmem:$0xCA0] =	vst v13;
	v13 =	vadd.s32 v8, v61  }
0x199: {  	[tilespmem:$0xCB0] =	vst v13;
	v13 =	vadd.s32 v9, v62  }
0x19a: {  	[tilespmem:$0xCC0] =	vst v13;
	v13 =	vadd.s32 v10, v14  }
0x19b: {  	[tilespmem:$0xCD0] =	vst v13;
	v13 =	vadd.s32 v11, v15  }
0x19c: {  	p0 =	sne.s32 s23, $0x0;
	[tilespmem:$0xCE0] =	vst v13;
	v13 =	vadd.s32 v12, v63  }
.Ltmp4:
0x19d: {  	[tilespmem:$0xCF0] =	vst v13;
	(pc) =	sbr.rel @!p0 .LBB2_3-.Ltmp4, $4  }
0x19e: {  	_ =	swait.ge [sflag:s16], $0x6800  }
0x19f: {  	[sflag:s16] =	ssyncset.done $0x0  }
0x1a0: {  	s24 =	sadd.s32 s23, s11;
	[sflag:s16] =	ssyncadd.s32 $0xFFFF9800  }
0x1a1: {  	[hbm4b:s24+s1] =	stream.linear.scatter [tilespmem:s14], [sflag:$0x4], $0x6800, $0x38;
	[tilespmem:$0xDD00] =	vst v63  }
0x1a2: {  	p1 =	seq.s32 s23, $0x4FA00  }
.Ltmp5:
0x1a3: {  	_ = 	snop;
	(pc) =	sbr.rel @p1 .LBB2_6-.Ltmp5, $4  }
.Ltmp6:
0x1a4: {  	_ =	swait.ge [sflag:s19], $0x6800;
	(pc) =	sbr.rel @!p1 .LBB2_5-.Ltmp6, $4  }
0x1a5: {  	[sflag:s19] =	ssyncset.done $0x0  }
0x1a6: {  	p0 =	por $0x1, $0x1;
	[sflag:s19] =	ssyncadd.s32 $0xFFFF9800  }
0x1a7: {  	[tilespmem:s17], [sflag:$0x3] =	stream.indirect.gather [hbm4b:s4+s13], $0x10, s13, s13, $0xb8;
	[tilespmem:$0xDD00] =	vst v63  }
0x1a8: {  	_ = 	snop  }
.LBB2_8:
0x1a9: {  	_ =	sfence.sel $0x180000  }
0x1aa: {  	[bflag:$0x0] =	sbarrier.arrive $0xFFFF  }
0x1ab: {  	p0 =	sne.s32 s3, $0x0;
	_ =	strace $0x90000047  }
0x1ac: {  	s0 =	sadd.s32 @!p0 $0x100000, s2;
	[bflag:$0x2] =	sbarrier.arrive $0xFFFF  }
0x1ad: {  	[sflag:s0] =	ssyncadd.tile.s32 @!p0 $0x1;
	_ =	shalt  }
.Lfunc_end2:
_tile_overlayer_lowered:
.L_overlay_start_2:
0x1ae: {  	(tag) =	ssettag $0x2  }
0x1af: {  	s0 =	rddreg [dreg:$0x0];
	s2 =	stileid.u32  }
0x1b0: {  	s1 =	rddreg [dreg:$0x1];
	p0 =	sne.s32 s2, $0x0  }
0x1b1: {  	s3 =	rddreg [dreg:$0x2];
	[bflag:$0x3] =	sbarrier.arrive $0xFFFF;
	s2 =	simm.s32 @!p0 $0x1C06  }
0x1b2: {  	[timem:s3], [sflag:s2] =	dma.local @!p0 [hbm:s0], s1  }
0x1b3: {  	s0 =	simm.s32 @!p0 $0x6  }
0x1b4: {  	_ =	swait.ge @!p0 [sflag:s0], s1  }
0x1b5: {  	s1 =	ssub.s32 @!p0 $0x0, s1;
	[sflag:s0] =	ssyncset.done @!p0 $0x0  }
0x1b6: {  	[sflag:s0] =	ssyncadd.s32 @!p0 s1  }
0x1b7: {  	[bflag:$0x3] =	sbarrier.arrive $0xFFFF  }
0x1b8: {  	_ =	shalt  }

// kernel: sparse-core-data-format-call.cloned.1.call-start
scs
called_computation_lowered:
.L_overlay_start_0:
0x0: {  	s2 =	sld [smem:$0x3FD9]  }
0x1: {  	s3 =	sld [smem:$0x3FFE];
	_ =	sdelay $0x1  }
0x2: {  	s1 =	srdreg.scid  }
0x3: {  	s0 =	sand.u32 $0x1, s1  }
0x4: {  	s18 =	sshll.u32 s0, $0xA;
	s2 =	sadd.s32 s3, s2  }
0x5: {  	s2 =	sadd.s32 s2, s18  }
0x6: {  	[smem:$0x3FC6] =	sst s2  }
0x7: {  	_ = 	snop  }
0x8: {  	s2 =	sld [smem:$0x3FD0];
	(tm) =	ssettm $0x1  }
0x9: {  	s19 =	sld [smem:$0x3FFB];
	_ =	sdelay $0x3  }
0xa: {  	_ =	strace s19  }
0xb: {  	s3 =	sld [smem:$0x3FFC];
	_ =	sdelay $0x3  }
0xc: {  	_ =	strace s3  }
0xd: {  	s3 =	sld [smem:$0x3FFD];
	_ =	sdelay $0x3  }
0xe: {  	_ =	strace s3  }
0xf: {  	_ =	strace $0x8FFFFFFF  }
0x10: {  	s20 =	sld [smem:$0x3FDB];
	_ =	sdelay $0x1  }
0x11: {  	s4 =	simm.s32 $_scs_section_size  }
0x12: {  	s5 =	simm.s32 $_size__tile_overlayer_lowered;
	s6 =	simm.s32 $_tile_overlayer_lowered  }
0x13: {  	s23 =	simm.s32 $0x1BFF;
	s22 =	sshll.u32 s6, $0x1;
	s3 =	sadd.s32 s4, s20  }
0x14: {  	s7 =	simm.s32 $0x0;
	s21 =	sshll.u32 s5, $0x1;
	s5 =	sadd.s32 s22, s3  }
0x15: {  	[timem:s7], [sflag:s23] =	dma.local [hbm:s5], s21  }
0x16: {  	_ =	swait.ge [sflag:s23], s21  }
0x17: {  	s4 =	ssub.s32 $0x0, s21;
	[sflag:s23] =	ssyncset.done $0x0  }
0x18: {  	[sflag:s23] =	ssyncadd.s32 s4;
	_ =	sdelay $0x1  }
0x19: {  	s24 =	simm.s32 $0x1B8B  }
0x1a: {  	_ =	swait.ge [sflag:s24], $0x1  }
0x1b: {  	[sflag:s24] =	ssyncset.done $0x0  }
0x1c: {  	s26 =	simm.s32 $0x1B8E;
	s25 =	sld [smem:$0x3FFE];
	[sflag:s24] =	ssyncadd.s32 $0xFFFFFFFF  }
0x1d: {  	s27 =	simm.s32 $execute0_lowered;
	[smem:$0x3FD2] =	sst s26  }
0x1e: {  	s5 =	sshll.u32 s27, $0x1;
	_ =	strace $0x80000049;
	[dreg:$0x1] =	wrdreg $0xFFFFFFFF  }
0x1f: {  	s28 =	simm.s32 $_size_execute0_lowered;
	s3 =	sadd.s32 s3, s5;
	[dreg:$0x0] =	wrdreg $0x0  }
0x20: {  	s5 =	sshll.u32 s28, $0x1;
	[dreg:$0x2] =	wrdreg s3  }
0x21: {  	[dreg:$0x3] =	wrdreg s5  }
0x22: {  	[dreg:$0x4] =	wrdreg $0xC0  }
0x23: {  	_ =	task [dreg:s7], $0x5FFFF  }
0x24: {  	[dreg:$0x1] =	wrdreg $0xFFFFFFFF  }
0x25: {  	[dreg:$0x0] =	wrdreg $0x60  }
0x26: {  	[dreg:$0x2] =	wrdreg s25  }
0x27: {  	[dreg:$0x3] =	wrdreg s2  }
0x28: {  	[dreg:$0x4] =	wrdreg $0x9  }
0x29: {  	_ =	task.clear_ibuf [dreg:s7], $0x5FFFF;
	_ =	strace $0x90000049  }
0x2a: {  	s29 =	simm.s32 $0x9;
	_ =	strace $0x8000004B  }
0x2b: {  	_ =	swait.ge [sflag:s29], $0x1  }
0x2c: {  	[sflag:s29] =	ssyncadd.s32 $0xFFFFFFFF  }
0x2d: {  	_ =	strace $0x9000004B  }
0x2e: {  	_ =	sfence  }
0x2f: {  	s30 =	sld [smem:$0x0];
	_ =	sdelay $0x2  }
0x30: {  	s31 =	sshll.u32 s1, $0xD;
	s1 =	sshrl.u32 s1, $0x2  }
0x31: {  	s3 =	sand.u32 $0x4000, s31;
	s1 =	sadd.s32 s1, s30  }
0x32: {  	s0 =	sor.u32 s3, s0;
	s1 =	sshll.u32 s1, $0x11  }
0x33: {  	s0 =	sor.u32 s1, s0  }
0x34: {  	s0 =	sadd.s32 $0x8F2B, s0  }
0x35: {  	[sflag:s0] =	ssyncadd.remote.s32 $0x1  }
0x36: {  	_ =	sfence.sel $0xFFFF  }
0x37: {  	[dreg:$0x0] =	wrdreg $0xFFFFFFFF;
	(pc) =	sbr.abs _section_cstart, $3  }
0x38: {  	[dreg:$0x1] =	wrdreg $0xFFFFFFFF  }
0x39: {  	_ =	task.clear_ibuf [dreg:s7], $0x2FFFF;
	_ =	strace $0x9FFFFFFF  }
0x3a: {  	(tm) =	ssettm $0x7FFFFFFF  }
0x3b: {  	_ =	shalt  }
tec
execute0_lowered:
.L_overlay_start_1:
0x0: {  	(tag) =	ssettag $0x1  }
0x1: {  	s0 =	srdreg.scid  }
0x2: {  	s1 =	sshll.u32 s0, $0x4  }
0x3: {  	s4 =	rddreg [dreg:$0x0];
	s0 =	stileid.u32;
	s1 =	sand.u32 $0x10, s1  }
0x4: {  	s2 =	rddreg [dreg:$0x1];
	s7 =	simm.s32 $0x1;
	s1 =	sor.u32 s0, s1  }
0x5: {  	s8 =	simm.s32 $0x2;
	s11 =	simm.s32 $0x0;
	s3 =	sshll.u32 s1, $0x7  }
0x6: {  	s10 =	simm.s32 $0x0;
	s4 =	sadd.s32 $0x800, s4;
	s6 =	ssub.s32 $0x514000, s3  }
.Ltmp0:
0x7: {  	s1 =	rddreg [dreg:$0x2];
	s5 =	sand.u32 $0xF80, s6;
	(pc) =	sbr.rel .LBB1_1-.Ltmp0, $4  }
0x8: {  	_ =	strace $0x8000004A;
	s9 =	smov.u32 s3;
	p0 =	sne.s32 s5, $0x0  }
0x9: {  	s6 =	sshrl.u32 s6, $0xC;
	s5 =	simm.s32 $0x1;
	s7 =	simm.s32 @!p0 $0x0  }
0xa: {  	[sflag:s5] =	ssyncpa.u1 $0x0;
	p0 =	por $0x0, $0x0;
	s6 =	sadd.s32 s7, s6  }
0xb: {  	[sflag:s8] =	ssyncpa.u1 $0x0;
	s8 =	simm.s32 $0x28A0000;
	s7 =	sadd.s32 $0x1, s6  }
.LBB1_4:
0xc: {  	s14 =	sshll.u32 s11, $0x3  }
0xd: {  	s30 =	sand.u32 $0x7F, s11;
	s15 =	sand.u32 $0xFFFFFC00, s14  }
0xe: {  	s11 =	sor.u32 s30, s15  }
0xf: {  	s15 =	smulhi.u32 $0xC9A633FD, s11  }
0x10: {  	s14 =	smulhi.u32 $0xC9A633FD, s14  }
0x11: {  	s15 =	sshrl.u32 s15, $0x16  }
0x12: {  	s14 =	sshrl.u32 s14, $0x16;
	s15 =	smul.u32 $0x514000, s15  }
0x13: {  	[tilespmem:s12+$0xFFFFFFFC ss:$0x81] =	vst.msk $0xffff, v1;
	s14 =	sand.u32 $0xF, s14  }
0x14: {  	[tilespmem:s12+$0xFFFFFFFD ss:$0x81] =	vst.msk $0xffff, v2;
	s14 =	smul.u32 $0xA2800, s14;
	s11 =	ssub.s32 s11, s15  }
0x15: {  	[tilespmem:s12+$0xFFFFFFFE ss:$0x81] =	vst.msk $0xffff, v0;
	s15 =	sand.u32 $0x7, s11  }
0x16: {  	[tilespmem:s12+$0xFFFFFFFF ss:$0x81] =	vst.msk $0xffff, v4;
	s14 =	sadd.s32 s2, s14;
	s11 =	sshrl.u32 s11, $0x3;
	s15 =	sshll.u32 s15, $0x12  }
0x17: {  	[tilespmem:s12+$0xFFFFFFF9 ss:$0x81] =	vst.msk $0xffff, v3;
	s11 =	sadd.s32 s11, s14;
	s31 =	sor.u32 $0x400, s15  }
0x18: {  	[hbm4b:s11+s31] =	stream.strided.scatter [tilespmem:s13], [sflag:$0x2], $0x800, s8, s31, $0x20;
	[tilespmem:$0x2020] =	vst v63  }
.LBB1_5:
0x19: {  	s13 =	sadd.s32 $0x1000, s9  }
0x1a: {  	p2 =	sgt.s32 s13, $0x513FFF  }
0x1b: {  	s13 =	smov.u32 @p2 s3;
	p2 =	sne.s32 s10, s7  }
.Ltmp1:
0x1c: {  	p1 =	slt.u32 s10, $0x2;
	(pc) =	sbr.rel @!p2 .LBB1_6-.Ltmp1, $4  }
0x1d: {  	s12 =	simm.s32 @!p1 $0x2  }
0x1e: {  	s14 =	sadd.s32 $0x1, s10;
	_ =	swait.ge @!p1 [sflag:s12], $0x800  }
0x1f: {  	s11 =	smov.u32 s9;
	p0 =	por !p0, !p0;
	[sflag:s12] =	ssyncset.done @!p1 $0x0  }
0x20: {  	s10 =	smov.u32 s14;
	s9 =	smov.u32 s13;
	[sflag:s12] =	ssyncadd.s32 @!p1 $0xFFFFF800  }
.LBB1_1:
0x21: {  	p1 =	sge.u32 s10, s6  }
0x22: {  	s12 =	sand.u32 @!p1 $0x1FFFFFF, s9  }
0x23: {  	s13 =	smulhi.u32 @!p1 $0x32698D, s12;
	_ =	sdelay $0x1  }
0x24: {  	s13 =	sshrl.u32 @!p1 s13, $0xC  }
0x25: {  	s13 =	smul.u32 @!p1 $0x514000, s13;
	_ =	sdelay $0x1  }
0x26: {  	s31 =	sadd.s32 $0xFFFFFFFF, s10;
	s14 =	sxor.u32 @!p1 $0xFFFFFFFF, s10;
	s12 =	ssub.s32 @!p1 s12, s13  }
0x27: {  	s15 =	simm.s32 @!p1 $0x80;
	s14 =	sshll.u32 @!p1 s14, $0xB;
	s12 =	sshll.u32 @!p1 s12, $0x4  }
0x28: {  	s13 =	sand.u32 @!p1 $0x800, s14;
	s14 =	simm.s32 @!p1 $0x10;
	s12 =	sadd.s32 @!p1 s4, s12  }
0x29: {  	[tilespmem:s13], [sflag:$0x1] =	stream.strided.gather @!p1 [hbm4b:s12+s14], $0x800, s15, s14, $0x38;
	[tilespmem:$0x2020] =	vst v63  }
0x2a: {  	p1 =	sge.u32 s31, s6  }
.Ltmp2:
0x2b: {  	_ = 	snop;
	(pc) =	sbr.rel @p1 .LBB1_5-.Ltmp2, $1  }
0x2c: {  	_ =	sdelay $0x3  }
0x2d: {  	s12 =	simm.s32 $0x1  }
0x2e: {  	_ =	swait.ge [sflag:s5], $0x800;
	s12 =	simm.s32 @!p0 $0x0  }
0x2f: {  	[sflag:s5] =	ssyncset.done $0x0;
	s13 =	sshll.u32 s12, $0xB  }
0x30: {  	[sflag:s5] =	ssyncadd.s32 $0xFFFFF800;
	s15 =	sor.u32 $0x40, s13  }
0x31: {  	v3 =	vld [tilespmem:s15+$0x30]  }
0x32: {  	s12 =	smul.u32 $0x2040, s12;
	v4 =	vld [tilespmem:s15+$0xFFFFFFD0]  }
0x33: {  	v5 =	vld [tilespmem:s15+$0xFFFFFFE0]  }
0x34: {  	s31 =	sand.u32 $0x1, s10;
	s12 =	sshrl.u32 s12, $0x2;
	v1 =	vld [tilespmem:s15+$0xFFFFFFF0]  }
0x35: {  	s13 =	smul.u32 $0x2040, s31;
	v2 =	vld [tilespmem:s15+$0x0];
	s12 =	sor.u32 $0x1007, s12  }
0x36: {  	v0 =	vld [tilespmem:s15+$0x10];
	[tilespmem:s12+$0x0 ss:$0x81] =	vst.msk $0xffff, v3  }
0x37: {  	s13 =	sshrl.u32 s13, $0x2;
	[tilespmem:s12+$0xFFFFFFFA ss:$0x81] =	vst.msk $0xffff, v4;
	v4 =	vld [tilespmem:s15+$0x20]  }
0x38: {  	s14 =	simm.s32 $0x0;
	s13 =	sor.u32 $0x1000, s13;
	v3 =	vld [tilespmem:s15+$0xFFFFFFC0];
	[tilespmem:s12+$0xFFFFFFFB ss:$0x81] =	vst.msk $0xffff, v5;
	s15 =	sadd.s32 $0x80, s15  }
.LBB1_3:
0x39: {  	v5 =	vld [tilespmem:s15+$0x30];
	s14 =	sadd.s32 $0x8, s14;
	[tilespmem:s12+$0xFFFFFFFC ss:$0x81] =	vst.msk $0xffff, v1  }
0x3a: {  	v6 =	vld [tilespmem:s15+$0xFFFFFFD0];
	p1 =	slt.u32 s14, $0x78;
	[tilespmem:s12+$0xFFFFFFFD ss:$0x81] =	vst.msk $0xffff, v2  }
0x3b: {  	v7 =	vld [tilespmem:s15+$0xFFFFFFE0];
	[tilespmem:s12+$0xFFFFFFFE ss:$0x81] =	vst.msk $0xffff, v0  }
.Ltmp3:
0x3c: {  	v1 =	vld [tilespmem:s15+$0xFFFFFFF0];
	[tilespmem:s12+$0xFFFFFFFF ss:$0x81] =	vst.msk $0xffff, v4;
	(pc) =	sbr.rel @p1 .LBB1_3-.Ltmp3, $4  }
0x3d: {  	v2 =	vld [tilespmem:s15+$0x0];
	[tilespmem:s12+$0xFFFFFFF9 ss:$0x81] =	vst.msk $0xffff, v3;
	s12 =	sadd.s32 $0x8, s12  }
0x3e: {  	v0 =	vld [tilespmem:s15+$0x10];
	[tilespmem:s12+$0x0 ss:$0x81] =	vst.msk $0xffff, v5  }
0x3f: {  	[tilespmem:s12+$0xFFFFFFFA ss:$0x81] =	vst.msk $0xffff, v6;
	v4 =	vld [tilespmem:s15+$0x20]  }
0x40: {  	v3 =	vld [tilespmem:s15+$0xFFFFFFC0];
	[tilespmem:s12+$0xFFFFFFFB ss:$0x81] =	vst.msk $0xffff, v7;
	s15 =	sadd.s32 $0x80, s15  }
.Ltmp4:
0x41: {  	_ = 	snop;
	(pc) =	sbr.rel .LBB1_4-.Ltmp4, $1  }
0x42: {  	_ =	sdelay $0x3  }
.LBB1_6:
0x43: {  	_ =	sfence.sel $0x180000  }
0x44: {  	s2 =	simm.s32 $0x1;
	[bflag:$0x0] =	sbarrier.arrive $0xFFFF  }
0x45: {  	s31 =	simm.s32 $0x2;
	[sflag:s2] =	ssyncpa.u1 $0x1  }
0x46: {  	[sflag:s31] =	ssyncpa.u1 $0x1  }
0x47: {  	p0 =	sne.s32 s0, $0x0;
	_ =	strace $0x9000004A  }
0x48: {  	s0 =	sadd.s32 @!p0 $0x100000, s1;
	[bflag:$0x2] =	sbarrier.arrive $0xFFFF  }
0x49: {  	[sflag:s0] =	ssyncadd.tile.s32 @!p0 $0x1;
	_ =	shalt  }
.Lfunc_end1:
_tile_overlayer_lowered:
.L_overlay_start_2:
0x4a: {  	(tag) =	ssettag $0x2  }
0x4b: {  	s0 =	rddreg [dreg:$0x0];
	s2 =	stileid.u32  }
0x4c: {  	s1 =	rddreg [dreg:$0x1];
	p0 =	sne.s32 s2, $0x0  }
0x4d: {  	s3 =	rddreg [dreg:$0x2];
	[bflag:$0x3] =	sbarrier.arrive $0xFFFF;
	s2 =	simm.s32 @!p0 $0x1C01  }
0x4e: {  	[timem:s3], [sflag:s2] =	dma.local @!p0 [hbm:s0], s1  }
0x4f: {  	s0 =	simm.s32 @!p0 $0x1  }
0x50: {  	_ =	swait.ge @!p0 [sflag:s0], s1  }
0x51: {  	s1 =	ssub.s32 @!p0 $0x0, s1;
	[sflag:s0] =	ssyncset.done @!p0 $0x0  }
0x52: {  	[sflag:s0] =	ssyncadd.s32 @!p0 s1  }
0x53: {  	[bflag:$0x3] =	sbarrier.arrive $0xFFFF  }
0x54: {  	_ =	shalt  }

</sc_bundles>
